<compile_context>
chip_gen: v7x
topology: tpu7x:2x2x1
jax: 0.10.2.dev20260603
libtpu: 0.0.44.dev20260713+nightly
codegen_flags: <defaults>
</compile_context>

<pallas_src>
import functools

import jax
import jax.numpy as jnp
from jax import lax
from jax.experimental import pallas as pl
from jax.experimental.pallas import tpu as pltpu
from jax.experimental.pallas import tpu_sc as plsc

_B = 8
_H = 384
_W = 384
_P = 5000
_PPAD = 5120
_NPAIR = _B * _PPAD
_CHUNK = 1280
_NROW = _CHUNK // 128
_NW = 32
_VALID_TAIL = _P - 3 * _CHUNK
_OFF_MASK = (1 << 18) - 1

_MARGIN = 0.25
_LN2 = 0.6931471805599453
_SQRT2 = 1.4142135623730951
_INV_P = 1.0 / _P


def _vlog(x):
    bits = lax.bitcast_convert_type(x, jnp.int32)
    e = lax.shift_right_arithmetic(bits, 23) - 127
    m_bits = lax.bitwise_or(lax.bitwise_and(bits, 0x007FFFFF), 0x3F800000)
    m = lax.bitcast_convert_type(m_bits, jnp.float32)
    big = m >= jnp.float32(_SQRT2)
    m = jnp.where(big, m * jnp.float32(0.5), m)
    e = e + jnp.where(big, 1, 0)
    ef = e.astype(jnp.float32)
    t = (m - 1.0) / (m + 1.0)
    t2 = t * t
    p = jnp.float32(1.0 / 9.0)
    p = p * t2 + jnp.float32(1.0 / 7.0)
    p = p * t2 + jnp.float32(1.0 / 5.0)
    p = p * t2 + jnp.float32(1.0 / 3.0)
    p = p * t2 + jnp.float32(1.0)
    return ef * jnp.float32(_LN2) + (t + t) * p


def _vlog1p(u):
    t = u / (u + 2.0)
    t2 = t * t
    p = jnp.float32(1.0 / 11.0)
    p = p * t2 + jnp.float32(1.0 / 9.0)
    p = p * t2 + jnp.float32(1.0 / 7.0)
    p = p * t2 + jnp.float32(1.0 / 5.0)
    p = p * t2 + jnp.float32(1.0 / 3.0)
    p = p * t2 + jnp.float32(1.0)
    return (t + t) * p


def _tec_body(img, pk, out, pv, iav, ibv, vav, vbv, resv, gsem, csem):
    cid = lax.axis_index("c")
    sid = lax.axis_index("s")
    wid = sid * 2 + cid
    imgbase = (wid // 4) * (_H * _W)
    limit = jnp.where(wid % 4 == 3, _VALID_TAIL, _CHUNK)

    c4 = wid % 4
    for u in range(_NROW):
        src = pl.multiple_of((((c4 * _NROW + u) << 3) + (wid // 4)) << 8, 8)
        pltpu.async_copy(pk.at[pl.ds(src, 256)],
                         pv.at[pl.ds(u * 256, 256)], csem.at[u])

    for j in range(_NROW):
        src = pl.multiple_of((((c4 * _NROW + j) << 3) + (wid // 4)) << 8, 8)
        pltpu.make_async_copy(pk.at[pl.ds(src, 256)],
                              pv.at[pl.ds(j * 256, 256)], csem.at[j]).wait()
        for kk in range(8):
            iav[j, pl.ds(kk * 16, 16)] = (
                imgbase + (pv[pl.ds(j * 256 + kk * 16, 16)] & _OFF_MASK))
            ibv[j, pl.ds(kk * 16, 16)] = (
                imgbase + (pv[pl.ds(j * 256 + 128 + kk * 16, 16)] & _OFF_MASK))
        pltpu.async_copy(img.at[iav.at[j]], vav.at[j], gsem.at[j])
        pltpu.async_copy(img.at[ibv.at[j]], vbv.at[j], gsem.at[j])

    lane = lax.iota(jnp.int32, 16)

    def comp_body(j, acc):
        pltpu.make_async_copy(img.at[iav.at[j]], vav.at[j], gsem.at[j]).wait()
        pltpu.make_async_copy(img.at[ibv.at[j]], vbv.at[j], gsem.at[j]).wait()
        for kk in range(8):
            off = kk * 16
            a = vav[j, pl.ds(kk * 16, 16)]
            b = vbv[j, pl.ds(kk * 16, 16)]
            o = lax.shift_right_logical(pv[pl.ds(j * 256 + kk * 16, 16)], 18)
            diff = _vlog(a / b)
            r = (o - 1).astype(jnp.float32)
            t = jnp.float32(_MARGIN) - r * diff
            u = jnp.exp(-jnp.abs(t))
            sp = jnp.maximum(t, 0.0) + _vlog1p(u)
            eq = jnp.maximum(diff * diff - jnp.float32(_MARGIN), 0.0)
            per = jnp.where(o == 1, eq, sp)
            per = jnp.where(j * 128 + off + lane < limit, per, 0.0)
            acc = acc + per
        return acc

    acc = lax.fori_loop(0, _NROW, comp_body, jnp.zeros((16,), jnp.float32))

    resv[...] = acc * jnp.float32(_INV_P)
    pltpu.sync_copy(resv, out.at[wid])


@functools.partial(
    pl.kernel,
    mesh=plsc.VectorSubcoreMesh(core_axis_name="c", subcore_axis_name="s"),
    out_type=jax.ShapeDtypeStruct((_NW, 16), jnp.float32),
    scratch_types=[
        pltpu.VMEM((_NROW * 256,), jnp.int32),
        pltpu.VMEM((_NROW, 128), jnp.int32),
        pltpu.VMEM((_NROW, 128), jnp.int32),
        pltpu.VMEM((_NROW, 128), jnp.float32),
        pltpu.VMEM((_NROW, 128), jnp.float32),
        pltpu.VMEM((16,), jnp.float32),
        pltpu.SemaphoreType.DMA((_NROW,)),
        pltpu.SemaphoreType.DMA((_NROW,)),
    ],
)
def _sc_loss(img, pk, out, *scratch):
    _tec_body(img, pk, out, *scratch)


def _tile_off(y, x):
    return (((y >> 3) * (_W // 128) + (x >> 7)) << 10) + ((y & 7) << 7) + (x & 127)


def kernel(input, y_A, x_A, y_B, x_B, ordinal):
    img = (input.reshape(_B, _H // 8, 8, _W // 128, 128)
           .transpose(0, 1, 3, 2, 4).reshape(-1))
    pk = jnp.stack([_tile_off(y_A, x_A) | (ordinal << 18),
                    _tile_off(y_B, x_B)], axis=-1)
    pk = (jnp.pad(pk, ((0, 0), (0, _PPAD - _P), (0, 0)))
          .reshape(_B, _PPAD // 128, 128, 2).transpose(1, 0, 3, 2).reshape(-1))
    partials = _sc_loss(img, pk)
    return jnp.sum(partials)

# --- scband reference (transcript-rebuilt; emitter-appended) ---
"""Pipeline reference for scband-relative-depth-margin-log-normal-depth-45990509805939 (READ-ONLY COPY).

The authoritative reference and input builder live on the scoring server;
editing this copy changes nothing except your own understanding.
"""

import jax, jax.numpy as jnp
import numpy as np

MARGIN = 0.25
W_NORMAL = 0.5


def setup_inputs(seed: int = 0) -> dict:
    key = jax.random.key(seed)
    ks = jax.random.split(key, 6)
    B, H, W, P = 8, 384, 384, 5000
    # depth predictions must be strictly positive (log is taken inside forward)
    inp = jax.random.uniform(ks[0], (B, 1, H, W), jnp.float32, minval=1e-3, maxval=1.0)
    y_A = jax.random.randint(ks[1], (B, P), 0, H)
    x_A = jax.random.randint(ks[2], (B, P), 0, W)
    y_B = jax.random.randint(ks[3], (B, P), 0, H)
    x_B = jax.random.randint(ks[4], (B, P), 0, W)
    # raw labels in {0,1,2}; mapped to ordinal relation r in {-1,0,+1} inside reference
    ordinal = jax.random.randint(ks[5], (B, P), 0, 3)
    return {"input": inp, "y_A": y_A, "x_A": x_A, "y_B": y_B, "x_B": x_B, "ordinal": ordinal}


def _relative_depth_margin_loss(log_depth, y_A, x_A, y_B, x_B, ordinal, margin):
    # gather pairwise log-depth values: z[b, 0, y, x]
    B = log_depth.shape[0]
    b_idx = jnp.arange(B)[:, None]
    z_A = log_depth[b_idx, 0, y_A, x_A]
    z_B = log_depth[b_idx, 0, y_B, x_B]
    r = (ordinal - 1).astype(log_depth.dtype)  # {-1, 0, +1}
    diff = z_A - z_B
    # inequality pairs: margin ranking loss  log(1 + exp(-r*(z_A - z_B) + margin))
    ineq_loss = jax.nn.softplus(-r * diff + margin)
    # equality pairs (r == 0): squared difference hinged at the margin
    eq_loss = jnp.maximum(diff * diff - margin, 0.0)
    per_pair = jnp.where(ordinal == 1, eq_loss, ineq_loss)
    # mean over pairs per image, summed over the batch
    return jnp.sum(jnp.mean(per_pair, axis=1))


def reference(input, y_A, x_A, y_B, x_B, ordinal):
    # depth branch of relative_depth_margin_log_normal_depth with n_depth = B,
    # n_normal = 0: loss = depth_crit(log(input[0:n_depth]), target[0])
    log_depth = jnp.log(input)
    return _relative_depth_margin_loss(log_depth, y_A, x_A, y_B, x_B, ordinal, MARGIN)

if __name__ == "__main__":
    import jax
    _d = setup_inputs()
    print(jax.jit(kernel)(*tuple(_d.values())))

</pallas_src>

<mosaic_0001>
#map = affine_map<(d0, d1) -> (0)>
#map1 = affine_map<(d0, d1) -> (0, 0)>
module attributes {stable_mosaic.version = 14 : i64} {
  func.func @_sc_loss(%arg0: i32, %arg1: i32, %arg2: memref<1179648xf32, #tpu.memory_space<hbm>>, %arg3: memref<81920xi32, #tpu.memory_space<hbm>>, %arg4: memref<32x16xf32, #tpu.memory_space<hbm>>, %arg5: memref<2560xi32, #tpu.memory_space<vmem>>, %arg6: memref<10x128xi32, #tpu.memory_space<vmem>>, %arg7: memref<10x128xi32, #tpu.memory_space<vmem>>, %arg8: memref<10x128xf32, #tpu.memory_space<vmem>>, %arg9: memref<10x128xf32, #tpu.memory_space<vmem>>, %arg10: memref<16xf32, #tpu.memory_space<vmem>>, %arg11: memref<10x!tpu.dma_semaphore, #tpu.memory_space<semaphore_mem>>, %arg12: memref<10x!tpu.dma_semaphore, #tpu.memory_space<semaphore_mem>>) attributes {dimension_semantics = [#tpu.dimension_semantics<core_parallel>, #tpu.dimension_semantics<subcore_parallel>], iteration_bounds = array<i64: 2, 16>, scalar_prefetch = 0 : i64, scratch_operands = 8 : i64, tpu.core_type = #tpu.core_type<sc_vector_subcore>, window_params = [{transform_indices = #map}, {transform_indices = #map}, {transform_indices = #map1}]} {
    %mul3A = arith.constant 2 : i32
    %mul3A_0 = arith.muli %arg1, %mul3A : i32
    %add3A = arith.addi %mul3A_0, %arg0 : i32
    %jit3A = arith.constant 4 : i32
    %div3A = arith.divsi %add3A, %jit3A : i32
    %sign3A = arith.constant 0 : i32
    %sign3A_1 = arith.cmpi sgt, %add3A, %sign3A : i32
    %sign3A_2 = arith.extui %sign3A_1 : i1 to i32
    %sign3A_3 = arith.constant 0 : i32
    %sign3A_4 = arith.cmpi slt, %add3A, %sign3A_3 : i32
    %sign3A_5 = arith.extui %sign3A_4 : i1 to i32
    %sign3A_6 = arith.subi %sign3A_2, %sign3A_5 : i32
    %sign3A_7 = arith.constant 0 : i32
    %sign3A_8 = arith.cmpi sgt, %jit3A, %sign3A_7 : i32
    %sign3A_9 = arith.extui %sign3A_8 : i1 to i32
    %sign3A_10 = arith.constant 0 : i32
    %sign3A_11 = arith.cmpi slt, %jit3A, %sign3A_10 : i32
    %sign3A_12 = arith.extui %sign3A_11 : i1 to i32
    %sign3A_13 = arith.subi %sign3A_9, %sign3A_12 : i32
    %ne3A = arith.cmpi ne, %sign3A_6, %sign3A_13 : i32
    %rem3A = arith.remsi %add3A, %jit3A : i32
    %ne3A_14 = arith.constant 0 : i32
    %ne3A_15 = arith.cmpi ne, %rem3A, %ne3A_14 : i32
    %and3A = arith.andi %ne3A, %ne3A_15 : i1
    %sub3A = arith.constant 1 : i32
    %sub3A_16 = arith.subi %div3A, %sub3A : i32
    %select_n3A = arith.select %and3A, %sub3A_16, %div3A : i32
    %mul3A_17 = arith.constant 147456 : i32
    %mul3A_18 = arith.muli %select_n3A, %mul3A_17 : i32
    %jit3A_19 = arith.constant 4 : i32
    %eq3A = arith.constant 0 : i32
    %eq3A_20 = arith.cmpi eq, %jit3A_19, %eq3A : i32
    %jit3A_21 = arith.constant 1 : i32
    %select_n3A_22 = arith.select %eq3A_20, %jit3A_21, %jit3A_19 : i32
    %rem3A_23 = arith.remsi %add3A, %select_n3A_22 : i32
    %ne3A_24 = arith.constant 0 : i32
    %ne3A_25 = arith.cmpi ne, %rem3A_23, %ne3A_24 : i32
    %lt3A = arith.constant 0 : i32
    %lt3A_26 = arith.cmpi slt, %rem3A_23, %lt3A : i32
    %lt3A_27 = arith.constant 0 : i32
    %lt3A_28 = arith.cmpi slt, %select_n3A_22, %lt3A_27 : i32
    %ne3A_29 = arith.xori %lt3A_26, %lt3A_28 : i1
    %and3A_30 = arith.andi %ne3A_29, %ne3A_25 : i1
    %add3A_31 = arith.addi %rem3A_23, %select_n3A_22 : i32
    %select_n3A_32 = arith.select %and3A_30, %add3A_31, %rem3A_23 : i32
    %eq3A_33 = arith.constant 3 : i32
    %eq3A_34 = arith.cmpi eq, %select_n3A_32, %eq3A_33 : i32
    %jit3A_35 = arith.constant 1160 : i32
    %jit3A_36 = arith.constant 1280 : i32
    %select_n3A_37 = arith.select %eq3A_34, %jit3A_35, %jit3A_36 : i32
    %jit3A_38 = arith.constant 4 : i32
    %eq3A_39 = arith.constant 0 : i32
    %eq3A_40 = arith.cmpi eq, %jit3A_38, %eq3A_39 : i32
    %jit3A_41 = arith.constant 1 : i32
    %select_n3A_42 = arith.select %eq3A_40, %jit3A_41, %jit3A_38 : i32
    %rem3A_43 = arith.remsi %add3A, %select_n3A_42 : i32
    %ne3A_44 = arith.constant 0 : i32
    %ne3A_45 = arith.cmpi ne, %rem3A_43, %ne3A_44 : i32
    %lt3A_46 = arith.constant 0 : i32
    %lt3A_47 = arith.cmpi slt, %rem3A_43, %lt3A_46 : i32
    %lt3A_48 = arith.constant 0 : i32
    %lt3A_49 = arith.cmpi slt, %select_n3A_42, %lt3A_48 : i32
    %ne3A_50 = arith.xori %lt3A_47, %lt3A_49 : i1
    %and3A_51 = arith.andi %ne3A_50, %ne3A_45 : i1
    %add3A_52 = arith.addi %rem3A_43, %select_n3A_42 : i32
    %select_n3A_53 = arith.select %and3A_51, %add3A_52, %rem3A_43 : i32
    %mul3A_54 = arith.constant 10 : i32
    %mul3A_55 = arith.muli %select_n3A_53, %mul3A_54 : i32
    %add3A_56 = arith.constant 0 : i32
    %add3A_57 = arith.addi %mul3A_55, %add3A_56 : i32
    %shift_left3A = arith.constant 3 : i32
    %shift_left3A_58 = arith.shli %add3A_57, %shift_left3A : i32
    %jit3A_59 = arith.constant 4 : i32
    %div3A_60 = arith.divsi %add3A, %jit3A_59 : i32
    %sign3A_61 = arith.constant 0 : i32
    %sign3A_62 = arith.cmpi sgt, %add3A, %sign3A_61 : i32
    %sign3A_63 = arith.extui %sign3A_62 : i1 to i32
    %sign3A_64 = arith.constant 0 : i32
    %sign3A_65 = arith.cmpi slt, %add3A, %sign3A_64 : i32
    %sign3A_66 = arith.extui %sign3A_65 : i1 to i32
    %sign3A_67 = arith.subi %sign3A_63, %sign3A_66 : i32
    %sign3A_68 = arith.constant 0 : i32
    %sign3A_69 = arith.cmpi sgt, %jit3A_59, %sign3A_68 : i32
    %sign3A_70 = arith.extui %sign3A_69 : i1 to i32
    %sign3A_71 = arith.constant 0 : i32
    %sign3A_72 = arith.cmpi slt, %jit3A_59, %sign3A_71 : i32
    %sign3A_73 = arith.extui %sign3A_72 : i1 to i32
    %sign3A_74 = arith.subi %sign3A_70, %sign3A_73 : i32
    %ne3A_75 = arith.cmpi ne, %sign3A_67, %sign3A_74 : i32
    %rem3A_76 = arith.remsi %add3A, %jit3A_59 : i32
    %ne3A_77 = arith.constant 0 : i32
    %ne3A_78 = arith.cmpi ne, %rem3A_76, %ne3A_77 : i32
    %and3A_79 = arith.andi %ne3A_75, %ne3A_78 : i1
    %sub3A_80 = arith.constant 1 : i32
    %sub3A_81 = arith.subi %div3A_60, %sub3A_80 : i32
    %select_n3A_82 = arith.select %and3A_79, %sub3A_81, %div3A_60 : i32
    %add3A_83 = arith.addi %shift_left3A_58, %select_n3A_82 : i32
    %shift_left3A_84 = arith.constant 8 : i32
    %shift_left3A_85 = arith.shli %add3A_83, %shift_left3A_84 : i32
    %multiple_of3A = tpu.assume_multiple %shift_left3A_85, 8 : i32
    %dma_start3A = arith.constant 0 : i32
    %dma_start3A_86 = arith.constant 0 : i32
    %dma_start3A_87 = tpu.memref_slice %arg5[%dma_start3A_86] : memref<2560xi32, #tpu.memory_space<vmem>> -> memref<256xi32, #tpu.memory_space<vmem>>
    %dma_start3A_88 = tpu.memref_slice %arg3[%multiple_of3A] : memref<81920xi32, #tpu.memory_space<hbm>> -> memref<256xi32, #tpu.memory_space<hbm>>
    %dma_start3A_89 = tpu.memref_slice %arg12[%dma_start3A] : memref<10x!tpu.dma_semaphore, #tpu.memory_space<semaphore_mem>> -> memref<1x!tpu.dma_semaphore, #tpu.memory_space<semaphore_mem>>
    %dma_start3A_90 = tpu.memref_squeeze %dma_start3A_89 : memref<1x!tpu.dma_semaphore, #tpu.memory_space<semaphore_mem>> -> memref<!tpu.dma_semaphore, #tpu.memory_space<semaphore_mem>>
    %dma_start3A_91 = arith.constant 0 : i32
    %dma_start3A_92 = tpu.memref_slice %arg5[%dma_start3A_91] : memref<2560xi32, #tpu.memory_space<vmem>> -> memref<256xi32, #tpu.memory_space<vmem>>
    %dma_start3A_93 = tpu.memref_slice %arg3[%multiple_of3A] : memref<81920xi32, #tpu.memory_space<hbm>> -> memref<256xi32, #tpu.memory_space<hbm>>
    tpu.enqueue_dma source(%dma_start3A_93 : memref<256xi32, #tpu.memory_space<hbm>>) target(%dma_start3A_92 : memref<256xi32, #tpu.memory_space<vmem>>) target_semaphore(%dma_start3A_90 : memref<!tpu.dma_semaphore, #tpu.memory_space<semaphore_mem>>)
    %mul3A_94 = arith.constant 10 : i32
    %mul3A_95 = arith.muli %select_n3A_53, %mul3A_94 : i32
    %add3A_96 = arith.constant 1 : i32
    %add3A_97 = arith.addi %mul3A_95, %add3A_96 : i32
    %shift_left3A_98 = arith.constant 3 : i32
    %shift_left3A_99 = arith.shli %add3A_97, %shift_left3A_98 : i32
    %jit3A_100 = arith.constant 4 : i32
    %div3A_101 = arith.divsi %add3A, %jit3A_100 : i32
    %sign3A_102 = arith.constant 0 : i32
    %sign3A_103 = arith.cmpi sgt, %add3A, %sign3A_102 : i32
    %sign3A_104 = arith.extui %sign3A_103 : i1 to i32
    %sign3A_105 = arith.constant 0 : i32
    %sign3A_106 = arith.cmpi slt, %add3A, %sign3A_105 : i32
    %sign3A_107 = arith.extui %sign3A_106 : i1 to i32
    %sign3A_108 = arith.subi %sign3A_104, %sign3A_107 : i32
    %sign3A_109 = arith.constant 0 : i32
    %sign3A_110 = arith.cmpi sgt, %jit3A_100, %sign3A_109 : i32
    %sign3A_111 = arith.extui %sign3A_110 : i1 to i32
    %sign3A_112 = arith.constant 0 : i32
    %sign3A_113 = arith.cmpi slt, %jit3A_100, %sign3A_112 : i32
    %sign3A_114 = arith.extui %sign3A_113 : i1 to i32
    %sign3A_115 = arith.subi %sign3A_111, %sign3A_114 : i32
    %ne3A_116 = arith.cmpi ne, %sign3A_108, %sign3A_115 : i32
    %rem3A_117 = arith.remsi %add3A, %jit3A_100 : i32
    %ne3A_118 = arith.constant 0 : i32
    %ne3A_119 = arith.cmpi ne, %rem3A_117, %ne3A_118 : i32
    %and3A_120 = arith.andi %ne3A_116, %ne3A_119 : i1
    %sub3A_121 = arith.constant 1 : i32
    %sub3A_122 = arith.subi %div3A_101, %sub3A_121 : i32
    %select_n3A_123 = arith.select %and3A_120, %sub3A_122, %div3A_101 : i32
    %add3A_124 = arith.addi %shift_left3A_99, %select_n3A_123 : i32
    %shift_left3A_125 = arith.constant 8 : i32
    %shift_left3A_126 = arith.shli %add3A_124, %shift_left3A_125 : i32
    %multiple_of3A_127 = tpu.assume_multiple %shift_left3A_126, 8 : i32
    %dma_start3A_128 = arith.constant 1 : i32
    %dma_start3A_129 = arith.constant 256 : i32
    %dma_start3A_130 = tpu.memref_slice %arg5[%dma_start3A_129] : memref<2560xi32, #tpu.memory_space<vmem>> -> memref<256xi32, #tpu.memory_space<vmem>>
    %dma_start3A_131 = tpu.memref_slice %arg3[%multiple_of3A_127] : memref<81920xi32, #tpu.memory_space<hbm>> -> memref<256xi32, #tpu.memory_space<hbm>>
    %dma_start3A_132 = tpu.memref_slice %arg12[%dma_start3A_128] : memref<10x!tpu.dma_semaphore, #tpu.memory_space<semaphore_mem>> -> memref<1x!tpu.dma_semaphore, #tpu.memory_space<semaphore_mem>>
    %dma_start3A_133 = tpu.memref_squeeze %dma_start3A_132 : memref<1x!tpu.dma_semaphore, #tpu.memory_space<semaphore_mem>> -> memref<!tpu.dma_semaphore, #tpu.memory_space<semaphore_mem>>
    %dma_start3A_134 = arith.constant 256 : i32
    %dma_start3A_135 = tpu.memref_slice %arg5[%dma_start3A_134] : memref<2560xi32, #tpu.memory_space<vmem>> -> memref<256xi32, #tpu.memory_space<vmem>>
    %dma_start3A_136 = tpu.memref_slice %arg3[%multiple_of3A_127] : memref<81920xi32, #tpu.memory_space<hbm>> -> memref<256xi32, #tpu.memory_space<hbm>>
    tpu.enqueue_dma source(%dma_start3A_136 : memref<256xi32, #tpu.memory_space<hbm>>) target(%dma_start3A_135 : memref<256xi32, #tpu.memory_space<vmem>>) target_semaphore(%dma_start3A_133 : memref<!tpu.dma_semaphore, #tpu.memory_space<semaphore_mem>>)
    %mul3A_137 = arith.constant 10 : i32
    %mul3A_138 = arith.muli %select_n3A_53, %mul3A_137 : i32
    %add3A_139 = arith.constant 2 : i32
    %add3A_140 = arith.addi %mul3A_138, %add3A_139 : i32
    %shift_left3A_141 = arith.constant 3 : i32
    %shift_left3A_142 = arith.shli %add3A_140, %shift_left3A_141 : i32
    %jit3A_143 = arith.constant 4 : i32
    %div3A_144 = arith.divsi %add3A, %jit3A_143 : i32
    %sign3A_145 = arith.constant 0 : i32
    %sign3A_146 = arith.cmpi sgt, %add3A, %sign3A_145 : i32
    %sign3A_147 = arith.extui %sign3A_146 : i1 to i32
    %sign3A_148 = arith.constant 0 : i32
    %sign3A_149 = arith.cmpi slt, %add3A, %sign3A_148 : i32
    %sign3A_150 = arith.extui %sign3A_149 : i1 to i32
    %sign3A_151 = arith.subi %sign3A_147, %sign3A_150 : i32
    %sign3A_152 = arith.constant 0 : i32
    %sign3A_153 = arith.cmpi sgt, %jit3A_143, %sign3A_152 : i32
    %sign3A_154 = arith.extui %sign3A_153 : i1 to i32
    %sign3A_155 = arith.constant 0 : i32
    %sign3A_156 = arith.cmpi slt, %jit3A_143, %sign3A_155 : i32
    %sign3A_157 = arith.extui %sign3A_156 : i1 to i32
    %sign3A_158 = arith.subi %sign3A_154, %sign3A_157 : i32
    %ne3A_159 = arith.cmpi ne, %sign3A_151, %sign3A_158 : i32
    %rem3A_160 = arith.remsi %add3A, %jit3A_143 : i32
    %ne3A_161 = arith.constant 0 : i32
    %ne3A_162 = arith.cmpi ne, %rem3A_160, %ne3A_161 : i32
    %and3A_163 = arith.andi %ne3A_159, %ne3A_162 : i1
    %sub3A_164 = arith.constant 1 : i32
    %sub3A_165 = arith.subi %div3A_144, %sub3A_164 : i32
    %select_n3A_166 = arith.select %and3A_163, %sub3A_165, %div3A_144 : i32
    %add3A_167 = arith.addi %shift_left3A_142, %select_n3A_166 : i32
    %shift_left3A_168 = arith.constant 8 : i32
    %shift_left3A_169 = arith.shli %add3A_167, %shift_left3A_168 : i32
    %multiple_of3A_170 = tpu.assume_multiple %shift_left3A_169, 8 : i32
    %dma_start3A_171 = arith.constant 2 : i32
    %dma_start3A_172 = arith.constant 512 : i32
    %dma_start3A_173 = tpu.memref_slice %arg5[%dma_start3A_172] : memref<2560xi32, #tpu.memory_space<vmem>> -> memref<256xi32, #tpu.memory_space<vmem>>
    %dma_start3A_174 = tpu.memref_slice %arg3[%multiple_of3A_170] : memref<81920xi32, #tpu.memory_space<hbm>> -> memref<256xi32, #tpu.memory_space<hbm>>
    %dma_start3A_175 = tpu.memref_slice %arg12[%dma_start3A_171] : memref<10x!tpu.dma_semaphore, #tpu.memory_space<semaphore_mem>> -> memref<1x!tpu.dma_semaphore, #tpu.memory_space<semaphore_mem>>
    %dma_start3A_176 = tpu.memref_squeeze %dma_start3A_175 : memref<1x!tpu.dma_semaphore, #tpu.memory_space<semaphore_mem>> -> memref<!tpu.dma_semaphore, #tpu.memory_space<semaphore_mem>>
    %dma_start3A_177 = arith.constant 512 : i32
    %dma_start3A_178 = tpu.memref_slice %arg5[%dma_start3A_177] : memref<2560xi32, #tpu.memory_space<vmem>> -> memref<256xi32, #tpu.memory_space<vmem>>
    %dma_start3A_179 = tpu.memref_slice %arg3[%multiple_of3A_170] : memref<81920xi32, #tpu.memory_space<hbm>> -> memref<256xi32, #tpu.memory_space<hbm>>
    tpu.enqueue_dma source(%dma_start3A_179 : memref<256xi32, #tpu.memory_space<hbm>>) target(%dma_start3A_178 : memref<256xi32, #tpu.memory_space<vmem>>) target_semaphore(%dma_start3A_176 : memref<!tpu.dma_semaphore, #tpu.memory_space<semaphore_mem>>)
    %mul3A_180 = arith.constant 10 : i32
    %mul3A_181 = arith.muli %select_n3A_53, %mul3A_180 : i32
    %add3A_182 = arith.constant 3 : i32
    %add3A_183 = arith.addi %mul3A_181, %add3A_182 : i32
    %shift_left3A_184 = arith.constant 3 : i32
    %shift_left3A_185 = arith.shli %add3A_183, %shift_left3A_184 : i32
    %jit3A_186 = arith.constant 4 : i32
    %div3A_187 = arith.divsi %add3A, %jit3A_186 : i32
    %sign3A_188 = arith.constant 0 : i32
    %sign3A_189 = arith.cmpi sgt, %add3A, %sign3A_188 : i32
    %sign3A_190 = arith.extui %sign3A_189 : i1 to i32
    %sign3A_191 = arith.constant 0 : i32
    %sign3A_192 = arith.cmpi slt, %add3A, %sign3A_191 : i32
    %sign3A_193 = arith.extui %sign3A_192 : i1 to i32
    %sign3A_194 = arith.subi %sign3A_190, %sign3A_193 : i32
    %sign3A_195 = arith.constant 0 : i32
    %sign3A_196 = arith.cmpi sgt, %jit3A_186, %sign3A_195 : i32
    %sign3A_197 = arith.extui %sign3A_196 : i1 to i32
    %sign3A_198 = arith.constant 0 : i32
    %sign3A_199 = arith.cmpi slt, %jit3A_186, %sign3A_198 : i32
    %sign3A_200 = arith.extui %sign3A_199 : i1 to i32
    %sign3A_201 = arith.subi %sign3A_197, %sign3A_200 : i32
    %ne3A_202 = arith.cmpi ne, %sign3A_194, %sign3A_201 : i32
    %rem3A_203 = arith.remsi %add3A, %jit3A_186 : i32
    %ne3A_204 = arith.constant 0 : i32
    %ne3A_205 = arith.cmpi ne, %rem3A_203, %ne3A_204 : i32
    %and3A_206 = arith.andi %ne3A_202, %ne3A_205 : i1
    %sub3A_207 = arith.constant 1 : i32
    %sub3A_208 = arith.subi %div3A_187, %sub3A_207 : i32
    %select_n3A_209 = arith.select %and3A_206, %sub3A_208, %div3A_187 : i32
    %add3A_210 = arith.addi %shift_left3A_185, %select_n3A_209 : i32
    %shift_left3A_211 = arith.constant 8 : i32
    %shift_left3A_212 = arith.shli %add3A_210, %shift_left3A_211 : i32
    %multiple_of3A_213 = tpu.assume_multiple %shift_left3A_212, 8 : i32
    %dma_start3A_214 = arith.constant 3 : i32
    %dma_start3A_215 = arith.constant 768 : i32
    %dma_start3A_216 = tpu.memref_slice %arg5[%dma_start3A_215] : memref<2560xi32, #tpu.memory_space<vmem>> -> memref<256xi32, #tpu.memory_space<vmem>>
    %dma_start3A_217 = tpu.memref_slice %arg3[%multiple_of3A_213] : memref<81920xi32, #tpu.memory_space<hbm>> -> memref<256xi32, #tpu.memory_space<hbm>>
    %dma_start3A_218 = tpu.memref_slice %arg12[%dma_start3A_214] : memref<10x!tpu.dma_semaphore, #tpu.memory_space<semaphore_mem>> -> memref<1x!tpu.dma_semaphore, #tpu.memory_space<semaphore_mem>>
    %dma_start3A_219 = tpu.memref_squeeze %dma_start3A_218 : memref<1x!tpu.dma_semaphore, #tpu.memory_space<semaphore_mem>> -> memref<!tpu.dma_semaphore, #tpu.memory_space<semaphore_mem>>
    %dma_start3A_220 = arith.constant 768 : i32
    %dma_start3A_221 = tpu.memref_slice %arg5[%dma_start3A_220] : memref<2560xi32, #tpu.memory_space<vmem>> -> memref<256xi32, #tpu.memory_space<vmem>>
    %dma_start3A_222 = tpu.memref_slice %arg3[%multiple_of3A_213] : memref<81920xi32, #tpu.memory_space<hbm>> -> memref<256xi32, #tpu.memory_space<hbm>>
    tpu.enqueue_dma source(%dma_start3A_222 : memref<256xi32, #tpu.memory_space<hbm>>) target(%dma_start3A_221 : memref<256xi32, #tpu.memory_space<vmem>>) target_semaphore(%dma_start3A_219 : memref<!tpu.dma_semaphore, #tpu.memory_space<semaphore_mem>>)
    %mul3A_223 = arith.constant 10 : i32
    %mul3A_224 = arith.muli %select_n3A_53, %mul3A_223 : i32
    %add3A_225 = arith.constant 4 : i32
    %add3A_226 = arith.addi %mul3A_224, %add3A_225 : i32
    %shift_left3A_227 = arith.constant 3 : i32
    %shift_left3A_228 = arith.shli %add3A_226, %shift_left3A_227 : i32
    %jit3A_229 = arith.constant 4 : i32
    %div3A_230 = arith.divsi %add3A, %jit3A_229 : i32
    %sign3A_231 = arith.constant 0 : i32
    %sign3A_232 = arith.cmpi sgt, %add3A, %sign3A_231 : i32
    %sign3A_233 = arith.extui %sign3A_232 : i1 to i32
    %sign3A_234 = arith.constant 0 : i32
    %sign3A_235 = arith.cmpi slt, %add3A, %sign3A_234 : i32
    %sign3A_236 = arith.extui %sign3A_235 : i1 to i32
    %sign3A_237 = arith.subi %sign3A_233, %sign3A_236 : i32
    %sign3A_238 = arith.constant 0 : i32
    %sign3A_239 = arith.cmpi sgt, %jit3A_229, %sign3A_238 : i32
    %sign3A_240 = arith.extui %sign3A_239 : i1 to i32
    %sign3A_241 = arith.constant 0 : i32
    %sign3A_242 = arith.cmpi slt, %jit3A_229, %sign3A_241 : i32
    %sign3A_243 = arith.extui %sign3A_242 : i1 to i32
    %sign3A_244 = arith.subi %sign3A_240, %sign3A_243 : i32
    %ne3A_245 = arith.cmpi ne, %sign3A_237, %sign3A_244 : i32
    %rem3A_246 = arith.remsi %add3A, %jit3A_229 : i32
    %ne3A_247 = arith.constant 0 : i32
    %ne3A_248 = arith.cmpi ne, %rem3A_246, %ne3A_247 : i32
    %and3A_249 = arith.andi %ne3A_245, %ne3A_248 : i1
    %sub3A_250 = arith.constant 1 : i32
    %sub3A_251 = arith.subi %div3A_230, %sub3A_250 : i32
    %select_n3A_252 = arith.select %and3A_249, %sub3A_251, %div3A_230 : i32
    %add3A_253 = arith.addi %shift_left3A_228, %select_n3A_252 : i32
    %shift_left3A_254 = arith.constant 8 : i32
    %shift_left3A_255 = arith.shli %add3A_253, %shift_left3A_254 : i32
    %multiple_of3A_256 = tpu.assume_multiple %shift_left3A_255, 8 : i32
    %dma_start3A_257 = arith.constant 4 : i32
    %dma_start3A_258 = arith.constant 1024 : i32
    %dma_start3A_259 = tpu.memref_slice %arg5[%dma_start3A_258] : memref<2560xi32, #tpu.memory_space<vmem>> -> memref<256xi32, #tpu.memory_space<vmem>>
    %dma_start3A_260 = tpu.memref_slice %arg3[%multiple_of3A_256] : memref<81920xi32, #tpu.memory_space<hbm>> -> memref<256xi32, #tpu.memory_space<hbm>>
    %dma_start3A_261 = tpu.memref_slice %arg12[%dma_start3A_257] : memref<10x!tpu.dma_semaphore, #tpu.memory_space<semaphore_mem>> -> memref<1x!tpu.dma_semaphore, #tpu.memory_space<semaphore_mem>>
    %dma_start3A_262 = tpu.memref_squeeze %dma_start3A_261 : memref<1x!tpu.dma_semaphore, #tpu.memory_space<semaphore_mem>> -> memref<!tpu.dma_semaphore, #tpu.memory_space<semaphore_mem>>
    %dma_start3A_263 = arith.constant 1024 : i32
    %dma_start3A_264 = tpu.memref_slice %arg5[%dma_start3A_263] : memref<2560xi32, #tpu.memory_space<vmem>> -> memref<256xi32, #tpu.memory_space<vmem>>
    %dma_start3A_265 = tpu.memref_slice %arg3[%multiple_of3A_256] : memref<81920xi32, #tpu.memory_space<hbm>> -> memref<256xi32, #tpu.memory_space<hbm>>
    tpu.enqueue_dma source(%dma_start3A_265 : memref<256xi32, #tpu.memory_space<hbm>>) target(%dma_start3A_264 : memref<256xi32, #tpu.memory_space<vmem>>) target_semaphore(%dma_start3A_262 : memref<!tpu.dma_semaphore, #tpu.memory_space<semaphore_mem>>)
    %mul3A_266 = arith.constant 10 : i32
    %mul3A_267 = arith.muli %select_n3A_53, %mul3A_266 : i32
    %add3A_268 = arith.constant 5 : i32
    %add3A_269 = arith.addi %mul3A_267, %add3A_268 : i32
    %shift_left3A_270 = arith.constant 3 : i32
    %shift_left3A_271 = arith.shli %add3A_269, %shift_left3A_270 : i32
    %jit3A_272 = arith.constant 4 : i32
    %div3A_273 = arith.divsi %add3A, %jit3A_272 : i32
    %sign3A_274 = arith.constant 0 : i32
    %sign3A_275 = arith.cmpi sgt, %add3A, %sign3A_274 : i32
    %sign3A_276 = arith.extui %sign3A_275 : i1 to i32
    %sign3A_277 = arith.constant 0 : i32
    %sign3A_278 = arith.cmpi slt, %add3A, %sign3A_277 : i32
    %sign3A_279 = arith.extui %sign3A_278 : i1 to i32
    %sign3A_280 = arith.subi %sign3A_276, %sign3A_279 : i32
    %sign3A_281 = arith.constant 0 : i32
    %sign3A_282 = arith.cmpi sgt, %jit3A_272, %sign3A_281 : i32
    %sign3A_283 = arith.extui %sign3A_282 : i1 to i32
    %sign3A_284 = arith.constant 0 : i32
    %sign3A_285 = arith.cmpi slt, %jit3A_272, %sign3A_284 : i32
    %sign3A_286 = arith.extui %sign3A_285 : i1 to i32
    %sign3A_287 = arith.subi %sign3A_283, %sign3A_286 : i32
    %ne3A_288 = arith.cmpi ne, %sign3A_280, %sign3A_287 : i32
    %rem3A_289 = arith.remsi %add3A, %jit3A_272 : i32
    %ne3A_290 = arith.constant 0 : i32
    %ne3A_291 = arith.cmpi ne, %rem3A_289, %ne3A_290 : i32
    %and3A_292 = arith.andi %ne3A_288, %ne3A_291 : i1
    %sub3A_293 = arith.constant 1 : i32
    %sub3A_294 = arith.subi %div3A_273, %sub3A_293 : i32
    %select_n3A_295 = arith.select %and3A_292, %sub3A_294, %div3A_273 : i32
    %add3A_296 = arith.addi %shift_left3A_271, %select_n3A_295 : i32
    %shift_left3A_297 = arith.constant 8 : i32
    %shift_left3A_298 = arith.shli %add3A_296, %shift_left3A_297 : i32
    %multiple_of3A_299 = tpu.assume_multiple %shift_left3A_298, 8 : i32
    %dma_start3A_300 = arith.constant 5 : i32
    %dma_start3A_301 = arith.constant 1280 : i32
    %dma_start3A_302 = tpu.memref_slice %arg5[%dma_start3A_301] : memref<2560xi32, #tpu.memory_space<vmem>> -> memref<256xi32, #tpu.memory_space<vmem>>
    %dma_start3A_303 = tpu.memref_slice %arg3[%multiple_of3A_299] : memref<81920xi32, #tpu.memory_space<hbm>> -> memref<256xi32, #tpu.memory_space<hbm>>
    %dma_start3A_304 = tpu.memref_slice %arg12[%dma_start3A_300] : memref<10x!tpu.dma_semaphore, #tpu.memory_space<semaphore_mem>> -> memref<1x!tpu.dma_semaphore, #tpu.memory_space<semaphore_mem>>
    %dma_start3A_305 = tpu.memref_squeeze %dma_start3A_304 : memref<1x!tpu.dma_semaphore, #tpu.memory_space<semaphore_mem>> -> memref<!tpu.dma_semaphore, #tpu.memory_space<semaphore_mem>>
    %dma_start3A_306 = arith.constant 1280 : i32
    %dma_start3A_307 = tpu.memref_slice %arg5[%dma_start3A_306] : memref<2560xi32, #tpu.memory_space<vmem>> -> memref<256xi32, #tpu.memory_space<vmem>>
    %dma_start3A_308 = tpu.memref_slice %arg3[%multiple_of3A_299] : memref<81920xi32, #tpu.memory_space<hbm>> -> memref<256xi32, #tpu.memory_space<hbm>>
    tpu.enqueue_dma source(%dma_start3A_308 : memref<256xi32, #tpu.memory_space<hbm>>) target(%dma_start3A_307 : memref<256xi32, #tpu.memory_space<vmem>>) target_semaphore(%dma_start3A_305 : memref<!tpu.dma_semaphore, #tpu.memory_space<semaphore_mem>>)
    %mul3A_309 = arith.constant 10 : i32
    %mul3A_310 = arith.muli %select_n3A_53, %mul3A_309 : i32
    %add3A_311 = arith.constant 6 : i32
    %add3A_312 = arith.addi %mul3A_310, %add3A_311 : i32
    %shift_left3A_313 = arith.constant 3 : i32
    %shift_left3A_314 = arith.shli %add3A_312, %shift_left3A_313 : i32
    %jit3A_315 = arith.constant 4 : i32
    %div3A_316 = arith.divsi %add3A, %jit3A_315 : i32
    %sign3A_317 = arith.constant 0 : i32
    %sign3A_318 = arith.cmpi sgt, %add3A, %sign3A_317 : i32
    %sign3A_319 = arith.extui %sign3A_318 : i1 to i32
    %sign3A_320 = arith.constant 0 : i32
    %sign3A_321 = arith.cmpi slt, %add3A, %sign3A_320 : i32
    %sign3A_322 = arith.extui %sign3A_321 : i1 to i32
    %sign3A_323 = arith.subi %sign3A_319, %sign3A_322 : i32
    %sign3A_324 = arith.constant 0 : i32
    %sign3A_325 = arith.cmpi sgt, %jit3A_315, %sign3A_324 : i32
    %sign3A_326 = arith.extui %sign3A_325 : i1 to i32
    %sign3A_327 = arith.constant 0 : i32
    %sign3A_328 = arith.cmpi slt, %jit3A_315, %sign3A_327 : i32
    %sign3A_329 = arith.extui %sign3A_328 : i1 to i32
    %sign3A_330 = arith.subi %sign3A_326, %sign3A_329 : i32
    %ne3A_331 = arith.cmpi ne, %sign3A_323, %sign3A_330 : i32
    %rem3A_332 = arith.remsi %add3A, %jit3A_315 : i32
    %ne3A_333 = arith.constant 0 : i32
    %ne3A_334 = arith.cmpi ne, %rem3A_332, %ne3A_333 : i32
    %and3A_335 = arith.andi %ne3A_331, %ne3A_334 : i1
    %sub3A_336 = arith.constant 1 : i32
    %sub3A_337 = arith.subi %div3A_316, %sub3A_336 : i32
    %select_n3A_338 = arith.select %and3A_335, %sub3A_337, %div3A_316 : i32
    %add3A_339 = arith.addi %shift_left3A_314, %select_n3A_338 : i32
    %shift_left3A_340 = arith.constant 8 : i32
    %shift_left3A_341 = arith.shli %add3A_339, %shift_left3A_340 : i32
    %multiple_of3A_342 = tpu.assume_multiple %shift_left3A_341, 8 : i32
    %dma_start3A_343 = arith.constant 6 : i32
    %dma_start3A_344 = arith.constant 1536 : i32
    %dma_start3A_345 = tpu.memref_slice %arg5[%dma_start3A_344] : memref<2560xi32, #tpu.memory_space<vmem>> -> memref<256xi32, #tpu.memory_space<vmem>>
    %dma_start3A_346 = tpu.memref_slice %arg3[%multiple_of3A_342] : memref<81920xi32, #tpu.memory_space<hbm>> -> memref<256xi32, #tpu.memory_space<hbm>>
    %dma_start3A_347 = tpu.memref_slice %arg12[%dma_start3A_343] : memref<10x!tpu.dma_semaphore, #tpu.memory_space<semaphore_mem>> -> memref<1x!tpu.dma_semaphore, #tpu.memory_space<semaphore_mem>>
    %dma_start3A_348 = tpu.memref_squeeze %dma_start3A_347 : memref<1x!tpu.dma_semaphore, #tpu.memory_space<semaphore_mem>> -> memref<!tpu.dma_semaphore, #tpu.memory_space<semaphore_mem>>
    %dma_start3A_349 = arith.constant 1536 : i32
    %dma_start3A_350 = tpu.memref_slice %arg5[%dma_start3A_349] : memref<2560xi32, #tpu.memory_space<vmem>> -> memref<256xi32, #tpu.memory_space<vmem>>
    %dma_start3A_351 = tpu.memref_slice %arg3[%multiple_of3A_342] : memref<81920xi32, #tpu.memory_space<hbm>> -> memref<256xi32, #tpu.memory_space<hbm>>
    tpu.enqueue_dma source(%dma_start3A_351 : memref<256xi32, #tpu.memory_space<hbm>>) target(%dma_start3A_350 : memref<256xi32, #tpu.memory_space<vmem>>) target_semaphore(%dma_start3A_348 : memref<!tpu.dma_semaphore, #tpu.memory_space<semaphore_mem>>)
    %mul3A_352 = arith.constant 10 : i32
    %mul3A_353 = arith.muli %select_n3A_53, %mul3A_352 : i32
    %add3A_354 = arith.constant 7 : i32
    %add3A_355 = arith.addi %mul3A_353, %add3A_354 : i32
    %shift_left3A_356 = arith.constant 3 : i32
    %shift_left3A_357 = arith.shli %add3A_355, %shift_left3A_356 : i32
    %jit3A_358 = arith.constant 4 : i32
    %div3A_359 = arith.divsi %add3A, %jit3A_358 : i32
    %sign3A_360 = arith.constant 0 : i32
    %sign3A_361 = arith.cmpi sgt, %add3A, %sign3A_360 : i32
    %sign3A_362 = arith.extui %sign3A_361 : i1 to i32
    %sign3A_363 = arith.constant 0 : i32
    %sign3A_364 = arith.cmpi slt, %add3A, %sign3A_363 : i32
    %sign3A_365 = arith.extui %sign3A_364 : i1 to i32
    %sign3A_366 = arith.subi %sign3A_362, %sign3A_365 : i32
    %sign3A_367 = arith.constant 0 : i32
    %sign3A_368 = arith.cmpi sgt, %jit3A_358, %sign3A_367 : i32
    %sign3A_369 = arith.extui %sign3A_368 : i1 to i32
    %sign3A_370 = arith.constant 0 : i32
    %sign3A_371 = arith.cmpi slt, %jit3A_358, %sign3A_370 : i32
    %sign3A_372 = arith.extui %sign3A_371 : i1 to i32
    %sign3A_373 = arith.subi %sign3A_369, %sign3A_372 : i32
    %ne3A_374 = arith.cmpi ne, %sign3A_366, %sign3A_373 : i32
    %rem3A_375 = arith.remsi %add3A, %jit3A_358 : i32
    %ne3A_376 = arith.constant 0 : i32
    %ne3A_377 = arith.cmpi ne, %rem3A_375, %ne3A_376 : i32
    %and3A_378 = arith.andi %ne3A_374, %ne3A_377 : i1
    %sub3A_379 = arith.constant 1 : i32
    %sub3A_380 = arith.subi %div3A_359, %sub3A_379 : i32
    %select_n3A_381 = arith.select %and3A_378, %sub3A_380, %div3A_359 : i32
    %add3A_382 = arith.addi %shift_left3A_357, %select_n3A_381 : i32
    %shift_left3A_383 = arith.constant 8 : i32
    %shift_left3A_384 = arith.shli %add3A_382, %shift_left3A_383 : i32
    %multiple_of3A_385 = tpu.assume_multiple %shift_left3A_384, 8 : i32
    %dma_start3A_386 = arith.constant 7 : i32
    %dma_start3A_387 = arith.constant 1792 : i32
    %dma_start3A_388 = tpu.memref_slice %arg5[%dma_start3A_387] : memref<2560xi32, #tpu.memory_space<vmem>> -> memref<256xi32, #tpu.memory_space<vmem>>
    %dma_start3A_389 = tpu.memref_slice %arg3[%multiple_of3A_385] : memref<81920xi32, #tpu.memory_space<hbm>> -> memref<256xi32, #tpu.memory_space<hbm>>
    %dma_start3A_390 = tpu.memref_slice %arg12[%dma_start3A_386] : memref<10x!tpu.dma_semaphore, #tpu.memory_space<semaphore_mem>> -> memref<1x!tpu.dma_semaphore, #tpu.memory_space<semaphore_mem>>
    %dma_start3A_391 = tpu.memref_squeeze %dma_start3A_390 : memref<1x!tpu.dma_semaphore, #tpu.memory_space<semaphore_mem>> -> memref<!tpu.dma_semaphore, #tpu.memory_space<semaphore_mem>>
    %dma_start3A_392 = arith.constant 1792 : i32
    %dma_start3A_393 = tpu.memref_slice %arg5[%dma_start3A_392] : memref<2560xi32, #tpu.memory_space<vmem>> -> memref<256xi32, #tpu.memory_space<vmem>>
    %dma_start3A_394 = tpu.memref_slice %arg3[%multiple_of3A_385] : memref<81920xi32, #tpu.memory_space<hbm>> -> memref<256xi32, #tpu.memory_space<hbm>>
    tpu.enqueue_dma source(%dma_start3A_394 : memref<256xi32, #tpu.memory_space<hbm>>) target(%dma_start3A_393 : memref<256xi32, #tpu.memory_space<vmem>>) target_semaphore(%dma_start3A_391 : memref<!tpu.dma_semaphore, #tpu.memory_space<semaphore_mem>>)
    %mul3A_395 = arith.constant 10 : i32
    %mul3A_396 = arith.muli %select_n3A_53, %mul3A_395 : i32
    %add3A_397 = arith.constant 8 : i32
    %add3A_398 = arith.addi %mul3A_396, %add3A_397 : i32
    %shift_left3A_399 = arith.constant 3 : i32
    %shift_left3A_400 = arith.shli %add3A_398, %shift_left3A_399 : i32
    %jit3A_401 = arith.constant 4 : i32
    %div3A_402 = arith.divsi %add3A, %jit3A_401 : i32
    %sign3A_403 = arith.constant 0 : i32
    %sign3A_404 = arith.cmpi sgt, %add3A, %sign3A_403 : i32
    %sign3A_405 = arith.extui %sign3A_404 : i1 to i32
    %sign3A_406 = arith.constant 0 : i32
    %sign3A_407 = arith.cmpi slt, %add3A, %sign3A_406 : i32
    %sign3A_408 = arith.extui %sign3A_407 : i1 to i32
    %sign3A_409 = arith.subi %sign3A_405, %sign3A_408 : i32
    %sign3A_410 = arith.constant 0 : i32
    %sign3A_411 = arith.cmpi sgt, %jit3A_401, %sign3A_410 : i32
    %sign3A_412 = arith.extui %sign3A_411 : i1 to i32
    %sign3A_413 = arith.constant 0 : i32
    %sign3A_414 = arith.cmpi slt, %jit3A_401, %sign3A_413 : i32
    %sign3A_415 = arith.extui %sign3A_414 : i1 to i32
    %sign3A_416 = arith.subi %sign3A_412, %sign3A_415 : i32
    %ne3A_417 = arith.cmpi ne, %sign3A_409, %sign3A_416 : i32
    %rem3A_418 = arith.remsi %add3A, %jit3A_401 : i32
    %ne3A_419 = arith.constant 0 : i32
    %ne3A_420 = arith.cmpi ne, %rem3A_418, %ne3A_419 : i32
    %and3A_421 = arith.andi %ne3A_417, %ne3A_420 : i1
    %sub3A_422 = arith.constant 1 : i32
    %sub3A_423 = arith.subi %div3A_402, %sub3A_422 : i32
    %select_n3A_424 = arith.select %and3A_421, %sub3A_423, %div3A_402 : i32
    %add3A_425 = arith.addi %shift_left3A_400, %select_n3A_424 : i32
    %shift_left3A_426 = arith.constant 8 : i32
    %shift_left3A_427 = arith.shli %add3A_425, %shift_left3A_426 : i32
    %multiple_of3A_428 = tpu.assume_multiple %shift_left3A_427, 8 : i32
    %dma_start3A_429 = arith.constant 8 : i32
    %dma_start3A_430 = arith.constant 2048 : i32
    %dma_start3A_431 = tpu.memref_slice %arg5[%dma_start3A_430] : memref<2560xi32, #tpu.memory_space<vmem>> -> memref<256xi32, #tpu.memory_space<vmem>>
    %dma_start3A_432 = tpu.memref_slice %arg3[%multiple_of3A_428] : memref<81920xi32, #tpu.memory_space<hbm>> -> memref<256xi32, #tpu.memory_space<hbm>>
    %dma_start3A_433 = tpu.memref_slice %arg12[%dma_start3A_429] : memref<10x!tpu.dma_semaphore, #tpu.memory_space<semaphore_mem>> -> memref<1x!tpu.dma_semaphore, #tpu.memory_space<semaphore_mem>>
    %dma_start3A_434 = tpu.memref_squeeze %dma_start3A_433 : memref<1x!tpu.dma_semaphore, #tpu.memory_space<semaphore_mem>> -> memref<!tpu.dma_semaphore, #tpu.memory_space<semaphore_mem>>
    %dma_start3A_435 = arith.constant 2048 : i32
    %dma_start3A_436 = tpu.memref_slice %arg5[%dma_start3A_435] : memref<2560xi32, #tpu.memory_space<vmem>> -> memref<256xi32, #tpu.memory_space<vmem>>
    %dma_start3A_437 = tpu.memref_slice %arg3[%multiple_of3A_428] : memref<81920xi32, #tpu.memory_space<hbm>> -> memref<256xi32, #tpu.memory_space<hbm>>
    tpu.enqueue_dma source(%dma_start3A_437 : memref<256xi32, #tpu.memory_space<hbm>>) target(%dma_start3A_436 : memref<256xi32, #tpu.memory_space<vmem>>) target_semaphore(%dma_start3A_434 : memref<!tpu.dma_semaphore, #tpu.memory_space<semaphore_mem>>)
    %mul3A_438 = arith.constant 10 : i32
    %mul3A_439 = arith.muli %select_n3A_53, %mul3A_438 : i32
    %add3A_440 = arith.constant 9 : i32
    %add3A_441 = arith.addi %mul3A_439, %add3A_440 : i32
    %shift_left3A_442 = arith.constant 3 : i32
    %shift_left3A_443 = arith.shli %add3A_441, %shift_left3A_442 : i32
    %jit3A_444 = arith.constant 4 : i32
    %div3A_445 = arith.divsi %add3A, %jit3A_444 : i32
    %sign3A_446 = arith.constant 0 : i32
    %sign3A_447 = arith.cmpi sgt, %add3A, %sign3A_446 : i32
    %sign3A_448 = arith.extui %sign3A_447 : i1 to i32
    %sign3A_449 = arith.constant 0 : i32
    %sign3A_450 = arith.cmpi slt, %add3A, %sign3A_449 : i32
    %sign3A_451 = arith.extui %sign3A_450 : i1 to i32
    %sign3A_452 = arith.subi %sign3A_448, %sign3A_451 : i32
    %sign3A_453 = arith.constant 0 : i32
    %sign3A_454 = arith.cmpi sgt, %jit3A_444, %sign3A_453 : i32
    %sign3A_455 = arith.extui %sign3A_454 : i1 to i32
    %sign3A_456 = arith.constant 0 : i32
    %sign3A_457 = arith.cmpi slt, %jit3A_444, %sign3A_456 : i32
    %sign3A_458 = arith.extui %sign3A_457 : i1 to i32
    %sign3A_459 = arith.subi %sign3A_455, %sign3A_458 : i32
    %ne3A_460 = arith.cmpi ne, %sign3A_452, %sign3A_459 : i32
    %rem3A_461 = arith.remsi %add3A, %jit3A_444 : i32
    %ne3A_462 = arith.constant 0 : i32
    %ne3A_463 = arith.cmpi ne, %rem3A_461, %ne3A_462 : i32
    %and3A_464 = arith.andi %ne3A_460, %ne3A_463 : i1
    %sub3A_465 = arith.constant 1 : i32
    %sub3A_466 = arith.subi %div3A_445, %sub3A_465 : i32
    %select_n3A_467 = arith.select %and3A_464, %sub3A_466, %div3A_445 : i32
    %add3A_468 = arith.addi %shift_left3A_443, %select_n3A_467 : i32
    %shift_left3A_469 = arith.constant 8 : i32
    %shift_left3A_470 = arith.shli %add3A_468, %shift_left3A_469 : i32
    %multiple_of3A_471 = tpu.assume_multiple %shift_left3A_470, 8 : i32
    %dma_start3A_472 = arith.constant 9 : i32
    %dma_start3A_473 = arith.constant 2304 : i32
    %dma_start3A_474 = tpu.memref_slice %arg5[%dma_start3A_473] : memref<2560xi32, #tpu.memory_space<vmem>> -> memref<256xi32, #tpu.memory_space<vmem>>
    %dma_start3A_475 = tpu.memref_slice %arg3[%multiple_of3A_471] : memref<81920xi32, #tpu.memory_space<hbm>> -> memref<256xi32, #tpu.memory_space<hbm>>
    %dma_start3A_476 = tpu.memref_slice %arg12[%dma_start3A_472] : memref<10x!tpu.dma_semaphore, #tpu.memory_space<semaphore_mem>> -> memref<1x!tpu.dma_semaphore, #tpu.memory_space<semaphore_mem>>
    %dma_start3A_477 = tpu.memref_squeeze %dma_start3A_476 : memref<1x!tpu.dma_semaphore, #tpu.memory_space<semaphore_mem>> -> memref<!tpu.dma_semaphore, #tpu.memory_space<semaphore_mem>>
    %dma_start3A_478 = arith.constant 2304 : i32
    %dma_start3A_479 = tpu.memref_slice %arg5[%dma_start3A_478] : memref<2560xi32, #tpu.memory_space<vmem>> -> memref<256xi32, #tpu.memory_space<vmem>>
    %dma_start3A_480 = tpu.memref_slice %arg3[%multiple_of3A_471] : memref<81920xi32, #tpu.memory_space<hbm>> -> memref<256xi32, #tpu.memory_space<hbm>>
    tpu.enqueue_dma source(%dma_start3A_480 : memref<256xi32, #tpu.memory_space<hbm>>) target(%dma_start3A_479 : memref<256xi32, #tpu.memory_space<vmem>>) target_semaphore(%dma_start3A_477 : memref<!tpu.dma_semaphore, #tpu.memory_space<semaphore_mem>>)
    %mul3A_481 = arith.constant 10 : i32
    %mul3A_482 = arith.muli %select_n3A_53, %mul3A_481 : i32
    %add3A_483 = arith.constant 0 : i32
    %add3A_484 = arith.addi %mul3A_482, %add3A_483 : i32
    %shift_left3A_485 = arith.constant 3 : i32
    %shift_left3A_486 = arith.shli %add3A_484, %shift_left3A_485 : i32
    %jit3A_487 = arith.constant 4 : i32
    %div3A_488 = arith.divsi %add3A, %jit3A_487 : i32
    %sign3A_489 = arith.constant 0 : i32
    %sign3A_490 = arith.cmpi sgt, %add3A, %sign3A_489 : i32
    %sign3A_491 = arith.extui %sign3A_490 : i1 to i32
    %sign3A_492 = arith.constant 0 : i32
    %sign3A_493 = arith.cmpi slt, %add3A, %sign3A_492 : i32
    %sign3A_494 = arith.extui %sign3A_493 : i1 to i32
    %sign3A_495 = arith.subi %sign3A_491, %sign3A_494 : i32
    %sign3A_496 = arith.constant 0 : i32
    %sign3A_497 = arith.cmpi sgt, %jit3A_487, %sign3A_496 : i32
    %sign3A_498 = arith.extui %sign3A_497 : i1 to i32
    %sign3A_499 = arith.constant 0 : i32
    %sign3A_500 = arith.cmpi slt, %jit3A_487, %sign3A_499 : i32
    %sign3A_501 = arith.extui %sign3A_500 : i1 to i32
    %sign3A_502 = arith.subi %sign3A_498, %sign3A_501 : i32
    %ne3A_503 = arith.cmpi ne, %sign3A_495, %sign3A_502 : i32
    %rem3A_504 = arith.remsi %add3A, %jit3A_487 : i32
    %ne3A_505 = arith.constant 0 : i32
    %ne3A_506 = arith.cmpi ne, %rem3A_504, %ne3A_505 : i32
    %and3A_507 = arith.andi %ne3A_503, %ne3A_506 : i1
    %sub3A_508 = arith.constant 1 : i32
    %sub3A_509 = arith.subi %div3A_488, %sub3A_508 : i32
    %select_n3A_510 = arith.select %and3A_507, %sub3A_509, %div3A_488 : i32
    %add3A_511 = arith.addi %shift_left3A_486, %select_n3A_510 : i32
    %shift_left3A_512 = arith.constant 8 : i32
    %shift_left3A_513 = arith.shli %add3A_511, %shift_left3A_512 : i32
    %multiple_of3A_514 = tpu.assume_multiple %shift_left3A_513, 8 : i32
    %dma_wait3A = arith.constant 0 : i32
    %dma_wait3A_515 = arith.constant 0 : i32
    %dma_wait3A_516 = tpu.memref_slice %arg5[%dma_wait3A_515] : memref<2560xi32, #tpu.memory_space<vmem>> -> memref<256xi32, #tpu.memory_space<vmem>>
    %dma_wait3A_517 = tpu.memref_slice %arg3[%multiple_of3A_514] : memref<81920xi32, #tpu.memory_space<hbm>> -> memref<256xi32, #tpu.memory_space<hbm>>
    %dma_wait3A_518 = tpu.memref_slice %arg12[%dma_wait3A] : memref<10x!tpu.dma_semaphore, #tpu.memory_space<semaphore_mem>> -> memref<1x!tpu.dma_semaphore, #tpu.memory_space<semaphore_mem>>
    %dma_wait3A_519 = tpu.memref_squeeze %dma_wait3A_518 : memref<1x!tpu.dma_semaphore, #tpu.memory_space<semaphore_mem>> -> memref<!tpu.dma_semaphore, #tpu.memory_space<semaphore_mem>>
    %dma_wait3A_520 = arith.constant 0 : i32
    %dma_wait3A_521 = tpu.memref_slice %arg5[%dma_wait3A_520] : memref<2560xi32, #tpu.memory_space<vmem>> -> memref<256xi32, #tpu.memory_space<vmem>>
    %dma_wait3A_522 = tpu.memref_slice %arg3[%multiple_of3A_514] : memref<81920xi32, #tpu.memory_space<hbm>> -> memref<256xi32, #tpu.memory_space<hbm>>
    tpu.wait_dma2 semaphore(%dma_wait3A_519 : memref<!tpu.dma_semaphore, #tpu.memory_space<semaphore_mem>>) src(%dma_wait3A_522 : memref<256xi32, #tpu.memory_space<hbm>>) dst(%dma_wait3A_521 : memref<256xi32, #tpu.memory_space<vmem>>)
    %get3A = arith.constant 0 : index
    %get3A_523 = tpu.vector_load %arg5[%get3A] {strides = array<i32>} : memref<2560xi32, #tpu.memory_space<vmem>>, vector<16xi32>,
    %get3A_524 = vector.shape_cast %get3A_523 : vector<16xi32> to vector<16xi32>
    %and3A_525 = arith.constant 262143 : i32
    %and3A_526 = vector.broadcast %and3A_525 : i32 to vector<16xi32>
    %and3A_527 = arith.andi %get3A_524, %and3A_526 : vector<16xi32>
    %add3A_528 = vector.broadcast %mul3A_18 : i32 to vector<16xi32>
    %add3A_529 = arith.addi %add3A_528, %and3A_527 : vector<16xi32>
    %swap3A = arith.constant 0 : i32
    %swap3A_530 = arith.index_cast %swap3A : i32 to index
    %swap3A_531 = arith.constant 0 : index
    %swap3A_532 = tpu.vector_load %arg6[%swap3A_530, %swap3A_531] {strides = array<i32>} : memref<10x128xi32, #tpu.memory_space<vmem>>, vector<1x16xi32>,
    %swap3A_533 = vector.shape_cast %swap3A_532 : vector<1x16xi32> to vector<16xi32>
    %swap3A_534 = vector.shape_cast %add3A_529 : vector<16xi32> to vector<1x16xi32>
    tpu.vector_store %arg6[%swap3A_530, %swap3A_531], %swap3A_534 {strides = array<i32>} : memref<10x128xi32, #tpu.memory_space<vmem>>, vector<1x16xi32>,
    %get3A_535 = arith.constant 128 : index
    %get3A_536 = tpu.vector_load %arg5[%get3A_535] {strides = array<i32>} : memref<2560xi32, #tpu.memory_space<vmem>>, vector<16xi32>,
    %get3A_537 = vector.shape_cast %get3A_536 : vector<16xi32> to vector<16xi32>
    %and3A_538 = arith.constant 262143 : i32
    %and3A_539 = vector.broadcast %and3A_538 : i32 to vector<16xi32>
    %and3A_540 = arith.andi %get3A_537, %and3A_539 : vector<16xi32>
    %add3A_541 = vector.broadcast %mul3A_18 : i32 to vector<16xi32>
    %add3A_542 = arith.addi %add3A_541, %and3A_540 : vector<16xi32>
    %swap3A_543 = arith.constant 0 : i32
    %swap3A_544 = arith.index_cast %swap3A_543 : i32 to index
    %swap3A_545 = arith.constant 0 : index
    %swap3A_546 = tpu.vector_load %arg7[%swap3A_544, %swap3A_545] {strides = array<i32>} : memref<10x128xi32, #tpu.memory_space<vmem>>, vector<1x16xi32>,
    %swap3A_547 = vector.shape_cast %swap3A_546 : vector<1x16xi32> to vector<16xi32>
    %swap3A_548 = vector.shape_cast %add3A_542 : vector<16xi32> to vector<1x16xi32>
    tpu.vector_store %arg7[%swap3A_544, %swap3A_545], %swap3A_548 {strides = array<i32>} : memref<10x128xi32, #tpu.memory_space<vmem>>, vector<1x16xi32>,
    %get3A_549 = arith.constant 16 : index
    %get3A_550 = tpu.vector_load %arg5[%get3A_549] {strides = array<i32>} : memref<2560xi32, #tpu.memory_space<vmem>>, vector<16xi32>,
    %get3A_551 = vector.shape_cast %get3A_550 : vector<16xi32> to vector<16xi32>
    %and3A_552 = arith.constant 262143 : i32
    %and3A_553 = vector.broadcast %and3A_552 : i32 to vector<16xi32>
    %and3A_554 = arith.andi %get3A_551, %and3A_553 : vector<16xi32>
    %add3A_555 = vector.broadcast %mul3A_18 : i32 to vector<16xi32>
    %add3A_556 = arith.addi %add3A_555, %and3A_554 : vector<16xi32>
    %swap3A_557 = arith.constant 0 : i32
    %swap3A_558 = arith.index_cast %swap3A_557 : i32 to index
    %swap3A_559 = arith.constant 16 : index
    %swap3A_560 = tpu.vector_load %arg6[%swap3A_558, %swap3A_559] {strides = array<i32>} : memref<10x128xi32, #tpu.memory_space<vmem>>, vector<1x16xi32>,
    %swap3A_561 = vector.shape_cast %swap3A_560 : vector<1x16xi32> to vector<16xi32>
    %swap3A_562 = vector.shape_cast %add3A_556 : vector<16xi32> to vector<1x16xi32>
    tpu.vector_store %arg6[%swap3A_558, %swap3A_559], %swap3A_562 {strides = array<i32>} : memref<10x128xi32, #tpu.memory_space<vmem>>, vector<1x16xi32>,
    %get3A_563 = arith.constant 144 : index
    %get3A_564 = tpu.vector_load %arg5[%get3A_563] {strides = array<i32>} : memref<2560xi32, #tpu.memory_space<vmem>>, vector<16xi32>,
    %get3A_565 = vector.shape_cast %get3A_564 : vector<16xi32> to vector<16xi32>
    %and3A_566 = arith.constant 262143 : i32
    %and3A_567 = vector.broadcast %and3A_566 : i32 to vector<16xi32>
    %and3A_568 = arith.andi %get3A_565, %and3A_567 : vector<16xi32>
    %add3A_569 = vector.broadcast %mul3A_18 : i32 to vector<16xi32>
    %add3A_570 = arith.addi %add3A_569, %and3A_568 : vector<16xi32>
    %swap3A_571 = arith.constant 0 : i32
    %swap3A_572 = arith.index_cast %swap3A_571 : i32 to index
    %swap3A_573 = arith.constant 16 : index
    %swap3A_574 = tpu.vector_load %arg7[%swap3A_572, %swap3A_573] {strides = array<i32>} : memref<10x128xi32, #tpu.memory_space<vmem>>, vector<1x16xi32>,
    %swap3A_575 = vector.shape_cast %swap3A_574 : vector<1x16xi32> to vector<16xi32>
    %swap3A_576 = vector.shape_cast %add3A_570 : vector<16xi32> to vector<1x16xi32>
    tpu.vector_store %arg7[%swap3A_572, %swap3A_573], %swap3A_576 {strides = array<i32>} : memref<10x128xi32, #tpu.memory_space<vmem>>, vector<1x16xi32>,
    %get3A_577 = arith.constant 32 : index
    %get3A_578 = tpu.vector_load %arg5[%get3A_577] {strides = array<i32>} : memref<2560xi32, #tpu.memory_space<vmem>>, vector<16xi32>,
    %get3A_579 = vector.shape_cast %get3A_578 : vector<16xi32> to vector<16xi32>
    %and3A_580 = arith.constant 262143 : i32
    %and3A_581 = vector.broadcast %and3A_580 : i32 to vector<16xi32>
    %and3A_582 = arith.andi %get3A_579, %and3A_581 : vector<16xi32>
    %add3A_583 = vector.broadcast %mul3A_18 : i32 to vector<16xi32>
    %add3A_584 = arith.addi %add3A_583, %and3A_582 : vector<16xi32>
    %swap3A_585 = arith.constant 0 : i32
    %swap3A_586 = arith.index_cast %swap3A_585 : i32 to index
    %swap3A_587 = arith.constant 32 : index
    %swap3A_588 = tpu.vector_load %arg6[%swap3A_586, %swap3A_587] {strides = array<i32>} : memref<10x128xi32, #tpu.memory_space<vmem>>, vector<1x16xi32>,
    %swap3A_589 = vector.shape_cast %swap3A_588 : vector<1x16xi32> to vector<16xi32>
    %swap3A_590 = vector.shape_cast %add3A_584 : vector<16xi32> to vector<1x16xi32>
    tpu.vector_store %arg6[%swap3A_586, %swap3A_587], %swap3A_590 {strides = array<i32>} : memref<10x128xi32, #tpu.memory_space<vmem>>, vector<1x16xi32>,
    %get3A_591 = arith.constant 160 : index
    %get3A_592 = tpu.vector_load %arg5[%get3A_591] {strides = array<i32>} : memref<2560xi32, #tpu.memory_space<vmem>>, vector<16xi32>,
    %get3A_593 = vector.shape_cast %get3A_592 : vector<16xi32> to vector<16xi32>
    %and3A_594 = arith.constant 262143 : i32
    %and3A_595 = vector.broadcast %and3A_594 : i32 to vector<16xi32>
    %and3A_596 = arith.andi %get3A_593, %and3A_595 : vector<16xi32>
    %add3A_597 = vector.broadcast %mul3A_18 : i32 to vector<16xi32>
    %add3A_598 = arith.addi %add3A_597, %and3A_596 : vector<16xi32>
    %swap3A_599 = arith.constant 0 : i32
    %swap3A_600 = arith.index_cast %swap3A_599 : i32 to index
    %swap3A_601 = arith.constant 32 : index
    %swap3A_602 = tpu.vector_load %arg7[%swap3A_600, %swap3A_601] {strides = array<i32>} : memref<10x128xi32, #tpu.memory_space<vmem>>, vector<1x16xi32>,
    %swap3A_603 = vector.shape_cast %swap3A_602 : vector<1x16xi32> to vector<16xi32>
    %swap3A_604 = vector.shape_cast %add3A_598 : vector<16xi32> to vector<1x16xi32>
    tpu.vector_store %arg7[%swap3A_600, %swap3A_601], %swap3A_604 {strides = array<i32>} : memref<10x128xi32, #tpu.memory_space<vmem>>, vector<1x16xi32>,
    %get3A_605 = arith.constant 48 : index
    %get3A_606 = tpu.vector_load %arg5[%get3A_605] {strides = array<i32>} : memref<2560xi32, #tpu.memory_space<vmem>>, vector<16xi32>,
    %get3A_607 = vector.shape_cast %get3A_606 : vector<16xi32> to vector<16xi32>
    %and3A_608 = arith.constant 262143 : i32
    %and3A_609 = vector.broadcast %and3A_608 : i32 to vector<16xi32>
    %and3A_610 = arith.andi %get3A_607, %and3A_609 : vector<16xi32>
    %add3A_611 = vector.broadcast %mul3A_18 : i32 to vector<16xi32>
    %add3A_612 = arith.addi %add3A_611, %and3A_610 : vector<16xi32>
    %swap3A_613 = arith.constant 0 : i32
    %swap3A_614 = arith.index_cast %swap3A_613 : i32 to index
    %swap3A_615 = arith.constant 48 : index
    %swap3A_616 = tpu.vector_load %arg6[%swap3A_614, %swap3A_615] {strides = array<i32>} : memref<10x128xi32, #tpu.memory_space<vmem>>, vector<1x16xi32>,
    %swap3A_617 = vector.shape_cast %swap3A_616 : vector<1x16xi32> to vector<16xi32>
    %swap3A_618 = vector.shape_cast %add3A_612 : vector<16xi32> to vector<1x16xi32>
    tpu.vector_store %arg6[%swap3A_614, %swap3A_615], %swap3A_618 {strides = array<i32>} : memref<10x128xi32, #tpu.memory_space<vmem>>, vector<1x16xi32>,
    %get3A_619 = arith.constant 176 : index
    %get3A_620 = tpu.vector_load %arg5[%get3A_619] {strides = array<i32>} : memref<2560xi32, #tpu.memory_space<vmem>>, vector<16xi32>,
    %get3A_621 = vector.shape_cast %get3A_620 : vector<16xi32> to vector<16xi32>
    %and3A_622 = arith.constant 262143 : i32
    %and3A_623 = vector.broadcast %and3A_622 : i32 to vector<16xi32>
    %and3A_624 = arith.andi %get3A_621, %and3A_623 : vector<16xi32>
    %add3A_625 = vector.broadcast %mul3A_18 : i32 to vector<16xi32>
    %add3A_626 = arith.addi %add3A_625, %and3A_624 : vector<16xi32>
    %swap3A_627 = arith.constant 0 : i32
    %swap3A_628 = arith.index_cast %swap3A_627 : i32 to index
    %swap3A_629 = arith.constant 48 : index
    %swap3A_630 = tpu.vector_load %arg7[%swap3A_628, %swap3A_629] {strides = array<i32>} : memref<10x128xi32, #tpu.memory_space<vmem>>, vector<1x16xi32>,
    %swap3A_631 = vector.shape_cast %swap3A_630 : vector<1x16xi32> to vector<16xi32>
    %swap3A_632 = vector.shape_cast %add3A_626 : vector<16xi32> to vector<1x16xi32>
    tpu.vector_store %arg7[%swap3A_628, %swap3A_629], %swap3A_632 {strides = array<i32>} : memref<10x128xi32, #tpu.memory_space<vmem>>, vector<1x16xi32>,
    %get3A_633 = arith.constant 64 : index
    %get3A_634 = tpu.vector_load %arg5[%get3A_633] {strides = array<i32>} : memref<2560xi32, #tpu.memory_space<vmem>>, vector<16xi32>,
    %get3A_635 = vector.shape_cast %get3A_634 : vector<16xi32> to vector<16xi32>
    %and3A_636 = arith.constant 262143 : i32
    %and3A_637 = vector.broadcast %and3A_636 : i32 to vector<16xi32>
    %and3A_638 = arith.andi %get3A_635, %and3A_637 : vector<16xi32>
    %add3A_639 = vector.broadcast %mul3A_18 : i32 to vector<16xi32>
    %add3A_640 = arith.addi %add3A_639, %and3A_638 : vector<16xi32>
    %swap3A_641 = arith.constant 0 : i32
    %swap3A_642 = arith.index_cast %swap3A_641 : i32 to index
    %swap3A_643 = arith.constant 64 : index
    %swap3A_644 = tpu.vector_load %arg6[%swap3A_642, %swap3A_643] {strides = array<i32>} : memref<10x128xi32, #tpu.memory_space<vmem>>, vector<1x16xi32>,
    %swap3A_645 = vector.shape_cast %swap3A_644 : vector<1x16xi32> to vector<16xi32>
    %swap3A_646 = vector.shape_cast %add3A_640 : vector<16xi32> to vector<1x16xi32>
    tpu.vector_store %arg6[%swap3A_642, %swap3A_643], %swap3A_646 {strides = array<i32>} : memref<10x128xi32, #tpu.memory_space<vmem>>, vector<1x16xi32>,
    %get3A_647 = arith.constant 192 : index
    %get3A_648 = tpu.vector_load %arg5[%get3A_647] {strides = array<i32>} : memref<2560xi32, #tpu.memory_space<vmem>>, vector<16xi32>,
    %get3A_649 = vector.shape_cast %get3A_648 : vector<16xi32> to vector<16xi32>
    %and3A_650 = arith.constant 262143 : i32
    %and3A_651 = vector.broadcast %and3A_650 : i32 to vector<16xi32>
    %and3A_652 = arith.andi %get3A_649, %and3A_651 : vector<16xi32>
    %add3A_653 = vector.broadcast %mul3A_18 : i32 to vector<16xi32>
    %add3A_654 = arith.addi %add3A_653, %and3A_652 : vector<16xi32>
    %swap3A_655 = arith.constant 0 : i32
    %swap3A_656 = arith.index_cast %swap3A_655 : i32 to index
    %swap3A_657 = arith.constant 64 : index
    %swap3A_658 = tpu.vector_load %arg7[%swap3A_656, %swap3A_657] {strides = array<i32>} : memref<10x128xi32, #tpu.memory_space<vmem>>, vector<1x16xi32>,
    %swap3A_659 = vector.shape_cast %swap3A_658 : vector<1x16xi32> to vector<16xi32>
    %swap3A_660 = vector.shape_cast %add3A_654 : vector<16xi32> to vector<1x16xi32>
    tpu.vector_store %arg7[%swap3A_656, %swap3A_657], %swap3A_660 {strides = array<i32>} : memref<10x128xi32, #tpu.memory_space<vmem>>, vector<1x16xi32>,
    %get3A_661 = arith.constant 80 : index
    %get3A_662 = tpu.vector_load %arg5[%get3A_661] {strides = array<i32>} : memref<2560xi32, #tpu.memory_space<vmem>>, vector<16xi32>,
    %get3A_663 = vector.shape_cast %get3A_662 : vector<16xi32> to vector<16xi32>
    %and3A_664 = arith.constant 262143 : i32
    %and3A_665 = vector.broadcast %and3A_664 : i32 to vector<16xi32>
    %and3A_666 = arith.andi %get3A_663, %and3A_665 : vector<16xi32>
    %add3A_667 = vector.broadcast %mul3A_18 : i32 to vector<16xi32>
    %add3A_668 = arith.addi %add3A_667, %and3A_666 : vector<16xi32>
    %swap3A_669 = arith.constant 0 : i32
    %swap3A_670 = arith.index_cast %swap3A_669 : i32 to index
    %swap3A_671 = arith.constant 80 : index
    %swap3A_672 = tpu.vector_load %arg6[%swap3A_670, %swap3A_671] {strides = array<i32>} : memref<10x128xi32, #tpu.memory_space<vmem>>, vector<1x16xi32>,
    %swap3A_673 = vector.shape_cast %swap3A_672 : vector<1x16xi32> to vector<16xi32>
    %swap3A_674 = vector.shape_cast %add3A_668 : vector<16xi32> to vector<1x16xi32>
    tpu.vector_store %arg6[%swap3A_670, %swap3A_671], %swap3A_674 {strides = array<i32>} : memref<10x128xi32, #tpu.memory_space<vmem>>, vector<1x16xi32>,
    %get3A_675 = arith.constant 208 : index
    %get3A_676 = tpu.vector_load %arg5[%get3A_675] {strides = array<i32>} : memref<2560xi32, #tpu.memory_space<vmem>>, vector<16xi32>,
    %get3A_677 = vector.shape_cast %get3A_676 : vector<16xi32> to vector<16xi32>
    %and3A_678 = arith.constant 262143 : i32
    %and3A_679 = vector.broadcast %and3A_678 : i32 to vector<16xi32>
    %and3A_680 = arith.andi %get3A_677, %and3A_679 : vector<16xi32>
    %add3A_681 = vector.broadcast %mul3A_18 : i32 to vector<16xi32>
    %add3A_682 = arith.addi %add3A_681, %and3A_680 : vector<16xi32>
    %swap3A_683 = arith.constant 0 : i32
    %swap3A_684 = arith.index_cast %swap3A_683 : i32 to index
    %swap3A_685 = arith.constant 80 : index
    %swap3A_686 = tpu.vector_load %arg7[%swap3A_684, %swap3A_685] {strides = array<i32>} : memref<10x128xi32, #tpu.memory_space<vmem>>, vector<1x16xi32>,
    %swap3A_687 = vector.shape_cast %swap3A_686 : vector<1x16xi32> to vector<16xi32>
    %swap3A_688 = vector.shape_cast %add3A_682 : vector<16xi32> to vector<1x16xi32>
    tpu.vector_store %arg7[%swap3A_684, %swap3A_685], %swap3A_688 {strides = array<i32>} : memref<10x128xi32, #tpu.memory_space<vmem>>, vector<1x16xi32>,
    %get3A_689 = arith.constant 96 : index
    %get3A_690 = tpu.vector_load %arg5[%get3A_689] {strides = array<i32>} : memref<2560xi32, #tpu.memory_space<vmem>>, vector<16xi32>,
    %get3A_691 = vector.shape_cast %get3A_690 : vector<16xi32> to vector<16xi32>
    %and3A_692 = arith.constant 262143 : i32
    %and3A_693 = vector.broadcast %and3A_692 : i32 to vector<16xi32>
    %and3A_694 = arith.andi %get3A_691, %and3A_693 : vector<16xi32>
    %add3A_695 = vector.broadcast %mul3A_18 : i32 to vector<16xi32>
    %add3A_696 = arith.addi %add3A_695, %and3A_694 : vector<16xi32>
    %swap3A_697 = arith.constant 0 : i32
    %swap3A_698 = arith.index_cast %swap3A_697 : i32 to index
    %swap3A_699 = arith.constant 96 : index
    %swap3A_700 = tpu.vector_load %arg6[%swap3A_698, %swap3A_699] {strides = array<i32>} : memref<10x128xi32, #tpu.memory_space<vmem>>, vector<1x16xi32>,
    %swap3A_701 = vector.shape_cast %swap3A_700 : vector<1x16xi32> to vector<16xi32>
    %swap3A_702 = vector.shape_cast %add3A_696 : vector<16xi32> to vector<1x16xi32>
    tpu.vector_store %arg6[%swap3A_698, %swap3A_699], %swap3A_702 {strides = array<i32>} : memref<10x128xi32, #tpu.memory_space<vmem>>, vector<1x16xi32>,
    %get3A_703 = arith.constant 224 : index
    %get3A_704 = tpu.vector_load %arg5[%get3A_703] {strides = array<i32>} : memref<2560xi32, #tpu.memory_space<vmem>>, vector<16xi32>,
    %get3A_705 = vector.shape_cast %get3A_704 : vector<16xi32> to vector<16xi32>
    %and3A_706 = arith.constant 262143 : i32
    %and3A_707 = vector.broadcast %and3A_706 : i32 to vector<16xi32>
    %and3A_708 = arith.andi %get3A_705, %and3A_707 : vector<16xi32>
    %add3A_709 = vector.broadcast %mul3A_18 : i32 to vector<16xi32>
    %add3A_710 = arith.addi %add3A_709, %and3A_708 : vector<16xi32>
    %swap3A_711 = arith.constant 0 : i32
    %swap3A_712 = arith.index_cast %swap3A_711 : i32 to index
    %swap3A_713 = arith.constant 96 : index
    %swap3A_714 = tpu.vector_load %arg7[%swap3A_712, %swap3A_713] {strides = array<i32>} : memref<10x128xi32, #tpu.memory_space<vmem>>, vector<1x16xi32>,
    %swap3A_715 = vector.shape_cast %swap3A_714 : vector<1x16xi32> to vector<16xi32>
    %swap3A_716 = vector.shape_cast %add3A_710 : vector<16xi32> to vector<1x16xi32>
    tpu.vector_store %arg7[%swap3A_712, %swap3A_713], %swap3A_716 {strides = array<i32>} : memref<10x128xi32, #tpu.memory_space<vmem>>, vector<1x16xi32>,
    %get3A_717 = arith.constant 112 : index
    %get3A_718 = tpu.vector_load %arg5[%get3A_717] {strides = array<i32>} : memref<2560xi32, #tpu.memory_space<vmem>>, vector<16xi32>,
    %get3A_719 = vector.shape_cast %get3A_718 : vector<16xi32> to vector<16xi32>
    %and3A_720 = arith.constant 262143 : i32
    %and3A_721 = vector.broadcast %and3A_720 : i32 to vector<16xi32>
    %and3A_722 = arith.andi %get3A_719, %and3A_721 : vector<16xi32>
    %add3A_723 = vector.broadcast %mul3A_18 : i32 to vector<16xi32>
    %add3A_724 = arith.addi %add3A_723, %and3A_722 : vector<16xi32>
    %swap3A_725 = arith.constant 0 : i32
    %swap3A_726 = arith.index_cast %swap3A_725 : i32 to index
    %swap3A_727 = arith.constant 112 : index
    %swap3A_728 = tpu.vector_load %arg6[%swap3A_726, %swap3A_727] {strides = array<i32>} : memref<10x128xi32, #tpu.memory_space<vmem>>, vector<1x16xi32>,
    %swap3A_729 = vector.shape_cast %swap3A_728 : vector<1x16xi32> to vector<16xi32>
    %swap3A_730 = vector.shape_cast %add3A_724 : vector<16xi32> to vector<1x16xi32>
    tpu.vector_store %arg6[%swap3A_726, %swap3A_727], %swap3A_730 {strides = array<i32>} : memref<10x128xi32, #tpu.memory_space<vmem>>, vector<1x16xi32>,
    %get3A_731 = arith.constant 240 : index
    %get3A_732 = tpu.vector_load %arg5[%get3A_731] {strides = array<i32>} : memref<2560xi32, #tpu.memory_space<vmem>>, vector<16xi32>,
    %get3A_733 = vector.shape_cast %get3A_732 : vector<16xi32> to vector<16xi32>
    %and3A_734 = arith.constant 262143 : i32
    %and3A_735 = vector.broadcast %and3A_734 : i32 to vector<16xi32>
    %and3A_736 = arith.andi %get3A_733, %and3A_735 : vector<16xi32>
    %add3A_737 = vector.broadcast %mul3A_18 : i32 to vector<16xi32>
    %add3A_738 = arith.addi %add3A_737, %and3A_736 : vector<16xi32>
    %swap3A_739 = arith.constant 0 : i32
    %swap3A_740 = arith.index_cast %swap3A_739 : i32 to index
    %swap3A_741 = arith.constant 112 : index
    %swap3A_742 = tpu.vector_load %arg7[%swap3A_740, %swap3A_741] {strides = array<i32>} : memref<10x128xi32, #tpu.memory_space<vmem>>, vector<1x16xi32>,
    %swap3A_743 = vector.shape_cast %swap3A_742 : vector<1x16xi32> to vector<16xi32>
    %swap3A_744 = vector.shape_cast %add3A_738 : vector<16xi32> to vector<1x16xi32>
    tpu.vector_store %arg7[%swap3A_740, %swap3A_741], %swap3A_744 {strides = array<i32>} : memref<10x128xi32, #tpu.memory_space<vmem>>, vector<1x16xi32>,
    %dma_start3A_745 = arith.constant 0 : i32
    %dma_start3A_746 = arith.constant 0 : i32
    %dma_start3A_747 = arith.constant 0 : i32
    %dma_start3A_748 = arith.constant 0 : i32
    %dma_start3A_749 = tpu.memref_slice %arg8[%dma_start3A_746, %dma_start3A_748] : memref<10x128xf32, #tpu.memory_space<vmem>> -> memref<1x128xf32, #tpu.memory_space<vmem>>
    %dma_start3A_750 = tpu.memref_squeeze %dma_start3A_749 : memref<1x128xf32, #tpu.memory_space<vmem>> -> memref<128xf32, #tpu.memory_space<vmem>>
    %dma_start3A_751 = arith.constant 0 : i32
    %dma_start3A_752 = tpu.memref_slice %arg6[%dma_start3A_745, %dma_start3A_751] : memref<10x128xi32, #tpu.memory_space<vmem>> -> memref<1x128xi32, #tpu.memory_space<vmem>>
    %dma_start3A_753 = tpu.memref_squeeze %dma_start3A_752 : memref<1x128xi32, #tpu.memory_space<vmem>> -> memref<128xi32, #tpu.memory_space<vmem>>
    %dma_start3A_754 = arith.constant 0 : i32
    %dma_start3A_755 = tpu.memref_slice %arg2[%dma_start3A_754] : memref<1179648xf32, #tpu.memory_space<hbm>> -> memref<1179648xf32, #tpu.memory_space<hbm>>
    %dma_start3A_756 = tpu.memref_slice %arg11[%dma_start3A_747] : memref<10x!tpu.dma_semaphore, #tpu.memory_space<semaphore_mem>> -> memref<1x!tpu.dma_semaphore, #tpu.memory_space<semaphore_mem>>
    %dma_start3A_757 = tpu.memref_squeeze %dma_start3A_756 : memref<1x!tpu.dma_semaphore, #tpu.memory_space<semaphore_mem>> -> memref<!tpu.dma_semaphore, #tpu.memory_space<semaphore_mem>>
    tpu.enqueue_indirect_dma source(%dma_start3A_755 : memref<1179648xf32, #tpu.memory_space<hbm>>) target(%dma_start3A_750 : memref<128xf32, #tpu.memory_space<vmem>>) offsets(%dma_start3A_753 : memref<128xi32, #tpu.memory_space<vmem>>) semaphore(%dma_start3A_757 : memref<!tpu.dma_semaphore, #tpu.memory_space<semaphore_mem>>)
    %dma_start3A_758 = arith.constant 0 : i32
    %dma_start3A_759 = arith.constant 0 : i32
    %dma_start3A_760 = arith.constant 0 : i32
    %dma_start3A_761 = arith.constant 0 : i32
    %dma_start3A_762 = tpu.memref_slice %arg9[%dma_start3A_759, %dma_start3A_761] : memref<10x128xf32, #tpu.memory_space<vmem>> -> memref<1x128xf32, #tpu.memory_space<vmem>>
    %dma_start3A_763 = tpu.memref_squeeze %dma_start3A_762 : memref<1x128xf32, #tpu.memory_space<vmem>> -> memref<128xf32, #tpu.memory_space<vmem>>
    %dma_start3A_764 = arith.constant 0 : i32
    %dma_start3A_765 = tpu.memref_slice %arg7[%dma_start3A_758, %dma_start3A_764] : memref<10x128xi32, #tpu.memory_space<vmem>> -> memref<1x128xi32, #tpu.memory_space<vmem>>
    %dma_start3A_766 = tpu.memref_squeeze %dma_start3A_765 : memref<1x128xi32, #tpu.memory_space<vmem>> -> memref<128xi32, #tpu.memory_space<vmem>>
    %dma_start3A_767 = arith.constant 0 : i32
    %dma_start3A_768 = tpu.memref_slice %arg2[%dma_start3A_767] : memref<1179648xf32, #tpu.memory_space<hbm>> -> memref<1179648xf32, #tpu.memory_space<hbm>>
    %dma_start3A_769 = tpu.memref_slice %arg11[%dma_start3A_760] : memref<10x!tpu.dma_semaphore, #tpu.memory_space<semaphore_mem>> -> memref<1x!tpu.dma_semaphore, #tpu.memory_space<semaphore_mem>>
    %dma_start3A_770 = tpu.memref_squeeze %dma_start3A_769 : memref<1x!tpu.dma_semaphore, #tpu.memory_space<semaphore_mem>> -> memref<!tpu.dma_semaphore, #tpu.memory_space<semaphore_mem>>
    tpu.enqueue_indirect_dma source(%dma_start3A_768 : memref<1179648xf32, #tpu.memory_space<hbm>>) target(%dma_start3A_763 : memref<128xf32, #tpu.memory_space<vmem>>) offsets(%dma_start3A_766 : memref<128xi32, #tpu.memory_space<vmem>>) semaphore(%dma_start3A_770 : memref<!tpu.dma_semaphore, #tpu.memory_space<semaphore_mem>>)
    %mul3A_771 = arith.constant 10 : i32
    %mul3A_772 = arith.muli %select_n3A_53, %mul3A_771 : i32
    %add3A_773 = arith.constant 1 : i32
    %add3A_774 = arith.addi %mul3A_772, %add3A_773 : i32
    %shift_left3A_775 = arith.constant 3 : i32
    %shift_left3A_776 = arith.shli %add3A_774, %shift_left3A_775 : i32
    %jit3A_777 = arith.constant 4 : i32
    %div3A_778 = arith.divsi %add3A, %jit3A_777 : i32
    %sign3A_779 = arith.constant 0 : i32
    %sign3A_780 = arith.cmpi sgt, %add3A, %sign3A_779 : i32
    %sign3A_781 = arith.extui %sign3A_780 : i1 to i32
    %sign3A_782 = arith.constant 0 : i32
    %sign3A_783 = arith.cmpi slt, %add3A, %sign3A_782 : i32
    %sign3A_784 = arith.extui %sign3A_783 : i1 to i32
    %sign3A_785 = arith.subi %sign3A_781, %sign3A_784 : i32
    %sign3A_786 = arith.constant 0 : i32
    %sign3A_787 = arith.cmpi sgt, %jit3A_777, %sign3A_786 : i32
    %sign3A_788 = arith.extui %sign3A_787 : i1 to i32
    %sign3A_789 = arith.constant 0 : i32
    %sign3A_790 = arith.cmpi slt, %jit3A_777, %sign3A_789 : i32
    %sign3A_791 = arith.extui %sign3A_790 : i1 to i32
    %sign3A_792 = arith.subi %sign3A_788, %sign3A_791 : i32
    %ne3A_793 = arith.cmpi ne, %sign3A_785, %sign3A_792 : i32
    %rem3A_794 = arith.remsi %add3A, %jit3A_777 : i32
    %ne3A_795 = arith.constant 0 : i32
    %ne3A_796 = arith.cmpi ne, %rem3A_794, %ne3A_795 : i32
    %and3A_797 = arith.andi %ne3A_793, %ne3A_796 : i1
    %sub3A_798 = arith.constant 1 : i32
    %sub3A_799 = arith.subi %div3A_778, %sub3A_798 : i32
    %select_n3A_800 = arith.select %and3A_797, %sub3A_799, %div3A_778 : i32
    %add3A_801 = arith.addi %shift_left3A_776, %select_n3A_800 : i32
    %shift_left3A_802 = arith.constant 8 : i32
    %shift_left3A_803 = arith.shli %add3A_801, %shift_left3A_802 : i32
    %multiple_of3A_804 = tpu.assume_multiple %shift_left3A_803, 8 : i32
    %dma_wait3A_805 = arith.constant 1 : i32
    %dma_wait3A_806 = arith.constant 256 : i32
    %dma_wait3A_807 = tpu.memref_slice %arg5[%dma_wait3A_806] : memref<2560xi32, #tpu.memory_space<vmem>> -> memref<256xi32, #tpu.memory_space<vmem>>
    %dma_wait3A_808 = tpu.memref_slice %arg3[%multiple_of3A_804] : memref<81920xi32, #tpu.memory_space<hbm>> -> memref<256xi32, #tpu.memory_space<hbm>>
    %dma_wait3A_809 = tpu.memref_slice %arg12[%dma_wait3A_805] : memref<10x!tpu.dma_semaphore, #tpu.memory_space<semaphore_mem>> -> memref<1x!tpu.dma_semaphore, #tpu.memory_space<semaphore_mem>>
    %dma_wait3A_810 = tpu.memref_squeeze %dma_wait3A_809 : memref<1x!tpu.dma_semaphore, #tpu.memory_space<semaphore_mem>> -> memref<!tpu.dma_semaphore, #tpu.memory_space<semaphore_mem>>
    %dma_wait3A_811 = arith.constant 256 : i32
    %dma_wait3A_812 = tpu.memref_slice %arg5[%dma_wait3A_811] : memref<2560xi32, #tpu.memory_space<vmem>> -> memref<256xi32, #tpu.memory_space<vmem>>
    %dma_wait3A_813 = tpu.memref_slice %arg3[%multiple_of3A_804] : memref<81920xi32, #tpu.memory_space<hbm>> -> memref<256xi32, #tpu.memory_space<hbm>>
    tpu.wait_dma2 semaphore(%dma_wait3A_810 : memref<!tpu.dma_semaphore, #tpu.memory_space<semaphore_mem>>) src(%dma_wait3A_813 : memref<256xi32, #tpu.memory_space<hbm>>) dst(%dma_wait3A_812 : memref<256xi32, #tpu.memory_space<vmem>>)
    %get3A_814 = arith.constant 256 : index
    %get3A_815 = tpu.vector_load %arg5[%get3A_814] {strides = array<i32>} : memref<2560xi32, #tpu.memory_space<vmem>>, vector<16xi32>,
    %get3A_816 = vector.shape_cast %get3A_815 : vector<16xi32> to vector<16xi32>
    %and3A_817 = arith.constant 262143 : i32
    %and3A_818 = vector.broadcast %and3A_817 : i32 to vector<16xi32>
    %and3A_819 = arith.andi %get3A_816, %and3A_818 : vector<16xi32>
    %add3A_820 = vector.broadcast %mul3A_18 : i32 to vector<16xi32>
    %add3A_821 = arith.addi %add3A_820, %and3A_819 : vector<16xi32>
    %swap3A_822 = arith.constant 1 : i32
    %swap3A_823 = arith.index_cast %swap3A_822 : i32 to index
    %swap3A_824 = arith.constant 0 : index
    %swap3A_825 = tpu.vector_load %arg6[%swap3A_823, %swap3A_824] {strides = array<i32>} : memref<10x128xi32, #tpu.memory_space<vmem>>, vector<1x16xi32>,
    %swap3A_826 = vector.shape_cast %swap3A_825 : vector<1x16xi32> to vector<16xi32>
    %swap3A_827 = vector.shape_cast %add3A_821 : vector<16xi32> to vector<1x16xi32>
    tpu.vector_store %arg6[%swap3A_823, %swap3A_824], %swap3A_827 {strides = array<i32>} : memref<10x128xi32, #tpu.memory_space<vmem>>, vector<1x16xi32>,
    %get3A_828 = arith.constant 384 : index
    %get3A_829 = tpu.vector_load %arg5[%get3A_828] {strides = array<i32>} : memref<2560xi32, #tpu.memory_space<vmem>>, vector<16xi32>,
    %get3A_830 = vector.shape_cast %get3A_829 : vector<16xi32> to vector<16xi32>
    %and3A_831 = arith.constant 262143 : i32
    %and3A_832 = vector.broadcast %and3A_831 : i32 to vector<16xi32>
    %and3A_833 = arith.andi %get3A_830, %and3A_832 : vector<16xi32>
    %add3A_834 = vector.broadcast %mul3A_18 : i32 to vector<16xi32>
    %add3A_835 = arith.addi %add3A_834, %and3A_833 : vector<16xi32>
    %swap3A_836 = arith.constant 1 : i32
    %swap3A_837 = arith.index_cast %swap3A_836 : i32 to index
    %swap3A_838 = arith.constant 0 : index
    %swap3A_839 = tpu.vector_load %arg7[%swap3A_837, %swap3A_838] {strides = array<i32>} : memref<10x128xi32, #tpu.memory_space<vmem>>, vector<1x16xi32>,
    %swap3A_840 = vector.shape_cast %swap3A_839 : vector<1x16xi32> to vector<16xi32>
    %swap3A_841 = vector.shape_cast %add3A_835 : vector<16xi32> to vector<1x16xi32>
    tpu.vector_store %arg7[%swap3A_837, %swap3A_838], %swap3A_841 {strides = array<i32>} : memref<10x128xi32, #tpu.memory_space<vmem>>, vector<1x16xi32>,
    %get3A_842 = arith.constant 272 : index
    %get3A_843 = tpu.vector_load %arg5[%get3A_842] {strides = array<i32>} : memref<2560xi32, #tpu.memory_space<vmem>>, vector<16xi32>,
    %get3A_844 = vector.shape_cast %get3A_843 : vector<16xi32> to vector<16xi32>
    %and3A_845 = arith.constant 262143 : i32
    %and3A_846 = vector.broadcast %and3A_845 : i32 to vector<16xi32>
    %and3A_847 = arith.andi %get3A_844, %and3A_846 : vector<16xi32>
    %add3A_848 = vector.broadcast %mul3A_18 : i32 to vector<16xi32>
    %add3A_849 = arith.addi %add3A_848, %and3A_847 : vector<16xi32>
    %swap3A_850 = arith.constant 1 : i32
    %swap3A_851 = arith.index_cast %swap3A_850 : i32 to index
    %swap3A_852 = arith.constant 16 : index
    %swap3A_853 = tpu.vector_load %arg6[%swap3A_851, %swap3A_852] {strides = array<i32>} : memref<10x128xi32, #tpu.memory_space<vmem>>, vector<1x16xi32>,
    %swap3A_854 = vector.shape_cast %swap3A_853 : vector<1x16xi32> to vector<16xi32>
    %swap3A_855 = vector.shape_cast %add3A_849 : vector<16xi32> to vector<1x16xi32>
    tpu.vector_store %arg6[%swap3A_851, %swap3A_852], %swap3A_855 {strides = array<i32>} : memref<10x128xi32, #tpu.memory_space<vmem>>, vector<1x16xi32>,
    %get3A_856 = arith.constant 400 : index
    %get3A_857 = tpu.vector_load %arg5[%get3A_856] {strides = array<i32>} : memref<2560xi32, #tpu.memory_space<vmem>>, vector<16xi32>,
    %get3A_858 = vector.shape_cast %get3A_857 : vector<16xi32> to vector<16xi32>
    %and3A_859 = arith.constant 262143 : i32
    %and3A_860 = vector.broadcast %and3A_859 : i32 to vector<16xi32>
    %and3A_861 = arith.andi %get3A_858, %and3A_860 : vector<16xi32>
    %add3A_862 = vector.broadcast %mul3A_18 : i32 to vector<16xi32>
    %add3A_863 = arith.addi %add3A_862, %and3A_861 : vector<16xi32>
    %swap3A_864 = arith.constant 1 : i32
    %swap3A_865 = arith.index_cast %swap3A_864 : i32 to index
    %swap3A_866 = arith.constant 16 : index
    %swap3A_867 = tpu.vector_load %arg7[%swap3A_865, %swap3A_866] {strides = array<i32>} : memref<10x128xi32, #tpu.memory_space<vmem>>, vector<1x16xi32>,
    %swap3A_868 = vector.shape_cast %swap3A_867 : vector<1x16xi32> to vector<16xi32>
    %swap3A_869 = vector.shape_cast %add3A_863 : vector<16xi32> to vector<1x16xi32>
    tpu.vector_store %arg7[%swap3A_865, %swap3A_866], %swap3A_869 {strides = array<i32>} : memref<10x128xi32, #tpu.memory_space<vmem>>, vector<1x16xi32>,
    %get3A_870 = arith.constant 288 : index
    %get3A_871 = tpu.vector_load %arg5[%get3A_870] {strides = array<i32>} : memref<2560xi32, #tpu.memory_space<vmem>>, vector<16xi32>,
    %get3A_872 = vector.shape_cast %get3A_871 : vector<16xi32> to vector<16xi32>
    %and3A_873 = arith.constant 262143 : i32
    %and3A_874 = vector.broadcast %and3A_873 : i32 to vector<16xi32>
    %and3A_875 = arith.andi %get3A_872, %and3A_874 : vector<16xi32>
    %add3A_876 = vector.broadcast %mul3A_18 : i32 to vector<16xi32>
    %add3A_877 = arith.addi %add3A_876, %and3A_875 : vector<16xi32>
    %swap3A_878 = arith.constant 1 : i32
    %swap3A_879 = arith.index_cast %swap3A_878 : i32 to index
    %swap3A_880 = arith.constant 32 : index
    %swap3A_881 = tpu.vector_load %arg6[%swap3A_879, %swap3A_880] {strides = array<i32>} : memref<10x128xi32, #tpu.memory_space<vmem>>, vector<1x16xi32>,
    %swap3A_882 = vector.shape_cast %swap3A_881 : vector<1x16xi32> to vector<16xi32>
    %swap3A_883 = vector.shape_cast %add3A_877 : vector<16xi32> to vector<1x16xi32>
    tpu.vector_store %arg6[%swap3A_879, %swap3A_880], %swap3A_883 {strides = array<i32>} : memref<10x128xi32, #tpu.memory_space<vmem>>, vector<1x16xi32>,
    %get3A_884 = arith.constant 416 : index
    %get3A_885 = tpu.vector_load %arg5[%get3A_884] {strides = array<i32>} : memref<2560xi32, #tpu.memory_space<vmem>>, vector<16xi32>,
    %get3A_886 = vector.shape_cast %get3A_885 : vector<16xi32> to vector<16xi32>
    %and3A_887 = arith.constant 262143 : i32
    %and3A_888 = vector.broadcast %and3A_887 : i32 to vector<16xi32>
    %and3A_889 = arith.andi %get3A_886, %and3A_888 : vector<16xi32>
    %add3A_890 = vector.broadcast %mul3A_18 : i32 to vector<16xi32>
    %add3A_891 = arith.addi %add3A_890, %and3A_889 : vector<16xi32>
    %swap3A_892 = arith.constant 1 : i32
    %swap3A_893 = arith.index_cast %swap3A_892 : i32 to index
    %swap3A_894 = arith.constant 32 : index
    %swap3A_895 = tpu.vector_load %arg7[%swap3A_893, %swap3A_894] {strides = array<i32>} : memref<10x128xi32, #tpu.memory_space<vmem>>, vector<1x16xi32>,
    %swap3A_896 = vector.shape_cast %swap3A_895 : vector<1x16xi32> to vector<16xi32>
    %swap3A_897 = vector.shape_cast %add3A_891 : vector<16xi32> to vector<1x16xi32>
    tpu.vector_store %arg7[%swap3A_893, %swap3A_894], %swap3A_897 {strides = array<i32>} : memref<10x128xi32, #tpu.memory_space<vmem>>, vector<1x16xi32>,
    %get3A_898 = arith.constant 304 : index
    %get3A_899 = tpu.vector_load %arg5[%get3A_898] {strides = array<i32>} : memref<2560xi32, #tpu.memory_space<vmem>>, vector<16xi32>,
    %get3A_900 = vector.shape_cast %get3A_899 : vector<16xi32> to vector<16xi32>
    %and3A_901 = arith.constant 262143 : i32
    %and3A_902 = vector.broadcast %and3A_901 : i32 to vector<16xi32>
    %and3A_903 = arith.andi %get3A_900, %and3A_902 : vector<16xi32>
    %add3A_904 = vector.broadcast %mul3A_18 : i32 to vector<16xi32>
    %add3A_905 = arith.addi %add3A_904, %and3A_903 : vector<16xi32>
    %swap3A_906 = arith.constant 1 : i32
    %swap3A_907 = arith.index_cast %swap3A_906 : i32 to index
    %swap3A_908 = arith.constant 48 : index
    %swap3A_909 = tpu.vector_load %arg6[%swap3A_907, %swap3A_908] {strides = array<i32>} : memref<10x128xi32, #tpu.memory_space<vmem>>, vector<1x16xi32>,
    %swap3A_910 = vector.shape_cast %swap3A_909 : vector<1x16xi32> to vector<16xi32>
    %swap3A_911 = vector.shape_cast %add3A_905 : vector<16xi32> to vector<1x16xi32>
    tpu.vector_store %arg6[%swap3A_907, %swap3A_908], %swap3A_911 {strides = array<i32>} : memref<10x128xi32, #tpu.memory_space<vmem>>, vector<1x16xi32>,
    %get3A_912 = arith.constant 432 : index
    %get3A_913 = tpu.vector_load %arg5[%get3A_912] {strides = array<i32>} : memref<2560xi32, #tpu.memory_space<vmem>>, vector<16xi32>,
    %get3A_914 = vector.shape_cast %get3A_913 : vector<16xi32> to vector<16xi32>
    %and3A_915 = arith.constant 262143 : i32
    %and3A_916 = vector.broadcast %and3A_915 : i32 to vector<16xi32>
    %and3A_917 = arith.andi %get3A_914, %and3A_916 : vector<16xi32>
    %add3A_918 = vector.broadcast %mul3A_18 : i32 to vector<16xi32>
    %add3A_919 = arith.addi %add3A_918, %and3A_917 : vector<16xi32>
    %swap3A_920 = arith.constant 1 : i32
    %swap3A_921 = arith.index_cast %swap3A_920 : i32 to index
    %swap3A_922 = arith.constant 48 : index
    %swap3A_923 = tpu.vector_load %arg7[%swap3A_921, %swap3A_922] {strides = array<i32>} : memref<10x128xi32, #tpu.memory_space<vmem>>, vector<1x16xi32>,
    %swap3A_924 = vector.shape_cast %swap3A_923 : vector<1x16xi32> to vector<16xi32>
    %swap3A_925 = vector.shape_cast %add3A_919 : vector<16xi32> to vector<1x16xi32>
    tpu.vector_store %arg7[%swap3A_921, %swap3A_922], %swap3A_925 {strides = array<i32>} : memref<10x128xi32, #tpu.memory_space<vmem>>, vector<1x16xi32>,
    %get3A_926 = arith.constant 320 : index
    %get3A_927 = tpu.vector_load %arg5[%get3A_926] {strides = array<i32>} : memref<2560xi32, #tpu.memory_space<vmem>>, vector<16xi32>,
    %get3A_928 = vector.shape_cast %get3A_927 : vector<16xi32> to vector<16xi32>
    %and3A_929 = arith.constant 262143 : i32
    %and3A_930 = vector.broadcast %and3A_929 : i32 to vector<16xi32>
    %and3A_931 = arith.andi %get3A_928, %and3A_930 : vector<16xi32>
    %add3A_932 = vector.broadcast %mul3A_18 : i32 to vector<16xi32>
    %add3A_933 = arith.addi %add3A_932, %and3A_931 : vector<16xi32>
    %swap3A_934 = arith.constant 1 : i32
    %swap3A_935 = arith.index_cast %swap3A_934 : i32 to index
    %swap3A_936 = arith.constant 64 : index
    %swap3A_937 = tpu.vector_load %arg6[%swap3A_935, %swap3A_936] {strides = array<i32>} : memref<10x128xi32, #tpu.memory_space<vmem>>, vector<1x16xi32>,
    %swap3A_938 = vector.shape_cast %swap3A_937 : vector<1x16xi32> to vector<16xi32>
    %swap3A_939 = vector.shape_cast %add3A_933 : vector<16xi32> to vector<1x16xi32>
    tpu.vector_store %arg6[%swap3A_935, %swap3A_936], %swap3A_939 {strides = array<i32>} : memref<10x128xi32, #tpu.memory_space<vmem>>, vector<1x16xi32>,
    %get3A_940 = arith.constant 448 : index
    %get3A_941 = tpu.vector_load %arg5[%get3A_940] {strides = array<i32>} : memref<2560xi32, #tpu.memory_space<vmem>>, vector<16xi32>,
    %get3A_942 = vector.shape_cast %get3A_941 : vector<16xi32> to vector<16xi32>
    %and3A_943 = arith.constant 262143 : i32
    %and3A_944 = vector.broadcast %and3A_943 : i32 to vector<16xi32>
    %and3A_945 = arith.andi %get3A_942, %and3A_944 : vector<16xi32>
    %add3A_946 = vector.broadcast %mul3A_18 : i32 to vector<16xi32>
    %add3A_947 = arith.addi %add3A_946, %and3A_945 : vector<16xi32>
    %swap3A_948 = arith.constant 1 : i32
    %swap3A_949 = arith.index_cast %swap3A_948 : i32 to index
    %swap3A_950 = arith.constant 64 : index
    %swap3A_951 = tpu.vector_load %arg7[%swap3A_949, %swap3A_950] {strides = array<i32>} : memref<10x128xi32, #tpu.memory_space<vmem>>, vector<1x16xi32>,
    %swap3A_952 = vector.shape_cast %swap3A_951 : vector<1x16xi32> to vector<16xi32>
    %swap3A_953 = vector.shape_cast %add3A_947 : vector<16xi32> to vector<1x16xi32>
    tpu.vector_store %arg7[%swap3A_949, %swap3A_950], %swap3A_953 {strides = array<i32>} : memref<10x128xi32, #tpu.memory_space<vmem>>, vector<1x16xi32>,
    %get3A_954 = arith.constant 336 : index
    %get3A_955 = tpu.vector_load %arg5[%get3A_954] {strides = array<i32>} : memref<2560xi32, #tpu.memory_space<vmem>>, vector<16xi32>,
    %get3A_956 = vector.shape_cast %get3A_955 : vector<16xi32> to vector<16xi32>
    %and3A_957 = arith.constant 262143 : i32
    %and3A_958 = vector.broadcast %and3A_957 : i32 to vector<16xi32>
    %and3A_959 = arith.andi %get3A_956, %and3A_958 : vector<16xi32>
    %add3A_960 = vector.broadcast %mul3A_18 : i32 to vector<16xi32>
    %add3A_961 = arith.addi %add3A_960, %and3A_959 : vector<16xi32>
    %swap3A_962 = arith.constant 1 : i32
    %swap3A_963 = arith.index_cast %swap3A_962 : i32 to index
    %swap3A_964 = arith.constant 80 : index
    %swap3A_965 = tpu.vector_load %arg6[%swap3A_963, %swap3A_964] {strides = array<i32>} : memref<10x128xi32, #tpu.memory_space<vmem>>, vector<1x16xi32>,
    %swap3A_966 = vector.shape_cast %swap3A_965 : vector<1x16xi32> to vector<16xi32>
    %swap3A_967 = vector.shape_cast %add3A_961 : vector<16xi32> to vector<1x16xi32>
    tpu.vector_store %arg6[%swap3A_963, %swap3A_964], %swap3A_967 {strides = array<i32>} : memref<10x128xi32, #tpu.memory_space<vmem>>, vector<1x16xi32>,
    %get3A_968 = arith.constant 464 : index
    %get3A_969 = tpu.vector_load %arg5[%get3A_968] {strides = array<i32>} : memref<2560xi32, #tpu.memory_space<vmem>>, vector<16xi32>,
    %get3A_970 = vector.shape_cast %get3A_969 : vector<16xi32> to vector<16xi32>
    %and3A_971 = arith.constant 262143 : i32
    %and3A_972 = vector.broadcast %and3A_971 : i32 to vector<16xi32>
    %and3A_973 = arith.andi %get3A_970, %and3A_972 : vector<16xi32>
    %add3A_974 = vector.broadcast %mul3A_18 : i32 to vector<16xi32>
    %add3A_975 = arith.addi %add3A_974, %and3A_973 : vector<16xi32>
    %swap3A_976 = arith.constant 1 : i32
    %swap3A_977 = arith.index_cast %swap3A_976 : i32 to index
    %swap3A_978 = arith.constant 80 : index
    %swap3A_979 = tpu.vector_load %arg7[%swap3A_977, %swap3A_978] {strides = array<i32>} : memref<10x128xi32, #tpu.memory_space<vmem>>, vector<1x16xi32>,
    %swap3A_980 = vector.shape_cast %swap3A_979 : vector<1x16xi32> to vector<16xi32>
    %swap3A_981 = vector.shape_cast %add3A_975 : vector<16xi32> to vector<1x16xi32>
    tpu.vector_store %arg7[%swap3A_977, %swap3A_978], %swap3A_981 {strides = array<i32>} : memref<10x128xi32, #tpu.memory_space<vmem>>, vector<1x16xi32>,
    %get3A_982 = arith.constant 352 : index
    %get3A_983 = tpu.vector_load %arg5[%get3A_982] {strides = array<i32>} : memref<2560xi32, #tpu.memory_space<vmem>>, vector<16xi32>,
    %get3A_984 = vector.shape_cast %get3A_983 : vector<16xi32> to vector<16xi32>
    %and3A_985 = arith.constant 262143 : i32
    %and3A_986 = vector.broadcast %and3A_985 : i32 to vector<16xi32>
    %and3A_987 = arith.andi %get3A_984, %and3A_986 : vector<16xi32>
    %add3A_988 = vector.broadcast %mul3A_18 : i32 to vector<16xi32>
    %add3A_989 = arith.addi %add3A_988, %and3A_987 : vector<16xi32>
    %swap3A_990 = arith.constant 1 : i32
    %swap3A_991 = arith.index_cast %swap3A_990 : i32 to index
    %swap3A_992 = arith.constant 96 : index
    %swap3A_993 = tpu.vector_load %arg6[%swap3A_991, %swap3A_992] {strides = array<i32>} : memref<10x128xi32, #tpu.memory_space<vmem>>, vector<1x16xi32>,
    %swap3A_994 = vector.shape_cast %swap3A_993 : vector<1x16xi32> to vector<16xi32>
    %swap3A_995 = vector.shape_cast %add3A_989 : vector<16xi32> to vector<1x16xi32>
    tpu.vector_store %arg6[%swap3A_991, %swap3A_992], %swap3A_995 {strides = array<i32>} : memref<10x128xi32, #tpu.memory_space<vmem>>, vector<1x16xi32>,
    %get3A_996 = arith.constant 480 : index
    %get3A_997 = tpu.vector_load %arg5[%get3A_996] {strides = array<i32>} : memref<2560xi32, #tpu.memory_space<vmem>>, vector<16xi32>,
    %get3A_998 = vector.shape_cast %get3A_997 : vector<16xi32> to vector<16xi32>
    %and3A_999 = arith.constant 262143 : i32
    %and3A_1000 = vector.broadcast %and3A_999 : i32 to vector<16xi32>
    %and3A_1001 = arith.andi %get3A_998, %and3A_1000 : vector<16xi32>
    %add3A_1002 = vector.broadcast %mul3A_18 : i32 to vector<16xi32>
    %add3A_1003 = arith.addi %add3A_1002, %and3A_1001 : vector<16xi32>
    %swap3A_1004 = arith.constant 1 : i32
    %swap3A_1005 = arith.index_cast %swap3A_1004 : i32 to index
    %swap3A_1006 = arith.constant 96 : index
    %swap3A_1007 = tpu.vector_load %arg7[%swap3A_1005, %swap3A_1006] {strides = array<i32>} : memref<10x128xi32, #tpu.memory_space<vmem>>, vector<1x16xi32>,
    %swap3A_1008 = vector.shape_cast %swap3A_1007 : vector<1x16xi32> to vector<16xi32>
    %swap3A_1009 = vector.shape_cast %add3A_1003 : vector<16xi32> to vector<1x16xi32>
    tpu.vector_store %arg7[%swap3A_1005, %swap3A_1006], %swap3A_1009 {strides = array<i32>} : memref<10x128xi32, #tpu.memory_space<vmem>>, vector<1x16xi32>,
    %get3A_1010 = arith.constant 368 : index
    %get3A_1011 = tpu.vector_load %arg5[%get3A_1010] {strides = array<i32>} : memref<2560xi32, #tpu.memory_space<vmem>>, vector<16xi32>,
    %get3A_1012 = vector.shape_cast %get3A_1011 : vector<16xi32> to vector<16xi32>
    %and3A_1013 = arith.constant 262143 : i32
    %and3A_1014 = vector.broadcast %and3A_1013 : i32 to vector<16xi32>
    %and3A_1015 = arith.andi %get3A_1012, %and3A_1014 : vector<16xi32>
    %add3A_1016 = vector.broadcast %mul3A_18 : i32 to vector<16xi32>
    %add3A_1017 = arith.addi %add3A_1016, %and3A_1015 : vector<16xi32>
    %swap3A_1018 = arith.constant 1 : i32
    %swap3A_1019 = arith.index_cast %swap3A_1018 : i32 to index
    %swap3A_1020 = arith.constant 112 : index
    %swap3A_1021 = tpu.vector_load %arg6[%swap3A_1019, %swap3A_1020] {strides = array<i32>} : memref<10x128xi32, #tpu.memory_space<vmem>>, vector<1x16xi32>,
    %swap3A_1022 = vector.shape_cast %swap3A_1021 : vector<1x16xi32> to vector<16xi32>
    %swap3A_1023 = vector.shape_cast %add3A_1017 : vector<16xi32> to vector<1x16xi32>
    tpu.vector_store %arg6[%swap3A_1019, %swap3A_1020], %swap3A_1023 {strides = array<i32>} : memref<10x128xi32, #tpu.memory_space<vmem>>, vector<1x16xi32>,
    %get3A_1024 = arith.constant 496 : index
    %get3A_1025 = tpu.vector_load %arg5[%get3A_1024] {strides = array<i32>} : memref<2560xi32, #tpu.memory_space<vmem>>, vector<16xi32>,
    %get3A_1026 = vector.shape_cast %get3A_1025 : vector<16xi32> to vector<16xi32>
    %and3A_1027 = arith.constant 262143 : i32
    %and3A_1028 = vector.broadcast %and3A_1027 : i32 to vector<16xi32>
    %and3A_1029 = arith.andi %get3A_1026, %and3A_1028 : vector<16xi32>
    %add3A_1030 = vector.broadcast %mul3A_18 : i32 to vector<16xi32>
    %add3A_1031 = arith.addi %add3A_1030, %and3A_1029 : vector<16xi32>
    %swap3A_1032 = arith.constant 1 : i32
    %swap3A_1033 = arith.index_cast %swap3A_1032 : i32 to index
    %swap3A_1034 = arith.constant 112 : index
    %swap3A_1035 = tpu.vector_load %arg7[%swap3A_1033, %swap3A_1034] {strides = array<i32>} : memref<10x128xi32, #tpu.memory_space<vmem>>, vector<1x16xi32>,
    %swap3A_1036 = vector.shape_cast %swap3A_1035 : vector<1x16xi32> to vector<16xi32>
    %swap3A_1037 = vector.shape_cast %add3A_1031 : vector<16xi32> to vector<1x16xi32>
    tpu.vector_store %arg7[%swap3A_1033, %swap3A_1034], %swap3A_1037 {strides = array<i32>} : memref<10x128xi32, #tpu.memory_space<vmem>>, vector<1x16xi32>,
    %dma_start3A_1038 = arith.constant 1 : i32
    %dma_start3A_1039 = arith.constant 1 : i32
    %dma_start3A_1040 = arith.constant 1 : i32
    %dma_start3A_1041 = arith.constant 0 : i32
    %dma_start3A_1042 = tpu.memref_slice %arg8[%dma_start3A_1039, %dma_start3A_1041] : memref<10x128xf32, #tpu.memory_space<vmem>> -> memref<1x128xf32, #tpu.memory_space<vmem>>
    %dma_start3A_1043 = tpu.memref_squeeze %dma_start3A_1042 : memref<1x128xf32, #tpu.memory_space<vmem>> -> memref<128xf32, #tpu.memory_space<vmem>>
    %dma_start3A_1044 = arith.constant 0 : i32
    %dma_start3A_1045 = tpu.memref_slice %arg6[%dma_start3A_1038, %dma_start3A_1044] : memref<10x128xi32, #tpu.memory_space<vmem>> -> memref<1x128xi32, #tpu.memory_space<vmem>>
    %dma_start3A_1046 = tpu.memref_squeeze %dma_start3A_1045 : memref<1x128xi32, #tpu.memory_space<vmem>> -> memref<128xi32, #tpu.memory_space<vmem>>
    %dma_start3A_1047 = arith.constant 0 : i32
    %dma_start3A_1048 = tpu.memref_slice %arg2[%dma_start3A_1047] : memref<1179648xf32, #tpu.memory_space<hbm>> -> memref<1179648xf32, #tpu.memory_space<hbm>>
    %dma_start3A_1049 = tpu.memref_slice %arg11[%dma_start3A_1040] : memref<10x!tpu.dma_semaphore, #tpu.memory_space<semaphore_mem>> -> memref<1x!tpu.dma_semaphore, #tpu.memory_space<semaphore_mem>>
    %dma_start3A_1050 = tpu.memref_squeeze %dma_start3A_1049 : memref<1x!tpu.dma_semaphore, #tpu.memory_space<semaphore_mem>> -> memref<!tpu.dma_semaphore, #tpu.memory_space<semaphore_mem>>
    tpu.enqueue_indirect_dma source(%dma_start3A_1048 : memref<1179648xf32, #tpu.memory_space<hbm>>) target(%dma_start3A_1043 : memref<128xf32, #tpu.memory_space<vmem>>) offsets(%dma_start3A_1046 : memref<128xi32, #tpu.memory_space<vmem>>) semaphore(%dma_start3A_1050 : memref<!tpu.dma_semaphore, #tpu.memory_space<semaphore_mem>>)
    %dma_start3A_1051 = arith.constant 1 : i32
    %dma_start3A_1052 = arith.constant 1 : i32
    %dma_start3A_1053 = arith.constant 1 : i32
    %dma_start3A_1054 = arith.constant 0 : i32
    %dma_start3A_1055 = tpu.memref_slice %arg9[%dma_start3A_1052, %dma_start3A_1054] : memref<10x128xf32, #tpu.memory_space<vmem>> -> memref<1x128xf32, #tpu.memory_space<vmem>>
    %dma_start3A_1056 = tpu.memref_squeeze %dma_start3A_1055 : memref<1x128xf32, #tpu.memory_space<vmem>> -> memref<128xf32, #tpu.memory_space<vmem>>
    %dma_start3A_1057 = arith.constant 0 : i32
    %dma_start3A_1058 = tpu.memref_slice %arg7[%dma_start3A_1051, %dma_start3A_1057] : memref<10x128xi32, #tpu.memory_space<vmem>> -> memref<1x128xi32, #tpu.memory_space<vmem>>
    %dma_start3A_1059 = tpu.memref_squeeze %dma_start3A_1058 : memref<1x128xi32, #tpu.memory_space<vmem>> -> memref<128xi32, #tpu.memory_space<vmem>>
    %dma_start3A_1060 = arith.constant 0 : i32
    %dma_start3A_1061 = tpu.memref_slice %arg2[%dma_start3A_1060] : memref<1179648xf32, #tpu.memory_space<hbm>> -> memref<1179648xf32, #tpu.memory_space<hbm>>
    %dma_start3A_1062 = tpu.memref_slice %arg11[%dma_start3A_1053] : memref<10x!tpu.dma_semaphore, #tpu.memory_space<semaphore_mem>> -> memref<1x!tpu.dma_semaphore, #tpu.memory_space<semaphore_mem>>
    %dma_start3A_1063 = tpu.memref_squeeze %dma_start3A_1062 : memref<1x!tpu.dma_semaphore, #tpu.memory_space<semaphore_mem>> -> memref<!tpu.dma_semaphore, #tpu.memory_space<semaphore_mem>>
    tpu.enqueue_indirect_dma source(%dma_start3A_1061 : memref<1179648xf32, #tpu.memory_space<hbm>>) target(%dma_start3A_1056 : memref<128xf32, #tpu.memory_space<vmem>>) offsets(%dma_start3A_1059 : memref<128xi32, #tpu.memory_space<vmem>>) semaphore(%dma_start3A_1063 : memref<!tpu.dma_semaphore, #tpu.memory_space<semaphore_mem>>)
    %mul3A_1064 = arith.constant 10 : i32
    %mul3A_1065 = arith.muli %select_n3A_53, %mul3A_1064 : i32
    %add3A_1066 = arith.constant 2 : i32
    %add3A_1067 = arith.addi %mul3A_1065, %add3A_1066 : i32
    %shift_left3A_1068 = arith.constant 3 : i32
    %shift_left3A_1069 = arith.shli %add3A_1067, %shift_left3A_1068 : i32
    %jit3A_1070 = arith.constant 4 : i32
    %div3A_1071 = arith.divsi %add3A, %jit3A_1070 : i32
    %sign3A_1072 = arith.constant 0 : i32
    %sign3A_1073 = arith.cmpi sgt, %add3A, %sign3A_1072 : i32
    %sign3A_1074 = arith.extui %sign3A_1073 : i1 to i32
    %sign3A_1075 = arith.constant 0 : i32
    %sign3A_1076 = arith.cmpi slt, %add3A, %sign3A_1075 : i32
    %sign3A_1077 = arith.extui %sign3A_1076 : i1 to i32
    %sign3A_1078 = arith.subi %sign3A_1074, %sign3A_1077 : i32
    %sign3A_1079 = arith.constant 0 : i32
    %sign3A_1080 = arith.cmpi sgt, %jit3A_1070, %sign3A_1079 : i32
    %sign3A_1081 = arith.extui %sign3A_1080 : i1 to i32
    %sign3A_1082 = arith.constant 0 : i32
    %sign3A_1083 = arith.cmpi slt, %jit3A_1070, %sign3A_1082 : i32
    %sign3A_1084 = arith.extui %sign3A_1083 : i1 to i32
    %sign3A_1085 = arith.subi %sign3A_1081, %sign3A_1084 : i32
    %ne3A_1086 = arith.cmpi ne, %sign3A_1078, %sign3A_1085 : i32
    %rem3A_1087 = arith.remsi %add3A, %jit3A_1070 : i32
    %ne3A_1088 = arith.constant 0 : i32
    %ne3A_1089 = arith.cmpi ne, %rem3A_1087, %ne3A_1088 : i32
    %and3A_1090 = arith.andi %ne3A_1086, %ne3A_1089 : i1
    %sub3A_1091 = arith.constant 1 : i32
    %sub3A_1092 = arith.subi %div3A_1071, %sub3A_1091 : i32
    %select_n3A_1093 = arith.select %and3A_1090, %sub3A_1092, %div3A_1071 : i32
    %add3A_1094 = arith.addi %shift_left3A_1069, %select_n3A_1093 : i32
    %shift_left3A_1095 = arith.constant 8 : i32
    %shift_left3A_1096 = arith.shli %add3A_1094, %shift_left3A_1095 : i32
    %multiple_of3A_1097 = tpu.assume_multiple %shift_left3A_1096, 8 : i32
    %dma_wait3A_1098 = arith.constant 2 : i32
    %dma_wait3A_1099 = arith.constant 512 : i32
    %dma_wait3A_1100 = tpu.memref_slice %arg5[%dma_wait3A_1099] : memref<2560xi32, #tpu.memory_space<vmem>> -> memref<256xi32, #tpu.memory_space<vmem>>
    %dma_wait3A_1101 = tpu.memref_slice %arg3[%multiple_of3A_1097] : memref<81920xi32, #tpu.memory_space<hbm>> -> memref<256xi32, #tpu.memory_space<hbm>>
    %dma_wait3A_1102 = tpu.memref_slice %arg12[%dma_wait3A_1098] : memref<10x!tpu.dma_semaphore, #tpu.memory_space<semaphore_mem>> -> memref<1x!tpu.dma_semaphore, #tpu.memory_space<semaphore_mem>>
    %dma_wait3A_1103 = tpu.memref_squeeze %dma_wait3A_1102 : memref<1x!tpu.dma_semaphore, #tpu.memory_space<semaphore_mem>> -> memref<!tpu.dma_semaphore, #tpu.memory_space<semaphore_mem>>
    %dma_wait3A_1104 = arith.constant 512 : i32
    %dma_wait3A_1105 = tpu.memref_slice %arg5[%dma_wait3A_1104] : memref<2560xi32, #tpu.memory_space<vmem>> -> memref<256xi32, #tpu.memory_space<vmem>>
    %dma_wait3A_1106 = tpu.memref_slice %arg3[%multiple_of3A_1097] : memref<81920xi32, #tpu.memory_space<hbm>> -> memref<256xi32, #tpu.memory_space<hbm>>
    tpu.wait_dma2 semaphore(%dma_wait3A_1103 : memref<!tpu.dma_semaphore, #tpu.memory_space<semaphore_mem>>) src(%dma_wait3A_1106 : memref<256xi32, #tpu.memory_space<hbm>>) dst(%dma_wait3A_1105 : memref<256xi32, #tpu.memory_space<vmem>>)
    %get3A_1107 = arith.constant 512 : index
    %get3A_1108 = tpu.vector_load %arg5[%get3A_1107] {strides = array<i32>} : memref<2560xi32, #tpu.memory_space<vmem>>, vector<16xi32>,
    %get3A_1109 = vector.shape_cast %get3A_1108 : vector<16xi32> to vector<16xi32>
    %and3A_1110 = arith.constant 262143 : i32
    %and3A_1111 = vector.broadcast %and3A_1110 : i32 to vector<16xi32>
    %and3A_1112 = arith.andi %get3A_1109, %and3A_1111 : vector<16xi32>
    %add3A_1113 = vector.broadcast %mul3A_18 : i32 to vector<16xi32>
    %add3A_1114 = arith.addi %add3A_1113, %and3A_1112 : vector<16xi32>
    %swap3A_1115 = arith.constant 2 : i32
    %swap3A_1116 = arith.index_cast %swap3A_1115 : i32 to index
    %swap3A_1117 = arith.constant 0 : index
    %swap3A_1118 = tpu.vector_load %arg6[%swap3A_1116, %swap3A_1117] {strides = array<i32>} : memref<10x128xi32, #tpu.memory_space<vmem>>, vector<1x16xi32>,
    %swap3A_1119 = vector.shape_cast %swap3A_1118 : vector<1x16xi32> to vector<16xi32>
    %swap3A_1120 = vector.shape_cast %add3A_1114 : vector<16xi32> to vector<1x16xi32>
    tpu.vector_store %arg6[%swap3A_1116, %swap3A_1117], %swap3A_1120 {strides = array<i32>} : memref<10x128xi32, #tpu.memory_space<vmem>>, vector<1x16xi32>,
    %get3A_1121 = arith.constant 640 : index
    %get3A_1122 = tpu.vector_load %arg5[%get3A_1121] {strides = array<i32>} : memref<2560xi32, #tpu.memory_space<vmem>>, vector<16xi32>,
    %get3A_1123 = vector.shape_cast %get3A_1122 : vector<16xi32> to vector<16xi32>
    %and3A_1124 = arith.constant 262143 : i32
    %and3A_1125 = vector.broadcast %and3A_1124 : i32 to vector<16xi32>
    %and3A_1126 = arith.andi %get3A_1123, %and3A_1125 : vector<16xi32>
    %add3A_1127 = vector.broadcast %mul3A_18 : i32 to vector<16xi32>
    %add3A_1128 = arith.addi %add3A_1127, %and3A_1126 : vector<16xi32>
    %swap3A_1129 = arith.constant 2 : i32
    %swap3A_1130 = arith.index_cast %swap3A_1129 : i32 to index
    %swap3A_1131 = arith.constant 0 : index
    %swap3A_1132 = tpu.vector_load %arg7[%swap3A_1130, %swap3A_1131] {strides = array<i32>} : memref<10x128xi32, #tpu.memory_space<vmem>>, vector<1x16xi32>,
    %swap3A_1133 = vector.shape_cast %swap3A_1132 : vector<1x16xi32> to vector<16xi32>
    %swap3A_1134 = vector.shape_cast %add3A_1128 : vector<16xi32> to vector<1x16xi32>
    tpu.vector_store %arg7[%swap3A_1130, %swap3A_1131], %swap3A_1134 {strides = array<i32>} : memref<10x128xi32, #tpu.memory_space<vmem>>, vector<1x16xi32>,
    %get3A_1135 = arith.constant 528 : index
    %get3A_1136 = tpu.vector_load %arg5[%get3A_1135] {strides = array<i32>} : memref<2560xi32, #tpu.memory_space<vmem>>, vector<16xi32>,
    %get3A_1137 = vector.shape_cast %get3A_1136 : vector<16xi32> to vector<16xi32>
    %and3A_1138 = arith.constant 262143 : i32
    %and3A_1139 = vector.broadcast %and3A_1138 : i32 to vector<16xi32>
    %and3A_1140 = arith.andi %get3A_1137, %and3A_1139 : vector<16xi32>
    %add3A_1141 = vector.broadcast %mul3A_18 : i32 to vector<16xi32>
    %add3A_1142 = arith.addi %add3A_1141, %and3A_1140 : vector<16xi32>
    %swap3A_1143 = arith.constant 2 : i32
    %swap3A_1144 = arith.index_cast %swap3A_1143 : i32 to index
    %swap3A_1145 = arith.constant 16 : index
    %swap3A_1146 = tpu.vector_load %arg6[%swap3A_1144, %swap3A_1145] {strides = array<i32>} : memref<10x128xi32, #tpu.memory_space<vmem>>, vector<1x16xi32>,
    %swap3A_1147 = vector.shape_cast %swap3A_1146 : vector<1x16xi32> to vector<16xi32>
    %swap3A_1148 = vector.shape_cast %add3A_1142 : vector<16xi32> to vector<1x16xi32>
    tpu.vector_store %arg6[%swap3A_1144, %swap3A_1145], %swap3A_1148 {strides = array<i32>} : memref<10x128xi32, #tpu.memory_space<vmem>>, vector<1x16xi32>,
    %get3A_1149 = arith.constant 656 : index
    %get3A_1150 = tpu.vector_load %arg5[%get3A_1149] {strides = array<i32>} : memref<2560xi32, #tpu.memory_space<vmem>>, vector<16xi32>,
    %get3A_1151 = vector.shape_cast %get3A_1150 : vector<16xi32> to vector<16xi32>
    %and3A_1152 = arith.constant 262143 : i32
    %and3A_1153 = vector.broadcast %and3A_1152 : i32 to vector<16xi32>
    %and3A_1154 = arith.andi %get3A_1151, %and3A_1153 : vector<16xi32>
    %add3A_1155 = vector.broadcast %mul3A_18 : i32 to vector<16xi32>
    %add3A_1156 = arith.addi %add3A_1155, %and3A_1154 : vector<16xi32>
    %swap3A_1157 = arith.constant 2 : i32
    %swap3A_1158 = arith.index_cast %swap3A_1157 : i32 to index
    %swap3A_1159 = arith.constant 16 : index
    %swap3A_1160 = tpu.vector_load %arg7[%swap3A_1158, %swap3A_1159] {strides = array<i32>} : memref<10x128xi32, #tpu.memory_space<vmem>>, vector<1x16xi32>,
    %swap3A_1161 = vector.shape_cast %swap3A_1160 : vector<1x16xi32> to vector<16xi32>
    %swap3A_1162 = vector.shape_cast %add3A_1156 : vector<16xi32> to vector<1x16xi32>
    tpu.vector_store %arg7[%swap3A_1158, %swap3A_1159], %swap3A_1162 {strides = array<i32>} : memref<10x128xi32, #tpu.memory_space<vmem>>, vector<1x16xi32>,
    %get3A_1163 = arith.constant 544 : index
    %get3A_1164 = tpu.vector_load %arg5[%get3A_1163] {strides = array<i32>} : memref<2560xi32, #tpu.memory_space<vmem>>, vector<16xi32>,
    %get3A_1165 = vector.shape_cast %get3A_1164 : vector<16xi32> to vector<16xi32>
    %and3A_1166 = arith.constant 262143 : i32
    %and3A_1167 = vector.broadcast %and3A_1166 : i32 to vector<16xi32>
    %and3A_1168 = arith.andi %get3A_1165, %and3A_1167 : vector<16xi32>
    %add3A_1169 = vector.broadcast %mul3A_18 : i32 to vector<16xi32>
    %add3A_1170 = arith.addi %add3A_1169, %and3A_1168 : vector<16xi32>
    %swap3A_1171 = arith.constant 2 : i32
    %swap3A_1172 = arith.index_cast %swap3A_1171 : i32 to index
    %swap3A_1173 = arith.constant 32 : index
    %swap3A_1174 = tpu.vector_load %arg6[%swap3A_1172, %swap3A_1173] {strides = array<i32>} : memref<10x128xi32, #tpu.memory_space<vmem>>, vector<1x16xi32>,
    %swap3A_1175 = vector.shape_cast %swap3A_1174 : vector<1x16xi32> to vector<16xi32>
    %swap3A_1176 = vector.shape_cast %add3A_1170 : vector<16xi32> to vector<1x16xi32>
    tpu.vector_store %arg6[%swap3A_1172, %swap3A_1173], %swap3A_1176 {strides = array<i32>} : memref<10x128xi32, #tpu.memory_space<vmem>>, vector<1x16xi32>,
    %get3A_1177 = arith.constant 672 : index
    %get3A_1178 = tpu.vector_load %arg5[%get3A_1177] {strides = array<i32>} : memref<2560xi32, #tpu.memory_space<vmem>>, vector<16xi32>,
    %get3A_1179 = vector.shape_cast %get3A_1178 : vector<16xi32> to vector<16xi32>
    %and3A_1180 = arith.constant 262143 : i32
    %and3A_1181 = vector.broadcast %and3A_1180 : i32 to vector<16xi32>
    %and3A_1182 = arith.andi %get3A_1179, %and3A_1181 : vector<16xi32>
    %add3A_1183 = vector.broadcast %mul3A_18 : i32 to vector<16xi32>
    %add3A_1184 = arith.addi %add3A_1183, %and3A_1182 : vector<16xi32>
    %swap3A_1185 = arith.constant 2 : i32
    %swap3A_1186 = arith.index_cast %swap3A_1185 : i32 to index
    %swap3A_1187 = arith.constant 32 : index
    %swap3A_1188 = tpu.vector_load %arg7[%swap3A_1186, %swap3A_1187] {strides = array<i32>} : memref<10x128xi32, #tpu.memory_space<vmem>>, vector<1x16xi32>,
    %swap3A_1189 = vector.shape_cast %swap3A_1188 : vector<1x16xi32> to vector<16xi32>
    %swap3A_1190 = vector.shape_cast %add3A_1184 : vector<16xi32> to vector<1x16xi32>
    tpu.vector_store %arg7[%swap3A_1186, %swap3A_1187], %swap3A_1190 {strides = array<i32>} : memref<10x128xi32, #tpu.memory_space<vmem>>, vector<1x16xi32>,
    %get3A_1191 = arith.constant 560 : index
    %get3A_1192 = tpu.vector_load %arg5[%get3A_1191] {strides = array<i32>} : memref<2560xi32, #tpu.memory_space<vmem>>, vector<16xi32>,
    %get3A_1193 = vector.shape_cast %get3A_1192 : vector<16xi32> to vector<16xi32>
    %and3A_1194 = arith.constant 262143 : i32
    %and3A_1195 = vector.broadcast %and3A_1194 : i32 to vector<16xi32>
    %and3A_1196 = arith.andi %get3A_1193, %and3A_1195 : vector<16xi32>
    %add3A_1197 = vector.broadcast %mul3A_18 : i32 to vector<16xi32>
    %add3A_1198 = arith.addi %add3A_1197, %and3A_1196 : vector<16xi32>
    %swap3A_1199 = arith.constant 2 : i32
    %swap3A_1200 = arith.index_cast %swap3A_1199 : i32 to index
    %swap3A_1201 = arith.constant 48 : index
    %swap3A_1202 = tpu.vector_load %arg6[%swap3A_1200, %swap3A_1201] {strides = array<i32>} : memref<10x128xi32, #tpu.memory_space<vmem>>, vector<1x16xi32>,
    %swap3A_1203 = vector.shape_cast %swap3A_1202 : vector<1x16xi32> to vector<16xi32>
    %swap3A_1204 = vector.shape_cast %add3A_1198 : vector<16xi32> to vector<1x16xi32>
    tpu.vector_store %arg6[%swap3A_1200, %swap3A_1201], %swap3A_1204 {strides = array<i32>} : memref<10x128xi32, #tpu.memory_space<vmem>>, vector<1x16xi32>,
    %get3A_1205 = arith.constant 688 : index
    %get3A_1206 = tpu.vector_load %arg5[%get3A_1205] {strides = array<i32>} : memref<2560xi32, #tpu.memory_space<vmem>>, vector<16xi32>,
    %get3A_1207 = vector.shape_cast %get3A_1206 : vector<16xi32> to vector<16xi32>
    %and3A_1208 = arith.constant 262143 : i32
    %and3A_1209 = vector.broadcast %and3A_1208 : i32 to vector<16xi32>
    %and3A_1210 = arith.andi %get3A_1207, %and3A_1209 : vector<16xi32>
    %add3A_1211 = vector.broadcast %mul3A_18 : i32 to vector<16xi32>
    %add3A_1212 = arith.addi %add3A_1211, %and3A_1210 : vector<16xi32>
    %swap3A_1213 = arith.constant 2 : i32
    %swap3A_1214 = arith.index_cast %swap3A_1213 : i32 to index
    %swap3A_1215 = arith.constant 48 : index
    %swap3A_1216 = tpu.vector_load %arg7[%swap3A_1214, %swap3A_1215] {strides = array<i32>} : memref<10x128xi32, #tpu.memory_space<vmem>>, vector<1x16xi32>,
    %swap3A_1217 = vector.shape_cast %swap3A_1216 : vector<1x16xi32> to vector<16xi32>
    %swap3A_1218 = vector.shape_cast %add3A_1212 : vector<16xi32> to vector<1x16xi32>
    tpu.vector_store %arg7[%swap3A_1214, %swap3A_1215], %swap3A_1218 {strides = array<i32>} : memref<10x128xi32, #tpu.memory_space<vmem>>, vector<1x16xi32>,
    %get3A_1219 = arith.constant 576 : index
    %get3A_1220 = tpu.vector_load %arg5[%get3A_1219] {strides = array<i32>} : memref<2560xi32, #tpu.memory_space<vmem>>, vector<16xi32>,
    %get3A_1221 = vector.shape_cast %get3A_1220 : vector<16xi32> to vector<16xi32>
    %and3A_1222 = arith.constant 262143 : i32
    %and3A_1223 = vector.broadcast %and3A_1222 : i32 to vector<16xi32>
    %and3A_1224 = arith.andi %get3A_1221, %and3A_1223 : vector<16xi32>
    %add3A_1225 = vector.broadcast %mul3A_18 : i32 to vector<16xi32>
    %add3A_1226 = arith.addi %add3A_1225, %and3A_1224 : vector<16xi32>
    %swap3A_1227 = arith.constant 2 : i32
    %swap3A_1228 = arith.index_cast %swap3A_1227 : i32 to index
    %swap3A_1229 = arith.constant 64 : index
    %swap3A_1230 = tpu.vector_load %arg6[%swap3A_1228, %swap3A_1229] {strides = array<i32>} : memref<10x128xi32, #tpu.memory_space<vmem>>, vector<1x16xi32>,
    %swap3A_1231 = vector.shape_cast %swap3A_1230 : vector<1x16xi32> to vector<16xi32>
    %swap3A_1232 = vector.shape_cast %add3A_1226 : vector<16xi32> to vector<1x16xi32>
    tpu.vector_store %arg6[%swap3A_1228, %swap3A_1229], %swap3A_1232 {strides = array<i32>} : memref<10x128xi32, #tpu.memory_space<vmem>>, vector<1x16xi32>,
    %get3A_1233 = arith.constant 704 : index
    %get3A_1234 = tpu.vector_load %arg5[%get3A_1233] {strides = array<i32>} : memref<2560xi32, #tpu.memory_space<vmem>>, vector<16xi32>,
    %get3A_1235 = vector.shape_cast %get3A_1234 : vector<16xi32> to vector<16xi32>
    %and3A_1236 = arith.constant 262143 : i32
    %and3A_1237 = vector.broadcast %and3A_1236 : i32 to vector<16xi32>
    %and3A_1238 = arith.andi %get3A_1235, %and3A_1237 : vector<16xi32>
    %add3A_1239 = vector.broadcast %mul3A_18 : i32 to vector<16xi32>
    %add3A_1240 = arith.addi %add3A_1239, %and3A_1238 : vector<16xi32>
    %swap3A_1241 = arith.constant 2 : i32
    %swap3A_1242 = arith.index_cast %swap3A_1241 : i32 to index
    %swap3A_1243 = arith.constant 64 : index
    %swap3A_1244 = tpu.vector_load %arg7[%swap3A_1242, %swap3A_1243] {strides = array<i32>} : memref<10x128xi32, #tpu.memory_space<vmem>>, vector<1x16xi32>,
    %swap3A_1245 = vector.shape_cast %swap3A_1244 : vector<1x16xi32> to vector<16xi32>
    %swap3A_1246 = vector.shape_cast %add3A_1240 : vector<16xi32> to vector<1x16xi32>
    tpu.vector_store %arg7[%swap3A_1242, %swap3A_1243], %swap3A_1246 {strides = array<i32>} : memref<10x128xi32, #tpu.memory_space<vmem>>, vector<1x16xi32>,
    %get3A_1247 = arith.constant 592 : index
    %get3A_1248 = tpu.vector_load %arg5[%get3A_1247] {strides = array<i32>} : memref<2560xi32, #tpu.memory_space<vmem>>, vector<16xi32>,
    %get3A_1249 = vector.shape_cast %get3A_1248 : vector<16xi32> to vector<16xi32>
    %and3A_1250 = arith.constant 262143 : i32
    %and3A_1251 = vector.broadcast %and3A_1250 : i32 to vector<16xi32>
    %and3A_1252 = arith.andi %get3A_1249, %and3A_1251 : vector<16xi32>
    %add3A_1253 = vector.broadcast %mul3A_18 : i32 to vector<16xi32>
    %add3A_1254 = arith.addi %add3A_1253, %and3A_1252 : vector<16xi32>
    %swap3A_1255 = arith.constant 2 : i32
    %swap3A_1256 = arith.index_cast %swap3A_1255 : i32 to index
    %swap3A_1257 = arith.constant 80 : index
    %swap3A_1258 = tpu.vector_load %arg6[%swap3A_1256, %swap3A_1257] {strides = array<i32>} : memref<10x128xi32, #tpu.memory_space<vmem>>, vector<1x16xi32>,
    %swap3A_1259 = vector.shape_cast %swap3A_1258 : vector<1x16xi32> to vector<16xi32>
    %swap3A_1260 = vector.shape_cast %add3A_1254 : vector<16xi32> to vector<1x16xi32>
    tpu.vector_store %arg6[%swap3A_1256, %swap3A_1257], %swap3A_1260 {strides = array<i32>} : memref<10x128xi32, #tpu.memory_space<vmem>>, vector<1x16xi32>,
    %get3A_1261 = arith.constant 720 : index
    %get3A_1262 = tpu.vector_load %arg5[%get3A_1261] {strides = array<i32>} : memref<2560xi32, #tpu.memory_space<vmem>>, vector<16xi32>,
    %get3A_1263 = vector.shape_cast %get3A_1262 : vector<16xi32> to vector<16xi32>
    %and3A_1264 = arith.constant 262143 : i32
    %and3A_1265 = vector.broadcast %and3A_1264 : i32 to vector<16xi32>
    %and3A_1266 = arith.andi %get3A_1263, %and3A_1265 : vector<16xi32>
    %add3A_1267 = vector.broadcast %mul3A_18 : i32 to vector<16xi32>
    %add3A_1268 = arith.addi %add3A_1267, %and3A_1266 : vector<16xi32>
    %swap3A_1269 = arith.constant 2 : i32
    %swap3A_1270 = arith.index_cast %swap3A_1269 : i32 to index
    %swap3A_1271 = arith.constant 80 : index
    %swap3A_1272 = tpu.vector_load %arg7[%swap3A_1270, %swap3A_1271] {strides = array<i32>} : memref<10x128xi32, #tpu.memory_space<vmem>>, vector<1x16xi32>,
    %swap3A_1273 = vector.shape_cast %swap3A_1272 : vector<1x16xi32> to vector<16xi32>
    %swap3A_1274 = vector.shape_cast %add3A_1268 : vector<16xi32> to vector<1x16xi32>
    tpu.vector_store %arg7[%swap3A_1270, %swap3A_1271], %swap3A_1274 {strides = array<i32>} : memref<10x128xi32, #tpu.memory_space<vmem>>, vector<1x16xi32>,
    %get3A_1275 = arith.constant 608 : index
    %get3A_1276 = tpu.vector_load %arg5[%get3A_1275] {strides = array<i32>} : memref<2560xi32, #tpu.memory_space<vmem>>, vector<16xi32>,
    %get3A_1277 = vector.shape_cast %get3A_1276 : vector<16xi32> to vector<16xi32>
    %and3A_1278 = arith.constant 262143 : i32
    %and3A_1279 = vector.broadcast %and3A_1278 : i32 to vector<16xi32>
    %and3A_1280 = arith.andi %get3A_1277, %and3A_1279 : vector<16xi32>
    %add3A_1281 = vector.broadcast %mul3A_18 : i32 to vector<16xi32>
    %add3A_1282 = arith.addi %add3A_1281, %and3A_1280 : vector<16xi32>
    %swap3A_1283 = arith.constant 2 : i32
    %swap3A_1284 = arith.index_cast %swap3A_1283 : i32 to index
    %swap3A_1285 = arith.constant 96 : index
    %swap3A_1286 = tpu.vector_load %arg6[%swap3A_1284, %swap3A_1285] {strides = array<i32>} : memref<10x128xi32, #tpu.memory_space<vmem>>, vector<1x16xi32>,
    %swap3A_1287 = vector.shape_cast %swap3A_1286 : vector<1x16xi32> to vector<16xi32>
    %swap3A_1288 = vector.shape_cast %add3A_1282 : vector<16xi32> to vector<1x16xi32>
    tpu.vector_store %arg6[%swap3A_1284, %swap3A_1285], %swap3A_1288 {strides = array<i32>} : memref<10x128xi32, #tpu.memory_space<vmem>>, vector<1x16xi32>,
    %get3A_1289 = arith.constant 736 : index
    %get3A_1290 = tpu.vector_load %arg5[%get3A_1289] {strides = array<i32>} : memref<2560xi32, #tpu.memory_space<vmem>>, vector<16xi32>,
    %get3A_1291 = vector.shape_cast %get3A_1290 : vector<16xi32> to vector<16xi32>
    %and3A_1292 = arith.constant 262143 : i32
    %and3A_1293 = vector.broadcast %and3A_1292 : i32 to vector<16xi32>
    %and3A_1294 = arith.andi %get3A_1291, %and3A_1293 : vector<16xi32>
    %add3A_1295 = vector.broadcast %mul3A_18 : i32 to vector<16xi32>
    %add3A_1296 = arith.addi %add3A_1295, %and3A_1294 : vector<16xi32>
    %swap3A_1297 = arith.constant 2 : i32
    %swap3A_1298 = arith.index_cast %swap3A_1297 : i32 to index
    %swap3A_1299 = arith.constant 96 : index
    %swap3A_1300 = tpu.vector_load %arg7[%swap3A_1298, %swap3A_1299] {strides = array<i32>} : memref<10x128xi32, #tpu.memory_space<vmem>>, vector<1x16xi32>,
    %swap3A_1301 = vector.shape_cast %swap3A_1300 : vector<1x16xi32> to vector<16xi32>
    %swap3A_1302 = vector.shape_cast %add3A_1296 : vector<16xi32> to vector<1x16xi32>
    tpu.vector_store %arg7[%swap3A_1298, %swap3A_1299], %swap3A_1302 {strides = array<i32>} : memref<10x128xi32, #tpu.memory_space<vmem>>, vector<1x16xi32>,
    %get3A_1303 = arith.constant 624 : index
    %get3A_1304 = tpu.vector_load %arg5[%get3A_1303] {strides = array<i32>} : memref<2560xi32, #tpu.memory_space<vmem>>, vector<16xi32>,
    %get3A_1305 = vector.shape_cast %get3A_1304 : vector<16xi32> to vector<16xi32>
    %and3A_1306 = arith.constant 262143 : i32
    %and3A_1307 = vector.broadcast %and3A_1306 : i32 to vector<16xi32>
    %and3A_1308 = arith.andi %get3A_1305, %and3A_1307 : vector<16xi32>
    %add3A_1309 = vector.broadcast %mul3A_18 : i32 to vector<16xi32>
    %add3A_1310 = arith.addi %add3A_1309, %and3A_1308 : vector<16xi32>
    %swap3A_1311 = arith.constant 2 : i32
    %swap3A_1312 = arith.index_cast %swap3A_1311 : i32 to index
    %swap3A_1313 = arith.constant 112 : index
    %swap3A_1314 = tpu.vector_load %arg6[%swap3A_1312, %swap3A_1313] {strides = array<i32>} : memref<10x128xi32, #tpu.memory_space<vmem>>, vector<1x16xi32>,
    %swap3A_1315 = vector.shape_cast %swap3A_1314 : vector<1x16xi32> to vector<16xi32>
    %swap3A_1316 = vector.shape_cast %add3A_1310 : vector<16xi32> to vector<1x16xi32>
    tpu.vector_store %arg6[%swap3A_1312, %swap3A_1313], %swap3A_1316 {strides = array<i32>} : memref<10x128xi32, #tpu.memory_space<vmem>>, vector<1x16xi32>,
    %get3A_1317 = arith.constant 752 : index
    %get3A_1318 = tpu.vector_load %arg5[%get3A_1317] {strides = array<i32>} : memref<2560xi32, #tpu.memory_space<vmem>>, vector<16xi32>,
    %get3A_1319 = vector.shape_cast %get3A_1318 : vector<16xi32> to vector<16xi32>
    %and3A_1320 = arith.constant 262143 : i32
    %and3A_1321 = vector.broadcast %and3A_1320 : i32 to vector<16xi32>
    %and3A_1322 = arith.andi %get3A_1319, %and3A_1321 : vector<16xi32>
    %add3A_1323 = vector.broadcast %mul3A_18 : i32 to vector<16xi32>
    %add3A_1324 = arith.addi %add3A_1323, %and3A_1322 : vector<16xi32>
    %swap3A_1325 = arith.constant 2 : i32
    %swap3A_1326 = arith.index_cast %swap3A_1325 : i32 to index
    %swap3A_1327 = arith.constant 112 : index
    %swap3A_1328 = tpu.vector_load %arg7[%swap3A_1326, %swap3A_1327] {strides = array<i32>} : memref<10x128xi32, #tpu.memory_space<vmem>>, vector<1x16xi32>,
    %swap3A_1329 = vector.shape_cast %swap3A_1328 : vector<1x16xi32> to vector<16xi32>
    %swap3A_1330 = vector.shape_cast %add3A_1324 : vector<16xi32> to vector<1x16xi32>
    tpu.vector_store %arg7[%swap3A_1326, %swap3A_1327], %swap3A_1330 {strides = array<i32>} : memref<10x128xi32, #tpu.memory_space<vmem>>, vector<1x16xi32>,
    %dma_start3A_1331 = arith.constant 2 : i32
    %dma_start3A_1332 = arith.constant 2 : i32
    %dma_start3A_1333 = arith.constant 2 : i32
    %dma_start3A_1334 = arith.constant 0 : i32
    %dma_start3A_1335 = tpu.memref_slice %arg8[%dma_start3A_1332, %dma_start3A_1334] : memref<10x128xf32, #tpu.memory_space<vmem>> -> memref<1x128xf32, #tpu.memory_space<vmem>>
    %dma_start3A_1336 = tpu.memref_squeeze %dma_start3A_1335 : memref<1x128xf32, #tpu.memory_space<vmem>> -> memref<128xf32, #tpu.memory_space<vmem>>
    %dma_start3A_1337 = arith.constant 0 : i32
    %dma_start3A_1338 = tpu.memref_slice %arg6[%dma_start3A_1331, %dma_start3A_1337] : memref<10x128xi32, #tpu.memory_space<vmem>> -> memref<1x128xi32, #tpu.memory_space<vmem>>
    %dma_start3A_1339 = tpu.memref_squeeze %dma_start3A_1338 : memref<1x128xi32, #tpu.memory_space<vmem>> -> memref<128xi32, #tpu.memory_space<vmem>>
    %dma_start3A_1340 = arith.constant 0 : i32
    %dma_start3A_1341 = tpu.memref_slice %arg2[%dma_start3A_1340] : memref<1179648xf32, #tpu.memory_space<hbm>> -> memref<1179648xf32, #tpu.memory_space<hbm>>
    %dma_start3A_1342 = tpu.memref_slice %arg11[%dma_start3A_1333] : memref<10x!tpu.dma_semaphore, #tpu.memory_space<semaphore_mem>> -> memref<1x!tpu.dma_semaphore, #tpu.memory_space<semaphore_mem>>
    %dma_start3A_1343 = tpu.memref_squeeze %dma_start3A_1342 : memref<1x!tpu.dma_semaphore, #tpu.memory_space<semaphore_mem>> -> memref<!tpu.dma_semaphore, #tpu.memory_space<semaphore_mem>>
    tpu.enqueue_indirect_dma source(%dma_start3A_1341 : memref<1179648xf32, #tpu.memory_space<hbm>>) target(%dma_start3A_1336 : memref<128xf32, #tpu.memory_space<vmem>>) offsets(%dma_start3A_1339 : memref<128xi32, #tpu.memory_space<vmem>>) semaphore(%dma_start3A_1343 : memref<!tpu.dma_semaphore, #tpu.memory_space<semaphore_mem>>)
    %dma_start3A_1344 = arith.constant 2 : i32
    %dma_start3A_1345 = arith.constant 2 : i32
    %dma_start3A_1346 = arith.constant 2 : i32
    %dma_start3A_1347 = arith.constant 0 : i32
    %dma_start3A_1348 = tpu.memref_slice %arg9[%dma_start3A_1345, %dma_start3A_1347] : memref<10x128xf32, #tpu.memory_space<vmem>> -> memref<1x128xf32, #tpu.memory_space<vmem>>
    %dma_start3A_1349 = tpu.memref_squeeze %dma_start3A_1348 : memref<1x128xf32, #tpu.memory_space<vmem>> -> memref<128xf32, #tpu.memory_space<vmem>>
    %dma_start3A_1350 = arith.constant 0 : i32
    %dma_start3A_1351 = tpu.memref_slice %arg7[%dma_start3A_1344, %dma_start3A_1350] : memref<10x128xi32, #tpu.memory_space<vmem>> -> memref<1x128xi32, #tpu.memory_space<vmem>>
    %dma_start3A_1352 = tpu.memref_squeeze %dma_start3A_1351 : memref<1x128xi32, #tpu.memory_space<vmem>> -> memref<128xi32, #tpu.memory_space<vmem>>
    %dma_start3A_1353 = arith.constant 0 : i32
    %dma_start3A_1354 = tpu.memref_slice %arg2[%dma_start3A_1353] : memref<1179648xf32, #tpu.memory_space<hbm>> -> memref<1179648xf32, #tpu.memory_space<hbm>>
    %dma_start3A_1355 = tpu.memref_slice %arg11[%dma_start3A_1346] : memref<10x!tpu.dma_semaphore, #tpu.memory_space<semaphore_mem>> -> memref<1x!tpu.dma_semaphore, #tpu.memory_space<semaphore_mem>>
    %dma_start3A_1356 = tpu.memref_squeeze %dma_start3A_1355 : memref<1x!tpu.dma_semaphore, #tpu.memory_space<semaphore_mem>> -> memref<!tpu.dma_semaphore, #tpu.memory_space<semaphore_mem>>
    tpu.enqueue_indirect_dma source(%dma_start3A_1354 : memref<1179648xf32, #tpu.memory_space<hbm>>) target(%dma_start3A_1349 : memref<128xf32, #tpu.memory_space<vmem>>) offsets(%dma_start3A_1352 : memref<128xi32, #tpu.memory_space<vmem>>) semaphore(%dma_start3A_1356 : memref<!tpu.dma_semaphore, #tpu.memory_space<semaphore_mem>>)
    %mul3A_1357 = arith.constant 10 : i32
    %mul3A_1358 = arith.muli %select_n3A_53, %mul3A_1357 : i32
    %add3A_1359 = arith.constant 3 : i32
    %add3A_1360 = arith.addi %mul3A_1358, %add3A_1359 : i32
    %shift_left3A_1361 = arith.constant 3 : i32
    %shift_left3A_1362 = arith.shli %add3A_1360, %shift_left3A_1361 : i32
    %jit3A_1363 = arith.constant 4 : i32
    %div3A_1364 = arith.divsi %add3A, %jit3A_1363 : i32
    %sign3A_1365 = arith.constant 0 : i32
    %sign3A_1366 = arith.cmpi sgt, %add3A, %sign3A_1365 : i32
    %sign3A_1367 = arith.extui %sign3A_1366 : i1 to i32
    %sign3A_1368 = arith.constant 0 : i32
    %sign3A_1369 = arith.cmpi slt, %add3A, %sign3A_1368 : i32
    %sign3A_1370 = arith.extui %sign3A_1369 : i1 to i32
    %sign3A_1371 = arith.subi %sign3A_1367, %sign3A_1370 : i32
    %sign3A_1372 = arith.constant 0 : i32
    %sign3A_1373 = arith.cmpi sgt, %jit3A_1363, %sign3A_1372 : i32
    %sign3A_1374 = arith.extui %sign3A_1373 : i1 to i32
    %sign3A_1375 = arith.constant 0 : i32
    %sign3A_1376 = arith.cmpi slt, %jit3A_1363, %sign3A_1375 : i32
    %sign3A_1377 = arith.extui %sign3A_1376 : i1 to i32
    %sign3A_1378 = arith.subi %sign3A_1374, %sign3A_1377 : i32
    %ne3A_1379 = arith.cmpi ne, %sign3A_1371, %sign3A_1378 : i32
    %rem3A_1380 = arith.remsi %add3A, %jit3A_1363 : i32
    %ne3A_1381 = arith.constant 0 : i32
    %ne3A_1382 = arith.cmpi ne, %rem3A_1380, %ne3A_1381 : i32
    %and3A_1383 = arith.andi %ne3A_1379, %ne3A_1382 : i1
    %sub3A_1384 = arith.constant 1 : i32
    %sub3A_1385 = arith.subi %div3A_1364, %sub3A_1384 : i32
    %select_n3A_1386 = arith.select %and3A_1383, %sub3A_1385, %div3A_1364 : i32
    %add3A_1387 = arith.addi %shift_left3A_1362, %select_n3A_1386 : i32
    %shift_left3A_1388 = arith.constant 8 : i32
    %shift_left3A_1389 = arith.shli %add3A_1387, %shift_left3A_1388 : i32
    %multiple_of3A_1390 = tpu.assume_multiple %shift_left3A_1389, 8 : i32
    %dma_wait3A_1391 = arith.constant 3 : i32
    %dma_wait3A_1392 = arith.constant 768 : i32
    %dma_wait3A_1393 = tpu.memref_slice %arg5[%dma_wait3A_1392] : memref<2560xi32, #tpu.memory_space<vmem>> -> memref<256xi32, #tpu.memory_space<vmem>>
    %dma_wait3A_1394 = tpu.memref_slice %arg3[%multiple_of3A_1390] : memref<81920xi32, #tpu.memory_space<hbm>> -> memref<256xi32, #tpu.memory_space<hbm>>
    %dma_wait3A_1395 = tpu.memref_slice %arg12[%dma_wait3A_1391] : memref<10x!tpu.dma_semaphore, #tpu.memory_space<semaphore_mem>> -> memref<1x!tpu.dma_semaphore, #tpu.memory_space<semaphore_mem>>
    %dma_wait3A_1396 = tpu.memref_squeeze %dma_wait3A_1395 : memref<1x!tpu.dma_semaphore, #tpu.memory_space<semaphore_mem>> -> memref<!tpu.dma_semaphore, #tpu.memory_space<semaphore_mem>>
    %dma_wait3A_1397 = arith.constant 768 : i32
    %dma_wait3A_1398 = tpu.memref_slice %arg5[%dma_wait3A_1397] : memref<2560xi32, #tpu.memory_space<vmem>> -> memref<256xi32, #tpu.memory_space<vmem>>
    %dma_wait3A_1399 = tpu.memref_slice %arg3[%multiple_of3A_1390] : memref<81920xi32, #tpu.memory_space<hbm>> -> memref<256xi32, #tpu.memory_space<hbm>>
    tpu.wait_dma2 semaphore(%dma_wait3A_1396 : memref<!tpu.dma_semaphore, #tpu.memory_space<semaphore_mem>>) src(%dma_wait3A_1399 : memref<256xi32, #tpu.memory_space<hbm>>) dst(%dma_wait3A_1398 : memref<256xi32, #tpu.memory_space<vmem>>)
    %get3A_1400 = arith.constant 768 : index
    %get3A_1401 = tpu.vector_load %arg5[%get3A_1400] {strides = array<i32>} : memref<2560xi32, #tpu.memory_space<vmem>>, vector<16xi32>,
    %get3A_1402 = vector.shape_cast %get3A_1401 : vector<16xi32> to vector<16xi32>
    %and3A_1403 = arith.constant 262143 : i32
    %and3A_1404 = vector.broadcast %and3A_1403 : i32 to vector<16xi32>
    %and3A_1405 = arith.andi %get3A_1402, %and3A_1404 : vector<16xi32>
    %add3A_1406 = vector.broadcast %mul3A_18 : i32 to vector<16xi32>
    %add3A_1407 = arith.addi %add3A_1406, %and3A_1405 : vector<16xi32>
    %swap3A_1408 = arith.constant 3 : i32
    %swap3A_1409 = arith.index_cast %swap3A_1408 : i32 to index
    %swap3A_1410 = arith.constant 0 : index
    %swap3A_1411 = tpu.vector_load %arg6[%swap3A_1409, %swap3A_1410] {strides = array<i32>} : memref<10x128xi32, #tpu.memory_space<vmem>>, vector<1x16xi32>,
    %swap3A_1412 = vector.shape_cast %swap3A_1411 : vector<1x16xi32> to vector<16xi32>
    %swap3A_1413 = vector.shape_cast %add3A_1407 : vector<16xi32> to vector<1x16xi32>
    tpu.vector_store %arg6[%swap3A_1409, %swap3A_1410], %swap3A_1413 {strides = array<i32>} : memref<10x128xi32, #tpu.memory_space<vmem>>, vector<1x16xi32>,
    %get3A_1414 = arith.constant 896 : index
    %get3A_1415 = tpu.vector_load %arg5[%get3A_1414] {strides = array<i32>} : memref<2560xi32, #tpu.memory_space<vmem>>, vector<16xi32>,
    %get3A_1416 = vector.shape_cast %get3A_1415 : vector<16xi32> to vector<16xi32>
    %and3A_1417 = arith.constant 262143 : i32
    %and3A_1418 = vector.broadcast %and3A_1417 : i32 to vector<16xi32>
    %and3A_1419 = arith.andi %get3A_1416, %and3A_1418 : vector<16xi32>
    %add3A_1420 = vector.broadcast %mul3A_18 : i32 to vector<16xi32>
    %add3A_1421 = arith.addi %add3A_1420, %and3A_1419 : vector<16xi32>
    %swap3A_1422 = arith.constant 3 : i32
    %swap3A_1423 = arith.index_cast %swap3A_1422 : i32 to index
    %swap3A_1424 = arith.constant 0 : index
    %swap3A_1425 = tpu.vector_load %arg7[%swap3A_1423, %swap3A_1424] {strides = array<i32>} : memref<10x128xi32, #tpu.memory_space<vmem>>, vector<1x16xi32>,
    %swap3A_1426 = vector.shape_cast %swap3A_1425 : vector<1x16xi32> to vector<16xi32>
    %swap3A_1427 = vector.shape_cast %add3A_1421 : vector<16xi32> to vector<1x16xi32>
    tpu.vector_store %arg7[%swap3A_1423, %swap3A_1424], %swap3A_1427 {strides = array<i32>} : memref<10x128xi32, #tpu.memory_space<vmem>>, vector<1x16xi32>,
    %get3A_1428 = arith.constant 784 : index
    %get3A_1429 = tpu.vector_load %arg5[%get3A_1428] {strides = array<i32>} : memref<2560xi32, #tpu.memory_space<vmem>>, vector<16xi32>,
    %get3A_1430 = vector.shape_cast %get3A_1429 : vector<16xi32> to vector<16xi32>
    %and3A_1431 = arith.constant 262143 : i32
    %and3A_1432 = vector.broadcast %and3A_1431 : i32 to vector<16xi32>
    %and3A_1433 = arith.andi %get3A_1430, %and3A_1432 : vector<16xi32>
    %add3A_1434 = vector.broadcast %mul3A_18 : i32 to vector<16xi32>
    %add3A_1435 = arith.addi %add3A_1434, %and3A_1433 : vector<16xi32>
    %swap3A_1436 = arith.constant 3 : i32
    %swap3A_1437 = arith.index_cast %swap3A_1436 : i32 to index
    %swap3A_1438 = arith.constant 16 : index
    %swap3A_1439 = tpu.vector_load %arg6[%swap3A_1437, %swap3A_1438] {strides = array<i32>} : memref<10x128xi32, #tpu.memory_space<vmem>>, vector<1x16xi32>,
    %swap3A_1440 = vector.shape_cast %swap3A_1439 : vector<1x16xi32> to vector<16xi32>
    %swap3A_1441 = vector.shape_cast %add3A_1435 : vector<16xi32> to vector<1x16xi32>
    tpu.vector_store %arg6[%swap3A_1437, %swap3A_1438], %swap3A_1441 {strides = array<i32>} : memref<10x128xi32, #tpu.memory_space<vmem>>, vector<1x16xi32>,
    %get3A_1442 = arith.constant 912 : index
    %get3A_1443 = tpu.vector_load %arg5[%get3A_1442] {strides = array<i32>} : memref<2560xi32, #tpu.memory_space<vmem>>, vector<16xi32>,
    %get3A_1444 = vector.shape_cast %get3A_1443 : vector<16xi32> to vector<16xi32>
    %and3A_1445 = arith.constant 262143 : i32
    %and3A_1446 = vector.broadcast %and3A_1445 : i32 to vector<16xi32>
    %and3A_1447 = arith.andi %get3A_1444, %and3A_1446 : vector<16xi32>
    %add3A_1448 = vector.broadcast %mul3A_18 : i32 to vector<16xi32>
    %add3A_1449 = arith.addi %add3A_1448, %and3A_1447 : vector<16xi32>
    %swap3A_1450 = arith.constant 3 : i32
    %swap3A_1451 = arith.index_cast %swap3A_1450 : i32 to index
    %swap3A_1452 = arith.constant 16 : index
    %swap3A_1453 = tpu.vector_load %arg7[%swap3A_1451, %swap3A_1452] {strides = array<i32>} : memref<10x128xi32, #tpu.memory_space<vmem>>, vector<1x16xi32>,
    %swap3A_1454 = vector.shape_cast %swap3A_1453 : vector<1x16xi32> to vector<16xi32>
    %swap3A_1455 = vector.shape_cast %add3A_1449 : vector<16xi32> to vector<1x16xi32>
    tpu.vector_store %arg7[%swap3A_1451, %swap3A_1452], %swap3A_1455 {strides = array<i32>} : memref<10x128xi32, #tpu.memory_space<vmem>>, vector<1x16xi32>,
    %get3A_1456 = arith.constant 800 : index
    %get3A_1457 = tpu.vector_load %arg5[%get3A_1456] {strides = array<i32>} : memref<2560xi32, #tpu.memory_space<vmem>>, vector<16xi32>,
    %get3A_1458 = vector.shape_cast %get3A_1457 : vector<16xi32> to vector<16xi32>
    %and3A_1459 = arith.constant 262143 : i32
    %and3A_1460 = vector.broadcast %and3A_1459 : i32 to vector<16xi32>
    %and3A_1461 = arith.andi %get3A_1458, %and3A_1460 : vector<16xi32>
    %add3A_1462 = vector.broadcast %mul3A_18 : i32 to vector<16xi32>
    %add3A_1463 = arith.addi %add3A_1462, %and3A_1461 : vector<16xi32>
    %swap3A_1464 = arith.constant 3 : i32
    %swap3A_1465 = arith.index_cast %swap3A_1464 : i32 to index
    %swap3A_1466 = arith.constant 32 : index
    %swap3A_1467 = tpu.vector_load %arg6[%swap3A_1465, %swap3A_1466] {strides = array<i32>} : memref<10x128xi32, #tpu.memory_space<vmem>>, vector<1x16xi32>,
    %swap3A_1468 = vector.shape_cast %swap3A_1467 : vector<1x16xi32> to vector<16xi32>
    %swap3A_1469 = vector.shape_cast %add3A_1463 : vector<16xi32> to vector<1x16xi32>
    tpu.vector_store %arg6[%swap3A_1465, %swap3A_1466], %swap3A_1469 {strides = array<i32>} : memref<10x128xi32, #tpu.memory_space<vmem>>, vector<1x16xi32>,
    %get3A_1470 = arith.constant 928 : index
    %get3A_1471 = tpu.vector_load %arg5[%get3A_1470] {strides = array<i32>} : memref<2560xi32, #tpu.memory_space<vmem>>, vector<16xi32>,
    %get3A_1472 = vector.shape_cast %get3A_1471 : vector<16xi32> to vector<16xi32>
    %and3A_1473 = arith.constant 262143 : i32
    %and3A_1474 = vector.broadcast %and3A_1473 : i32 to vector<16xi32>
    %and3A_1475 = arith.andi %get3A_1472, %and3A_1474 : vector<16xi32>
    %add3A_1476 = vector.broadcast %mul3A_18 : i32 to vector<16xi32>
    %add3A_1477 = arith.addi %add3A_1476, %and3A_1475 : vector<16xi32>
    %swap3A_1478 = arith.constant 3 : i32
    %swap3A_1479 = arith.index_cast %swap3A_1478 : i32 to index
    %swap3A_1480 = arith.constant 32 : index
    %swap3A_1481 = tpu.vector_load %arg7[%swap3A_1479, %swap3A_1480] {strides = array<i32>} : memref<10x128xi32, #tpu.memory_space<vmem>>, vector<1x16xi32>,
    %swap3A_1482 = vector.shape_cast %swap3A_1481 : vector<1x16xi32> to vector<16xi32>
    %swap3A_1483 = vector.shape_cast %add3A_1477 : vector<16xi32> to vector<1x16xi32>
    tpu.vector_store %arg7[%swap3A_1479, %swap3A_1480], %swap3A_1483 {strides = array<i32>} : memref<10x128xi32, #tpu.memory_space<vmem>>, vector<1x16xi32>,
    %get3A_1484 = arith.constant 816 : index
    %get3A_1485 = tpu.vector_load %arg5[%get3A_1484] {strides = array<i32>} : memref<2560xi32, #tpu.memory_space<vmem>>, vector<16xi32>,
    %get3A_1486 = vector.shape_cast %get3A_1485 : vector<16xi32> to vector<16xi32>
    %and3A_1487 = arith.constant 262143 : i32
    %and3A_1488 = vector.broadcast %and3A_1487 : i32 to vector<16xi32>
    %and3A_1489 = arith.andi %get3A_1486, %and3A_1488 : vector<16xi32>
    %add3A_1490 = vector.broadcast %mul3A_18 : i32 to vector<16xi32>
    %add3A_1491 = arith.addi %add3A_1490, %and3A_1489 : vector<16xi32>
    %swap3A_1492 = arith.constant 3 : i32
    %swap3A_1493 = arith.index_cast %swap3A_1492 : i32 to index
    %swap3A_1494 = arith.constant 48 : index
    %swap3A_1495 = tpu.vector_load %arg6[%swap3A_1493, %swap3A_1494] {strides = array<i32>} : memref<10x128xi32, #tpu.memory_space<vmem>>, vector<1x16xi32>,
    %swap3A_1496 = vector.shape_cast %swap3A_1495 : vector<1x16xi32> to vector<16xi32>
    %swap3A_1497 = vector.shape_cast %add3A_1491 : vector<16xi32> to vector<1x16xi32>
    tpu.vector_store %arg6[%swap3A_1493, %swap3A_1494], %swap3A_1497 {strides = array<i32>} : memref<10x128xi32, #tpu.memory_space<vmem>>, vector<1x16xi32>,
    %get3A_1498 = arith.constant 944 : index
    %get3A_1499 = tpu.vector_load %arg5[%get3A_1498] {strides = array<i32>} : memref<2560xi32, #tpu.memory_space<vmem>>, vector<16xi32>,
    %get3A_1500 = vector.shape_cast %get3A_1499 : vector<16xi32> to vector<16xi32>
    %and3A_1501 = arith.constant 262143 : i32
    %and3A_1502 = vector.broadcast %and3A_1501 : i32 to vector<16xi32>
    %and3A_1503 = arith.andi %get3A_1500, %and3A_1502 : vector<16xi32>
    %add3A_1504 = vector.broadcast %mul3A_18 : i32 to vector<16xi32>
    %add3A_1505 = arith.addi %add3A_1504, %and3A_1503 : vector<16xi32>
    %swap3A_1506 = arith.constant 3 : i32
    %swap3A_1507 = arith.index_cast %swap3A_1506 : i32 to index
    %swap3A_1508 = arith.constant 48 : index
    %swap3A_1509 = tpu.vector_load %arg7[%swap3A_1507, %swap3A_1508] {strides = array<i32>} : memref<10x128xi32, #tpu.memory_space<vmem>>, vector<1x16xi32>,
    %swap3A_1510 = vector.shape_cast %swap3A_1509 : vector<1x16xi32> to vector<16xi32>
    %swap3A_1511 = vector.shape_cast %add3A_1505 : vector<16xi32> to vector<1x16xi32>
    tpu.vector_store %arg7[%swap3A_1507, %swap3A_1508], %swap3A_1511 {strides = array<i32>} : memref<10x128xi32, #tpu.memory_space<vmem>>, vector<1x16xi32>,
    %get3A_1512 = arith.constant 832 : index
    %get3A_1513 = tpu.vector_load %arg5[%get3A_1512] {strides = array<i32>} : memref<2560xi32, #tpu.memory_space<vmem>>, vector<16xi32>,
    %get3A_1514 = vector.shape_cast %get3A_1513 : vector<16xi32> to vector<16xi32>
    %and3A_1515 = arith.constant 262143 : i32
    %and3A_1516 = vector.broadcast %and3A_1515 : i32 to vector<16xi32>
    %and3A_1517 = arith.andi %get3A_1514, %and3A_1516 : vector<16xi32>
    %add3A_1518 = vector.broadcast %mul3A_18 : i32 to vector<16xi32>
    %add3A_1519 = arith.addi %add3A_1518, %and3A_1517 : vector<16xi32>
    %swap3A_1520 = arith.constant 3 : i32
    %swap3A_1521 = arith.index_cast %swap3A_1520 : i32 to index
    %swap3A_1522 = arith.constant 64 : index
    %swap3A_1523 = tpu.vector_load %arg6[%swap3A_1521, %swap3A_1522] {strides = array<i32>} : memref<10x128xi32, #tpu.memory_space<vmem>>, vector<1x16xi32>,
    %swap3A_1524 = vector.shape_cast %swap3A_1523 : vector<1x16xi32> to vector<16xi32>
    %swap3A_1525 = vector.shape_cast %add3A_1519 : vector<16xi32> to vector<1x16xi32>
    tpu.vector_store %arg6[%swap3A_1521, %swap3A_1522], %swap3A_1525 {strides = array<i32>} : memref<10x128xi32, #tpu.memory_space<vmem>>, vector<1x16xi32>,
    %get3A_1526 = arith.constant 960 : index
    %get3A_1527 = tpu.vector_load %arg5[%get3A_1526] {strides = array<i32>} : memref<2560xi32, #tpu.memory_space<vmem>>, vector<16xi32>,
    %get3A_1528 = vector.shape_cast %get3A_1527 : vector<16xi32> to vector<16xi32>
    %and3A_1529 = arith.constant 262143 : i32
    %and3A_1530 = vector.broadcast %and3A_1529 : i32 to vector<16xi32>
    %and3A_1531 = arith.andi %get3A_1528, %and3A_1530 : vector<16xi32>
    %add3A_1532 = vector.broadcast %mul3A_18 : i32 to vector<16xi32>
    %add3A_1533 = arith.addi %add3A_1532, %and3A_1531 : vector<16xi32>
    %swap3A_1534 = arith.constant 3 : i32
    %swap3A_1535 = arith.index_cast %swap3A_1534 : i32 to index
    %swap3A_1536 = arith.constant 64 : index
    %swap3A_1537 = tpu.vector_load %arg7[%swap3A_1535, %swap3A_1536] {strides = array<i32>} : memref<10x128xi32, #tpu.memory_space<vmem>>, vector<1x16xi32>,
    %swap3A_1538 = vector.shape_cast %swap3A_1537 : vector<1x16xi32> to vector<16xi32>
    %swap3A_1539 = vector.shape_cast %add3A_1533 : vector<16xi32> to vector<1x16xi32>
    tpu.vector_store %arg7[%swap3A_1535, %swap3A_1536], %swap3A_1539 {strides = array<i32>} : memref<10x128xi32, #tpu.memory_space<vmem>>, vector<1x16xi32>,
    %get3A_1540 = arith.constant 848 : index
    %get3A_1541 = tpu.vector_load %arg5[%get3A_1540] {strides = array<i32>} : memref<2560xi32, #tpu.memory_space<vmem>>, vector<16xi32>,
    %get3A_1542 = vector.shape_cast %get3A_1541 : vector<16xi32> to vector<16xi32>
    %and3A_1543 = arith.constant 262143 : i32
    %and3A_1544 = vector.broadcast %and3A_1543 : i32 to vector<16xi32>
    %and3A_1545 = arith.andi %get3A_1542, %and3A_1544 : vector<16xi32>
    %add3A_1546 = vector.broadcast %mul3A_18 : i32 to vector<16xi32>
    %add3A_1547 = arith.addi %add3A_1546, %and3A_1545 : vector<16xi32>
    %swap3A_1548 = arith.constant 3 : i32
    %swap3A_1549 = arith.index_cast %swap3A_1548 : i32 to index
    %swap3A_1550 = arith.constant 80 : index
    %swap3A_1551 = tpu.vector_load %arg6[%swap3A_1549, %swap3A_1550] {strides = array<i32>} : memref<10x128xi32, #tpu.memory_space<vmem>>, vector<1x16xi32>,
    %swap3A_1552 = vector.shape_cast %swap3A_1551 : vector<1x16xi32> to vector<16xi32>
    %swap3A_1553 = vector.shape_cast %add3A_1547 : vector<16xi32> to vector<1x16xi32>
    tpu.vector_store %arg6[%swap3A_1549, %swap3A_1550], %swap3A_1553 {strides = array<i32>} : memref<10x128xi32, #tpu.memory_space<vmem>>, vector<1x16xi32>,
    %get3A_1554 = arith.constant 976 : index
    %get3A_1555 = tpu.vector_load %arg5[%get3A_1554] {strides = array<i32>} : memref<2560xi32, #tpu.memory_space<vmem>>, vector<16xi32>,
    %get3A_1556 = vector.shape_cast %get3A_1555 : vector<16xi32> to vector<16xi32>
    %and3A_1557 = arith.constant 262143 : i32
    %and3A_1558 = vector.broadcast %and3A_1557 : i32 to vector<16xi32>
    %and3A_1559 = arith.andi %get3A_1556, %and3A_1558 : vector<16xi32>
    %add3A_1560 = vector.broadcast %mul3A_18 : i32 to vector<16xi32>
    %add3A_1561 = arith.addi %add3A_1560, %and3A_1559 : vector<16xi32>
    %swap3A_1562 = arith.constant 3 : i32
    %swap3A_1563 = arith.index_cast %swap3A_1562 : i32 to index
    %swap3A_1564 = arith.constant 80 : index
    %swap3A_1565 = tpu.vector_load %arg7[%swap3A_1563, %swap3A_1564] {strides = array<i32>} : memref<10x128xi32, #tpu.memory_space<vmem>>, vector<1x16xi32>,
    %swap3A_1566 = vector.shape_cast %swap3A_1565 : vector<1x16xi32> to vector<16xi32>
    %swap3A_1567 = vector.shape_cast %add3A_1561 : vector<16xi32> to vector<1x16xi32>
    tpu.vector_store %arg7[%swap3A_1563, %swap3A_1564], %swap3A_1567 {strides = array<i32>} : memref<10x128xi32, #tpu.memory_space<vmem>>, vector<1x16xi32>,
    %get3A_1568 = arith.constant 864 : index
    %get3A_1569 = tpu.vector_load %arg5[%get3A_1568] {strides = array<i32>} : memref<2560xi32, #tpu.memory_space<vmem>>, vector<16xi32>,
    %get3A_1570 = vector.shape_cast %get3A_1569 : vector<16xi32> to vector<16xi32>
    %and3A_1571 = arith.constant 262143 : i32
    %and3A_1572 = vector.broadcast %and3A_1571 : i32 to vector<16xi32>
    %and3A_1573 = arith.andi %get3A_1570, %and3A_1572 : vector<16xi32>
    %add3A_1574 = vector.broadcast %mul3A_18 : i32 to vector<16xi32>
    %add3A_1575 = arith.addi %add3A_1574, %and3A_1573 : vector<16xi32>
    %swap3A_1576 = arith.constant 3 : i32
    %swap3A_1577 = arith.index_cast %swap3A_1576 : i32 to index
    %swap3A_1578 = arith.constant 96 : index
    %swap3A_1579 = tpu.vector_load %arg6[%swap3A_1577, %swap3A_1578] {strides = array<i32>} : memref<10x128xi32, #tpu.memory_space<vmem>>, vector<1x16xi32>,
    %swap3A_1580 = vector.shape_cast %swap3A_1579 : vector<1x16xi32> to vector<16xi32>
    %swap3A_1581 = vector.shape_cast %add3A_1575 : vector<16xi32> to vector<1x16xi32>
    tpu.vector_store %arg6[%swap3A_1577, %swap3A_1578], %swap3A_1581 {strides = array<i32>} : memref<10x128xi32, #tpu.memory_space<vmem>>, vector<1x16xi32>,
    %get3A_1582 = arith.constant 992 : index
    %get3A_1583 = tpu.vector_load %arg5[%get3A_1582] {strides = array<i32>} : memref<2560xi32, #tpu.memory_space<vmem>>, vector<16xi32>,
    %get3A_1584 = vector.shape_cast %get3A_1583 : vector<16xi32> to vector<16xi32>
    %and3A_1585 = arith.constant 262143 : i32
    %and3A_1586 = vector.broadcast %and3A_1585 : i32 to vector<16xi32>
    %and3A_1587 = arith.andi %get3A_1584, %and3A_1586 : vector<16xi32>
    %add3A_1588 = vector.broadcast %mul3A_18 : i32 to vector<16xi32>
    %add3A_1589 = arith.addi %add3A_1588, %and3A_1587 : vector<16xi32>
    %swap3A_1590 = arith.constant 3 : i32
    %swap3A_1591 = arith.index_cast %swap3A_1590 : i32 to index
    %swap3A_1592 = arith.constant 96 : index
    %swap3A_1593 = tpu.vector_load %arg7[%swap3A_1591, %swap3A_1592] {strides = array<i32>} : memref<10x128xi32, #tpu.memory_space<vmem>>, vector<1x16xi32>,
    %swap3A_1594 = vector.shape_cast %swap3A_1593 : vector<1x16xi32> to vector<16xi32>
    %swap3A_1595 = vector.shape_cast %add3A_1589 : vector<16xi32> to vector<1x16xi32>
    tpu.vector_store %arg7[%swap3A_1591, %swap3A_1592], %swap3A_1595 {strides = array<i32>} : memref<10x128xi32, #tpu.memory_space<vmem>>, vector<1x16xi32>,
    %get3A_1596 = arith.constant 880 : index
    %get3A_1597 = tpu.vector_load %arg5[%get3A_1596] {strides = array<i32>} : memref<2560xi32, #tpu.memory_space<vmem>>, vector<16xi32>,
    %get3A_1598 = vector.shape_cast %get3A_1597 : vector<16xi32> to vector<16xi32>
    %and3A_1599 = arith.constant 262143 : i32
    %and3A_1600 = vector.broadcast %and3A_1599 : i32 to vector<16xi32>
    %and3A_1601 = arith.andi %get3A_1598, %and3A_1600 : vector<16xi32>
    %add3A_1602 = vector.broadcast %mul3A_18 : i32 to vector<16xi32>
    %add3A_1603 = arith.addi %add3A_1602, %and3A_1601 : vector<16xi32>
    %swap3A_1604 = arith.constant 3 : i32
    %swap3A_1605 = arith.index_cast %swap3A_1604 : i32 to index
    %swap3A_1606 = arith.constant 112 : index
    %swap3A_1607 = tpu.vector_load %arg6[%swap3A_1605, %swap3A_1606] {strides = array<i32>} : memref<10x128xi32, #tpu.memory_space<vmem>>, vector<1x16xi32>,
    %swap3A_1608 = vector.shape_cast %swap3A_1607 : vector<1x16xi32> to vector<16xi32>
    %swap3A_1609 = vector.shape_cast %add3A_1603 : vector<16xi32> to vector<1x16xi32>
    tpu.vector_store %arg6[%swap3A_1605, %swap3A_1606], %swap3A_1609 {strides = array<i32>} : memref<10x128xi32, #tpu.memory_space<vmem>>, vector<1x16xi32>,
    %get3A_1610 = arith.constant 1008 : index
    %get3A_1611 = tpu.vector_load %arg5[%get3A_1610] {strides = array<i32>} : memref<2560xi32, #tpu.memory_space<vmem>>, vector<16xi32>,
    %get3A_1612 = vector.shape_cast %get3A_1611 : vector<16xi32> to vector<16xi32>
    %and3A_1613 = arith.constant 262143 : i32
    %and3A_1614 = vector.broadcast %and3A_1613 : i32 to vector<16xi32>
    %and3A_1615 = arith.andi %get3A_1612, %and3A_1614 : vector<16xi32>
    %add3A_1616 = vector.broadcast %mul3A_18 : i32 to vector<16xi32>
    %add3A_1617 = arith.addi %add3A_1616, %and3A_1615 : vector<16xi32>
    %swap3A_1618 = arith.constant 3 : i32
    %swap3A_1619 = arith.index_cast %swap3A_1618 : i32 to index
    %swap3A_1620 = arith.constant 112 : index
    %swap3A_1621 = tpu.vector_load %arg7[%swap3A_1619, %swap3A_1620] {strides = array<i32>} : memref<10x128xi32, #tpu.memory_space<vmem>>, vector<1x16xi32>,
    %swap3A_1622 = vector.shape_cast %swap3A_1621 : vector<1x16xi32> to vector<16xi32>
    %swap3A_1623 = vector.shape_cast %add3A_1617 : vector<16xi32> to vector<1x16xi32>
    tpu.vector_store %arg7[%swap3A_1619, %swap3A_1620], %swap3A_1623 {strides = array<i32>} : memref<10x128xi32, #tpu.memory_space<vmem>>, vector<1x16xi32>,
    %dma_start3A_1624 = arith.constant 3 : i32
    %dma_start3A_1625 = arith.constant 3 : i32
    %dma_start3A_1626 = arith.constant 3 : i32
    %dma_start3A_1627 = arith.constant 0 : i32
    %dma_start3A_1628 = tpu.memref_slice %arg8[%dma_start3A_1625, %dma_start3A_1627] : memref<10x128xf32, #tpu.memory_space<vmem>> -> memref<1x128xf32, #tpu.memory_space<vmem>>
    %dma_start3A_1629 = tpu.memref_squeeze %dma_start3A_1628 : memref<1x128xf32, #tpu.memory_space<vmem>> -> memref<128xf32, #tpu.memory_space<vmem>>
    %dma_start3A_1630 = arith.constant 0 : i32
    %dma_start3A_1631 = tpu.memref_slice %arg6[%dma_start3A_1624, %dma_start3A_1630] : memref<10x128xi32, #tpu.memory_space<vmem>> -> memref<1x128xi32, #tpu.memory_space<vmem>>
    %dma_start3A_1632 = tpu.memref_squeeze %dma_start3A_1631 : memref<1x128xi32, #tpu.memory_space<vmem>> -> memref<128xi32, #tpu.memory_space<vmem>>
    %dma_start3A_1633 = arith.constant 0 : i32
    %dma_start3A_1634 = tpu.memref_slice %arg2[%dma_start3A_1633] : memref<1179648xf32, #tpu.memory_space<hbm>> -> memref<1179648xf32, #tpu.memory_space<hbm>>
    %dma_start3A_1635 = tpu.memref_slice %arg11[%dma_start3A_1626] : memref<10x!tpu.dma_semaphore, #tpu.memory_space<semaphore_mem>> -> memref<1x!tpu.dma_semaphore, #tpu.memory_space<semaphore_mem>>
    %dma_start3A_1636 = tpu.memref_squeeze %dma_start3A_1635 : memref<1x!tpu.dma_semaphore, #tpu.memory_space<semaphore_mem>> -> memref<!tpu.dma_semaphore, #tpu.memory_space<semaphore_mem>>
    tpu.enqueue_indirect_dma source(%dma_start3A_1634 : memref<1179648xf32, #tpu.memory_space<hbm>>) target(%dma_start3A_1629 : memref<128xf32, #tpu.memory_space<vmem>>) offsets(%dma_start3A_1632 : memref<128xi32, #tpu.memory_space<vmem>>) semaphore(%dma_start3A_1636 : memref<!tpu.dma_semaphore, #tpu.memory_space<semaphore_mem>>)
    %dma_start3A_1637 = arith.constant 3 : i32
    %dma_start3A_1638 = arith.constant 3 : i32
    %dma_start3A_1639 = arith.constant 3 : i32
    %dma_start3A_1640 = arith.constant 0 : i32
    %dma_start3A_1641 = tpu.memref_slice %arg9[%dma_start3A_1638, %dma_start3A_1640] : memref<10x128xf32, #tpu.memory_space<vmem>> -> memref<1x128xf32, #tpu.memory_space<vmem>>
    %dma_start3A_1642 = tpu.memref_squeeze %dma_start3A_1641 : memref<1x128xf32, #tpu.memory_space<vmem>> -> memref<128xf32, #tpu.memory_space<vmem>>
    %dma_start3A_1643 = arith.constant 0 : i32
    %dma_start3A_1644 = tpu.memref_slice %arg7[%dma_start3A_1637, %dma_start3A_1643] : memref<10x128xi32, #tpu.memory_space<vmem>> -> memref<1x128xi32, #tpu.memory_space<vmem>>
    %dma_start3A_1645 = tpu.memref_squeeze %dma_start3A_1644 : memref<1x128xi32, #tpu.memory_space<vmem>> -> memref<128xi32, #tpu.memory_space<vmem>>
    %dma_start3A_1646 = arith.constant 0 : i32
    %dma_start3A_1647 = tpu.memref_slice %arg2[%dma_start3A_1646] : memref<1179648xf32, #tpu.memory_space<hbm>> -> memref<1179648xf32, #tpu.memory_space<hbm>>
    %dma_start3A_1648 = tpu.memref_slice %arg11[%dma_start3A_1639] : memref<10x!tpu.dma_semaphore, #tpu.memory_space<semaphore_mem>> -> memref<1x!tpu.dma_semaphore, #tpu.memory_space<semaphore_mem>>
    %dma_start3A_1649 = tpu.memref_squeeze %dma_start3A_1648 : memref<1x!tpu.dma_semaphore, #tpu.memory_space<semaphore_mem>> -> memref<!tpu.dma_semaphore, #tpu.memory_space<semaphore_mem>>
    tpu.enqueue_indirect_dma source(%dma_start3A_1647 : memref<1179648xf32, #tpu.memory_space<hbm>>) target(%dma_start3A_1642 : memref<128xf32, #tpu.memory_space<vmem>>) offsets(%dma_start3A_1645 : memref<128xi32, #tpu.memory_space<vmem>>) semaphore(%dma_start3A_1649 : memref<!tpu.dma_semaphore, #tpu.memory_space<semaphore_mem>>)
    %mul3A_1650 = arith.constant 10 : i32
    %mul3A_1651 = arith.muli %select_n3A_53, %mul3A_1650 : i32
    %add3A_1652 = arith.constant 4 : i32
    %add3A_1653 = arith.addi %mul3A_1651, %add3A_1652 : i32
    %shift_left3A_1654 = arith.constant 3 : i32
    %shift_left3A_1655 = arith.shli %add3A_1653, %shift_left3A_1654 : i32
    %jit3A_1656 = arith.constant 4 : i32
    %div3A_1657 = arith.divsi %add3A, %jit3A_1656 : i32
    %sign3A_1658 = arith.constant 0 : i32
    %sign3A_1659 = arith.cmpi sgt, %add3A, %sign3A_1658 : i32
    %sign3A_1660 = arith.extui %sign3A_1659 : i1 to i32
    %sign3A_1661 = arith.constant 0 : i32
    %sign3A_1662 = arith.cmpi slt, %add3A, %sign3A_1661 : i32
    %sign3A_1663 = arith.extui %sign3A_1662 : i1 to i32
    %sign3A_1664 = arith.subi %sign3A_1660, %sign3A_1663 : i32
    %sign3A_1665 = arith.constant 0 : i32
    %sign3A_1666 = arith.cmpi sgt, %jit3A_1656, %sign3A_1665 : i32
    %sign3A_1667 = arith.extui %sign3A_1666 : i1 to i32
    %sign3A_1668 = arith.constant 0 : i32
    %sign3A_1669 = arith.cmpi slt, %jit3A_1656, %sign3A_1668 : i32
    %sign3A_1670 = arith.extui %sign3A_1669 : i1 to i32
    %sign3A_1671 = arith.subi %sign3A_1667, %sign3A_1670 : i32
    %ne3A_1672 = arith.cmpi ne, %sign3A_1664, %sign3A_1671 : i32
    %rem3A_1673 = arith.remsi %add3A, %jit3A_1656 : i32
    %ne3A_1674 = arith.constant 0 : i32
    %ne3A_1675 = arith.cmpi ne, %rem3A_1673, %ne3A_1674 : i32
    %and3A_1676 = arith.andi %ne3A_1672, %ne3A_1675 : i1
    %sub3A_1677 = arith.constant 1 : i32
    %sub3A_1678 = arith.subi %div3A_1657, %sub3A_1677 : i32
    %select_n3A_1679 = arith.select %and3A_1676, %sub3A_1678, %div3A_1657 : i32
    %add3A_1680 = arith.addi %shift_left3A_1655, %select_n3A_1679 : i32
    %shift_left3A_1681 = arith.constant 8 : i32
    %shift_left3A_1682 = arith.shli %add3A_1680, %shift_left3A_1681 : i32
    %multiple_of3A_1683 = tpu.assume_multiple %shift_left3A_1682, 8 : i32
    %dma_wait3A_1684 = arith.constant 4 : i32
    %dma_wait3A_1685 = arith.constant 1024 : i32
    %dma_wait3A_1686 = tpu.memref_slice %arg5[%dma_wait3A_1685] : memref<2560xi32, #tpu.memory_space<vmem>> -> memref<256xi32, #tpu.memory_space<vmem>>
    %dma_wait3A_1687 = tpu.memref_slice %arg3[%multiple_of3A_1683] : memref<81920xi32, #tpu.memory_space<hbm>> -> memref<256xi32, #tpu.memory_space<hbm>>
    %dma_wait3A_1688 = tpu.memref_slice %arg12[%dma_wait3A_1684] : memref<10x!tpu.dma_semaphore, #tpu.memory_space<semaphore_mem>> -> memref<1x!tpu.dma_semaphore, #tpu.memory_space<semaphore_mem>>
    %dma_wait3A_1689 = tpu.memref_squeeze %dma_wait3A_1688 : memref<1x!tpu.dma_semaphore, #tpu.memory_space<semaphore_mem>> -> memref<!tpu.dma_semaphore, #tpu.memory_space<semaphore_mem>>
    %dma_wait3A_1690 = arith.constant 1024 : i32
    %dma_wait3A_1691 = tpu.memref_slice %arg5[%dma_wait3A_1690] : memref<2560xi32, #tpu.memory_space<vmem>> -> memref<256xi32, #tpu.memory_space<vmem>>
    %dma_wait3A_1692 = tpu.memref_slice %arg3[%multiple_of3A_1683] : memref<81920xi32, #tpu.memory_space<hbm>> -> memref<256xi32, #tpu.memory_space<hbm>>
    tpu.wait_dma2 semaphore(%dma_wait3A_1689 : memref<!tpu.dma_semaphore, #tpu.memory_space<semaphore_mem>>) src(%dma_wait3A_1692 : memref<256xi32, #tpu.memory_space<hbm>>) dst(%dma_wait3A_1691 : memref<256xi32, #tpu.memory_space<vmem>>)
    %get3A_1693 = arith.constant 1024 : index
    %get3A_1694 = tpu.vector_load %arg5[%get3A_1693] {strides = array<i32>} : memref<2560xi32, #tpu.memory_space<vmem>>, vector<16xi32>,
    %get3A_1695 = vector.shape_cast %get3A_1694 : vector<16xi32> to vector<16xi32>
    %and3A_1696 = arith.constant 262143 : i32
    %and3A_1697 = vector.broadcast %and3A_1696 : i32 to vector<16xi32>
    %and3A_1698 = arith.andi %get3A_1695, %and3A_1697 : vector<16xi32>
    %add3A_1699 = vector.broadcast %mul3A_18 : i32 to vector<16xi32>
    %add3A_1700 = arith.addi %add3A_1699, %and3A_1698 : vector<16xi32>
    %swap3A_1701 = arith.constant 4 : i32
    %swap3A_1702 = arith.index_cast %swap3A_1701 : i32 to index
    %swap3A_1703 = arith.constant 0 : index
    %swap3A_1704 = tpu.vector_load %arg6[%swap3A_1702, %swap3A_1703] {strides = array<i32>} : memref<10x128xi32, #tpu.memory_space<vmem>>, vector<1x16xi32>,
    %swap3A_1705 = vector.shape_cast %swap3A_1704 : vector<1x16xi32> to vector<16xi32>
    %swap3A_1706 = vector.shape_cast %add3A_1700 : vector<16xi32> to vector<1x16xi32>
    tpu.vector_store %arg6[%swap3A_1702, %swap3A_1703], %swap3A_1706 {strides = array<i32>} : memref<10x128xi32, #tpu.memory_space<vmem>>, vector<1x16xi32>,
    %get3A_1707 = arith.constant 1152 : index
    %get3A_1708 = tpu.vector_load %arg5[%get3A_1707] {strides = array<i32>} : memref<2560xi32, #tpu.memory_space<vmem>>, vector<16xi32>,
    %get3A_1709 = vector.shape_cast %get3A_1708 : vector<16xi32> to vector<16xi32>
    %and3A_1710 = arith.constant 262143 : i32
    %and3A_1711 = vector.broadcast %and3A_1710 : i32 to vector<16xi32>
    %and3A_1712 = arith.andi %get3A_1709, %and3A_1711 : vector<16xi32>
    %add3A_1713 = vector.broadcast %mul3A_18 : i32 to vector<16xi32>
    %add3A_1714 = arith.addi %add3A_1713, %and3A_1712 : vector<16xi32>
    %swap3A_1715 = arith.constant 4 : i32
    %swap3A_1716 = arith.index_cast %swap3A_1715 : i32 to index
    %swap3A_1717 = arith.constant 0 : index
    %swap3A_1718 = tpu.vector_load %arg7[%swap3A_1716, %swap3A_1717] {strides = array<i32>} : memref<10x128xi32, #tpu.memory_space<vmem>>, vector<1x16xi32>,
    %swap3A_1719 = vector.shape_cast %swap3A_1718 : vector<1x16xi32> to vector<16xi32>
    %swap3A_1720 = vector.shape_cast %add3A_1714 : vector<16xi32> to vector<1x16xi32>
    tpu.vector_store %arg7[%swap3A_1716, %swap3A_1717], %swap3A_1720 {strides = array<i32>} : memref<10x128xi32, #tpu.memory_space<vmem>>, vector<1x16xi32>,
    %get3A_1721 = arith.constant 1040 : index
    %get3A_1722 = tpu.vector_load %arg5[%get3A_1721] {strides = array<i32>} : memref<2560xi32, #tpu.memory_space<vmem>>, vector<16xi32>,
    %get3A_1723 = vector.shape_cast %get3A_1722 : vector<16xi32> to vector<16xi32>
    %and3A_1724 = arith.constant 262143 : i32
    %and3A_1725 = vector.broadcast %and3A_1724 : i32 to vector<16xi32>
    %and3A_1726 = arith.andi %get3A_1723, %and3A_1725 : vector<16xi32>
    %add3A_1727 = vector.broadcast %mul3A_18 : i32 to vector<16xi32>
    %add3A_1728 = arith.addi %add3A_1727, %and3A_1726 : vector<16xi32>
    %swap3A_1729 = arith.constant 4 : i32
    %swap3A_1730 = arith.index_cast %swap3A_1729 : i32 to index
    %swap3A_1731 = arith.constant 16 : index
    %swap3A_1732 = tpu.vector_load %arg6[%swap3A_1730, %swap3A_1731] {strides = array<i32>} : memref<10x128xi32, #tpu.memory_space<vmem>>, vector<1x16xi32>,
    %swap3A_1733 = vector.shape_cast %swap3A_1732 : vector<1x16xi32> to vector<16xi32>
    %swap3A_1734 = vector.shape_cast %add3A_1728 : vector<16xi32> to vector<1x16xi32>
    tpu.vector_store %arg6[%swap3A_1730, %swap3A_1731], %swap3A_1734 {strides = array<i32>} : memref<10x128xi32, #tpu.memory_space<vmem>>, vector<1x16xi32>,
    %get3A_1735 = arith.constant 1168 : index
    %get3A_1736 = tpu.vector_load %arg5[%get3A_1735] {strides = array<i32>} : memref<2560xi32, #tpu.memory_space<vmem>>, vector<16xi32>,
    %get3A_1737 = vector.shape_cast %get3A_1736 : vector<16xi32> to vector<16xi32>
    %and3A_1738 = arith.constant 262143 : i32
    %and3A_1739 = vector.broadcast %and3A_1738 : i32 to vector<16xi32>
    %and3A_1740 = arith.andi %get3A_1737, %and3A_1739 : vector<16xi32>
    %add3A_1741 = vector.broadcast %mul3A_18 : i32 to vector<16xi32>
    %add3A_1742 = arith.addi %add3A_1741, %and3A_1740 : vector<16xi32>
    %swap3A_1743 = arith.constant 4 : i32
    %swap3A_1744 = arith.index_cast %swap3A_1743 : i32 to index
    %swap3A_1745 = arith.constant 16 : index
    %swap3A_1746 = tpu.vector_load %arg7[%swap3A_1744, %swap3A_1745] {strides = array<i32>} : memref<10x128xi32, #tpu.memory_space<vmem>>, vector<1x16xi32>,
    %swap3A_1747 = vector.shape_cast %swap3A_1746 : vector<1x16xi32> to vector<16xi32>
    %swap3A_1748 = vector.shape_cast %add3A_1742 : vector<16xi32> to vector<1x16xi32>
    tpu.vector_store %arg7[%swap3A_1744, %swap3A_1745], %swap3A_1748 {strides = array<i32>} : memref<10x128xi32, #tpu.memory_space<vmem>>, vector<1x16xi32>,
    %get3A_1749 = arith.constant 1056 : index
    %get3A_1750 = tpu.vector_load %arg5[%get3A_1749] {strides = array<i32>} : memref<2560xi32, #tpu.memory_space<vmem>>, vector<16xi32>,
    %get3A_1751 = vector.shape_cast %get3A_1750 : vector<16xi32> to vector<16xi32>
    %and3A_1752 = arith.constant 262143 : i32
    %and3A_1753 = vector.broadcast %and3A_1752 : i32 to vector<16xi32>
    %and3A_1754 = arith.andi %get3A_1751, %and3A_1753 : vector<16xi32>
    %add3A_1755 = vector.broadcast %mul3A_18 : i32 to vector<16xi32>
    %add3A_1756 = arith.addi %add3A_1755, %and3A_1754 : vector<16xi32>
    %swap3A_1757 = arith.constant 4 : i32
    %swap3A_1758 = arith.index_cast %swap3A_1757 : i32 to index
    %swap3A_1759 = arith.constant 32 : index
    %swap3A_1760 = tpu.vector_load %arg6[%swap3A_1758, %swap3A_1759] {strides = array<i32>} : memref<10x128xi32, #tpu.memory_space<vmem>>, vector<1x16xi32>,
    %swap3A_1761 = vector.shape_cast %swap3A_1760 : vector<1x16xi32> to vector<16xi32>
    %swap3A_1762 = vector.shape_cast %add3A_1756 : vector<16xi32> to vector<1x16xi32>
    tpu.vector_store %arg6[%swap3A_1758, %swap3A_1759], %swap3A_1762 {strides = array<i32>} : memref<10x128xi32, #tpu.memory_space<vmem>>, vector<1x16xi32>,
    %get3A_1763 = arith.constant 1184 : index
    %get3A_1764 = tpu.vector_load %arg5[%get3A_1763] {strides = array<i32>} : memref<2560xi32, #tpu.memory_space<vmem>>, vector<16xi32>,
    %get3A_1765 = vector.shape_cast %get3A_1764 : vector<16xi32> to vector<16xi32>
    %and3A_1766 = arith.constant 262143 : i32
    %and3A_1767 = vector.broadcast %and3A_1766 : i32 to vector<16xi32>
    %and3A_1768 = arith.andi %get3A_1765, %and3A_1767 : vector<16xi32>
    %add3A_1769 = vector.broadcast %mul3A_18 : i32 to vector<16xi32>
    %add3A_1770 = arith.addi %add3A_1769, %and3A_1768 : vector<16xi32>
    %swap3A_1771 = arith.constant 4 : i32
    %swap3A_1772 = arith.index_cast %swap3A_1771 : i32 to index
    %swap3A_1773 = arith.constant 32 : index
    %swap3A_1774 = tpu.vector_load %arg7[%swap3A_1772, %swap3A_1773] {strides = array<i32>} : memref<10x128xi32, #tpu.memory_space<vmem>>, vector<1x16xi32>,
    %swap3A_1775 = vector.shape_cast %swap3A_1774 : vector<1x16xi32> to vector<16xi32>
    %swap3A_1776 = vector.shape_cast %add3A_1770 : vector<16xi32> to vector<1x16xi32>
    tpu.vector_store %arg7[%swap3A_1772, %swap3A_1773], %swap3A_1776 {strides = array<i32>} : memref<10x128xi32, #tpu.memory_space<vmem>>, vector<1x16xi32>,
    %get3A_1777 = arith.constant 1072 : index
    %get3A_1778 = tpu.vector_load %arg5[%get3A_1777] {strides = array<i32>} : memref<2560xi32, #tpu.memory_space<vmem>>, vector<16xi32>,
    %get3A_1779 = vector.shape_cast %get3A_1778 : vector<16xi32> to vector<16xi32>
    %and3A_1780 = arith.constant 262143 : i32
    %and3A_1781 = vector.broadcast %and3A_1780 : i32 to vector<16xi32>
    %and3A_1782 = arith.andi %get3A_1779, %and3A_1781 : vector<16xi32>
    %add3A_1783 = vector.broadcast %mul3A_18 : i32 to vector<16xi32>
    %add3A_1784 = arith.addi %add3A_1783, %and3A_1782 : vector<16xi32>
    %swap3A_1785 = arith.constant 4 : i32
    %swap3A_1786 = arith.index_cast %swap3A_1785 : i32 to index
    %swap3A_1787 = arith.constant 48 : index
    %swap3A_1788 = tpu.vector_load %arg6[%swap3A_1786, %swap3A_1787] {strides = array<i32>} : memref<10x128xi32, #tpu.memory_space<vmem>>, vector<1x16xi32>,
    %swap3A_1789 = vector.shape_cast %swap3A_1788 : vector<1x16xi32> to vector<16xi32>
    %swap3A_1790 = vector.shape_cast %add3A_1784 : vector<16xi32> to vector<1x16xi32>
    tpu.vector_store %arg6[%swap3A_1786, %swap3A_1787], %swap3A_1790 {strides = array<i32>} : memref<10x128xi32, #tpu.memory_space<vmem>>, vector<1x16xi32>,
    %get3A_1791 = arith.constant 1200 : index
    %get3A_1792 = tpu.vector_load %arg5[%get3A_1791] {strides = array<i32>} : memref<2560xi32, #tpu.memory_space<vmem>>, vector<16xi32>,
    %get3A_1793 = vector.shape_cast %get3A_1792 : vector<16xi32> to vector<16xi32>
    %and3A_1794 = arith.constant 262143 : i32
    %and3A_1795 = vector.broadcast %and3A_1794 : i32 to vector<16xi32>
    %and3A_1796 = arith.andi %get3A_1793, %and3A_1795 : vector<16xi32>
    %add3A_1797 = vector.broadcast %mul3A_18 : i32 to vector<16xi32>
    %add3A_1798 = arith.addi %add3A_1797, %and3A_1796 : vector<16xi32>
    %swap3A_1799 = arith.constant 4 : i32
    %swap3A_1800 = arith.index_cast %swap3A_1799 : i32 to index
    %swap3A_1801 = arith.constant 48 : index
    %swap3A_1802 = tpu.vector_load %arg7[%swap3A_1800, %swap3A_1801] {strides = array<i32>} : memref<10x128xi32, #tpu.memory_space<vmem>>, vector<1x16xi32>,
    %swap3A_1803 = vector.shape_cast %swap3A_1802 : vector<1x16xi32> to vector<16xi32>
    %swap3A_1804 = vector.shape_cast %add3A_1798 : vector<16xi32> to vector<1x16xi32>
    tpu.vector_store %arg7[%swap3A_1800, %swap3A_1801], %swap3A_1804 {strides = array<i32>} : memref<10x128xi32, #tpu.memory_space<vmem>>, vector<1x16xi32>,
    %get3A_1805 = arith.constant 1088 : index
    %get3A_1806 = tpu.vector_load %arg5[%get3A_1805] {strides = array<i32>} : memref<2560xi32, #tpu.memory_space<vmem>>, vector<16xi32>,
    %get3A_1807 = vector.shape_cast %get3A_1806 : vector<16xi32> to vector<16xi32>
    %and3A_1808 = arith.constant 262143 : i32
    %and3A_1809 = vector.broadcast %and3A_1808 : i32 to vector<16xi32>
    %and3A_1810 = arith.andi %get3A_1807, %and3A_1809 : vector<16xi32>
    %add3A_1811 = vector.broadcast %mul3A_18 : i32 to vector<16xi32>
    %add3A_1812 = arith.addi %add3A_1811, %and3A_1810 : vector<16xi32>
    %swap3A_1813 = arith.constant 4 : i32
    %swap3A_1814 = arith.index_cast %swap3A_1813 : i32 to index
    %swap3A_1815 = arith.constant 64 : index
    %swap3A_1816 = tpu.vector_load %arg6[%swap3A_1814, %swap3A_1815] {strides = array<i32>} : memref<10x128xi32, #tpu.memory_space<vmem>>, vector<1x16xi32>,
    %swap3A_1817 = vector.shape_cast %swap3A_1816 : vector<1x16xi32> to vector<16xi32>
    %swap3A_1818 = vector.shape_cast %add3A_1812 : vector<16xi32> to vector<1x16xi32>
    tpu.vector_store %arg6[%swap3A_1814, %swap3A_1815], %swap3A_1818 {strides = array<i32>} : memref<10x128xi32, #tpu.memory_space<vmem>>, vector<1x16xi32>,
    %get3A_1819 = arith.constant 1216 : index
    %get3A_1820 = tpu.vector_load %arg5[%get3A_1819] {strides = array<i32>} : memref<2560xi32, #tpu.memory_space<vmem>>, vector<16xi32>,
    %get3A_1821 = vector.shape_cast %get3A_1820 : vector<16xi32> to vector<16xi32>
    %and3A_1822 = arith.constant 262143 : i32
    %and3A_1823 = vector.broadcast %and3A_1822 : i32 to vector<16xi32>
    %and3A_1824 = arith.andi %get3A_1821, %and3A_1823 : vector<16xi32>
    %add3A_1825 = vector.broadcast %mul3A_18 : i32 to vector<16xi32>
    %add3A_1826 = arith.addi %add3A_1825, %and3A_1824 : vector<16xi32>
    %swap3A_1827 = arith.constant 4 : i32
    %swap3A_1828 = arith.index_cast %swap3A_1827 : i32 to index
    %swap3A_1829 = arith.constant 64 : index
    %swap3A_1830 = tpu.vector_load %arg7[%swap3A_1828, %swap3A_1829] {strides = array<i32>} : memref<10x128xi32, #tpu.memory_space<vmem>>, vector<1x16xi32>,
    %swap3A_1831 = vector.shape_cast %swap3A_1830 : vector<1x16xi32> to vector<16xi32>
    %swap3A_1832 = vector.shape_cast %add3A_1826 : vector<16xi32> to vector<1x16xi32>
    tpu.vector_store %arg7[%swap3A_1828, %swap3A_1829], %swap3A_1832 {strides = array<i32>} : memref<10x128xi32, #tpu.memory_space<vmem>>, vector<1x16xi32>,
    %get3A_1833 = arith.constant 1104 : index
    %get3A_1834 = tpu.vector_load %arg5[%get3A_1833] {strides = array<i32>} : memref<2560xi32, #tpu.memory_space<vmem>>, vector<16xi32>,
    %get3A_1835 = vector.shape_cast %get3A_1834 : vector<16xi32> to vector<16xi32>
    %and3A_1836 = arith.constant 262143 : i32
    %and3A_1837 = vector.broadcast %and3A_1836 : i32 to vector<16xi32>
    %and3A_1838 = arith.andi %get3A_1835, %and3A_1837 : vector<16xi32>
    %add3A_1839 = vector.broadcast %mul3A_18 : i32 to vector<16xi32>
    %add3A_1840 = arith.addi %add3A_1839, %and3A_1838 : vector<16xi32>
    %swap3A_1841 = arith.constant 4 : i32
    %swap3A_1842 = arith.index_cast %swap3A_1841 : i32 to index
    %swap3A_1843 = arith.constant 80 : index
    %swap3A_1844 = tpu.vector_load %arg6[%swap3A_1842, %swap3A_1843] {strides = array<i32>} : memref<10x128xi32, #tpu.memory_space<vmem>>, vector<1x16xi32>,
    %swap3A_1845 = vector.shape_cast %swap3A_1844 : vector<1x16xi32> to vector<16xi32>
    %swap3A_1846 = vector.shape_cast %add3A_1840 : vector<16xi32> to vector<1x16xi32>
    tpu.vector_store %arg6[%swap3A_1842, %swap3A_1843], %swap3A_1846 {strides = array<i32>} : memref<10x128xi32, #tpu.memory_space<vmem>>, vector<1x16xi32>,
    %get3A_1847 = arith.constant 1232 : index
    %get3A_1848 = tpu.vector_load %arg5[%get3A_1847] {strides = array<i32>} : memref<2560xi32, #tpu.memory_space<vmem>>, vector<16xi32>,
    %get3A_1849 = vector.shape_cast %get3A_1848 : vector<16xi32> to vector<16xi32>
    %and3A_1850 = arith.constant 262143 : i32
    %and3A_1851 = vector.broadcast %and3A_1850 : i32 to vector<16xi32>
    %and3A_1852 = arith.andi %get3A_1849, %and3A_1851 : vector<16xi32>
    %add3A_1853 = vector.broadcast %mul3A_18 : i32 to vector<16xi32>
    %add3A_1854 = arith.addi %add3A_1853, %and3A_1852 : vector<16xi32>
    %swap3A_1855 = arith.constant 4 : i32
    %swap3A_1856 = arith.index_cast %swap3A_1855 : i32 to index
    %swap3A_1857 = arith.constant 80 : index
    %swap3A_1858 = tpu.vector_load %arg7[%swap3A_1856, %swap3A_1857] {strides = array<i32>} : memref<10x128xi32, #tpu.memory_space<vmem>>, vector<1x16xi32>,
    %swap3A_1859 = vector.shape_cast %swap3A_1858 : vector<1x16xi32> to vector<16xi32>
    %swap3A_1860 = vector.shape_cast %add3A_1854 : vector<16xi32> to vector<1x16xi32>
    tpu.vector_store %arg7[%swap3A_1856, %swap3A_1857], %swap3A_1860 {strides = array<i32>} : memref<10x128xi32, #tpu.memory_space<vmem>>, vector<1x16xi32>,
    %get3A_1861 = arith.constant 1120 : index
    %get3A_1862 = tpu.vector_load %arg5[%get3A_1861] {strides = array<i32>} : memref<2560xi32, #tpu.memory_space<vmem>>, vector<16xi32>,
    %get3A_1863 = vector.shape_cast %get3A_1862 : vector<16xi32> to vector<16xi32>
    %and3A_1864 = arith.constant 262143 : i32
    %and3A_1865 = vector.broadcast %and3A_1864 : i32 to vector<16xi32>
    %and3A_1866 = arith.andi %get3A_1863, %and3A_1865 : vector<16xi32>
    %add3A_1867 = vector.broadcast %mul3A_18 : i32 to vector<16xi32>
    %add3A_1868 = arith.addi %add3A_1867, %and3A_1866 : vector<16xi32>
    %swap3A_1869 = arith.constant 4 : i32
    %swap3A_1870 = arith.index_cast %swap3A_1869 : i32 to index
    %swap3A_1871 = arith.constant 96 : index
    %swap3A_1872 = tpu.vector_load %arg6[%swap3A_1870, %swap3A_1871] {strides = array<i32>} : memref<10x128xi32, #tpu.memory_space<vmem>>, vector<1x16xi32>,
    %swap3A_1873 = vector.shape_cast %swap3A_1872 : vector<1x16xi32> to vector<16xi32>
    %swap3A_1874 = vector.shape_cast %add3A_1868 : vector<16xi32> to vector<1x16xi32>
    tpu.vector_store %arg6[%swap3A_1870, %swap3A_1871], %swap3A_1874 {strides = array<i32>} : memref<10x128xi32, #tpu.memory_space<vmem>>, vector<1x16xi32>,
    %get3A_1875 = arith.constant 1248 : index
    %get3A_1876 = tpu.vector_load %arg5[%get3A_1875] {strides = array<i32>} : memref<2560xi32, #tpu.memory_space<vmem>>, vector<16xi32>,
    %get3A_1877 = vector.shape_cast %get3A_1876 : vector<16xi32> to vector<16xi32>
    %and3A_1878 = arith.constant 262143 : i32
    %and3A_1879 = vector.broadcast %and3A_1878 : i32 to vector<16xi32>
    %and3A_1880 = arith.andi %get3A_1877, %and3A_1879 : vector<16xi32>
    %add3A_1881 = vector.broadcast %mul3A_18 : i32 to vector<16xi32>
    %add3A_1882 = arith.addi %add3A_1881, %and3A_1880 : vector<16xi32>
    %swap3A_1883 = arith.constant 4 : i32
    %swap3A_1884 = arith.index_cast %swap3A_1883 : i32 to index
    %swap3A_1885 = arith.constant 96 : index
    %swap3A_1886 = tpu.vector_load %arg7[%swap3A_1884, %swap3A_1885] {strides = array<i32>} : memref<10x128xi32, #tpu.memory_space<vmem>>, vector<1x16xi32>,
    %swap3A_1887 = vector.shape_cast %swap3A_1886 : vector<1x16xi32> to vector<16xi32>
    %swap3A_1888 = vector.shape_cast %add3A_1882 : vector<16xi32> to vector<1x16xi32>
    tpu.vector_store %arg7[%swap3A_1884, %swap3A_1885], %swap3A_1888 {strides = array<i32>} : memref<10x128xi32, #tpu.memory_space<vmem>>, vector<1x16xi32>,
    %get3A_1889 = arith.constant 1136 : index
    %get3A_1890 = tpu.vector_load %arg5[%get3A_1889] {strides = array<i32>} : memref<2560xi32, #tpu.memory_space<vmem>>, vector<16xi32>,
    %get3A_1891 = vector.shape_cast %get3A_1890 : vector<16xi32> to vector<16xi32>
    %and3A_1892 = arith.constant 262143 : i32
    %and3A_1893 = vector.broadcast %and3A_1892 : i32 to vector<16xi32>
    %and3A_1894 = arith.andi %get3A_1891, %and3A_1893 : vector<16xi32>
    %add3A_1895 = vector.broadcast %mul3A_18 : i32 to vector<16xi32>
    %add3A_1896 = arith.addi %add3A_1895, %and3A_1894 : vector<16xi32>
    %swap3A_1897 = arith.constant 4 : i32
    %swap3A_1898 = arith.index_cast %swap3A_1897 : i32 to index
    %swap3A_1899 = arith.constant 112 : index
    %swap3A_1900 = tpu.vector_load %arg6[%swap3A_1898, %swap3A_1899] {strides = array<i32>} : memref<10x128xi32, #tpu.memory_space<vmem>>, vector<1x16xi32>,
    %swap3A_1901 = vector.shape_cast %swap3A_1900 : vector<1x16xi32> to vector<16xi32>
    %swap3A_1902 = vector.shape_cast %add3A_1896 : vector<16xi32> to vector<1x16xi32>
    tpu.vector_store %arg6[%swap3A_1898, %swap3A_1899], %swap3A_1902 {strides = array<i32>} : memref<10x128xi32, #tpu.memory_space<vmem>>, vector<1x16xi32>,
    %get3A_1903 = arith.constant 1264 : index
    %get3A_1904 = tpu.vector_load %arg5[%get3A_1903] {strides = array<i32>} : memref<2560xi32, #tpu.memory_space<vmem>>, vector<16xi32>,
    %get3A_1905 = vector.shape_cast %get3A_1904 : vector<16xi32> to vector<16xi32>
    %and3A_1906 = arith.constant 262143 : i32
    %and3A_1907 = vector.broadcast %and3A_1906 : i32 to vector<16xi32>
    %and3A_1908 = arith.andi %get3A_1905, %and3A_1907 : vector<16xi32>
    %add3A_1909 = vector.broadcast %mul3A_18 : i32 to vector<16xi32>
    %add3A_1910 = arith.addi %add3A_1909, %and3A_1908 : vector<16xi32>
    %swap3A_1911 = arith.constant 4 : i32
    %swap3A_1912 = arith.index_cast %swap3A_1911 : i32 to index
    %swap3A_1913 = arith.constant 112 : index
    %swap3A_1914 = tpu.vector_load %arg7[%swap3A_1912, %swap3A_1913] {strides = array<i32>} : memref<10x128xi32, #tpu.memory_space<vmem>>, vector<1x16xi32>,
    %swap3A_1915 = vector.shape_cast %swap3A_1914 : vector<1x16xi32> to vector<16xi32>
    %swap3A_1916 = vector.shape_cast %add3A_1910 : vector<16xi32> to vector<1x16xi32>
    tpu.vector_store %arg7[%swap3A_1912, %swap3A_1913], %swap3A_1916 {strides = array<i32>} : memref<10x128xi32, #tpu.memory_space<vmem>>, vector<1x16xi32>,
    %dma_start3A_1917 = arith.constant 4 : i32
    %dma_start3A_1918 = arith.constant 4 : i32
    %dma_start3A_1919 = arith.constant 4 : i32
    %dma_start3A_1920 = arith.constant 0 : i32
    %dma_start3A_1921 = tpu.memref_slice %arg8[%dma_start3A_1918, %dma_start3A_1920] : memref<10x128xf32, #tpu.memory_space<vmem>> -> memref<1x128xf32, #tpu.memory_space<vmem>>
    %dma_start3A_1922 = tpu.memref_squeeze %dma_start3A_1921 : memref<1x128xf32, #tpu.memory_space<vmem>> -> memref<128xf32, #tpu.memory_space<vmem>>
    %dma_start3A_1923 = arith.constant 0 : i32
    %dma_start3A_1924 = tpu.memref_slice %arg6[%dma_start3A_1917, %dma_start3A_1923] : memref<10x128xi32, #tpu.memory_space<vmem>> -> memref<1x128xi32, #tpu.memory_space<vmem>>
    %dma_start3A_1925 = tpu.memref_squeeze %dma_start3A_1924 : memref<1x128xi32, #tpu.memory_space<vmem>> -> memref<128xi32, #tpu.memory_space<vmem>>
    %dma_start3A_1926 = arith.constant 0 : i32
    %dma_start3A_1927 = tpu.memref_slice %arg2[%dma_start3A_1926] : memref<1179648xf32, #tpu.memory_space<hbm>> -> memref<1179648xf32, #tpu.memory_space<hbm>>
    %dma_start3A_1928 = tpu.memref_slice %arg11[%dma_start3A_1919] : memref<10x!tpu.dma_semaphore, #tpu.memory_space<semaphore_mem>> -> memref<1x!tpu.dma_semaphore, #tpu.memory_space<semaphore_mem>>
    %dma_start3A_1929 = tpu.memref_squeeze %dma_start3A_1928 : memref<1x!tpu.dma_semaphore, #tpu.memory_space<semaphore_mem>> -> memref<!tpu.dma_semaphore, #tpu.memory_space<semaphore_mem>>
    tpu.enqueue_indirect_dma source(%dma_start3A_1927 : memref<1179648xf32, #tpu.memory_space<hbm>>) target(%dma_start3A_1922 : memref<128xf32, #tpu.memory_space<vmem>>) offsets(%dma_start3A_1925 : memref<128xi32, #tpu.memory_space<vmem>>) semaphore(%dma_start3A_1929 : memref<!tpu.dma_semaphore, #tpu.memory_space<semaphore_mem>>)
    %dma_start3A_1930 = arith.constant 4 : i32
    %dma_start3A_1931 = arith.constant 4 : i32
    %dma_start3A_1932 = arith.constant 4 : i32
    %dma_start3A_1933 = arith.constant 0 : i32
    %dma_start3A_1934 = tpu.memref_slice %arg9[%dma_start3A_1931, %dma_start3A_1933] : memref<10x128xf32, #tpu.memory_space<vmem>> -> memref<1x128xf32, #tpu.memory_space<vmem>>
    %dma_start3A_1935 = tpu.memref_squeeze %dma_start3A_1934 : memref<1x128xf32, #tpu.memory_space<vmem>> -> memref<128xf32, #tpu.memory_space<vmem>>
    %dma_start3A_1936 = arith.constant 0 : i32
    %dma_start3A_1937 = tpu.memref_slice %arg7[%dma_start3A_1930, %dma_start3A_1936] : memref<10x128xi32, #tpu.memory_space<vmem>> -> memref<1x128xi32, #tpu.memory_space<vmem>>
    %dma_start3A_1938 = tpu.memref_squeeze %dma_start3A_1937 : memref<1x128xi32, #tpu.memory_space<vmem>> -> memref<128xi32, #tpu.memory_space<vmem>>
    %dma_start3A_1939 = arith.constant 0 : i32
    %dma_start3A_1940 = tpu.memref_slice %arg2[%dma_start3A_1939] : memref<1179648xf32, #tpu.memory_space<hbm>> -> memref<1179648xf32, #tpu.memory_space<hbm>>
    %dma_start3A_1941 = tpu.memref_slice %arg11[%dma_start3A_1932] : memref<10x!tpu.dma_semaphore, #tpu.memory_space<semaphore_mem>> -> memref<1x!tpu.dma_semaphore, #tpu.memory_space<semaphore_mem>>
    %dma_start3A_1942 = tpu.memref_squeeze %dma_start3A_1941 : memref<1x!tpu.dma_semaphore, #tpu.memory_space<semaphore_mem>> -> memref<!tpu.dma_semaphore, #tpu.memory_space<semaphore_mem>>
    tpu.enqueue_indirect_dma source(%dma_start3A_1940 : memref<1179648xf32, #tpu.memory_space<hbm>>) target(%dma_start3A_1935 : memref<128xf32, #tpu.memory_space<vmem>>) offsets(%dma_start3A_1938 : memref<128xi32, #tpu.memory_space<vmem>>) semaphore(%dma_start3A_1942 : memref<!tpu.dma_semaphore, #tpu.memory_space<semaphore_mem>>)
    %mul3A_1943 = arith.constant 10 : i32
    %mul3A_1944 = arith.muli %select_n3A_53, %mul3A_1943 : i32
    %add3A_1945 = arith.constant 5 : i32
    %add3A_1946 = arith.addi %mul3A_1944, %add3A_1945 : i32
    %shift_left3A_1947 = arith.constant 3 : i32
    %shift_left3A_1948 = arith.shli %add3A_1946, %shift_left3A_1947 : i32
    %jit3A_1949 = arith.constant 4 : i32
    %div3A_1950 = arith.divsi %add3A, %jit3A_1949 : i32
    %sign3A_1951 = arith.constant 0 : i32
    %sign3A_1952 = arith.cmpi sgt, %add3A, %sign3A_1951 : i32
    %sign3A_1953 = arith.extui %sign3A_1952 : i1 to i32
    %sign3A_1954 = arith.constant 0 : i32
    %sign3A_1955 = arith.cmpi slt, %add3A, %sign3A_1954 : i32
    %sign3A_1956 = arith.extui %sign3A_1955 : i1 to i32
    %sign3A_1957 = arith.subi %sign3A_1953, %sign3A_1956 : i32
    %sign3A_1958 = arith.constant 0 : i32
    %sign3A_1959 = arith.cmpi sgt, %jit3A_1949, %sign3A_1958 : i32
    %sign3A_1960 = arith.extui %sign3A_1959 : i1 to i32
    %sign3A_1961 = arith.constant 0 : i32
    %sign3A_1962 = arith.cmpi slt, %jit3A_1949, %sign3A_1961 : i32
    %sign3A_1963 = arith.extui %sign3A_1962 : i1 to i32
    %sign3A_1964 = arith.subi %sign3A_1960, %sign3A_1963 : i32
    %ne3A_1965 = arith.cmpi ne, %sign3A_1957, %sign3A_1964 : i32
    %rem3A_1966 = arith.remsi %add3A, %jit3A_1949 : i32
    %ne3A_1967 = arith.constant 0 : i32
    %ne3A_1968 = arith.cmpi ne, %rem3A_1966, %ne3A_1967 : i32
    %and3A_1969 = arith.andi %ne3A_1965, %ne3A_1968 : i1
    %sub3A_1970 = arith.constant 1 : i32
    %sub3A_1971 = arith.subi %div3A_1950, %sub3A_1970 : i32
    %select_n3A_1972 = arith.select %and3A_1969, %sub3A_1971, %div3A_1950 : i32
    %add3A_1973 = arith.addi %shift_left3A_1948, %select_n3A_1972 : i32
    %shift_left3A_1974 = arith.constant 8 : i32
    %shift_left3A_1975 = arith.shli %add3A_1973, %shift_left3A_1974 : i32
    %multiple_of3A_1976 = tpu.assume_multiple %shift_left3A_1975, 8 : i32
    %dma_wait3A_1977 = arith.constant 5 : i32
    %dma_wait3A_1978 = arith.constant 1280 : i32
    %dma_wait3A_1979 = tpu.memref_slice %arg5[%dma_wait3A_1978] : memref<2560xi32, #tpu.memory_space<vmem>> -> memref<256xi32, #tpu.memory_space<vmem>>
    %dma_wait3A_1980 = tpu.memref_slice %arg3[%multiple_of3A_1976] : memref<81920xi32, #tpu.memory_space<hbm>> -> memref<256xi32, #tpu.memory_space<hbm>>
    %dma_wait3A_1981 = tpu.memref_slice %arg12[%dma_wait3A_1977] : memref<10x!tpu.dma_semaphore, #tpu.memory_space<semaphore_mem>> -> memref<1x!tpu.dma_semaphore, #tpu.memory_space<semaphore_mem>>
    %dma_wait3A_1982 = tpu.memref_squeeze %dma_wait3A_1981 : memref<1x!tpu.dma_semaphore, #tpu.memory_space<semaphore_mem>> -> memref<!tpu.dma_semaphore, #tpu.memory_space<semaphore_mem>>
    %dma_wait3A_1983 = arith.constant 1280 : i32
    %dma_wait3A_1984 = tpu.memref_slice %arg5[%dma_wait3A_1983] : memref<2560xi32, #tpu.memory_space<vmem>> -> memref<256xi32, #tpu.memory_space<vmem>>
    %dma_wait3A_1985 = tpu.memref_slice %arg3[%multiple_of3A_1976] : memref<81920xi32, #tpu.memory_space<hbm>> -> memref<256xi32, #tpu.memory_space<hbm>>
    tpu.wait_dma2 semaphore(%dma_wait3A_1982 : memref<!tpu.dma_semaphore, #tpu.memory_space<semaphore_mem>>) src(%dma_wait3A_1985 : memref<256xi32, #tpu.memory_space<hbm>>) dst(%dma_wait3A_1984 : memref<256xi32, #tpu.memory_space<vmem>>)
    %get3A_1986 = arith.constant 1280 : index
    %get3A_1987 = tpu.vector_load %arg5[%get3A_1986] {strides = array<i32>} : memref<2560xi32, #tpu.memory_space<vmem>>, vector<16xi32>,
    %get3A_1988 = vector.shape_cast %get3A_1987 : vector<16xi32> to vector<16xi32>
    %and3A_1989 = arith.constant 262143 : i32
    %and3A_1990 = vector.broadcast %and3A_1989 : i32 to vector<16xi32>
    %and3A_1991 = arith.andi %get3A_1988, %and3A_1990 : vector<16xi32>
    %add3A_1992 = vector.broadcast %mul3A_18 : i32 to vector<16xi32>
    %add3A_1993 = arith.addi %add3A_1992, %and3A_1991 : vector<16xi32>
    %swap3A_1994 = arith.constant 5 : i32
    %swap3A_1995 = arith.index_cast %swap3A_1994 : i32 to index
    %swap3A_1996 = arith.constant 0 : index
    %swap3A_1997 = tpu.vector_load %arg6[%swap3A_1995, %swap3A_1996] {strides = array<i32>} : memref<10x128xi32, #tpu.memory_space<vmem>>, vector<1x16xi32>,
    %swap3A_1998 = vector.shape_cast %swap3A_1997 : vector<1x16xi32> to vector<16xi32>
    %swap3A_1999 = vector.shape_cast %add3A_1993 : vector<16xi32> to vector<1x16xi32>
    tpu.vector_store %arg6[%swap3A_1995, %swap3A_1996], %swap3A_1999 {strides = array<i32>} : memref<10x128xi32, #tpu.memory_space<vmem>>, vector<1x16xi32>,
    %get3A_2000 = arith.constant 1408 : index
    %get3A_2001 = tpu.vector_load %arg5[%get3A_2000] {strides = array<i32>} : memref<2560xi32, #tpu.memory_space<vmem>>, vector<16xi32>,
    %get3A_2002 = vector.shape_cast %get3A_2001 : vector<16xi32> to vector<16xi32>
    %and3A_2003 = arith.constant 262143 : i32
    %and3A_2004 = vector.broadcast %and3A_2003 : i32 to vector<16xi32>
    %and3A_2005 = arith.andi %get3A_2002, %and3A_2004 : vector<16xi32>
    %add3A_2006 = vector.broadcast %mul3A_18 : i32 to vector<16xi32>
    %add3A_2007 = arith.addi %add3A_2006, %and3A_2005 : vector<16xi32>
    %swap3A_2008 = arith.constant 5 : i32
    %swap3A_2009 = arith.index_cast %swap3A_2008 : i32 to index
    %swap3A_2010 = arith.constant 0 : index
    %swap3A_2011 = tpu.vector_load %arg7[%swap3A_2009, %swap3A_2010] {strides = array<i32>} : memref<10x128xi32, #tpu.memory_space<vmem>>, vector<1x16xi32>,
    %swap3A_2012 = vector.shape_cast %swap3A_2011 : vector<1x16xi32> to vector<16xi32>
    %swap3A_2013 = vector.shape_cast %add3A_2007 : vector<16xi32> to vector<1x16xi32>
    tpu.vector_store %arg7[%swap3A_2009, %swap3A_2010], %swap3A_2013 {strides = array<i32>} : memref<10x128xi32, #tpu.memory_space<vmem>>, vector<1x16xi32>,
    %get3A_2014 = arith.constant 1296 : index
    %get3A_2015 = tpu.vector_load %arg5[%get3A_2014] {strides = array<i32>} : memref<2560xi32, #tpu.memory_space<vmem>>, vector<16xi32>,
    %get3A_2016 = vector.shape_cast %get3A_2015 : vector<16xi32> to vector<16xi32>
    %and3A_2017 = arith.constant 262143 : i32
    %and3A_2018 = vector.broadcast %and3A_2017 : i32 to vector<16xi32>
    %and3A_2019 = arith.andi %get3A_2016, %and3A_2018 : vector<16xi32>
    %add3A_2020 = vector.broadcast %mul3A_18 : i32 to vector<16xi32>
    %add3A_2021 = arith.addi %add3A_2020, %and3A_2019 : vector<16xi32>
    %swap3A_2022 = arith.constant 5 : i32
    %swap3A_2023 = arith.index_cast %swap3A_2022 : i32 to index
    %swap3A_2024 = arith.constant 16 : index
    %swap3A_2025 = tpu.vector_load %arg6[%swap3A_2023, %swap3A_2024] {strides = array<i32>} : memref<10x128xi32, #tpu.memory_space<vmem>>, vector<1x16xi32>,
    %swap3A_2026 = vector.shape_cast %swap3A_2025 : vector<1x16xi32> to vector<16xi32>
    %swap3A_2027 = vector.shape_cast %add3A_2021 : vector<16xi32> to vector<1x16xi32>
    tpu.vector_store %arg6[%swap3A_2023, %swap3A_2024], %swap3A_2027 {strides = array<i32>} : memref<10x128xi32, #tpu.memory_space<vmem>>, vector<1x16xi32>,
    %get3A_2028 = arith.constant 1424 : index
    %get3A_2029 = tpu.vector_load %arg5[%get3A_2028] {strides = array<i32>} : memref<2560xi32, #tpu.memory_space<vmem>>, vector<16xi32>,
    %get3A_2030 = vector.shape_cast %get3A_2029 : vector<16xi32> to vector<16xi32>
    %and3A_2031 = arith.constant 262143 : i32
    %and3A_2032 = vector.broadcast %and3A_2031 : i32 to vector<16xi32>
    %and3A_2033 = arith.andi %get3A_2030, %and3A_2032 : vector<16xi32>
    %add3A_2034 = vector.broadcast %mul3A_18 : i32 to vector<16xi32>
    %add3A_2035 = arith.addi %add3A_2034, %and3A_2033 : vector<16xi32>
    %swap3A_2036 = arith.constant 5 : i32
    %swap3A_2037 = arith.index_cast %swap3A_2036 : i32 to index
    %swap3A_2038 = arith.constant 16 : index
    %swap3A_2039 = tpu.vector_load %arg7[%swap3A_2037, %swap3A_2038] {strides = array<i32>} : memref<10x128xi32, #tpu.memory_space<vmem>>, vector<1x16xi32>,
    %swap3A_2040 = vector.shape_cast %swap3A_2039 : vector<1x16xi32> to vector<16xi32>
    %swap3A_2041 = vector.shape_cast %add3A_2035 : vector<16xi32> to vector<1x16xi32>
    tpu.vector_store %arg7[%swap3A_2037, %swap3A_2038], %swap3A_2041 {strides = array<i32>} : memref<10x128xi32, #tpu.memory_space<vmem>>, vector<1x16xi32>,
    %get3A_2042 = arith.constant 1312 : index
    %get3A_2043 = tpu.vector_load %arg5[%get3A_2042] {strides = array<i32>} : memref<2560xi32, #tpu.memory_space<vmem>>, vector<16xi32>,
    %get3A_2044 = vector.shape_cast %get3A_2043 : vector<16xi32> to vector<16xi32>
    %and3A_2045 = arith.constant 262143 : i32
    %and3A_2046 = vector.broadcast %and3A_2045 : i32 to vector<16xi32>
    %and3A_2047 = arith.andi %get3A_2044, %and3A_2046 : vector<16xi32>
    %add3A_2048 = vector.broadcast %mul3A_18 : i32 to vector<16xi32>
    %add3A_2049 = arith.addi %add3A_2048, %and3A_2047 : vector<16xi32>
    %swap3A_2050 = arith.constant 5 : i32
    %swap3A_2051 = arith.index_cast %swap3A_2050 : i32 to index
    %swap3A_2052 = arith.constant 32 : index
    %swap3A_2053 = tpu.vector_load %arg6[%swap3A_2051, %swap3A_2052] {strides = array<i32>} : memref<10x128xi32, #tpu.memory_space<vmem>>, vector<1x16xi32>,
    %swap3A_2054 = vector.shape_cast %swap3A_2053 : vector<1x16xi32> to vector<16xi32>
    %swap3A_2055 = vector.shape_cast %add3A_2049 : vector<16xi32> to vector<1x16xi32>
    tpu.vector_store %arg6[%swap3A_2051, %swap3A_2052], %swap3A_2055 {strides = array<i32>} : memref<10x128xi32, #tpu.memory_space<vmem>>, vector<1x16xi32>,
    %get3A_2056 = arith.constant 1440 : index
    %get3A_2057 = tpu.vector_load %arg5[%get3A_2056] {strides = array<i32>} : memref<2560xi32, #tpu.memory_space<vmem>>, vector<16xi32>,
    %get3A_2058 = vector.shape_cast %get3A_2057 : vector<16xi32> to vector<16xi32>
    %and3A_2059 = arith.constant 262143 : i32
    %and3A_2060 = vector.broadcast %and3A_2059 : i32 to vector<16xi32>
    %and3A_2061 = arith.andi %get3A_2058, %and3A_2060 : vector<16xi32>
    %add3A_2062 = vector.broadcast %mul3A_18 : i32 to vector<16xi32>
    %add3A_2063 = arith.addi %add3A_2062, %and3A_2061 : vector<16xi32>
    %swap3A_2064 = arith.constant 5 : i32
    %swap3A_2065 = arith.index_cast %swap3A_2064 : i32 to index
    %swap3A_2066 = arith.constant 32 : index
    %swap3A_2067 = tpu.vector_load %arg7[%swap3A_2065, %swap3A_2066] {strides = array<i32>} : memref<10x128xi32, #tpu.memory_space<vmem>>, vector<1x16xi32>,
    %swap3A_2068 = vector.shape_cast %swap3A_2067 : vector<1x16xi32> to vector<16xi32>
    %swap3A_2069 = vector.shape_cast %add3A_2063 : vector<16xi32> to vector<1x16xi32>
    tpu.vector_store %arg7[%swap3A_2065, %swap3A_2066], %swap3A_2069 {strides = array<i32>} : memref<10x128xi32, #tpu.memory_space<vmem>>, vector<1x16xi32>,
    %get3A_2070 = arith.constant 1328 : index
    %get3A_2071 = tpu.vector_load %arg5[%get3A_2070] {strides = array<i32>} : memref<2560xi32, #tpu.memory_space<vmem>>, vector<16xi32>,
    %get3A_2072 = vector.shape_cast %get3A_2071 : vector<16xi32> to vector<16xi32>
    %and3A_2073 = arith.constant 262143 : i32
    %and3A_2074 = vector.broadcast %and3A_2073 : i32 to vector<16xi32>
    %and3A_2075 = arith.andi %get3A_2072, %and3A_2074 : vector<16xi32>
    %add3A_2076 = vector.broadcast %mul3A_18 : i32 to vector<16xi32>
    %add3A_2077 = arith.addi %add3A_2076, %and3A_2075 : vector<16xi32>
    %swap3A_2078 = arith.constant 5 : i32
    %swap3A_2079 = arith.index_cast %swap3A_2078 : i32 to index
    %swap3A_2080 = arith.constant 48 : index
    %swap3A_2081 = tpu.vector_load %arg6[%swap3A_2079, %swap3A_2080] {strides = array<i32>} : memref<10x128xi32, #tpu.memory_space<vmem>>, vector<1x16xi32>,
    %swap3A_2082 = vector.shape_cast %swap3A_2081 : vector<1x16xi32> to vector<16xi32>
    %swap3A_2083 = vector.shape_cast %add3A_2077 : vector<16xi32> to vector<1x16xi32>
    tpu.vector_store %arg6[%swap3A_2079, %swap3A_2080], %swap3A_2083 {strides = array<i32>} : memref<10x128xi32, #tpu.memory_space<vmem>>, vector<1x16xi32>,
    %get3A_2084 = arith.constant 1456 : index
    %get3A_2085 = tpu.vector_load %arg5[%get3A_2084] {strides = array<i32>} : memref<2560xi32, #tpu.memory_space<vmem>>, vector<16xi32>,
    %get3A_2086 = vector.shape_cast %get3A_2085 : vector<16xi32> to vector<16xi32>
    %and3A_2087 = arith.constant 262143 : i32
    %and3A_2088 = vector.broadcast %and3A_2087 : i32 to vector<16xi32>
    %and3A_2089 = arith.andi %get3A_2086, %and3A_2088 : vector<16xi32>
    %add3A_2090 = vector.broadcast %mul3A_18 : i32 to vector<16xi32>
    %add3A_2091 = arith.addi %add3A_2090, %and3A_2089 : vector<16xi32>
    %swap3A_2092 = arith.constant 5 : i32
    %swap3A_2093 = arith.index_cast %swap3A_2092 : i32 to index
    %swap3A_2094 = arith.constant 48 : index
    %swap3A_2095 = tpu.vector_load %arg7[%swap3A_2093, %swap3A_2094] {strides = array<i32>} : memref<10x128xi32, #tpu.memory_space<vmem>>, vector<1x16xi32>,
    %swap3A_2096 = vector.shape_cast %swap3A_2095 : vector<1x16xi32> to vector<16xi32>
    %swap3A_2097 = vector.shape_cast %add3A_2091 : vector<16xi32> to vector<1x16xi32>
    tpu.vector_store %arg7[%swap3A_2093, %swap3A_2094], %swap3A_2097 {strides = array<i32>} : memref<10x128xi32, #tpu.memory_space<vmem>>, vector<1x16xi32>,
    %get3A_2098 = arith.constant 1344 : index
    %get3A_2099 = tpu.vector_load %arg5[%get3A_2098] {strides = array<i32>} : memref<2560xi32, #tpu.memory_space<vmem>>, vector<16xi32>,
    %get3A_2100 = vector.shape_cast %get3A_2099 : vector<16xi32> to vector<16xi32>
    %and3A_2101 = arith.constant 262143 : i32
    %and3A_2102 = vector.broadcast %and3A_2101 : i32 to vector<16xi32>
    %and3A_2103 = arith.andi %get3A_2100, %and3A_2102 : vector<16xi32>
    %add3A_2104 = vector.broadcast %mul3A_18 : i32 to vector<16xi32>
    %add3A_2105 = arith.addi %add3A_2104, %and3A_2103 : vector<16xi32>
    %swap3A_2106 = arith.constant 5 : i32
    %swap3A_2107 = arith.index_cast %swap3A_2106 : i32 to index
    %swap3A_2108 = arith.constant 64 : index
    %swap3A_2109 = tpu.vector_load %arg6[%swap3A_2107, %swap3A_2108] {strides = array<i32>} : memref<10x128xi32, #tpu.memory_space<vmem>>, vector<1x16xi32>,
    %swap3A_2110 = vector.shape_cast %swap3A_2109 : vector<1x16xi32> to vector<16xi32>
    %swap3A_2111 = vector.shape_cast %add3A_2105 : vector<16xi32> to vector<1x16xi32>
    tpu.vector_store %arg6[%swap3A_2107, %swap3A_2108], %swap3A_2111 {strides = array<i32>} : memref<10x128xi32, #tpu.memory_space<vmem>>, vector<1x16xi32>,
    %get3A_2112 = arith.constant 1472 : index
    %get3A_2113 = tpu.vector_load %arg5[%get3A_2112] {strides = array<i32>} : memref<2560xi32, #tpu.memory_space<vmem>>, vector<16xi32>,
    %get3A_2114 = vector.shape_cast %get3A_2113 : vector<16xi32> to vector<16xi32>
    %and3A_2115 = arith.constant 262143 : i32
    %and3A_2116 = vector.broadcast %and3A_2115 : i32 to vector<16xi32>
    %and3A_2117 = arith.andi %get3A_2114, %and3A_2116 : vector<16xi32>
    %add3A_2118 = vector.broadcast %mul3A_18 : i32 to vector<16xi32>
    %add3A_2119 = arith.addi %add3A_2118, %and3A_2117 : vector<16xi32>
    %swap3A_2120 = arith.constant 5 : i32
    %swap3A_2121 = arith.index_cast %swap3A_2120 : i32 to index
    %swap3A_2122 = arith.constant 64 : index
    %swap3A_2123 = tpu.vector_load %arg7[%swap3A_2121, %swap3A_2122] {strides = array<i32>} : memref<10x128xi32, #tpu.memory_space<vmem>>, vector<1x16xi32>,
    %swap3A_2124 = vector.shape_cast %swap3A_2123 : vector<1x16xi32> to vector<16xi32>
    %swap3A_2125 = vector.shape_cast %add3A_2119 : vector<16xi32> to vector<1x16xi32>
    tpu.vector_store %arg7[%swap3A_2121, %swap3A_2122], %swap3A_2125 {strides = array<i32>} : memref<10x128xi32, #tpu.memory_space<vmem>>, vector<1x16xi32>,
    %get3A_2126 = arith.constant 1360 : index
    %get3A_2127 = tpu.vector_load %arg5[%get3A_2126] {strides = array<i32>} : memref<2560xi32, #tpu.memory_space<vmem>>, vector<16xi32>,
    %get3A_2128 = vector.shape_cast %get3A_2127 : vector<16xi32> to vector<16xi32>
    %and3A_2129 = arith.constant 262143 : i32
    %and3A_2130 = vector.broadcast %and3A_2129 : i32 to vector<16xi32>
    %and3A_2131 = arith.andi %get3A_2128, %and3A_2130 : vector<16xi32>
    %add3A_2132 = vector.broadcast %mul3A_18 : i32 to vector<16xi32>
    %add3A_2133 = arith.addi %add3A_2132, %and3A_2131 : vector<16xi32>
    %swap3A_2134 = arith.constant 5 : i32
    %swap3A_2135 = arith.index_cast %swap3A_2134 : i32 to index
    %swap3A_2136 = arith.constant 80 : index
    %swap3A_2137 = tpu.vector_load %arg6[%swap3A_2135, %swap3A_2136] {strides = array<i32>} : memref<10x128xi32, #tpu.memory_space<vmem>>, vector<1x16xi32>,
    %swap3A_2138 = vector.shape_cast %swap3A_2137 : vector<1x16xi32> to vector<16xi32>
    %swap3A_2139 = vector.shape_cast %add3A_2133 : vector<16xi32> to vector<1x16xi32>
    tpu.vector_store %arg6[%swap3A_2135, %swap3A_2136], %swap3A_2139 {strides = array<i32>} : memref<10x128xi32, #tpu.memory_space<vmem>>, vector<1x16xi32>,
    %get3A_2140 = arith.constant 1488 : index
    %get3A_2141 = tpu.vector_load %arg5[%get3A_2140] {strides = array<i32>} : memref<2560xi32, #tpu.memory_space<vmem>>, vector<16xi32>,
    %get3A_2142 = vector.shape_cast %get3A_2141 : vector<16xi32> to vector<16xi32>
    %and3A_2143 = arith.constant 262143 : i32
    %and3A_2144 = vector.broadcast %and3A_2143 : i32 to vector<16xi32>
    %and3A_2145 = arith.andi %get3A_2142, %and3A_2144 : vector<16xi32>
    %add3A_2146 = vector.broadcast %mul3A_18 : i32 to vector<16xi32>
    %add3A_2147 = arith.addi %add3A_2146, %and3A_2145 : vector<16xi32>
    %swap3A_2148 = arith.constant 5 : i32
    %swap3A_2149 = arith.index_cast %swap3A_2148 : i32 to index
    %swap3A_2150 = arith.constant 80 : index
    %swap3A_2151 = tpu.vector_load %arg7[%swap3A_2149, %swap3A_2150] {strides = array<i32>} : memref<10x128xi32, #tpu.memory_space<vmem>>, vector<1x16xi32>,
    %swap3A_2152 = vector.shape_cast %swap3A_2151 : vector<1x16xi32> to vector<16xi32>
    %swap3A_2153 = vector.shape_cast %add3A_2147 : vector<16xi32> to vector<1x16xi32>
    tpu.vector_store %arg7[%swap3A_2149, %swap3A_2150], %swap3A_2153 {strides = array<i32>} : memref<10x128xi32, #tpu.memory_space<vmem>>, vector<1x16xi32>,
    %get3A_2154 = arith.constant 1376 : index
    %get3A_2155 = tpu.vector_load %arg5[%get3A_2154] {strides = array<i32>} : memref<2560xi32, #tpu.memory_space<vmem>>, vector<16xi32>,
    %get3A_2156 = vector.shape_cast %get3A_2155 : vector<16xi32> to vector<16xi32>
    %and3A_2157 = arith.constant 262143 : i32
    %and3A_2158 = vector.broadcast %and3A_2157 : i32 to vector<16xi32>
    %and3A_2159 = arith.andi %get3A_2156, %and3A_2158 : vector<16xi32>
    %add3A_2160 = vector.broadcast %mul3A_18 : i32 to vector<16xi32>
    %add3A_2161 = arith.addi %add3A_2160, %and3A_2159 : vector<16xi32>
    %swap3A_2162 = arith.constant 5 : i32
    %swap3A_2163 = arith.index_cast %swap3A_2162 : i32 to index
    %swap3A_2164 = arith.constant 96 : index
    %swap3A_2165 = tpu.vector_load %arg6[%swap3A_2163, %swap3A_2164] {strides = array<i32>} : memref<10x128xi32, #tpu.memory_space<vmem>>, vector<1x16xi32>,
    %swap3A_2166 = vector.shape_cast %swap3A_2165 : vector<1x16xi32> to vector<16xi32>
    %swap3A_2167 = vector.shape_cast %add3A_2161 : vector<16xi32> to vector<1x16xi32>
    tpu.vector_store %arg6[%swap3A_2163, %swap3A_2164], %swap3A_2167 {strides = array<i32>} : memref<10x128xi32, #tpu.memory_space<vmem>>, vector<1x16xi32>,
    %get3A_2168 = arith.constant 1504 : index
    %get3A_2169 = tpu.vector_load %arg5[%get3A_2168] {strides = array<i32>} : memref<2560xi32, #tpu.memory_space<vmem>>, vector<16xi32>,
    %get3A_2170 = vector.shape_cast %get3A_2169 : vector<16xi32> to vector<16xi32>
    %and3A_2171 = arith.constant 262143 : i32
    %and3A_2172 = vector.broadcast %and3A_2171 : i32 to vector<16xi32>
    %and3A_2173 = arith.andi %get3A_2170, %and3A_2172 : vector<16xi32>
    %add3A_2174 = vector.broadcast %mul3A_18 : i32 to vector<16xi32>
    %add3A_2175 = arith.addi %add3A_2174, %and3A_2173 : vector<16xi32>
    %swap3A_2176 = arith.constant 5 : i32
    %swap3A_2177 = arith.index_cast %swap3A_2176 : i32 to index
    %swap3A_2178 = arith.constant 96 : index
    %swap3A_2179 = tpu.vector_load %arg7[%swap3A_2177, %swap3A_2178] {strides = array<i32>} : memref<10x128xi32, #tpu.memory_space<vmem>>, vector<1x16xi32>,
    %swap3A_2180 = vector.shape_cast %swap3A_2179 : vector<1x16xi32> to vector<16xi32>
    %swap3A_2181 = vector.shape_cast %add3A_2175 : vector<16xi32> to vector<1x16xi32>
    tpu.vector_store %arg7[%swap3A_2177, %swap3A_2178], %swap3A_2181 {strides = array<i32>} : memref<10x128xi32, #tpu.memory_space<vmem>>, vector<1x16xi32>,
    %get3A_2182 = arith.constant 1392 : index
    %get3A_2183 = tpu.vector_load %arg5[%get3A_2182] {strides = array<i32>} : memref<2560xi32, #tpu.memory_space<vmem>>, vector<16xi32>,
    %get3A_2184 = vector.shape_cast %get3A_2183 : vector<16xi32> to vector<16xi32>
    %and3A_2185 = arith.constant 262143 : i32
    %and3A_2186 = vector.broadcast %and3A_2185 : i32 to vector<16xi32>
    %and3A_2187 = arith.andi %get3A_2184, %and3A_2186 : vector<16xi32>
    %add3A_2188 = vector.broadcast %mul3A_18 : i32 to vector<16xi32>
    %add3A_2189 = arith.addi %add3A_2188, %and3A_2187 : vector<16xi32>
    %swap3A_2190 = arith.constant 5 : i32
    %swap3A_2191 = arith.index_cast %swap3A_2190 : i32 to index
    %swap3A_2192 = arith.constant 112 : index
    %swap3A_2193 = tpu.vector_load %arg6[%swap3A_2191, %swap3A_2192] {strides = array<i32>} : memref<10x128xi32, #tpu.memory_space<vmem>>, vector<1x16xi32>,
    %swap3A_2194 = vector.shape_cast %swap3A_2193 : vector<1x16xi32> to vector<16xi32>
    %swap3A_2195 = vector.shape_cast %add3A_2189 : vector<16xi32> to vector<1x16xi32>
    tpu.vector_store %arg6[%swap3A_2191, %swap3A_2192], %swap3A_2195 {strides = array<i32>} : memref<10x128xi32, #tpu.memory_space<vmem>>, vector<1x16xi32>,
    %get3A_2196 = arith.constant 1520 : index
    %get3A_2197 = tpu.vector_load %arg5[%get3A_2196] {strides = array<i32>} : memref<2560xi32, #tpu.memory_space<vmem>>, vector<16xi32>,
    %get3A_2198 = vector.shape_cast %get3A_2197 : vector<16xi32> to vector<16xi32>
    %and3A_2199 = arith.constant 262143 : i32
    %and3A_2200 = vector.broadcast %and3A_2199 : i32 to vector<16xi32>
    %and3A_2201 = arith.andi %get3A_2198, %and3A_2200 : vector<16xi32>
    %add3A_2202 = vector.broadcast %mul3A_18 : i32 to vector<16xi32>
    %add3A_2203 = arith.addi %add3A_2202, %and3A_2201 : vector<16xi32>
    %swap3A_2204 = arith.constant 5 : i32
    %swap3A_2205 = arith.index_cast %swap3A_2204 : i32 to index
    %swap3A_2206 = arith.constant 112 : index
    %swap3A_2207 = tpu.vector_load %arg7[%swap3A_2205, %swap3A_2206] {strides = array<i32>} : memref<10x128xi32, #tpu.memory_space<vmem>>, vector<1x16xi32>,
    %swap3A_2208 = vector.shape_cast %swap3A_2207 : vector<1x16xi32> to vector<16xi32>
    %swap3A_2209 = vector.shape_cast %add3A_2203 : vector<16xi32> to vector<1x16xi32>
    tpu.vector_store %arg7[%swap3A_2205, %swap3A_2206], %swap3A_2209 {strides = array<i32>} : memref<10x128xi32, #tpu.memory_space<vmem>>, vector<1x16xi32>,
    %dma_start3A_2210 = arith.constant 5 : i32
    %dma_start3A_2211 = arith.constant 5 : i32
    %dma_start3A_2212 = arith.constant 5 : i32
    %dma_start3A_2213 = arith.constant 0 : i32
    %dma_start3A_2214 = tpu.memref_slice %arg8[%dma_start3A_2211, %dma_start3A_2213] : memref<10x128xf32, #tpu.memory_space<vmem>> -> memref<1x128xf32, #tpu.memory_space<vmem>>
    %dma_start3A_2215 = tpu.memref_squeeze %dma_start3A_2214 : memref<1x128xf32, #tpu.memory_space<vmem>> -> memref<128xf32, #tpu.memory_space<vmem>>
    %dma_start3A_2216 = arith.constant 0 : i32
    %dma_start3A_2217 = tpu.memref_slice %arg6[%dma_start3A_2210, %dma_start3A_2216] : memref<10x128xi32, #tpu.memory_space<vmem>> -> memref<1x128xi32, #tpu.memory_space<vmem>>
    %dma_start3A_2218 = tpu.memref_squeeze %dma_start3A_2217 : memref<1x128xi32, #tpu.memory_space<vmem>> -> memref<128xi32, #tpu.memory_space<vmem>>
    %dma_start3A_2219 = arith.constant 0 : i32
    %dma_start3A_2220 = tpu.memref_slice %arg2[%dma_start3A_2219] : memref<1179648xf32, #tpu.memory_space<hbm>> -> memref<1179648xf32, #tpu.memory_space<hbm>>
    %dma_start3A_2221 = tpu.memref_slice %arg11[%dma_start3A_2212] : memref<10x!tpu.dma_semaphore, #tpu.memory_space<semaphore_mem>> -> memref<1x!tpu.dma_semaphore, #tpu.memory_space<semaphore_mem>>
    %dma_start3A_2222 = tpu.memref_squeeze %dma_start3A_2221 : memref<1x!tpu.dma_semaphore, #tpu.memory_space<semaphore_mem>> -> memref<!tpu.dma_semaphore, #tpu.memory_space<semaphore_mem>>
    tpu.enqueue_indirect_dma source(%dma_start3A_2220 : memref<1179648xf32, #tpu.memory_space<hbm>>) target(%dma_start3A_2215 : memref<128xf32, #tpu.memory_space<vmem>>) offsets(%dma_start3A_2218 : memref<128xi32, #tpu.memory_space<vmem>>) semaphore(%dma_start3A_2222 : memref<!tpu.dma_semaphore, #tpu.memory_space<semaphore_mem>>)
    %dma_start3A_2223 = arith.constant 5 : i32
    %dma_start3A_2224 = arith.constant 5 : i32
    %dma_start3A_2225 = arith.constant 5 : i32
    %dma_start3A_2226 = arith.constant 0 : i32
    %dma_start3A_2227 = tpu.memref_slice %arg9[%dma_start3A_2224, %dma_start3A_2226] : memref<10x128xf32, #tpu.memory_space<vmem>> -> memref<1x128xf32, #tpu.memory_space<vmem>>
    %dma_start3A_2228 = tpu.memref_squeeze %dma_start3A_2227 : memref<1x128xf32, #tpu.memory_space<vmem>> -> memref<128xf32, #tpu.memory_space<vmem>>
    %dma_start3A_2229 = arith.constant 0 : i32
    %dma_start3A_2230 = tpu.memref_slice %arg7[%dma_start3A_2223, %dma_start3A_2229] : memref<10x128xi32, #tpu.memory_space<vmem>> -> memref<1x128xi32, #tpu.memory_space<vmem>>
    %dma_start3A_2231 = tpu.memref_squeeze %dma_start3A_2230 : memref<1x128xi32, #tpu.memory_space<vmem>> -> memref<128xi32, #tpu.memory_space<vmem>>
    %dma_start3A_2232 = arith.constant 0 : i32
    %dma_start3A_2233 = tpu.memref_slice %arg2[%dma_start3A_2232] : memref<1179648xf32, #tpu.memory_space<hbm>> -> memref<1179648xf32, #tpu.memory_space<hbm>>
    %dma_start3A_2234 = tpu.memref_slice %arg11[%dma_start3A_2225] : memref<10x!tpu.dma_semaphore, #tpu.memory_space<semaphore_mem>> -> memref<1x!tpu.dma_semaphore, #tpu.memory_space<semaphore_mem>>
    %dma_start3A_2235 = tpu.memref_squeeze %dma_start3A_2234 : memref<1x!tpu.dma_semaphore, #tpu.memory_space<semaphore_mem>> -> memref<!tpu.dma_semaphore, #tpu.memory_space<semaphore_mem>>
    tpu.enqueue_indirect_dma source(%dma_start3A_2233 : memref<1179648xf32, #tpu.memory_space<hbm>>) target(%dma_start3A_2228 : memref<128xf32, #tpu.memory_space<vmem>>) offsets(%dma_start3A_2231 : memref<128xi32, #tpu.memory_space<vmem>>) semaphore(%dma_start3A_2235 : memref<!tpu.dma_semaphore, #tpu.memory_space<semaphore_mem>>)
    %mul3A_2236 = arith.constant 10 : i32
    %mul3A_2237 = arith.muli %select_n3A_53, %mul3A_2236 : i32
    %add3A_2238 = arith.constant 6 : i32
    %add3A_2239 = arith.addi %mul3A_2237, %add3A_2238 : i32
    %shift_left3A_2240 = arith.constant 3 : i32
    %shift_left3A_2241 = arith.shli %add3A_2239, %shift_left3A_2240 : i32
    %jit3A_2242 = arith.constant 4 : i32
    %div3A_2243 = arith.divsi %add3A, %jit3A_2242 : i32
    %sign3A_2244 = arith.constant 0 : i32
    %sign3A_2245 = arith.cmpi sgt, %add3A, %sign3A_2244 : i32
    %sign3A_2246 = arith.extui %sign3A_2245 : i1 to i32
    %sign3A_2247 = arith.constant 0 : i32
    %sign3A_2248 = arith.cmpi slt, %add3A, %sign3A_2247 : i32
    %sign3A_2249 = arith.extui %sign3A_2248 : i1 to i32
    %sign3A_2250 = arith.subi %sign3A_2246, %sign3A_2249 : i32
    %sign3A_2251 = arith.constant 0 : i32
    %sign3A_2252 = arith.cmpi sgt, %jit3A_2242, %sign3A_2251 : i32
    %sign3A_2253 = arith.extui %sign3A_2252 : i1 to i32
    %sign3A_2254 = arith.constant 0 : i32
    %sign3A_2255 = arith.cmpi slt, %jit3A_2242, %sign3A_2254 : i32
    %sign3A_2256 = arith.extui %sign3A_2255 : i1 to i32
    %sign3A_2257 = arith.subi %sign3A_2253, %sign3A_2256 : i32
    %ne3A_2258 = arith.cmpi ne, %sign3A_2250, %sign3A_2257 : i32
    %rem3A_2259 = arith.remsi %add3A, %jit3A_2242 : i32
    %ne3A_2260 = arith.constant 0 : i32
    %ne3A_2261 = arith.cmpi ne, %rem3A_2259, %ne3A_2260 : i32
    %and3A_2262 = arith.andi %ne3A_2258, %ne3A_2261 : i1
    %sub3A_2263 = arith.constant 1 : i32
    %sub3A_2264 = arith.subi %div3A_2243, %sub3A_2263 : i32
    %select_n3A_2265 = arith.select %and3A_2262, %sub3A_2264, %div3A_2243 : i32
    %add3A_2266 = arith.addi %shift_left3A_2241, %select_n3A_2265 : i32
    %shift_left3A_2267 = arith.constant 8 : i32
    %shift_left3A_2268 = arith.shli %add3A_2266, %shift_left3A_2267 : i32
    %multiple_of3A_2269 = tpu.assume_multiple %shift_left3A_2268, 8 : i32
    %dma_wait3A_2270 = arith.constant 6 : i32
    %dma_wait3A_2271 = arith.constant 1536 : i32
    %dma_wait3A_2272 = tpu.memref_slice %arg5[%dma_wait3A_2271] : memref<2560xi32, #tpu.memory_space<vmem>> -> memref<256xi32, #tpu.memory_space<vmem>>
    %dma_wait3A_2273 = tpu.memref_slice %arg3[%multiple_of3A_2269] : memref<81920xi32, #tpu.memory_space<hbm>> -> memref<256xi32, #tpu.memory_space<hbm>>
    %dma_wait3A_2274 = tpu.memref_slice %arg12[%dma_wait3A_2270] : memref<10x!tpu.dma_semaphore, #tpu.memory_space<semaphore_mem>> -> memref<1x!tpu.dma_semaphore, #tpu.memory_space<semaphore_mem>>
    %dma_wait3A_2275 = tpu.memref_squeeze %dma_wait3A_2274 : memref<1x!tpu.dma_semaphore, #tpu.memory_space<semaphore_mem>> -> memref<!tpu.dma_semaphore, #tpu.memory_space<semaphore_mem>>
    %dma_wait3A_2276 = arith.constant 1536 : i32
    %dma_wait3A_2277 = tpu.memref_slice %arg5[%dma_wait3A_2276] : memref<2560xi32, #tpu.memory_space<vmem>> -> memref<256xi32, #tpu.memory_space<vmem>>
    %dma_wait3A_2278 = tpu.memref_slice %arg3[%multiple_of3A_2269] : memref<81920xi32, #tpu.memory_space<hbm>> -> memref<256xi32, #tpu.memory_space<hbm>>
    tpu.wait_dma2 semaphore(%dma_wait3A_2275 : memref<!tpu.dma_semaphore, #tpu.memory_space<semaphore_mem>>) src(%dma_wait3A_2278 : memref<256xi32, #tpu.memory_space<hbm>>) dst(%dma_wait3A_2277 : memref<256xi32, #tpu.memory_space<vmem>>)
    %get3A_2279 = arith.constant 1536 : index
    %get3A_2280 = tpu.vector_load %arg5[%get3A_2279] {strides = array<i32>} : memref<2560xi32, #tpu.memory_space<vmem>>, vector<16xi32>,
    %get3A_2281 = vector.shape_cast %get3A_2280 : vector<16xi32> to vector<16xi32>
    %and3A_2282 = arith.constant 262143 : i32
    %and3A_2283 = vector.broadcast %and3A_2282 : i32 to vector<16xi32>
    %and3A_2284 = arith.andi %get3A_2281, %and3A_2283 : vector<16xi32>
    %add3A_2285 = vector.broadcast %mul3A_18 : i32 to vector<16xi32>
    %add3A_2286 = arith.addi %add3A_2285, %and3A_2284 : vector<16xi32>
    %swap3A_2287 = arith.constant 6 : i32
    %swap3A_2288 = arith.index_cast %swap3A_2287 : i32 to index
    %swap3A_2289 = arith.constant 0 : index
    %swap3A_2290 = tpu.vector_load %arg6[%swap3A_2288, %swap3A_2289] {strides = array<i32>} : memref<10x128xi32, #tpu.memory_space<vmem>>, vector<1x16xi32>,
    %swap3A_2291 = vector.shape_cast %swap3A_2290 : vector<1x16xi32> to vector<16xi32>
    %swap3A_2292 = vector.shape_cast %add3A_2286 : vector<16xi32> to vector<1x16xi32>
    tpu.vector_store %arg6[%swap3A_2288, %swap3A_2289], %swap3A_2292 {strides = array<i32>} : memref<10x128xi32, #tpu.memory_space<vmem>>, vector<1x16xi32>,
    %get3A_2293 = arith.constant 1664 : index
    %get3A_2294 = tpu.vector_load %arg5[%get3A_2293] {strides = array<i32>} : memref<2560xi32, #tpu.memory_space<vmem>>, vector<16xi32>,
    %get3A_2295 = vector.shape_cast %get3A_2294 : vector<16xi32> to vector<16xi32>
    %and3A_2296 = arith.constant 262143 : i32
    %and3A_2297 = vector.broadcast %and3A_2296 : i32 to vector<16xi32>
    %and3A_2298 = arith.andi %get3A_2295, %and3A_2297 : vector<16xi32>
    %add3A_2299 = vector.broadcast %mul3A_18 : i32 to vector<16xi32>
    %add3A_2300 = arith.addi %add3A_2299, %and3A_2298 : vector<16xi32>
    %swap3A_2301 = arith.constant 6 : i32
    %swap3A_2302 = arith.index_cast %swap3A_2301 : i32 to index
    %swap3A_2303 = arith.constant 0 : index
    %swap3A_2304 = tpu.vector_load %arg7[%swap3A_2302, %swap3A_2303] {strides = array<i32>} : memref<10x128xi32, #tpu.memory_space<vmem>>, vector<1x16xi32>,
    %swap3A_2305 = vector.shape_cast %swap3A_2304 : vector<1x16xi32> to vector<16xi32>
    %swap3A_2306 = vector.shape_cast %add3A_2300 : vector<16xi32> to vector<1x16xi32>
    tpu.vector_store %arg7[%swap3A_2302, %swap3A_2303], %swap3A_2306 {strides = array<i32>} : memref<10x128xi32, #tpu.memory_space<vmem>>, vector<1x16xi32>,
    %get3A_2307 = arith.constant 1552 : index
    %get3A_2308 = tpu.vector_load %arg5[%get3A_2307] {strides = array<i32>} : memref<2560xi32, #tpu.memory_space<vmem>>, vector<16xi32>,
    %get3A_2309 = vector.shape_cast %get3A_2308 : vector<16xi32> to vector<16xi32>
    %and3A_2310 = arith.constant 262143 : i32
    %and3A_2311 = vector.broadcast %and3A_2310 : i32 to vector<16xi32>
    %and3A_2312 = arith.andi %get3A_2309, %and3A_2311 : vector<16xi32>
    %add3A_2313 = vector.broadcast %mul3A_18 : i32 to vector<16xi32>
    %add3A_2314 = arith.addi %add3A_2313, %and3A_2312 : vector<16xi32>
    %swap3A_2315 = arith.constant 6 : i32
    %swap3A_2316 = arith.index_cast %swap3A_2315 : i32 to index
    %swap3A_2317 = arith.constant 16 : index
    %swap3A_2318 = tpu.vector_load %arg6[%swap3A_2316, %swap3A_2317] {strides = array<i32>} : memref<10x128xi32, #tpu.memory_space<vmem>>, vector<1x16xi32>,
    %swap3A_2319 = vector.shape_cast %swap3A_2318 : vector<1x16xi32> to vector<16xi32>
    %swap3A_2320 = vector.shape_cast %add3A_2314 : vector<16xi32> to vector<1x16xi32>
    tpu.vector_store %arg6[%swap3A_2316, %swap3A_2317], %swap3A_2320 {strides = array<i32>} : memref<10x128xi32, #tpu.memory_space<vmem>>, vector<1x16xi32>,
    %get3A_2321 = arith.constant 1680 : index
    %get3A_2322 = tpu.vector_load %arg5[%get3A_2321] {strides = array<i32>} : memref<2560xi32, #tpu.memory_space<vmem>>, vector<16xi32>,
    %get3A_2323 = vector.shape_cast %get3A_2322 : vector<16xi32> to vector<16xi32>
    %and3A_2324 = arith.constant 262143 : i32
    %and3A_2325 = vector.broadcast %and3A_2324 : i32 to vector<16xi32>
    %and3A_2326 = arith.andi %get3A_2323, %and3A_2325 : vector<16xi32>
    %add3A_2327 = vector.broadcast %mul3A_18 : i32 to vector<16xi32>
    %add3A_2328 = arith.addi %add3A_2327, %and3A_2326 : vector<16xi32>
    %swap3A_2329 = arith.constant 6 : i32
    %swap3A_2330 = arith.index_cast %swap3A_2329 : i32 to index
    %swap3A_2331 = arith.constant 16 : index
    %swap3A_2332 = tpu.vector_load %arg7[%swap3A_2330, %swap3A_2331] {strides = array<i32>} : memref<10x128xi32, #tpu.memory_space<vmem>>, vector<1x16xi32>,
    %swap3A_2333 = vector.shape_cast %swap3A_2332 : vector<1x16xi32> to vector<16xi32>
    %swap3A_2334 = vector.shape_cast %add3A_2328 : vector<16xi32> to vector<1x16xi32>
    tpu.vector_store %arg7[%swap3A_2330, %swap3A_2331], %swap3A_2334 {strides = array<i32>} : memref<10x128xi32, #tpu.memory_space<vmem>>, vector<1x16xi32>,
    %get3A_2335 = arith.constant 1568 : index
    %get3A_2336 = tpu.vector_load %arg5[%get3A_2335] {strides = array<i32>} : memref<2560xi32, #tpu.memory_space<vmem>>, vector<16xi32>,
    %get3A_2337 = vector.shape_cast %get3A_2336 : vector<16xi32> to vector<16xi32>
    %and3A_2338 = arith.constant 262143 : i32
    %and3A_2339 = vector.broadcast %and3A_2338 : i32 to vector<16xi32>
    %and3A_2340 = arith.andi %get3A_2337, %and3A_2339 : vector<16xi32>
    %add3A_2341 = vector.broadcast %mul3A_18 : i32 to vector<16xi32>
    %add3A_2342 = arith.addi %add3A_2341, %and3A_2340 : vector<16xi32>
    %swap3A_2343 = arith.constant 6 : i32
    %swap3A_2344 = arith.index_cast %swap3A_2343 : i32 to index
    %swap3A_2345 = arith.constant 32 : index
    %swap3A_2346 = tpu.vector_load %arg6[%swap3A_2344, %swap3A_2345] {strides = array<i32>} : memref<10x128xi32, #tpu.memory_space<vmem>>, vector<1x16xi32>,
    %swap3A_2347 = vector.shape_cast %swap3A_2346 : vector<1x16xi32> to vector<16xi32>
    %swap3A_2348 = vector.shape_cast %add3A_2342 : vector<16xi32> to vector<1x16xi32>
    tpu.vector_store %arg6[%swap3A_2344, %swap3A_2345], %swap3A_2348 {strides = array<i32>} : memref<10x128xi32, #tpu.memory_space<vmem>>, vector<1x16xi32>,
    %get3A_2349 = arith.constant 1696 : index
    %get3A_2350 = tpu.vector_load %arg5[%get3A_2349] {strides = array<i32>} : memref<2560xi32, #tpu.memory_space<vmem>>, vector<16xi32>,
    %get3A_2351 = vector.shape_cast %get3A_2350 : vector<16xi32> to vector<16xi32>
    %and3A_2352 = arith.constant 262143 : i32
    %and3A_2353 = vector.broadcast %and3A_2352 : i32 to vector<16xi32>
    %and3A_2354 = arith.andi %get3A_2351, %and3A_2353 : vector<16xi32>
    %add3A_2355 = vector.broadcast %mul3A_18 : i32 to vector<16xi32>
    %add3A_2356 = arith.addi %add3A_2355, %and3A_2354 : vector<16xi32>
    %swap3A_2357 = arith.constant 6 : i32
    %swap3A_2358 = arith.index_cast %swap3A_2357 : i32 to index
    %swap3A_2359 = arith.constant 32 : index
    %swap3A_2360 = tpu.vector_load %arg7[%swap3A_2358, %swap3A_2359] {strides = array<i32>} : memref<10x128xi32, #tpu.memory_space<vmem>>, vector<1x16xi32>,
    %swap3A_2361 = vector.shape_cast %swap3A_2360 : vector<1x16xi32> to vector<16xi32>
    %swap3A_2362 = vector.shape_cast %add3A_2356 : vector<16xi32> to vector<1x16xi32>
    tpu.vector_store %arg7[%swap3A_2358, %swap3A_2359], %swap3A_2362 {strides = array<i32>} : memref<10x128xi32, #tpu.memory_space<vmem>>, vector<1x16xi32>,
    %get3A_2363 = arith.constant 1584 : index
    %get3A_2364 = tpu.vector_load %arg5[%get3A_2363] {strides = array<i32>} : memref<2560xi32, #tpu.memory_space<vmem>>, vector<16xi32>,
    %get3A_2365 = vector.shape_cast %get3A_2364 : vector<16xi32> to vector<16xi32>
    %and3A_2366 = arith.constant 262143 : i32
    %and3A_2367 = vector.broadcast %and3A_2366 : i32 to vector<16xi32>
    %and3A_2368 = arith.andi %get3A_2365, %and3A_2367 : vector<16xi32>
    %add3A_2369 = vector.broadcast %mul3A_18 : i32 to vector<16xi32>
    %add3A_2370 = arith.addi %add3A_2369, %and3A_2368 : vector<16xi32>
    %swap3A_2371 = arith.constant 6 : i32
    %swap3A_2372 = arith.index_cast %swap3A_2371 : i32 to index
    %swap3A_2373 = arith.constant 48 : index
    %swap3A_2374 = tpu.vector_load %arg6[%swap3A_2372, %swap3A_2373] {strides = array<i32>} : memref<10x128xi32, #tpu.memory_space<vmem>>, vector<1x16xi32>,
    %swap3A_2375 = vector.shape_cast %swap3A_2374 : vector<1x16xi32> to vector<16xi32>
    %swap3A_2376 = vector.shape_cast %add3A_2370 : vector<16xi32> to vector<1x16xi32>
    tpu.vector_store %arg6[%swap3A_2372, %swap3A_2373], %swap3A_2376 {strides = array<i32>} : memref<10x128xi32, #tpu.memory_space<vmem>>, vector<1x16xi32>,
    %get3A_2377 = arith.constant 1712 : index
    %get3A_2378 = tpu.vector_load %arg5[%get3A_2377] {strides = array<i32>} : memref<2560xi32, #tpu.memory_space<vmem>>, vector<16xi32>,
    %get3A_2379 = vector.shape_cast %get3A_2378 : vector<16xi32> to vector<16xi32>
    %and3A_2380 = arith.constant 262143 : i32
    %and3A_2381 = vector.broadcast %and3A_2380 : i32 to vector<16xi32>
    %and3A_2382 = arith.andi %get3A_2379, %and3A_2381 : vector<16xi32>
    %add3A_2383 = vector.broadcast %mul3A_18 : i32 to vector<16xi32>
    %add3A_2384 = arith.addi %add3A_2383, %and3A_2382 : vector<16xi32>
    %swap3A_2385 = arith.constant 6 : i32
    %swap3A_2386 = arith.index_cast %swap3A_2385 : i32 to index
    %swap3A_2387 = arith.constant 48 : index
    %swap3A_2388 = tpu.vector_load %arg7[%swap3A_2386, %swap3A_2387] {strides = array<i32>} : memref<10x128xi32, #tpu.memory_space<vmem>>, vector<1x16xi32>,
    %swap3A_2389 = vector.shape_cast %swap3A_2388 : vector<1x16xi32> to vector<16xi32>
    %swap3A_2390 = vector.shape_cast %add3A_2384 : vector<16xi32> to vector<1x16xi32>
    tpu.vector_store %arg7[%swap3A_2386, %swap3A_2387], %swap3A_2390 {strides = array<i32>} : memref<10x128xi32, #tpu.memory_space<vmem>>, vector<1x16xi32>,
    %get3A_2391 = arith.constant 1600 : index
    %get3A_2392 = tpu.vector_load %arg5[%get3A_2391] {strides = array<i32>} : memref<2560xi32, #tpu.memory_space<vmem>>, vector<16xi32>,
    %get3A_2393 = vector.shape_cast %get3A_2392 : vector<16xi32> to vector<16xi32>
    %and3A_2394 = arith.constant 262143 : i32
    %and3A_2395 = vector.broadcast %and3A_2394 : i32 to vector<16xi32>
    %and3A_2396 = arith.andi %get3A_2393, %and3A_2395 : vector<16xi32>
    %add3A_2397 = vector.broadcast %mul3A_18 : i32 to vector<16xi32>
    %add3A_2398 = arith.addi %add3A_2397, %and3A_2396 : vector<16xi32>
    %swap3A_2399 = arith.constant 6 : i32
    %swap3A_2400 = arith.index_cast %swap3A_2399 : i32 to index
    %swap3A_2401 = arith.constant 64 : index
    %swap3A_2402 = tpu.vector_load %arg6[%swap3A_2400, %swap3A_2401] {strides = array<i32>} : memref<10x128xi32, #tpu.memory_space<vmem>>, vector<1x16xi32>,
    %swap3A_2403 = vector.shape_cast %swap3A_2402 : vector<1x16xi32> to vector<16xi32>
    %swap3A_2404 = vector.shape_cast %add3A_2398 : vector<16xi32> to vector<1x16xi32>
    tpu.vector_store %arg6[%swap3A_2400, %swap3A_2401], %swap3A_2404 {strides = array<i32>} : memref<10x128xi32, #tpu.memory_space<vmem>>, vector<1x16xi32>,
    %get3A_2405 = arith.constant 1728 : index
    %get3A_2406 = tpu.vector_load %arg5[%get3A_2405] {strides = array<i32>} : memref<2560xi32, #tpu.memory_space<vmem>>, vector<16xi32>,
    %get3A_2407 = vector.shape_cast %get3A_2406 : vector<16xi32> to vector<16xi32>
    %and3A_2408 = arith.constant 262143 : i32
    %and3A_2409 = vector.broadcast %and3A_2408 : i32 to vector<16xi32>
    %and3A_2410 = arith.andi %get3A_2407, %and3A_2409 : vector<16xi32>
    %add3A_2411 = vector.broadcast %mul3A_18 : i32 to vector<16xi32>
    %add3A_2412 = arith.addi %add3A_2411, %and3A_2410 : vector<16xi32>
    %swap3A_2413 = arith.constant 6 : i32
    %swap3A_2414 = arith.index_cast %swap3A_2413 : i32 to index
    %swap3A_2415 = arith.constant 64 : index
    %swap3A_2416 = tpu.vector_load %arg7[%swap3A_2414, %swap3A_2415] {strides = array<i32>} : memref<10x128xi32, #tpu.memory_space<vmem>>, vector<1x16xi32>,
    %swap3A_2417 = vector.shape_cast %swap3A_2416 : vector<1x16xi32> to vector<16xi32>
    %swap3A_2418 = vector.shape_cast %add3A_2412 : vector<16xi32> to vector<1x16xi32>
    tpu.vector_store %arg7[%swap3A_2414, %swap3A_2415], %swap3A_2418 {strides = array<i32>} : memref<10x128xi32, #tpu.memory_space<vmem>>, vector<1x16xi32>,
    %get3A_2419 = arith.constant 1616 : index
    %get3A_2420 = tpu.vector_load %arg5[%get3A_2419] {strides = array<i32>} : memref<2560xi32, #tpu.memory_space<vmem>>, vector<16xi32>,
    %get3A_2421 = vector.shape_cast %get3A_2420 : vector<16xi32> to vector<16xi32>
    %and3A_2422 = arith.constant 262143 : i32
    %and3A_2423 = vector.broadcast %and3A_2422 : i32 to vector<16xi32>
    %and3A_2424 = arith.andi %get3A_2421, %and3A_2423 : vector<16xi32>
    %add3A_2425 = vector.broadcast %mul3A_18 : i32 to vector<16xi32>
    %add3A_2426 = arith.addi %add3A_2425, %and3A_2424 : vector<16xi32>
    %swap3A_2427 = arith.constant 6 : i32
    %swap3A_2428 = arith.index_cast %swap3A_2427 : i32 to index
    %swap3A_2429 = arith.constant 80 : index
    %swap3A_2430 = tpu.vector_load %arg6[%swap3A_2428, %swap3A_2429] {strides = array<i32>} : memref<10x128xi32, #tpu.memory_space<vmem>>, vector<1x16xi32>,
    %swap3A_2431 = vector.shape_cast %swap3A_2430 : vector<1x16xi32> to vector<16xi32>
    %swap3A_2432 = vector.shape_cast %add3A_2426 : vector<16xi32> to vector<1x16xi32>
    tpu.vector_store %arg6[%swap3A_2428, %swap3A_2429], %swap3A_2432 {strides = array<i32>} : memref<10x128xi32, #tpu.memory_space<vmem>>, vector<1x16xi32>,
    %get3A_2433 = arith.constant 1744 : index
    %get3A_2434 = tpu.vector_load %arg5[%get3A_2433] {strides = array<i32>} : memref<2560xi32, #tpu.memory_space<vmem>>, vector<16xi32>,
    %get3A_2435 = vector.shape_cast %get3A_2434 : vector<16xi32> to vector<16xi32>
    %and3A_2436 = arith.constant 262143 : i32
    %and3A_2437 = vector.broadcast %and3A_2436 : i32 to vector<16xi32>
    %and3A_2438 = arith.andi %get3A_2435, %and3A_2437 : vector<16xi32>
    %add3A_2439 = vector.broadcast %mul3A_18 : i32 to vector<16xi32>
    %add3A_2440 = arith.addi %add3A_2439, %and3A_2438 : vector<16xi32>
    %swap3A_2441 = arith.constant 6 : i32
    %swap3A_2442 = arith.index_cast %swap3A_2441 : i32 to index
    %swap3A_2443 = arith.constant 80 : index
    %swap3A_2444 = tpu.vector_load %arg7[%swap3A_2442, %swap3A_2443] {strides = array<i32>} : memref<10x128xi32, #tpu.memory_space<vmem>>, vector<1x16xi32>,
    %swap3A_2445 = vector.shape_cast %swap3A_2444 : vector<1x16xi32> to vector<16xi32>
    %swap3A_2446 = vector.shape_cast %add3A_2440 : vector<16xi32> to vector<1x16xi32>
    tpu.vector_store %arg7[%swap3A_2442, %swap3A_2443], %swap3A_2446 {strides = array<i32>} : memref<10x128xi32, #tpu.memory_space<vmem>>, vector<1x16xi32>,
    %get3A_2447 = arith.constant 1632 : index
    %get3A_2448 = tpu.vector_load %arg5[%get3A_2447] {strides = array<i32>} : memref<2560xi32, #tpu.memory_space<vmem>>, vector<16xi32>,
    %get3A_2449 = vector.shape_cast %get3A_2448 : vector<16xi32> to vector<16xi32>
    %and3A_2450 = arith.constant 262143 : i32
    %and3A_2451 = vector.broadcast %and3A_2450 : i32 to vector<16xi32>
    %and3A_2452 = arith.andi %get3A_2449, %and3A_2451 : vector<16xi32>
    %add3A_2453 = vector.broadcast %mul3A_18 : i32 to vector<16xi32>
    %add3A_2454 = arith.addi %add3A_2453, %and3A_2452 : vector<16xi32>
    %swap3A_2455 = arith.constant 6 : i32
    %swap3A_2456 = arith.index_cast %swap3A_2455 : i32 to index
    %swap3A_2457 = arith.constant 96 : index
    %swap3A_2458 = tpu.vector_load %arg6[%swap3A_2456, %swap3A_2457] {strides = array<i32>} : memref<10x128xi32, #tpu.memory_space<vmem>>, vector<1x16xi32>,
    %swap3A_2459 = vector.shape_cast %swap3A_2458 : vector<1x16xi32> to vector<16xi32>
    %swap3A_2460 = vector.shape_cast %add3A_2454 : vector<16xi32> to vector<1x16xi32>
    tpu.vector_store %arg6[%swap3A_2456, %swap3A_2457], %swap3A_2460 {strides = array<i32>} : memref<10x128xi32, #tpu.memory_space<vmem>>, vector<1x16xi32>,
    %get3A_2461 = arith.constant 1760 : index
    %get3A_2462 = tpu.vector_load %arg5[%get3A_2461] {strides = array<i32>} : memref<2560xi32, #tpu.memory_space<vmem>>, vector<16xi32>,
    %get3A_2463 = vector.shape_cast %get3A_2462 : vector<16xi32> to vector<16xi32>
    %and3A_2464 = arith.constant 262143 : i32
    %and3A_2465 = vector.broadcast %and3A_2464 : i32 to vector<16xi32>
    %and3A_2466 = arith.andi %get3A_2463, %and3A_2465 : vector<16xi32>
    %add3A_2467 = vector.broadcast %mul3A_18 : i32 to vector<16xi32>
    %add3A_2468 = arith.addi %add3A_2467, %and3A_2466 : vector<16xi32>
    %swap3A_2469 = arith.constant 6 : i32
    %swap3A_2470 = arith.index_cast %swap3A_2469 : i32 to index
    %swap3A_2471 = arith.constant 96 : index
    %swap3A_2472 = tpu.vector_load %arg7[%swap3A_2470, %swap3A_2471] {strides = array<i32>} : memref<10x128xi32, #tpu.memory_space<vmem>>, vector<1x16xi32>,
    %swap3A_2473 = vector.shape_cast %swap3A_2472 : vector<1x16xi32> to vector<16xi32>
    %swap3A_2474 = vector.shape_cast %add3A_2468 : vector<16xi32> to vector<1x16xi32>
    tpu.vector_store %arg7[%swap3A_2470, %swap3A_2471], %swap3A_2474 {strides = array<i32>} : memref<10x128xi32, #tpu.memory_space<vmem>>, vector<1x16xi32>,
    %get3A_2475 = arith.constant 1648 : index
    %get3A_2476 = tpu.vector_load %arg5[%get3A_2475] {strides = array<i32>} : memref<2560xi32, #tpu.memory_space<vmem>>, vector<16xi32>,
    %get3A_2477 = vector.shape_cast %get3A_2476 : vector<16xi32> to vector<16xi32>
    %and3A_2478 = arith.constant 262143 : i32
    %and3A_2479 = vector.broadcast %and3A_2478 : i32 to vector<16xi32>
    %and3A_2480 = arith.andi %get3A_2477, %and3A_2479 : vector<16xi32>
    %add3A_2481 = vector.broadcast %mul3A_18 : i32 to vector<16xi32>
    %add3A_2482 = arith.addi %add3A_2481, %and3A_2480 : vector<16xi32>
    %swap3A_2483 = arith.constant 6 : i32
    %swap3A_2484 = arith.index_cast %swap3A_2483 : i32 to index
    %swap3A_2485 = arith.constant 112 : index
    %swap3A_2486 = tpu.vector_load %arg6[%swap3A_2484, %swap3A_2485] {strides = array<i32>} : memref<10x128xi32, #tpu.memory_space<vmem>>, vector<1x16xi32>,
    %swap3A_2487 = vector.shape_cast %swap3A_2486 : vector<1x16xi32> to vector<16xi32>
    %swap3A_2488 = vector.shape_cast %add3A_2482 : vector<16xi32> to vector<1x16xi32>
    tpu.vector_store %arg6[%swap3A_2484, %swap3A_2485], %swap3A_2488 {strides = array<i32>} : memref<10x128xi32, #tpu.memory_space<vmem>>, vector<1x16xi32>,
    %get3A_2489 = arith.constant 1776 : index
    %get3A_2490 = tpu.vector_load %arg5[%get3A_2489] {strides = array<i32>} : memref<2560xi32, #tpu.memory_space<vmem>>, vector<16xi32>,
    %get3A_2491 = vector.shape_cast %get3A_2490 : vector<16xi32> to vector<16xi32>
    %and3A_2492 = arith.constant 262143 : i32
    %and3A_2493 = vector.broadcast %and3A_2492 : i32 to vector<16xi32>
    %and3A_2494 = arith.andi %get3A_2491, %and3A_2493 : vector<16xi32>
    %add3A_2495 = vector.broadcast %mul3A_18 : i32 to vector<16xi32>
    %add3A_2496 = arith.addi %add3A_2495, %and3A_2494 : vector<16xi32>
    %swap3A_2497 = arith.constant 6 : i32
    %swap3A_2498 = arith.index_cast %swap3A_2497 : i32 to index
    %swap3A_2499 = arith.constant 112 : index
    %swap3A_2500 = tpu.vector_load %arg7[%swap3A_2498, %swap3A_2499] {strides = array<i32>} : memref<10x128xi32, #tpu.memory_space<vmem>>, vector<1x16xi32>,
    %swap3A_2501 = vector.shape_cast %swap3A_2500 : vector<1x16xi32> to vector<16xi32>
    %swap3A_2502 = vector.shape_cast %add3A_2496 : vector<16xi32> to vector<1x16xi32>
    tpu.vector_store %arg7[%swap3A_2498, %swap3A_2499], %swap3A_2502 {strides = array<i32>} : memref<10x128xi32, #tpu.memory_space<vmem>>, vector<1x16xi32>,
    %dma_start3A_2503 = arith.constant 6 : i32
    %dma_start3A_2504 = arith.constant 6 : i32
    %dma_start3A_2505 = arith.constant 6 : i32
    %dma_start3A_2506 = arith.constant 0 : i32
    %dma_start3A_2507 = tpu.memref_slice %arg8[%dma_start3A_2504, %dma_start3A_2506] : memref<10x128xf32, #tpu.memory_space<vmem>> -> memref<1x128xf32, #tpu.memory_space<vmem>>
    %dma_start3A_2508 = tpu.memref_squeeze %dma_start3A_2507 : memref<1x128xf32, #tpu.memory_space<vmem>> -> memref<128xf32, #tpu.memory_space<vmem>>
    %dma_start3A_2509 = arith.constant 0 : i32
    %dma_start3A_2510 = tpu.memref_slice %arg6[%dma_start3A_2503, %dma_start3A_2509] : memref<10x128xi32, #tpu.memory_space<vmem>> -> memref<1x128xi32, #tpu.memory_space<vmem>>
    %dma_start3A_2511 = tpu.memref_squeeze %dma_start3A_2510 : memref<1x128xi32, #tpu.memory_space<vmem>> -> memref<128xi32, #tpu.memory_space<vmem>>
    %dma_start3A_2512 = arith.constant 0 : i32
    %dma_start3A_2513 = tpu.memref_slice %arg2[%dma_start3A_2512] : memref<1179648xf32, #tpu.memory_space<hbm>> -> memref<1179648xf32, #tpu.memory_space<hbm>>
    %dma_start3A_2514 = tpu.memref_slice %arg11[%dma_start3A_2505] : memref<10x!tpu.dma_semaphore, #tpu.memory_space<semaphore_mem>> -> memref<1x!tpu.dma_semaphore, #tpu.memory_space<semaphore_mem>>
    %dma_start3A_2515 = tpu.memref_squeeze %dma_start3A_2514 : memref<1x!tpu.dma_semaphore, #tpu.memory_space<semaphore_mem>> -> memref<!tpu.dma_semaphore, #tpu.memory_space<semaphore_mem>>
    tpu.enqueue_indirect_dma source(%dma_start3A_2513 : memref<1179648xf32, #tpu.memory_space<hbm>>) target(%dma_start3A_2508 : memref<128xf32, #tpu.memory_space<vmem>>) offsets(%dma_start3A_2511 : memref<128xi32, #tpu.memory_space<vmem>>) semaphore(%dma_start3A_2515 : memref<!tpu.dma_semaphore, #tpu.memory_space<semaphore_mem>>)
    %dma_start3A_2516 = arith.constant 6 : i32
    %dma_start3A_2517 = arith.constant 6 : i32
    %dma_start3A_2518 = arith.constant 6 : i32
    %dma_start3A_2519 = arith.constant 0 : i32
    %dma_start3A_2520 = tpu.memref_slice %arg9[%dma_start3A_2517, %dma_start3A_2519] : memref<10x128xf32, #tpu.memory_space<vmem>> -> memref<1x128xf32, #tpu.memory_space<vmem>>
    %dma_start3A_2521 = tpu.memref_squeeze %dma_start3A_2520 : memref<1x128xf32, #tpu.memory_space<vmem>> -> memref<128xf32, #tpu.memory_space<vmem>>
    %dma_start3A_2522 = arith.constant 0 : i32
    %dma_start3A_2523 = tpu.memref_slice %arg7[%dma_start3A_2516, %dma_start3A_2522] : memref<10x128xi32, #tpu.memory_space<vmem>> -> memref<1x128xi32, #tpu.memory_space<vmem>>
    %dma_start3A_2524 = tpu.memref_squeeze %dma_start3A_2523 : memref<1x128xi32, #tpu.memory_space<vmem>> -> memref<128xi32, #tpu.memory_space<vmem>>
    %dma_start3A_2525 = arith.constant 0 : i32
    %dma_start3A_2526 = tpu.memref_slice %arg2[%dma_start3A_2525] : memref<1179648xf32, #tpu.memory_space<hbm>> -> memref<1179648xf32, #tpu.memory_space<hbm>>
    %dma_start3A_2527 = tpu.memref_slice %arg11[%dma_start3A_2518] : memref<10x!tpu.dma_semaphore, #tpu.memory_space<semaphore_mem>> -> memref<1x!tpu.dma_semaphore, #tpu.memory_space<semaphore_mem>>
    %dma_start3A_2528 = tpu.memref_squeeze %dma_start3A_2527 : memref<1x!tpu.dma_semaphore, #tpu.memory_space<semaphore_mem>> -> memref<!tpu.dma_semaphore, #tpu.memory_space<semaphore_mem>>
    tpu.enqueue_indirect_dma source(%dma_start3A_2526 : memref<1179648xf32, #tpu.memory_space<hbm>>) target(%dma_start3A_2521 : memref<128xf32, #tpu.memory_space<vmem>>) offsets(%dma_start3A_2524 : memref<128xi32, #tpu.memory_space<vmem>>) semaphore(%dma_start3A_2528 : memref<!tpu.dma_semaphore, #tpu.memory_space<semaphore_mem>>)
    %mul3A_2529 = arith.constant 10 : i32
    %mul3A_2530 = arith.muli %select_n3A_53, %mul3A_2529 : i32
    %add3A_2531 = arith.constant 7 : i32
    %add3A_2532 = arith.addi %mul3A_2530, %add3A_2531 : i32
    %shift_left3A_2533 = arith.constant 3 : i32
    %shift_left3A_2534 = arith.shli %add3A_2532, %shift_left3A_2533 : i32
    %jit3A_2535 = arith.constant 4 : i32
    %div3A_2536 = arith.divsi %add3A, %jit3A_2535 : i32
    %sign3A_2537 = arith.constant 0 : i32
    %sign3A_2538 = arith.cmpi sgt, %add3A, %sign3A_2537 : i32
    %sign3A_2539 = arith.extui %sign3A_2538 : i1 to i32
    %sign3A_2540 = arith.constant 0 : i32
    %sign3A_2541 = arith.cmpi slt, %add3A, %sign3A_2540 : i32
    %sign3A_2542 = arith.extui %sign3A_2541 : i1 to i32
    %sign3A_2543 = arith.subi %sign3A_2539, %sign3A_2542 : i32
    %sign3A_2544 = arith.constant 0 : i32
    %sign3A_2545 = arith.cmpi sgt, %jit3A_2535, %sign3A_2544 : i32
    %sign3A_2546 = arith.extui %sign3A_2545 : i1 to i32
    %sign3A_2547 = arith.constant 0 : i32
    %sign3A_2548 = arith.cmpi slt, %jit3A_2535, %sign3A_2547 : i32
    %sign3A_2549 = arith.extui %sign3A_2548 : i1 to i32
    %sign3A_2550 = arith.subi %sign3A_2546, %sign3A_2549 : i32
    %ne3A_2551 = arith.cmpi ne, %sign3A_2543, %sign3A_2550 : i32
    %rem3A_2552 = arith.remsi %add3A, %jit3A_2535 : i32
    %ne3A_2553 = arith.constant 0 : i32
    %ne3A_2554 = arith.cmpi ne, %rem3A_2552, %ne3A_2553 : i32
    %and3A_2555 = arith.andi %ne3A_2551, %ne3A_2554 : i1
    %sub3A_2556 = arith.constant 1 : i32
    %sub3A_2557 = arith.subi %div3A_2536, %sub3A_2556 : i32
    %select_n3A_2558 = arith.select %and3A_2555, %sub3A_2557, %div3A_2536 : i32
    %add3A_2559 = arith.addi %shift_left3A_2534, %select_n3A_2558 : i32
    %shift_left3A_2560 = arith.constant 8 : i32
    %shift_left3A_2561 = arith.shli %add3A_2559, %shift_left3A_2560 : i32
    %multiple_of3A_2562 = tpu.assume_multiple %shift_left3A_2561, 8 : i32
    %dma_wait3A_2563 = arith.constant 7 : i32
    %dma_wait3A_2564 = arith.constant 1792 : i32
    %dma_wait3A_2565 = tpu.memref_slice %arg5[%dma_wait3A_2564] : memref<2560xi32, #tpu.memory_space<vmem>> -> memref<256xi32, #tpu.memory_space<vmem>>
    %dma_wait3A_2566 = tpu.memref_slice %arg3[%multiple_of3A_2562] : memref<81920xi32, #tpu.memory_space<hbm>> -> memref<256xi32, #tpu.memory_space<hbm>>
    %dma_wait3A_2567 = tpu.memref_slice %arg12[%dma_wait3A_2563] : memref<10x!tpu.dma_semaphore, #tpu.memory_space<semaphore_mem>> -> memref<1x!tpu.dma_semaphore, #tpu.memory_space<semaphore_mem>>
    %dma_wait3A_2568 = tpu.memref_squeeze %dma_wait3A_2567 : memref<1x!tpu.dma_semaphore, #tpu.memory_space<semaphore_mem>> -> memref<!tpu.dma_semaphore, #tpu.memory_space<semaphore_mem>>
    %dma_wait3A_2569 = arith.constant 1792 : i32
    %dma_wait3A_2570 = tpu.memref_slice %arg5[%dma_wait3A_2569] : memref<2560xi32, #tpu.memory_space<vmem>> -> memref<256xi32, #tpu.memory_space<vmem>>
    %dma_wait3A_2571 = tpu.memref_slice %arg3[%multiple_of3A_2562] : memref<81920xi32, #tpu.memory_space<hbm>> -> memref<256xi32, #tpu.memory_space<hbm>>
    tpu.wait_dma2 semaphore(%dma_wait3A_2568 : memref<!tpu.dma_semaphore, #tpu.memory_space<semaphore_mem>>) src(%dma_wait3A_2571 : memref<256xi32, #tpu.memory_space<hbm>>) dst(%dma_wait3A_2570 : memref<256xi32, #tpu.memory_space<vmem>>)
    %get3A_2572 = arith.constant 1792 : index
    %get3A_2573 = tpu.vector_load %arg5[%get3A_2572] {strides = array<i32>} : memref<2560xi32, #tpu.memory_space<vmem>>, vector<16xi32>,
    %get3A_2574 = vector.shape_cast %get3A_2573 : vector<16xi32> to vector<16xi32>
    %and3A_2575 = arith.constant 262143 : i32
    %and3A_2576 = vector.broadcast %and3A_2575 : i32 to vector<16xi32>
    %and3A_2577 = arith.andi %get3A_2574, %and3A_2576 : vector<16xi32>
    %add3A_2578 = vector.broadcast %mul3A_18 : i32 to vector<16xi32>
    %add3A_2579 = arith.addi %add3A_2578, %and3A_2577 : vector<16xi32>
    %swap3A_2580 = arith.constant 7 : i32
    %swap3A_2581 = arith.index_cast %swap3A_2580 : i32 to index
    %swap3A_2582 = arith.constant 0 : index
    %swap3A_2583 = tpu.vector_load %arg6[%swap3A_2581, %swap3A_2582] {strides = array<i32>} : memref<10x128xi32, #tpu.memory_space<vmem>>, vector<1x16xi32>,
    %swap3A_2584 = vector.shape_cast %swap3A_2583 : vector<1x16xi32> to vector<16xi32>
    %swap3A_2585 = vector.shape_cast %add3A_2579 : vector<16xi32> to vector<1x16xi32>
    tpu.vector_store %arg6[%swap3A_2581, %swap3A_2582], %swap3A_2585 {strides = array<i32>} : memref<10x128xi32, #tpu.memory_space<vmem>>, vector<1x16xi32>,
    %get3A_2586 = arith.constant 1920 : index
    %get3A_2587 = tpu.vector_load %arg5[%get3A_2586] {strides = array<i32>} : memref<2560xi32, #tpu.memory_space<vmem>>, vector<16xi32>,
    %get3A_2588 = vector.shape_cast %get3A_2587 : vector<16xi32> to vector<16xi32>
    %and3A_2589 = arith.constant 262143 : i32
    %and3A_2590 = vector.broadcast %and3A_2589 : i32 to vector<16xi32>
    %and3A_2591 = arith.andi %get3A_2588, %and3A_2590 : vector<16xi32>
    %add3A_2592 = vector.broadcast %mul3A_18 : i32 to vector<16xi32>
    %add3A_2593 = arith.addi %add3A_2592, %and3A_2591 : vector<16xi32>
    %swap3A_2594 = arith.constant 7 : i32
    %swap3A_2595 = arith.index_cast %swap3A_2594 : i32 to index
    %swap3A_2596 = arith.constant 0 : index
    %swap3A_2597 = tpu.vector_load %arg7[%swap3A_2595, %swap3A_2596] {strides = array<i32>} : memref<10x128xi32, #tpu.memory_space<vmem>>, vector<1x16xi32>,
    %swap3A_2598 = vector.shape_cast %swap3A_2597 : vector<1x16xi32> to vector<16xi32>
    %swap3A_2599 = vector.shape_cast %add3A_2593 : vector<16xi32> to vector<1x16xi32>
    tpu.vector_store %arg7[%swap3A_2595, %swap3A_2596], %swap3A_2599 {strides = array<i32>} : memref<10x128xi32, #tpu.memory_space<vmem>>, vector<1x16xi32>,
    %get3A_2600 = arith.constant 1808 : index
    %get3A_2601 = tpu.vector_load %arg5[%get3A_2600] {strides = array<i32>} : memref<2560xi32, #tpu.memory_space<vmem>>, vector<16xi32>,
    %get3A_2602 = vector.shape_cast %get3A_2601 : vector<16xi32> to vector<16xi32>
    %and3A_2603 = arith.constant 262143 : i32
    %and3A_2604 = vector.broadcast %and3A_2603 : i32 to vector<16xi32>
    %and3A_2605 = arith.andi %get3A_2602, %and3A_2604 : vector<16xi32>
    %add3A_2606 = vector.broadcast %mul3A_18 : i32 to vector<16xi32>
    %add3A_2607 = arith.addi %add3A_2606, %and3A_2605 : vector<16xi32>
    %swap3A_2608 = arith.constant 7 : i32
    %swap3A_2609 = arith.index_cast %swap3A_2608 : i32 to index
    %swap3A_2610 = arith.constant 16 : index
    %swap3A_2611 = tpu.vector_load %arg6[%swap3A_2609, %swap3A_2610] {strides = array<i32>} : memref<10x128xi32, #tpu.memory_space<vmem>>, vector<1x16xi32>,
    %swap3A_2612 = vector.shape_cast %swap3A_2611 : vector<1x16xi32> to vector<16xi32>
    %swap3A_2613 = vector.shape_cast %add3A_2607 : vector<16xi32> to vector<1x16xi32>
    tpu.vector_store %arg6[%swap3A_2609, %swap3A_2610], %swap3A_2613 {strides = array<i32>} : memref<10x128xi32, #tpu.memory_space<vmem>>, vector<1x16xi32>,
    %get3A_2614 = arith.constant 1936 : index
    %get3A_2615 = tpu.vector_load %arg5[%get3A_2614] {strides = array<i32>} : memref<2560xi32, #tpu.memory_space<vmem>>, vector<16xi32>,
    %get3A_2616 = vector.shape_cast %get3A_2615 : vector<16xi32> to vector<16xi32>
    %and3A_2617 = arith.constant 262143 : i32
    %and3A_2618 = vector.broadcast %and3A_2617 : i32 to vector<16xi32>
    %and3A_2619 = arith.andi %get3A_2616, %and3A_2618 : vector<16xi32>
    %add3A_2620 = vector.broadcast %mul3A_18 : i32 to vector<16xi32>
    %add3A_2621 = arith.addi %add3A_2620, %and3A_2619 : vector<16xi32>
    %swap3A_2622 = arith.constant 7 : i32
    %swap3A_2623 = arith.index_cast %swap3A_2622 : i32 to index
    %swap3A_2624 = arith.constant 16 : index
    %swap3A_2625 = tpu.vector_load %arg7[%swap3A_2623, %swap3A_2624] {strides = array<i32>} : memref<10x128xi32, #tpu.memory_space<vmem>>, vector<1x16xi32>,
    %swap3A_2626 = vector.shape_cast %swap3A_2625 : vector<1x16xi32> to vector<16xi32>
    %swap3A_2627 = vector.shape_cast %add3A_2621 : vector<16xi32> to vector<1x16xi32>
    tpu.vector_store %arg7[%swap3A_2623, %swap3A_2624], %swap3A_2627 {strides = array<i32>} : memref<10x128xi32, #tpu.memory_space<vmem>>, vector<1x16xi32>,
    %get3A_2628 = arith.constant 1824 : index
    %get3A_2629 = tpu.vector_load %arg5[%get3A_2628] {strides = array<i32>} : memref<2560xi32, #tpu.memory_space<vmem>>, vector<16xi32>,
    %get3A_2630 = vector.shape_cast %get3A_2629 : vector<16xi32> to vector<16xi32>
    %and3A_2631 = arith.constant 262143 : i32
    %and3A_2632 = vector.broadcast %and3A_2631 : i32 to vector<16xi32>
    %and3A_2633 = arith.andi %get3A_2630, %and3A_2632 : vector<16xi32>
    %add3A_2634 = vector.broadcast %mul3A_18 : i32 to vector<16xi32>
    %add3A_2635 = arith.addi %add3A_2634, %and3A_2633 : vector<16xi32>
    %swap3A_2636 = arith.constant 7 : i32
    %swap3A_2637 = arith.index_cast %swap3A_2636 : i32 to index
    %swap3A_2638 = arith.constant 32 : index
    %swap3A_2639 = tpu.vector_load %arg6[%swap3A_2637, %swap3A_2638] {strides = array<i32>} : memref<10x128xi32, #tpu.memory_space<vmem>>, vector<1x16xi32>,
    %swap3A_2640 = vector.shape_cast %swap3A_2639 : vector<1x16xi32> to vector<16xi32>
    %swap3A_2641 = vector.shape_cast %add3A_2635 : vector<16xi32> to vector<1x16xi32>
    tpu.vector_store %arg6[%swap3A_2637, %swap3A_2638], %swap3A_2641 {strides = array<i32>} : memref<10x128xi32, #tpu.memory_space<vmem>>, vector<1x16xi32>,
    %get3A_2642 = arith.constant 1952 : index
    %get3A_2643 = tpu.vector_load %arg5[%get3A_2642] {strides = array<i32>} : memref<2560xi32, #tpu.memory_space<vmem>>, vector<16xi32>,
    %get3A_2644 = vector.shape_cast %get3A_2643 : vector<16xi32> to vector<16xi32>
    %and3A_2645 = arith.constant 262143 : i32
    %and3A_2646 = vector.broadcast %and3A_2645 : i32 to vector<16xi32>
    %and3A_2647 = arith.andi %get3A_2644, %and3A_2646 : vector<16xi32>
    %add3A_2648 = vector.broadcast %mul3A_18 : i32 to vector<16xi32>
    %add3A_2649 = arith.addi %add3A_2648, %and3A_2647 : vector<16xi32>
    %swap3A_2650 = arith.constant 7 : i32
    %swap3A_2651 = arith.index_cast %swap3A_2650 : i32 to index
    %swap3A_2652 = arith.constant 32 : index
    %swap3A_2653 = tpu.vector_load %arg7[%swap3A_2651, %swap3A_2652] {strides = array<i32>} : memref<10x128xi32, #tpu.memory_space<vmem>>, vector<1x16xi32>,
    %swap3A_2654 = vector.shape_cast %swap3A_2653 : vector<1x16xi32> to vector<16xi32>
    %swap3A_2655 = vector.shape_cast %add3A_2649 : vector<16xi32> to vector<1x16xi32>
    tpu.vector_store %arg7[%swap3A_2651, %swap3A_2652], %swap3A_2655 {strides = array<i32>} : memref<10x128xi32, #tpu.memory_space<vmem>>, vector<1x16xi32>,
    %get3A_2656 = arith.constant 1840 : index
    %get3A_2657 = tpu.vector_load %arg5[%get3A_2656] {strides = array<i32>} : memref<2560xi32, #tpu.memory_space<vmem>>, vector<16xi32>,
    %get3A_2658 = vector.shape_cast %get3A_2657 : vector<16xi32> to vector<16xi32>
    %and3A_2659 = arith.constant 262143 : i32
    %and3A_2660 = vector.broadcast %and3A_2659 : i32 to vector<16xi32>
    %and3A_2661 = arith.andi %get3A_2658, %and3A_2660 : vector<16xi32>
    %add3A_2662 = vector.broadcast %mul3A_18 : i32 to vector<16xi32>
    %add3A_2663 = arith.addi %add3A_2662, %and3A_2661 : vector<16xi32>
    %swap3A_2664 = arith.constant 7 : i32
    %swap3A_2665 = arith.index_cast %swap3A_2664 : i32 to index
    %swap3A_2666 = arith.constant 48 : index
    %swap3A_2667 = tpu.vector_load %arg6[%swap3A_2665, %swap3A_2666] {strides = array<i32>} : memref<10x128xi32, #tpu.memory_space<vmem>>, vector<1x16xi32>,
    %swap3A_2668 = vector.shape_cast %swap3A_2667 : vector<1x16xi32> to vector<16xi32>
    %swap3A_2669 = vector.shape_cast %add3A_2663 : vector<16xi32> to vector<1x16xi32>
    tpu.vector_store %arg6[%swap3A_2665, %swap3A_2666], %swap3A_2669 {strides = array<i32>} : memref<10x128xi32, #tpu.memory_space<vmem>>, vector<1x16xi32>,
    %get3A_2670 = arith.constant 1968 : index
    %get3A_2671 = tpu.vector_load %arg5[%get3A_2670] {strides = array<i32>} : memref<2560xi32, #tpu.memory_space<vmem>>, vector<16xi32>,
    %get3A_2672 = vector.shape_cast %get3A_2671 : vector<16xi32> to vector<16xi32>
    %and3A_2673 = arith.constant 262143 : i32
    %and3A_2674 = vector.broadcast %and3A_2673 : i32 to vector<16xi32>
    %and3A_2675 = arith.andi %get3A_2672, %and3A_2674 : vector<16xi32>
    %add3A_2676 = vector.broadcast %mul3A_18 : i32 to vector<16xi32>
    %add3A_2677 = arith.addi %add3A_2676, %and3A_2675 : vector<16xi32>
    %swap3A_2678 = arith.constant 7 : i32
    %swap3A_2679 = arith.index_cast %swap3A_2678 : i32 to index
    %swap3A_2680 = arith.constant 48 : index
    %swap3A_2681 = tpu.vector_load %arg7[%swap3A_2679, %swap3A_2680] {strides = array<i32>} : memref<10x128xi32, #tpu.memory_space<vmem>>, vector<1x16xi32>,
    %swap3A_2682 = vector.shape_cast %swap3A_2681 : vector<1x16xi32> to vector<16xi32>
    %swap3A_2683 = vector.shape_cast %add3A_2677 : vector<16xi32> to vector<1x16xi32>
    tpu.vector_store %arg7[%swap3A_2679, %swap3A_2680], %swap3A_2683 {strides = array<i32>} : memref<10x128xi32, #tpu.memory_space<vmem>>, vector<1x16xi32>,
    %get3A_2684 = arith.constant 1856 : index
    %get3A_2685 = tpu.vector_load %arg5[%get3A_2684] {strides = array<i32>} : memref<2560xi32, #tpu.memory_space<vmem>>, vector<16xi32>,
    %get3A_2686 = vector.shape_cast %get3A_2685 : vector<16xi32> to vector<16xi32>
    %and3A_2687 = arith.constant 262143 : i32
    %and3A_2688 = vector.broadcast %and3A_2687 : i32 to vector<16xi32>
    %and3A_2689 = arith.andi %get3A_2686, %and3A_2688 : vector<16xi32>
    %add3A_2690 = vector.broadcast %mul3A_18 : i32 to vector<16xi32>
    %add3A_2691 = arith.addi %add3A_2690, %and3A_2689 : vector<16xi32>
    %swap3A_2692 = arith.constant 7 : i32
    %swap3A_2693 = arith.index_cast %swap3A_2692 : i32 to index
    %swap3A_2694 = arith.constant 64 : index
    %swap3A_2695 = tpu.vector_load %arg6[%swap3A_2693, %swap3A_2694] {strides = array<i32>} : memref<10x128xi32, #tpu.memory_space<vmem>>, vector<1x16xi32>,
    %swap3A_2696 = vector.shape_cast %swap3A_2695 : vector<1x16xi32> to vector<16xi32>
    %swap3A_2697 = vector.shape_cast %add3A_2691 : vector<16xi32> to vector<1x16xi32>
    tpu.vector_store %arg6[%swap3A_2693, %swap3A_2694], %swap3A_2697 {strides = array<i32>} : memref<10x128xi32, #tpu.memory_space<vmem>>, vector<1x16xi32>,
    %get3A_2698 = arith.constant 1984 : index
    %get3A_2699 = tpu.vector_load %arg5[%get3A_2698] {strides = array<i32>} : memref<2560xi32, #tpu.memory_space<vmem>>, vector<16xi32>,
    %get3A_2700 = vector.shape_cast %get3A_2699 : vector<16xi32> to vector<16xi32>
    %and3A_2701 = arith.constant 262143 : i32
    %and3A_2702 = vector.broadcast %and3A_2701 : i32 to vector<16xi32>
    %and3A_2703 = arith.andi %get3A_2700, %and3A_2702 : vector<16xi32>
    %add3A_2704 = vector.broadcast %mul3A_18 : i32 to vector<16xi32>
    %add3A_2705 = arith.addi %add3A_2704, %and3A_2703 : vector<16xi32>
    %swap3A_2706 = arith.constant 7 : i32
    %swap3A_2707 = arith.index_cast %swap3A_2706 : i32 to index
    %swap3A_2708 = arith.constant 64 : index
    %swap3A_2709 = tpu.vector_load %arg7[%swap3A_2707, %swap3A_2708] {strides = array<i32>} : memref<10x128xi32, #tpu.memory_space<vmem>>, vector<1x16xi32>,
    %swap3A_2710 = vector.shape_cast %swap3A_2709 : vector<1x16xi32> to vector<16xi32>
    %swap3A_2711 = vector.shape_cast %add3A_2705 : vector<16xi32> to vector<1x16xi32>
    tpu.vector_store %arg7[%swap3A_2707, %swap3A_2708], %swap3A_2711 {strides = array<i32>} : memref<10x128xi32, #tpu.memory_space<vmem>>, vector<1x16xi32>,
    %get3A_2712 = arith.constant 1872 : index
    %get3A_2713 = tpu.vector_load %arg5[%get3A_2712] {strides = array<i32>} : memref<2560xi32, #tpu.memory_space<vmem>>, vector<16xi32>,
    %get3A_2714 = vector.shape_cast %get3A_2713 : vector<16xi32> to vector<16xi32>
    %and3A_2715 = arith.constant 262143 : i32
    %and3A_2716 = vector.broadcast %and3A_2715 : i32 to vector<16xi32>
    %and3A_2717 = arith.andi %get3A_2714, %and3A_2716 : vector<16xi32>
    %add3A_2718 = vector.broadcast %mul3A_18 : i32 to vector<16xi32>
    %add3A_2719 = arith.addi %add3A_2718, %and3A_2717 : vector<16xi32>
    %swap3A_2720 = arith.constant 7 : i32
    %swap3A_2721 = arith.index_cast %swap3A_2720 : i32 to index
    %swap3A_2722 = arith.constant 80 : index
    %swap3A_2723 = tpu.vector_load %arg6[%swap3A_2721, %swap3A_2722] {strides = array<i32>} : memref<10x128xi32, #tpu.memory_space<vmem>>, vector<1x16xi32>,
    %swap3A_2724 = vector.shape_cast %swap3A_2723 : vector<1x16xi32> to vector<16xi32>
    %swap3A_2725 = vector.shape_cast %add3A_2719 : vector<16xi32> to vector<1x16xi32>
    tpu.vector_store %arg6[%swap3A_2721, %swap3A_2722], %swap3A_2725 {strides = array<i32>} : memref<10x128xi32, #tpu.memory_space<vmem>>, vector<1x16xi32>,
    %get3A_2726 = arith.constant 2000 : index
    %get3A_2727 = tpu.vector_load %arg5[%get3A_2726] {strides = array<i32>} : memref<2560xi32, #tpu.memory_space<vmem>>, vector<16xi32>,
    %get3A_2728 = vector.shape_cast %get3A_2727 : vector<16xi32> to vector<16xi32>
    %and3A_2729 = arith.constant 262143 : i32
    %and3A_2730 = vector.broadcast %and3A_2729 : i32 to vector<16xi32>
    %and3A_2731 = arith.andi %get3A_2728, %and3A_2730 : vector<16xi32>
    %add3A_2732 = vector.broadcast %mul3A_18 : i32 to vector<16xi32>
    %add3A_2733 = arith.addi %add3A_2732, %and3A_2731 : vector<16xi32>
    %swap3A_2734 = arith.constant 7 : i32
    %swap3A_2735 = arith.index_cast %swap3A_2734 : i32 to index
    %swap3A_2736 = arith.constant 80 : index
    %swap3A_2737 = tpu.vector_load %arg7[%swap3A_2735, %swap3A_2736] {strides = array<i32>} : memref<10x128xi32, #tpu.memory_space<vmem>>, vector<1x16xi32>,
    %swap3A_2738 = vector.shape_cast %swap3A_2737 : vector<1x16xi32> to vector<16xi32>
    %swap3A_2739 = vector.shape_cast %add3A_2733 : vector<16xi32> to vector<1x16xi32>
    tpu.vector_store %arg7[%swap3A_2735, %swap3A_2736], %swap3A_2739 {strides = array<i32>} : memref<10x128xi32, #tpu.memory_space<vmem>>, vector<1x16xi32>,
    %get3A_2740 = arith.constant 1888 : index
    %get3A_2741 = tpu.vector_load %arg5[%get3A_2740] {strides = array<i32>} : memref<2560xi32, #tpu.memory_space<vmem>>, vector<16xi32>,
    %get3A_2742 = vector.shape_cast %get3A_2741 : vector<16xi32> to vector<16xi32>
    %and3A_2743 = arith.constant 262143 : i32
    %and3A_2744 = vector.broadcast %and3A_2743 : i32 to vector<16xi32>
    %and3A_2745 = arith.andi %get3A_2742, %and3A_2744 : vector<16xi32>
    %add3A_2746 = vector.broadcast %mul3A_18 : i32 to vector<16xi32>
    %add3A_2747 = arith.addi %add3A_2746, %and3A_2745 : vector<16xi32>
    %swap3A_2748 = arith.constant 7 : i32
    %swap3A_2749 = arith.index_cast %swap3A_2748 : i32 to index
    %swap3A_2750 = arith.constant 96 : index
    %swap3A_2751 = tpu.vector_load %arg6[%swap3A_2749, %swap3A_2750] {strides = array<i32>} : memref<10x128xi32, #tpu.memory_space<vmem>>, vector<1x16xi32>,
    %swap3A_2752 = vector.shape_cast %swap3A_2751 : vector<1x16xi32> to vector<16xi32>
    %swap3A_2753 = vector.shape_cast %add3A_2747 : vector<16xi32> to vector<1x16xi32>
    tpu.vector_store %arg6[%swap3A_2749, %swap3A_2750], %swap3A_2753 {strides = array<i32>} : memref<10x128xi32, #tpu.memory_space<vmem>>, vector<1x16xi32>,
    %get3A_2754 = arith.constant 2016 : index
    %get3A_2755 = tpu.vector_load %arg5[%get3A_2754] {strides = array<i32>} : memref<2560xi32, #tpu.memory_space<vmem>>, vector<16xi32>,
    %get3A_2756 = vector.shape_cast %get3A_2755 : vector<16xi32> to vector<16xi32>
    %and3A_2757 = arith.constant 262143 : i32
    %and3A_2758 = vector.broadcast %and3A_2757 : i32 to vector<16xi32>
    %and3A_2759 = arith.andi %get3A_2756, %and3A_2758 : vector<16xi32>
    %add3A_2760 = vector.broadcast %mul3A_18 : i32 to vector<16xi32>
    %add3A_2761 = arith.addi %add3A_2760, %and3A_2759 : vector<16xi32>
    %swap3A_2762 = arith.constant 7 : i32
    %swap3A_2763 = arith.index_cast %swap3A_2762 : i32 to index
    %swap3A_2764 = arith.constant 96 : index
    %swap3A_2765 = tpu.vector_load %arg7[%swap3A_2763, %swap3A_2764] {strides = array<i32>} : memref<10x128xi32, #tpu.memory_space<vmem>>, vector<1x16xi32>,
    %swap3A_2766 = vector.shape_cast %swap3A_2765 : vector<1x16xi32> to vector<16xi32>
    %swap3A_2767 = vector.shape_cast %add3A_2761 : vector<16xi32> to vector<1x16xi32>
    tpu.vector_store %arg7[%swap3A_2763, %swap3A_2764], %swap3A_2767 {strides = array<i32>} : memref<10x128xi32, #tpu.memory_space<vmem>>, vector<1x16xi32>,
    %get3A_2768 = arith.constant 1904 : index
    %get3A_2769 = tpu.vector_load %arg5[%get3A_2768] {strides = array<i32>} : memref<2560xi32, #tpu.memory_space<vmem>>, vector<16xi32>,
    %get3A_2770 = vector.shape_cast %get3A_2769 : vector<16xi32> to vector<16xi32>
    %and3A_2771 = arith.constant 262143 : i32
    %and3A_2772 = vector.broadcast %and3A_2771 : i32 to vector<16xi32>
    %and3A_2773 = arith.andi %get3A_2770, %and3A_2772 : vector<16xi32>
    %add3A_2774 = vector.broadcast %mul3A_18 : i32 to vector<16xi32>
    %add3A_2775 = arith.addi %add3A_2774, %and3A_2773 : vector<16xi32>
    %swap3A_2776 = arith.constant 7 : i32
    %swap3A_2777 = arith.index_cast %swap3A_2776 : i32 to index
    %swap3A_2778 = arith.constant 112 : index
    %swap3A_2779 = tpu.vector_load %arg6[%swap3A_2777, %swap3A_2778] {strides = array<i32>} : memref<10x128xi32, #tpu.memory_space<vmem>>, vector<1x16xi32>,
    %swap3A_2780 = vector.shape_cast %swap3A_2779 : vector<1x16xi32> to vector<16xi32>
    %swap3A_2781 = vector.shape_cast %add3A_2775 : vector<16xi32> to vector<1x16xi32>
    tpu.vector_store %arg6[%swap3A_2777, %swap3A_2778], %swap3A_2781 {strides = array<i32>} : memref<10x128xi32, #tpu.memory_space<vmem>>, vector<1x16xi32>,
    %get3A_2782 = arith.constant 2032 : index
    %get3A_2783 = tpu.vector_load %arg5[%get3A_2782] {strides = array<i32>} : memref<2560xi32, #tpu.memory_space<vmem>>, vector<16xi32>,
    %get3A_2784 = vector.shape_cast %get3A_2783 : vector<16xi32> to vector<16xi32>
    %and3A_2785 = arith.constant 262143 : i32
    %and3A_2786 = vector.broadcast %and3A_2785 : i32 to vector<16xi32>
    %and3A_2787 = arith.andi %get3A_2784, %and3A_2786 : vector<16xi32>
    %add3A_2788 = vector.broadcast %mul3A_18 : i32 to vector<16xi32>
    %add3A_2789 = arith.addi %add3A_2788, %and3A_2787 : vector<16xi32>
    %swap3A_2790 = arith.constant 7 : i32
    %swap3A_2791 = arith.index_cast %swap3A_2790 : i32 to index
    %swap3A_2792 = arith.constant 112 : index
    %swap3A_2793 = tpu.vector_load %arg7[%swap3A_2791, %swap3A_2792] {strides = array<i32>} : memref<10x128xi32, #tpu.memory_space<vmem>>, vector<1x16xi32>,
    %swap3A_2794 = vector.shape_cast %swap3A_2793 : vector<1x16xi32> to vector<16xi32>
    %swap3A_2795 = vector.shape_cast %add3A_2789 : vector<16xi32> to vector<1x16xi32>
    tpu.vector_store %arg7[%swap3A_2791, %swap3A_2792], %swap3A_2795 {strides = array<i32>} : memref<10x128xi32, #tpu.memory_space<vmem>>, vector<1x16xi32>,
    %dma_start3A_2796 = arith.constant 7 : i32
    %dma_start3A_2797 = arith.constant 7 : i32
    %dma_start3A_2798 = arith.constant 7 : i32
    %dma_start3A_2799 = arith.constant 0 : i32
    %dma_start3A_2800 = tpu.memref_slice %arg8[%dma_start3A_2797, %dma_start3A_2799] : memref<10x128xf32, #tpu.memory_space<vmem>> -> memref<1x128xf32, #tpu.memory_space<vmem>>
    %dma_start3A_2801 = tpu.memref_squeeze %dma_start3A_2800 : memref<1x128xf32, #tpu.memory_space<vmem>> -> memref<128xf32, #tpu.memory_space<vmem>>
    %dma_start3A_2802 = arith.constant 0 : i32
    %dma_start3A_2803 = tpu.memref_slice %arg6[%dma_start3A_2796, %dma_start3A_2802] : memref<10x128xi32, #tpu.memory_space<vmem>> -> memref<1x128xi32, #tpu.memory_space<vmem>>
    %dma_start3A_2804 = tpu.memref_squeeze %dma_start3A_2803 : memref<1x128xi32, #tpu.memory_space<vmem>> -> memref<128xi32, #tpu.memory_space<vmem>>
    %dma_start3A_2805 = arith.constant 0 : i32
    %dma_start3A_2806 = tpu.memref_slice %arg2[%dma_start3A_2805] : memref<1179648xf32, #tpu.memory_space<hbm>> -> memref<1179648xf32, #tpu.memory_space<hbm>>
    %dma_start3A_2807 = tpu.memref_slice %arg11[%dma_start3A_2798] : memref<10x!tpu.dma_semaphore, #tpu.memory_space<semaphore_mem>> -> memref<1x!tpu.dma_semaphore, #tpu.memory_space<semaphore_mem>>
    %dma_start3A_2808 = tpu.memref_squeeze %dma_start3A_2807 : memref<1x!tpu.dma_semaphore, #tpu.memory_space<semaphore_mem>> -> memref<!tpu.dma_semaphore, #tpu.memory_space<semaphore_mem>>
    tpu.enqueue_indirect_dma source(%dma_start3A_2806 : memref<1179648xf32, #tpu.memory_space<hbm>>) target(%dma_start3A_2801 : memref<128xf32, #tpu.memory_space<vmem>>) offsets(%dma_start3A_2804 : memref<128xi32, #tpu.memory_space<vmem>>) semaphore(%dma_start3A_2808 : memref<!tpu.dma_semaphore, #tpu.memory_space<semaphore_mem>>)
    %dma_start3A_2809 = arith.constant 7 : i32
    %dma_start3A_2810 = arith.constant 7 : i32
    %dma_start3A_2811 = arith.constant 7 : i32
    %dma_start3A_2812 = arith.constant 0 : i32
    %dma_start3A_2813 = tpu.memref_slice %arg9[%dma_start3A_2810, %dma_start3A_2812] : memref<10x128xf32, #tpu.memory_space<vmem>> -> memref<1x128xf32, #tpu.memory_space<vmem>>
    %dma_start3A_2814 = tpu.memref_squeeze %dma_start3A_2813 : memref<1x128xf32, #tpu.memory_space<vmem>> -> memref<128xf32, #tpu.memory_space<vmem>>
    %dma_start3A_2815 = arith.constant 0 : i32
    %dma_start3A_2816 = tpu.memref_slice %arg7[%dma_start3A_2809, %dma_start3A_2815] : memref<10x128xi32, #tpu.memory_space<vmem>> -> memref<1x128xi32, #tpu.memory_space<vmem>>
    %dma_start3A_2817 = tpu.memref_squeeze %dma_start3A_2816 : memref<1x128xi32, #tpu.memory_space<vmem>> -> memref<128xi32, #tpu.memory_space<vmem>>
    %dma_start3A_2818 = arith.constant 0 : i32
    %dma_start3A_2819 = tpu.memref_slice %arg2[%dma_start3A_2818] : memref<1179648xf32, #tpu.memory_space<hbm>> -> memref<1179648xf32, #tpu.memory_space<hbm>>
    %dma_start3A_2820 = tpu.memref_slice %arg11[%dma_start3A_2811] : memref<10x!tpu.dma_semaphore, #tpu.memory_space<semaphore_mem>> -> memref<1x!tpu.dma_semaphore, #tpu.memory_space<semaphore_mem>>
    %dma_start3A_2821 = tpu.memref_squeeze %dma_start3A_2820 : memref<1x!tpu.dma_semaphore, #tpu.memory_space<semaphore_mem>> -> memref<!tpu.dma_semaphore, #tpu.memory_space<semaphore_mem>>
    tpu.enqueue_indirect_dma source(%dma_start3A_2819 : memref<1179648xf32, #tpu.memory_space<hbm>>) target(%dma_start3A_2814 : memref<128xf32, #tpu.memory_space<vmem>>) offsets(%dma_start3A_2817 : memref<128xi32, #tpu.memory_space<vmem>>) semaphore(%dma_start3A_2821 : memref<!tpu.dma_semaphore, #tpu.memory_space<semaphore_mem>>)
    %mul3A_2822 = arith.constant 10 : i32
    %mul3A_2823 = arith.muli %select_n3A_53, %mul3A_2822 : i32
    %add3A_2824 = arith.constant 8 : i32
    %add3A_2825 = arith.addi %mul3A_2823, %add3A_2824 : i32
    %shift_left3A_2826 = arith.constant 3 : i32
    %shift_left3A_2827 = arith.shli %add3A_2825, %shift_left3A_2826 : i32
    %jit3A_2828 = arith.constant 4 : i32
    %div3A_2829 = arith.divsi %add3A, %jit3A_2828 : i32
    %sign3A_2830 = arith.constant 0 : i32
    %sign3A_2831 = arith.cmpi sgt, %add3A, %sign3A_2830 : i32
    %sign3A_2832 = arith.extui %sign3A_2831 : i1 to i32
    %sign3A_2833 = arith.constant 0 : i32
    %sign3A_2834 = arith.cmpi slt, %add3A, %sign3A_2833 : i32
    %sign3A_2835 = arith.extui %sign3A_2834 : i1 to i32
    %sign3A_2836 = arith.subi %sign3A_2832, %sign3A_2835 : i32
    %sign3A_2837 = arith.constant 0 : i32
    %sign3A_2838 = arith.cmpi sgt, %jit3A_2828, %sign3A_2837 : i32
    %sign3A_2839 = arith.extui %sign3A_2838 : i1 to i32
    %sign3A_2840 = arith.constant 0 : i32
    %sign3A_2841 = arith.cmpi slt, %jit3A_2828, %sign3A_2840 : i32
    %sign3A_2842 = arith.extui %sign3A_2841 : i1 to i32
    %sign3A_2843 = arith.subi %sign3A_2839, %sign3A_2842 : i32
    %ne3A_2844 = arith.cmpi ne, %sign3A_2836, %sign3A_2843 : i32
    %rem3A_2845 = arith.remsi %add3A, %jit3A_2828 : i32
    %ne3A_2846 = arith.constant 0 : i32
    %ne3A_2847 = arith.cmpi ne, %rem3A_2845, %ne3A_2846 : i32
    %and3A_2848 = arith.andi %ne3A_2844, %ne3A_2847 : i1
    %sub3A_2849 = arith.constant 1 : i32
    %sub3A_2850 = arith.subi %div3A_2829, %sub3A_2849 : i32
    %select_n3A_2851 = arith.select %and3A_2848, %sub3A_2850, %div3A_2829 : i32
    %add3A_2852 = arith.addi %shift_left3A_2827, %select_n3A_2851 : i32
    %shift_left3A_2853 = arith.constant 8 : i32
    %shift_left3A_2854 = arith.shli %add3A_2852, %shift_left3A_2853 : i32
    %multiple_of3A_2855 = tpu.assume_multiple %shift_left3A_2854, 8 : i32
    %dma_wait3A_2856 = arith.constant 8 : i32
    %dma_wait3A_2857 = arith.constant 2048 : i32
    %dma_wait3A_2858 = tpu.memref_slice %arg5[%dma_wait3A_2857] : memref<2560xi32, #tpu.memory_space<vmem>> -> memref<256xi32, #tpu.memory_space<vmem>>
    %dma_wait3A_2859 = tpu.memref_slice %arg3[%multiple_of3A_2855] : memref<81920xi32, #tpu.memory_space<hbm>> -> memref<256xi32, #tpu.memory_space<hbm>>
    %dma_wait3A_2860 = tpu.memref_slice %arg12[%dma_wait3A_2856] : memref<10x!tpu.dma_semaphore, #tpu.memory_space<semaphore_mem>> -> memref<1x!tpu.dma_semaphore, #tpu.memory_space<semaphore_mem>>
    %dma_wait3A_2861 = tpu.memref_squeeze %dma_wait3A_2860 : memref<1x!tpu.dma_semaphore, #tpu.memory_space<semaphore_mem>> -> memref<!tpu.dma_semaphore, #tpu.memory_space<semaphore_mem>>
    %dma_wait3A_2862 = arith.constant 2048 : i32
    %dma_wait3A_2863 = tpu.memref_slice %arg5[%dma_wait3A_2862] : memref<2560xi32, #tpu.memory_space<vmem>> -> memref<256xi32, #tpu.memory_space<vmem>>
    %dma_wait3A_2864 = tpu.memref_slice %arg3[%multiple_of3A_2855] : memref<81920xi32, #tpu.memory_space<hbm>> -> memref<256xi32, #tpu.memory_space<hbm>>
    tpu.wait_dma2 semaphore(%dma_wait3A_2861 : memref<!tpu.dma_semaphore, #tpu.memory_space<semaphore_mem>>) src(%dma_wait3A_2864 : memref<256xi32, #tpu.memory_space<hbm>>) dst(%dma_wait3A_2863 : memref<256xi32, #tpu.memory_space<vmem>>)
    %get3A_2865 = arith.constant 2048 : index
    %get3A_2866 = tpu.vector_load %arg5[%get3A_2865] {strides = array<i32>} : memref<2560xi32, #tpu.memory_space<vmem>>, vector<16xi32>,
    %get3A_2867 = vector.shape_cast %get3A_2866 : vector<16xi32> to vector<16xi32>
    %and3A_2868 = arith.constant 262143 : i32
    %and3A_2869 = vector.broadcast %and3A_2868 : i32 to vector<16xi32>
    %and3A_2870 = arith.andi %get3A_2867, %and3A_2869 : vector<16xi32>
    %add3A_2871 = vector.broadcast %mul3A_18 : i32 to vector<16xi32>
    %add3A_2872 = arith.addi %add3A_2871, %and3A_2870 : vector<16xi32>
    %swap3A_2873 = arith.constant 8 : i32
    %swap3A_2874 = arith.index_cast %swap3A_2873 : i32 to index
    %swap3A_2875 = arith.constant 0 : index
    %swap3A_2876 = tpu.vector_load %arg6[%swap3A_2874, %swap3A_2875] {strides = array<i32>} : memref<10x128xi32, #tpu.memory_space<vmem>>, vector<1x16xi32>,
    %swap3A_2877 = vector.shape_cast %swap3A_2876 : vector<1x16xi32> to vector<16xi32>
    %swap3A_2878 = vector.shape_cast %add3A_2872 : vector<16xi32> to vector<1x16xi32>
    tpu.vector_store %arg6[%swap3A_2874, %swap3A_2875], %swap3A_2878 {strides = array<i32>} : memref<10x128xi32, #tpu.memory_space<vmem>>, vector<1x16xi32>,
    %get3A_2879 = arith.constant 2176 : index
    %get3A_2880 = tpu.vector_load %arg5[%get3A_2879] {strides = array<i32>} : memref<2560xi32, #tpu.memory_space<vmem>>, vector<16xi32>,
    %get3A_2881 = vector.shape_cast %get3A_2880 : vector<16xi32> to vector<16xi32>
    %and3A_2882 = arith.constant 262143 : i32
    %and3A_2883 = vector.broadcast %and3A_2882 : i32 to vector<16xi32>
    %and3A_2884 = arith.andi %get3A_2881, %and3A_2883 : vector<16xi32>
    %add3A_2885 = vector.broadcast %mul3A_18 : i32 to vector<16xi32>
    %add3A_2886 = arith.addi %add3A_2885, %and3A_2884 : vector<16xi32>
    %swap3A_2887 = arith.constant 8 : i32
    %swap3A_2888 = arith.index_cast %swap3A_2887 : i32 to index
    %swap3A_2889 = arith.constant 0 : index
    %swap3A_2890 = tpu.vector_load %arg7[%swap3A_2888, %swap3A_2889] {strides = array<i32>} : memref<10x128xi32, #tpu.memory_space<vmem>>, vector<1x16xi32>,
    %swap3A_2891 = vector.shape_cast %swap3A_2890 : vector<1x16xi32> to vector<16xi32>
    %swap3A_2892 = vector.shape_cast %add3A_2886 : vector<16xi32> to vector<1x16xi32>
    tpu.vector_store %arg7[%swap3A_2888, %swap3A_2889], %swap3A_2892 {strides = array<i32>} : memref<10x128xi32, #tpu.memory_space<vmem>>, vector<1x16xi32>,
    %get3A_2893 = arith.constant 2064 : index
    %get3A_2894 = tpu.vector_load %arg5[%get3A_2893] {strides = array<i32>} : memref<2560xi32, #tpu.memory_space<vmem>>, vector<16xi32>,
    %get3A_2895 = vector.shape_cast %get3A_2894 : vector<16xi32> to vector<16xi32>
    %and3A_2896 = arith.constant 262143 : i32
    %and3A_2897 = vector.broadcast %and3A_2896 : i32 to vector<16xi32>
    %and3A_2898 = arith.andi %get3A_2895, %and3A_2897 : vector<16xi32>
    %add3A_2899 = vector.broadcast %mul3A_18 : i32 to vector<16xi32>
    %add3A_2900 = arith.addi %add3A_2899, %and3A_2898 : vector<16xi32>
    %swap3A_2901 = arith.constant 8 : i32
    %swap3A_2902 = arith.index_cast %swap3A_2901 : i32 to index
    %swap3A_2903 = arith.constant 16 : index
    %swap3A_2904 = tpu.vector_load %arg6[%swap3A_2902, %swap3A_2903] {strides = array<i32>} : memref<10x128xi32, #tpu.memory_space<vmem>>, vector<1x16xi32>,
    %swap3A_2905 = vector.shape_cast %swap3A_2904 : vector<1x16xi32> to vector<16xi32>
    %swap3A_2906 = vector.shape_cast %add3A_2900 : vector<16xi32> to vector<1x16xi32>
    tpu.vector_store %arg6[%swap3A_2902, %swap3A_2903], %swap3A_2906 {strides = array<i32>} : memref<10x128xi32, #tpu.memory_space<vmem>>, vector<1x16xi32>,
    %get3A_2907 = arith.constant 2192 : index
    %get3A_2908 = tpu.vector_load %arg5[%get3A_2907] {strides = array<i32>} : memref<2560xi32, #tpu.memory_space<vmem>>, vector<16xi32>,
    %get3A_2909 = vector.shape_cast %get3A_2908 : vector<16xi32> to vector<16xi32>
    %and3A_2910 = arith.constant 262143 : i32
    %and3A_2911 = vector.broadcast %and3A_2910 : i32 to vector<16xi32>
    %and3A_2912 = arith.andi %get3A_2909, %and3A_2911 : vector<16xi32>
    %add3A_2913 = vector.broadcast %mul3A_18 : i32 to vector<16xi32>
    %add3A_2914 = arith.addi %add3A_2913, %and3A_2912 : vector<16xi32>
    %swap3A_2915 = arith.constant 8 : i32
    %swap3A_2916 = arith.index_cast %swap3A_2915 : i32 to index
    %swap3A_2917 = arith.constant 16 : index
    %swap3A_2918 = tpu.vector_load %arg7[%swap3A_2916, %swap3A_2917] {strides = array<i32>} : memref<10x128xi32, #tpu.memory_space<vmem>>, vector<1x16xi32>,
    %swap3A_2919 = vector.shape_cast %swap3A_2918 : vector<1x16xi32> to vector<16xi32>
    %swap3A_2920 = vector.shape_cast %add3A_2914 : vector<16xi32> to vector<1x16xi32>
    tpu.vector_store %arg7[%swap3A_2916, %swap3A_2917], %swap3A_2920 {strides = array<i32>} : memref<10x128xi32, #tpu.memory_space<vmem>>, vector<1x16xi32>,
    %get3A_2921 = arith.constant 2080 : index
    %get3A_2922 = tpu.vector_load %arg5[%get3A_2921] {strides = array<i32>} : memref<2560xi32, #tpu.memory_space<vmem>>, vector<16xi32>,
    %get3A_2923 = vector.shape_cast %get3A_2922 : vector<16xi32> to vector<16xi32>
    %and3A_2924 = arith.constant 262143 : i32
    %and3A_2925 = vector.broadcast %and3A_2924 : i32 to vector<16xi32>
    %and3A_2926 = arith.andi %get3A_2923, %and3A_2925 : vector<16xi32>
    %add3A_2927 = vector.broadcast %mul3A_18 : i32 to vector<16xi32>
    %add3A_2928 = arith.addi %add3A_2927, %and3A_2926 : vector<16xi32>
    %swap3A_2929 = arith.constant 8 : i32
    %swap3A_2930 = arith.index_cast %swap3A_2929 : i32 to index
    %swap3A_2931 = arith.constant 32 : index
    %swap3A_2932 = tpu.vector_load %arg6[%swap3A_2930, %swap3A_2931] {strides = array<i32>} : memref<10x128xi32, #tpu.memory_space<vmem>>, vector<1x16xi32>,
    %swap3A_2933 = vector.shape_cast %swap3A_2932 : vector<1x16xi32> to vector<16xi32>
    %swap3A_2934 = vector.shape_cast %add3A_2928 : vector<16xi32> to vector<1x16xi32>
    tpu.vector_store %arg6[%swap3A_2930, %swap3A_2931], %swap3A_2934 {strides = array<i32>} : memref<10x128xi32, #tpu.memory_space<vmem>>, vector<1x16xi32>,
    %get3A_2935 = arith.constant 2208 : index
    %get3A_2936 = tpu.vector_load %arg5[%get3A_2935] {strides = array<i32>} : memref<2560xi32, #tpu.memory_space<vmem>>, vector<16xi32>,
    %get3A_2937 = vector.shape_cast %get3A_2936 : vector<16xi32> to vector<16xi32>
    %and3A_2938 = arith.constant 262143 : i32
    %and3A_2939 = vector.broadcast %and3A_2938 : i32 to vector<16xi32>
    %and3A_2940 = arith.andi %get3A_2937, %and3A_2939 : vector<16xi32>
    %add3A_2941 = vector.broadcast %mul3A_18 : i32 to vector<16xi32>
    %add3A_2942 = arith.addi %add3A_2941, %and3A_2940 : vector<16xi32>
    %swap3A_2943 = arith.constant 8 : i32
    %swap3A_2944 = arith.index_cast %swap3A_2943 : i32 to index
    %swap3A_2945 = arith.constant 32 : index
    %swap3A_2946 = tpu.vector_load %arg7[%swap3A_2944, %swap3A_2945] {strides = array<i32>} : memref<10x128xi32, #tpu.memory_space<vmem>>, vector<1x16xi32>,
    %swap3A_2947 = vector.shape_cast %swap3A_2946 : vector<1x16xi32> to vector<16xi32>
    %swap3A_2948 = vector.shape_cast %add3A_2942 : vector<16xi32> to vector<1x16xi32>
    tpu.vector_store %arg7[%swap3A_2944, %swap3A_2945], %swap3A_2948 {strides = array<i32>} : memref<10x128xi32, #tpu.memory_space<vmem>>, vector<1x16xi32>,
    %get3A_2949 = arith.constant 2096 : index
    %get3A_2950 = tpu.vector_load %arg5[%get3A_2949] {strides = array<i32>} : memref<2560xi32, #tpu.memory_space<vmem>>, vector<16xi32>,
    %get3A_2951 = vector.shape_cast %get3A_2950 : vector<16xi32> to vector<16xi32>
    %and3A_2952 = arith.constant 262143 : i32
    %and3A_2953 = vector.broadcast %and3A_2952 : i32 to vector<16xi32>
    %and3A_2954 = arith.andi %get3A_2951, %and3A_2953 : vector<16xi32>
    %add3A_2955 = vector.broadcast %mul3A_18 : i32 to vector<16xi32>
    %add3A_2956 = arith.addi %add3A_2955, %and3A_2954 : vector<16xi32>
    %swap3A_2957 = arith.constant 8 : i32
    %swap3A_2958 = arith.index_cast %swap3A_2957 : i32 to index
    %swap3A_2959 = arith.constant 48 : index
    %swap3A_2960 = tpu.vector_load %arg6[%swap3A_2958, %swap3A_2959] {strides = array<i32>} : memref<10x128xi32, #tpu.memory_space<vmem>>, vector<1x16xi32>,
    %swap3A_2961 = vector.shape_cast %swap3A_2960 : vector<1x16xi32> to vector<16xi32>
    %swap3A_2962 = vector.shape_cast %add3A_2956 : vector<16xi32> to vector<1x16xi32>
    tpu.vector_store %arg6[%swap3A_2958, %swap3A_2959], %swap3A_2962 {strides = array<i32>} : memref<10x128xi32, #tpu.memory_space<vmem>>, vector<1x16xi32>,
    %get3A_2963 = arith.constant 2224 : index
    %get3A_2964 = tpu.vector_load %arg5[%get3A_2963] {strides = array<i32>} : memref<2560xi32, #tpu.memory_space<vmem>>, vector<16xi32>,
    %get3A_2965 = vector.shape_cast %get3A_2964 : vector<16xi32> to vector<16xi32>
    %and3A_2966 = arith.constant 262143 : i32
    %and3A_2967 = vector.broadcast %and3A_2966 : i32 to vector<16xi32>
    %and3A_2968 = arith.andi %get3A_2965, %and3A_2967 : vector<16xi32>
    %add3A_2969 = vector.broadcast %mul3A_18 : i32 to vector<16xi32>
    %add3A_2970 = arith.addi %add3A_2969, %and3A_2968 : vector<16xi32>
    %swap3A_2971 = arith.constant 8 : i32
    %swap3A_2972 = arith.index_cast %swap3A_2971 : i32 to index
    %swap3A_2973 = arith.constant 48 : index
    %swap3A_2974 = tpu.vector_load %arg7[%swap3A_2972, %swap3A_2973] {strides = array<i32>} : memref<10x128xi32, #tpu.memory_space<vmem>>, vector<1x16xi32>,
    %swap3A_2975 = vector.shape_cast %swap3A_2974 : vector<1x16xi32> to vector<16xi32>
    %swap3A_2976 = vector.shape_cast %add3A_2970 : vector<16xi32> to vector<1x16xi32>
    tpu.vector_store %arg7[%swap3A_2972, %swap3A_2973], %swap3A_2976 {strides = array<i32>} : memref<10x128xi32, #tpu.memory_space<vmem>>, vector<1x16xi32>,
    %get3A_2977 = arith.constant 2112 : index
    %get3A_2978 = tpu.vector_load %arg5[%get3A_2977] {strides = array<i32>} : memref<2560xi32, #tpu.memory_space<vmem>>, vector<16xi32>,
    %get3A_2979 = vector.shape_cast %get3A_2978 : vector<16xi32> to vector<16xi32>
    %and3A_2980 = arith.constant 262143 : i32
    %and3A_2981 = vector.broadcast %and3A_2980 : i32 to vector<16xi32>
    %and3A_2982 = arith.andi %get3A_2979, %and3A_2981 : vector<16xi32>
    %add3A_2983 = vector.broadcast %mul3A_18 : i32 to vector<16xi32>
    %add3A_2984 = arith.addi %add3A_2983, %and3A_2982 : vector<16xi32>
    %swap3A_2985 = arith.constant 8 : i32
    %swap3A_2986 = arith.index_cast %swap3A_2985 : i32 to index
    %swap3A_2987 = arith.constant 64 : index
    %swap3A_2988 = tpu.vector_load %arg6[%swap3A_2986, %swap3A_2987] {strides = array<i32>} : memref<10x128xi32, #tpu.memory_space<vmem>>, vector<1x16xi32>,
    %swap3A_2989 = vector.shape_cast %swap3A_2988 : vector<1x16xi32> to vector<16xi32>
    %swap3A_2990 = vector.shape_cast %add3A_2984 : vector<16xi32> to vector<1x16xi32>
    tpu.vector_store %arg6[%swap3A_2986, %swap3A_2987], %swap3A_2990 {strides = array<i32>} : memref<10x128xi32, #tpu.memory_space<vmem>>, vector<1x16xi32>,
    %get3A_2991 = arith.constant 2240 : index
    %get3A_2992 = tpu.vector_load %arg5[%get3A_2991] {strides = array<i32>} : memref<2560xi32, #tpu.memory_space<vmem>>, vector<16xi32>,
    %get3A_2993 = vector.shape_cast %get3A_2992 : vector<16xi32> to vector<16xi32>
    %and3A_2994 = arith.constant 262143 : i32
    %and3A_2995 = vector.broadcast %and3A_2994 : i32 to vector<16xi32>
    %and3A_2996 = arith.andi %get3A_2993, %and3A_2995 : vector<16xi32>
    %add3A_2997 = vector.broadcast %mul3A_18 : i32 to vector<16xi32>
    %add3A_2998 = arith.addi %add3A_2997, %and3A_2996 : vector<16xi32>
    %swap3A_2999 = arith.constant 8 : i32
    %swap3A_3000 = arith.index_cast %swap3A_2999 : i32 to index
    %swap3A_3001 = arith.constant 64 : index
    %swap3A_3002 = tpu.vector_load %arg7[%swap3A_3000, %swap3A_3001] {strides = array<i32>} : memref<10x128xi32, #tpu.memory_space<vmem>>, vector<1x16xi32>,
    %swap3A_3003 = vector.shape_cast %swap3A_3002 : vector<1x16xi32> to vector<16xi32>
    %swap3A_3004 = vector.shape_cast %add3A_2998 : vector<16xi32> to vector<1x16xi32>
    tpu.vector_store %arg7[%swap3A_3000, %swap3A_3001], %swap3A_3004 {strides = array<i32>} : memref<10x128xi32, #tpu.memory_space<vmem>>, vector<1x16xi32>,
    %get3A_3005 = arith.constant 2128 : index
    %get3A_3006 = tpu.vector_load %arg5[%get3A_3005] {strides = array<i32>} : memref<2560xi32, #tpu.memory_space<vmem>>, vector<16xi32>,
    %get3A_3007 = vector.shape_cast %get3A_3006 : vector<16xi32> to vector<16xi32>
    %and3A_3008 = arith.constant 262143 : i32
    %and3A_3009 = vector.broadcast %and3A_3008 : i32 to vector<16xi32>
    %and3A_3010 = arith.andi %get3A_3007, %and3A_3009 : vector<16xi32>
    %add3A_3011 = vector.broadcast %mul3A_18 : i32 to vector<16xi32>
    %add3A_3012 = arith.addi %add3A_3011, %and3A_3010 : vector<16xi32>
    %swap3A_3013 = arith.constant 8 : i32
    %swap3A_3014 = arith.index_cast %swap3A_3013 : i32 to index
    %swap3A_3015 = arith.constant 80 : index
    %swap3A_3016 = tpu.vector_load %arg6[%swap3A_3014, %swap3A_3015] {strides = array<i32>} : memref<10x128xi32, #tpu.memory_space<vmem>>, vector<1x16xi32>,
    %swap3A_3017 = vector.shape_cast %swap3A_3016 : vector<1x16xi32> to vector<16xi32>
    %swap3A_3018 = vector.shape_cast %add3A_3012 : vector<16xi32> to vector<1x16xi32>
    tpu.vector_store %arg6[%swap3A_3014, %swap3A_3015], %swap3A_3018 {strides = array<i32>} : memref<10x128xi32, #tpu.memory_space<vmem>>, vector<1x16xi32>,
    %get3A_3019 = arith.constant 2256 : index
    %get3A_3020 = tpu.vector_load %arg5[%get3A_3019] {strides = array<i32>} : memref<2560xi32, #tpu.memory_space<vmem>>, vector<16xi32>,
    %get3A_3021 = vector.shape_cast %get3A_3020 : vector<16xi32> to vector<16xi32>
    %and3A_3022 = arith.constant 262143 : i32
    %and3A_3023 = vector.broadcast %and3A_3022 : i32 to vector<16xi32>
    %and3A_3024 = arith.andi %get3A_3021, %and3A_3023 : vector<16xi32>
    %add3A_3025 = vector.broadcast %mul3A_18 : i32 to vector<16xi32>
    %add3A_3026 = arith.addi %add3A_3025, %and3A_3024 : vector<16xi32>
    %swap3A_3027 = arith.constant 8 : i32
    %swap3A_3028 = arith.index_cast %swap3A_3027 : i32 to index
    %swap3A_3029 = arith.constant 80 : index
    %swap3A_3030 = tpu.vector_load %arg7[%swap3A_3028, %swap3A_3029] {strides = array<i32>} : memref<10x128xi32, #tpu.memory_space<vmem>>, vector<1x16xi32>,
    %swap3A_3031 = vector.shape_cast %swap3A_3030 : vector<1x16xi32> to vector<16xi32>
    %swap3A_3032 = vector.shape_cast %add3A_3026 : vector<16xi32> to vector<1x16xi32>
    tpu.vector_store %arg7[%swap3A_3028, %swap3A_3029], %swap3A_3032 {strides = array<i32>} : memref<10x128xi32, #tpu.memory_space<vmem>>, vector<1x16xi32>,
    %get3A_3033 = arith.constant 2144 : index
    %get3A_3034 = tpu.vector_load %arg5[%get3A_3033] {strides = array<i32>} : memref<2560xi32, #tpu.memory_space<vmem>>, vector<16xi32>,
    %get3A_3035 = vector.shape_cast %get3A_3034 : vector<16xi32> to vector<16xi32>
    %and3A_3036 = arith.constant 262143 : i32
    %and3A_3037 = vector.broadcast %and3A_3036 : i32 to vector<16xi32>
    %and3A_3038 = arith.andi %get3A_3035, %and3A_3037 : vector<16xi32>
    %add3A_3039 = vector.broadcast %mul3A_18 : i32 to vector<16xi32>
    %add3A_3040 = arith.addi %add3A_3039, %and3A_3038 : vector<16xi32>
    %swap3A_3041 = arith.constant 8 : i32
    %swap3A_3042 = arith.index_cast %swap3A_3041 : i32 to index
    %swap3A_3043 = arith.constant 96 : index
    %swap3A_3044 = tpu.vector_load %arg6[%swap3A_3042, %swap3A_3043] {strides = array<i32>} : memref<10x128xi32, #tpu.memory_space<vmem>>, vector<1x16xi32>,
    %swap3A_3045 = vector.shape_cast %swap3A_3044 : vector<1x16xi32> to vector<16xi32>
    %swap3A_3046 = vector.shape_cast %add3A_3040 : vector<16xi32> to vector<1x16xi32>
    tpu.vector_store %arg6[%swap3A_3042, %swap3A_3043], %swap3A_3046 {strides = array<i32>} : memref<10x128xi32, #tpu.memory_space<vmem>>, vector<1x16xi32>,
    %get3A_3047 = arith.constant 2272 : index
    %get3A_3048 = tpu.vector_load %arg5[%get3A_3047] {strides = array<i32>} : memref<2560xi32, #tpu.memory_space<vmem>>, vector<16xi32>,
    %get3A_3049 = vector.shape_cast %get3A_3048 : vector<16xi32> to vector<16xi32>
    %and3A_3050 = arith.constant 262143 : i32
    %and3A_3051 = vector.broadcast %and3A_3050 : i32 to vector<16xi32>
    %and3A_3052 = arith.andi %get3A_3049, %and3A_3051 : vector<16xi32>
    %add3A_3053 = vector.broadcast %mul3A_18 : i32 to vector<16xi32>
    %add3A_3054 = arith.addi %add3A_3053, %and3A_3052 : vector<16xi32>
    %swap3A_3055 = arith.constant 8 : i32
    %swap3A_3056 = arith.index_cast %swap3A_3055 : i32 to index
    %swap3A_3057 = arith.constant 96 : index
    %swap3A_3058 = tpu.vector_load %arg7[%swap3A_3056, %swap3A_3057] {strides = array<i32>} : memref<10x128xi32, #tpu.memory_space<vmem>>, vector<1x16xi32>,
    %swap3A_3059 = vector.shape_cast %swap3A_3058 : vector<1x16xi32> to vector<16xi32>
    %swap3A_3060 = vector.shape_cast %add3A_3054 : vector<16xi32> to vector<1x16xi32>
    tpu.vector_store %arg7[%swap3A_3056, %swap3A_3057], %swap3A_3060 {strides = array<i32>} : memref<10x128xi32, #tpu.memory_space<vmem>>, vector<1x16xi32>,
    %get3A_3061 = arith.constant 2160 : index
    %get3A_3062 = tpu.vector_load %arg5[%get3A_3061] {strides = array<i32>} : memref<2560xi32, #tpu.memory_space<vmem>>, vector<16xi32>,
    %get3A_3063 = vector.shape_cast %get3A_3062 : vector<16xi32> to vector<16xi32>
    %and3A_3064 = arith.constant 262143 : i32
    %and3A_3065 = vector.broadcast %and3A_3064 : i32 to vector<16xi32>
    %and3A_3066 = arith.andi %get3A_3063, %and3A_3065 : vector<16xi32>
    %add3A_3067 = vector.broadcast %mul3A_18 : i32 to vector<16xi32>
    %add3A_3068 = arith.addi %add3A_3067, %and3A_3066 : vector<16xi32>
    %swap3A_3069 = arith.constant 8 : i32
    %swap3A_3070 = arith.index_cast %swap3A_3069 : i32 to index
    %swap3A_3071 = arith.constant 112 : index
    %swap3A_3072 = tpu.vector_load %arg6[%swap3A_3070, %swap3A_3071] {strides = array<i32>} : memref<10x128xi32, #tpu.memory_space<vmem>>, vector<1x16xi32>,
    %swap3A_3073 = vector.shape_cast %swap3A_3072 : vector<1x16xi32> to vector<16xi32>
    %swap3A_3074 = vector.shape_cast %add3A_3068 : vector<16xi32> to vector<1x16xi32>
    tpu.vector_store %arg6[%swap3A_3070, %swap3A_3071], %swap3A_3074 {strides = array<i32>} : memref<10x128xi32, #tpu.memory_space<vmem>>, vector<1x16xi32>,
    %get3A_3075 = arith.constant 2288 : index
    %get3A_3076 = tpu.vector_load %arg5[%get3A_3075] {strides = array<i32>} : memref<2560xi32, #tpu.memory_space<vmem>>, vector<16xi32>,
    %get3A_3077 = vector.shape_cast %get3A_3076 : vector<16xi32> to vector<16xi32>
    %and3A_3078 = arith.constant 262143 : i32
    %and3A_3079 = vector.broadcast %and3A_3078 : i32 to vector<16xi32>
    %and3A_3080 = arith.andi %get3A_3077, %and3A_3079 : vector<16xi32>
    %add3A_3081 = vector.broadcast %mul3A_18 : i32 to vector<16xi32>
    %add3A_3082 = arith.addi %add3A_3081, %and3A_3080 : vector<16xi32>
    %swap3A_3083 = arith.constant 8 : i32
    %swap3A_3084 = arith.index_cast %swap3A_3083 : i32 to index
    %swap3A_3085 = arith.constant 112 : index
    %swap3A_3086 = tpu.vector_load %arg7[%swap3A_3084, %swap3A_3085] {strides = array<i32>} : memref<10x128xi32, #tpu.memory_space<vmem>>, vector<1x16xi32>,
    %swap3A_3087 = vector.shape_cast %swap3A_3086 : vector<1x16xi32> to vector<16xi32>
    %swap3A_3088 = vector.shape_cast %add3A_3082 : vector<16xi32> to vector<1x16xi32>
    tpu.vector_store %arg7[%swap3A_3084, %swap3A_3085], %swap3A_3088 {strides = array<i32>} : memref<10x128xi32, #tpu.memory_space<vmem>>, vector<1x16xi32>,
    %dma_start3A_3089 = arith.constant 8 : i32
    %dma_start3A_3090 = arith.constant 8 : i32
    %dma_start3A_3091 = arith.constant 8 : i32
    %dma_start3A_3092 = arith.constant 0 : i32
    %dma_start3A_3093 = tpu.memref_slice %arg8[%dma_start3A_3090, %dma_start3A_3092] : memref<10x128xf32, #tpu.memory_space<vmem>> -> memref<1x128xf32, #tpu.memory_space<vmem>>
    %dma_start3A_3094 = tpu.memref_squeeze %dma_start3A_3093 : memref<1x128xf32, #tpu.memory_space<vmem>> -> memref<128xf32, #tpu.memory_space<vmem>>
    %dma_start3A_3095 = arith.constant 0 : i32
    %dma_start3A_3096 = tpu.memref_slice %arg6[%dma_start3A_3089, %dma_start3A_3095] : memref<10x128xi32, #tpu.memory_space<vmem>> -> memref<1x128xi32, #tpu.memory_space<vmem>>
    %dma_start3A_3097 = tpu.memref_squeeze %dma_start3A_3096 : memref<1x128xi32, #tpu.memory_space<vmem>> -> memref<128xi32, #tpu.memory_space<vmem>>
    %dma_start3A_3098 = arith.constant 0 : i32
    %dma_start3A_3099 = tpu.memref_slice %arg2[%dma_start3A_3098] : memref<1179648xf32, #tpu.memory_space<hbm>> -> memref<1179648xf32, #tpu.memory_space<hbm>>
    %dma_start3A_3100 = tpu.memref_slice %arg11[%dma_start3A_3091] : memref<10x!tpu.dma_semaphore, #tpu.memory_space<semaphore_mem>> -> memref<1x!tpu.dma_semaphore, #tpu.memory_space<semaphore_mem>>
    %dma_start3A_3101 = tpu.memref_squeeze %dma_start3A_3100 : memref<1x!tpu.dma_semaphore, #tpu.memory_space<semaphore_mem>> -> memref<!tpu.dma_semaphore, #tpu.memory_space<semaphore_mem>>
    tpu.enqueue_indirect_dma source(%dma_start3A_3099 : memref<1179648xf32, #tpu.memory_space<hbm>>) target(%dma_start3A_3094 : memref<128xf32, #tpu.memory_space<vmem>>) offsets(%dma_start3A_3097 : memref<128xi32, #tpu.memory_space<vmem>>) semaphore(%dma_start3A_3101 : memref<!tpu.dma_semaphore, #tpu.memory_space<semaphore_mem>>)
    %dma_start3A_3102 = arith.constant 8 : i32
    %dma_start3A_3103 = arith.constant 8 : i32
    %dma_start3A_3104 = arith.constant 8 : i32
    %dma_start3A_3105 = arith.constant 0 : i32
    %dma_start3A_3106 = tpu.memref_slice %arg9[%dma_start3A_3103, %dma_start3A_3105] : memref<10x128xf32, #tpu.memory_space<vmem>> -> memref<1x128xf32, #tpu.memory_space<vmem>>
    %dma_start3A_3107 = tpu.memref_squeeze %dma_start3A_3106 : memref<1x128xf32, #tpu.memory_space<vmem>> -> memref<128xf32, #tpu.memory_space<vmem>>
    %dma_start3A_3108 = arith.constant 0 : i32
    %dma_start3A_3109 = tpu.memref_slice %arg7[%dma_start3A_3102, %dma_start3A_3108] : memref<10x128xi32, #tpu.memory_space<vmem>> -> memref<1x128xi32, #tpu.memory_space<vmem>>
    %dma_start3A_3110 = tpu.memref_squeeze %dma_start3A_3109 : memref<1x128xi32, #tpu.memory_space<vmem>> -> memref<128xi32, #tpu.memory_space<vmem>>
    %dma_start3A_3111 = arith.constant 0 : i32
    %dma_start3A_3112 = tpu.memref_slice %arg2[%dma_start3A_3111] : memref<1179648xf32, #tpu.memory_space<hbm>> -> memref<1179648xf32, #tpu.memory_space<hbm>>
    %dma_start3A_3113 = tpu.memref_slice %arg11[%dma_start3A_3104] : memref<10x!tpu.dma_semaphore, #tpu.memory_space<semaphore_mem>> -> memref<1x!tpu.dma_semaphore, #tpu.memory_space<semaphore_mem>>
    %dma_start3A_3114 = tpu.memref_squeeze %dma_start3A_3113 : memref<1x!tpu.dma_semaphore, #tpu.memory_space<semaphore_mem>> -> memref<!tpu.dma_semaphore, #tpu.memory_space<semaphore_mem>>
    tpu.enqueue_indirect_dma source(%dma_start3A_3112 : memref<1179648xf32, #tpu.memory_space<hbm>>) target(%dma_start3A_3107 : memref<128xf32, #tpu.memory_space<vmem>>) offsets(%dma_start3A_3110 : memref<128xi32, #tpu.memory_space<vmem>>) semaphore(%dma_start3A_3114 : memref<!tpu.dma_semaphore, #tpu.memory_space<semaphore_mem>>)
    %mul3A_3115 = arith.constant 10 : i32
    %mul3A_3116 = arith.muli %select_n3A_53, %mul3A_3115 : i32
    %add3A_3117 = arith.constant 9 : i32
    %add3A_3118 = arith.addi %mul3A_3116, %add3A_3117 : i32
    %shift_left3A_3119 = arith.constant 3 : i32
    %shift_left3A_3120 = arith.shli %add3A_3118, %shift_left3A_3119 : i32
    %jit3A_3121 = arith.constant 4 : i32
    %div3A_3122 = arith.divsi %add3A, %jit3A_3121 : i32
    %sign3A_3123 = arith.constant 0 : i32
    %sign3A_3124 = arith.cmpi sgt, %add3A, %sign3A_3123 : i32
    %sign3A_3125 = arith.extui %sign3A_3124 : i1 to i32
    %sign3A_3126 = arith.constant 0 : i32
    %sign3A_3127 = arith.cmpi slt, %add3A, %sign3A_3126 : i32
    %sign3A_3128 = arith.extui %sign3A_3127 : i1 to i32
    %sign3A_3129 = arith.subi %sign3A_3125, %sign3A_3128 : i32
    %sign3A_3130 = arith.constant 0 : i32
    %sign3A_3131 = arith.cmpi sgt, %jit3A_3121, %sign3A_3130 : i32
    %sign3A_3132 = arith.extui %sign3A_3131 : i1 to i32
    %sign3A_3133 = arith.constant 0 : i32
    %sign3A_3134 = arith.cmpi slt, %jit3A_3121, %sign3A_3133 : i32
    %sign3A_3135 = arith.extui %sign3A_3134 : i1 to i32
    %sign3A_3136 = arith.subi %sign3A_3132, %sign3A_3135 : i32
    %ne3A_3137 = arith.cmpi ne, %sign3A_3129, %sign3A_3136 : i32
    %rem3A_3138 = arith.remsi %add3A, %jit3A_3121 : i32
    %ne3A_3139 = arith.constant 0 : i32
    %ne3A_3140 = arith.cmpi ne, %rem3A_3138, %ne3A_3139 : i32
    %and3A_3141 = arith.andi %ne3A_3137, %ne3A_3140 : i1
    %sub3A_3142 = arith.constant 1 : i32
    %sub3A_3143 = arith.subi %div3A_3122, %sub3A_3142 : i32
    %select_n3A_3144 = arith.select %and3A_3141, %sub3A_3143, %div3A_3122 : i32
    %add3A_3145 = arith.addi %shift_left3A_3120, %select_n3A_3144 : i32
    %shift_left3A_3146 = arith.constant 8 : i32
    %shift_left3A_3147 = arith.shli %add3A_3145, %shift_left3A_3146 : i32
    %multiple_of3A_3148 = tpu.assume_multiple %shift_left3A_3147, 8 : i32
    %dma_wait3A_3149 = arith.constant 9 : i32
    %dma_wait3A_3150 = arith.constant 2304 : i32
    %dma_wait3A_3151 = tpu.memref_slice %arg5[%dma_wait3A_3150] : memref<2560xi32, #tpu.memory_space<vmem>> -> memref<256xi32, #tpu.memory_space<vmem>>
    %dma_wait3A_3152 = tpu.memref_slice %arg3[%multiple_of3A_3148] : memref<81920xi32, #tpu.memory_space<hbm>> -> memref<256xi32, #tpu.memory_space<hbm>>
    %dma_wait3A_3153 = tpu.memref_slice %arg12[%dma_wait3A_3149] : memref<10x!tpu.dma_semaphore, #tpu.memory_space<semaphore_mem>> -> memref<1x!tpu.dma_semaphore, #tpu.memory_space<semaphore_mem>>
    %dma_wait3A_3154 = tpu.memref_squeeze %dma_wait3A_3153 : memref<1x!tpu.dma_semaphore, #tpu.memory_space<semaphore_mem>> -> memref<!tpu.dma_semaphore, #tpu.memory_space<semaphore_mem>>
    %dma_wait3A_3155 = arith.constant 2304 : i32
    %dma_wait3A_3156 = tpu.memref_slice %arg5[%dma_wait3A_3155] : memref<2560xi32, #tpu.memory_space<vmem>> -> memref<256xi32, #tpu.memory_space<vmem>>
    %dma_wait3A_3157 = tpu.memref_slice %arg3[%multiple_of3A_3148] : memref<81920xi32, #tpu.memory_space<hbm>> -> memref<256xi32, #tpu.memory_space<hbm>>
    tpu.wait_dma2 semaphore(%dma_wait3A_3154 : memref<!tpu.dma_semaphore, #tpu.memory_space<semaphore_mem>>) src(%dma_wait3A_3157 : memref<256xi32, #tpu.memory_space<hbm>>) dst(%dma_wait3A_3156 : memref<256xi32, #tpu.memory_space<vmem>>)
    %get3A_3158 = arith.constant 2304 : index
    %get3A_3159 = tpu.vector_load %arg5[%get3A_3158] {strides = array<i32>} : memref<2560xi32, #tpu.memory_space<vmem>>, vector<16xi32>,
    %get3A_3160 = vector.shape_cast %get3A_3159 : vector<16xi32> to vector<16xi32>
    %and3A_3161 = arith.constant 262143 : i32
    %and3A_3162 = vector.broadcast %and3A_3161 : i32 to vector<16xi32>
    %and3A_3163 = arith.andi %get3A_3160, %and3A_3162 : vector<16xi32>
    %add3A_3164 = vector.broadcast %mul3A_18 : i32 to vector<16xi32>
    %add3A_3165 = arith.addi %add3A_3164, %and3A_3163 : vector<16xi32>
    %swap3A_3166 = arith.constant 9 : i32
    %swap3A_3167 = arith.index_cast %swap3A_3166 : i32 to index
    %swap3A_3168 = arith.constant 0 : index
    %swap3A_3169 = tpu.vector_load %arg6[%swap3A_3167, %swap3A_3168] {strides = array<i32>} : memref<10x128xi32, #tpu.memory_space<vmem>>, vector<1x16xi32>,
    %swap3A_3170 = vector.shape_cast %swap3A_3169 : vector<1x16xi32> to vector<16xi32>
    %swap3A_3171 = vector.shape_cast %add3A_3165 : vector<16xi32> to vector<1x16xi32>
    tpu.vector_store %arg6[%swap3A_3167, %swap3A_3168], %swap3A_3171 {strides = array<i32>} : memref<10x128xi32, #tpu.memory_space<vmem>>, vector<1x16xi32>,
    %get3A_3172 = arith.constant 2432 : index
    %get3A_3173 = tpu.vector_load %arg5[%get3A_3172] {strides = array<i32>} : memref<2560xi32, #tpu.memory_space<vmem>>, vector<16xi32>,
    %get3A_3174 = vector.shape_cast %get3A_3173 : vector<16xi32> to vector<16xi32>
    %and3A_3175 = arith.constant 262143 : i32
    %and3A_3176 = vector.broadcast %and3A_3175 : i32 to vector<16xi32>
    %and3A_3177 = arith.andi %get3A_3174, %and3A_3176 : vector<16xi32>
    %add3A_3178 = vector.broadcast %mul3A_18 : i32 to vector<16xi32>
    %add3A_3179 = arith.addi %add3A_3178, %and3A_3177 : vector<16xi32>
    %swap3A_3180 = arith.constant 9 : i32
    %swap3A_3181 = arith.index_cast %swap3A_3180 : i32 to index
    %swap3A_3182 = arith.constant 0 : index
    %swap3A_3183 = tpu.vector_load %arg7[%swap3A_3181, %swap3A_3182] {strides = array<i32>} : memref<10x128xi32, #tpu.memory_space<vmem>>, vector<1x16xi32>,
    %swap3A_3184 = vector.shape_cast %swap3A_3183 : vector<1x16xi32> to vector<16xi32>
    %swap3A_3185 = vector.shape_cast %add3A_3179 : vector<16xi32> to vector<1x16xi32>
    tpu.vector_store %arg7[%swap3A_3181, %swap3A_3182], %swap3A_3185 {strides = array<i32>} : memref<10x128xi32, #tpu.memory_space<vmem>>, vector<1x16xi32>,
    %get3A_3186 = arith.constant 2320 : index
    %get3A_3187 = tpu.vector_load %arg5[%get3A_3186] {strides = array<i32>} : memref<2560xi32, #tpu.memory_space<vmem>>, vector<16xi32>,
    %get3A_3188 = vector.shape_cast %get3A_3187 : vector<16xi32> to vector<16xi32>
    %and3A_3189 = arith.constant 262143 : i32
    %and3A_3190 = vector.broadcast %and3A_3189 : i32 to vector<16xi32>
    %and3A_3191 = arith.andi %get3A_3188, %and3A_3190 : vector<16xi32>
    %add3A_3192 = vector.broadcast %mul3A_18 : i32 to vector<16xi32>
    %add3A_3193 = arith.addi %add3A_3192, %and3A_3191 : vector<16xi32>
    %swap3A_3194 = arith.constant 9 : i32
    %swap3A_3195 = arith.index_cast %swap3A_3194 : i32 to index
    %swap3A_3196 = arith.constant 16 : index
    %swap3A_3197 = tpu.vector_load %arg6[%swap3A_3195, %swap3A_3196] {strides = array<i32>} : memref<10x128xi32, #tpu.memory_space<vmem>>, vector<1x16xi32>,
    %swap3A_3198 = vector.shape_cast %swap3A_3197 : vector<1x16xi32> to vector<16xi32>
    %swap3A_3199 = vector.shape_cast %add3A_3193 : vector<16xi32> to vector<1x16xi32>
    tpu.vector_store %arg6[%swap3A_3195, %swap3A_3196], %swap3A_3199 {strides = array<i32>} : memref<10x128xi32, #tpu.memory_space<vmem>>, vector<1x16xi32>,
    %get3A_3200 = arith.constant 2448 : index
    %get3A_3201 = tpu.vector_load %arg5[%get3A_3200] {strides = array<i32>} : memref<2560xi32, #tpu.memory_space<vmem>>, vector<16xi32>,
    %get3A_3202 = vector.shape_cast %get3A_3201 : vector<16xi32> to vector<16xi32>
    %and3A_3203 = arith.constant 262143 : i32
    %and3A_3204 = vector.broadcast %and3A_3203 : i32 to vector<16xi32>
    %and3A_3205 = arith.andi %get3A_3202, %and3A_3204 : vector<16xi32>
    %add3A_3206 = vector.broadcast %mul3A_18 : i32 to vector<16xi32>
    %add3A_3207 = arith.addi %add3A_3206, %and3A_3205 : vector<16xi32>
    %swap3A_3208 = arith.constant 9 : i32
    %swap3A_3209 = arith.index_cast %swap3A_3208 : i32 to index
    %swap3A_3210 = arith.constant 16 : index
    %swap3A_3211 = tpu.vector_load %arg7[%swap3A_3209, %swap3A_3210] {strides = array<i32>} : memref<10x128xi32, #tpu.memory_space<vmem>>, vector<1x16xi32>,
    %swap3A_3212 = vector.shape_cast %swap3A_3211 : vector<1x16xi32> to vector<16xi32>
    %swap3A_3213 = vector.shape_cast %add3A_3207 : vector<16xi32> to vector<1x16xi32>
    tpu.vector_store %arg7[%swap3A_3209, %swap3A_3210], %swap3A_3213 {strides = array<i32>} : memref<10x128xi32, #tpu.memory_space<vmem>>, vector<1x16xi32>,
    %get3A_3214 = arith.constant 2336 : index
    %get3A_3215 = tpu.vector_load %arg5[%get3A_3214] {strides = array<i32>} : memref<2560xi32, #tpu.memory_space<vmem>>, vector<16xi32>,
    %get3A_3216 = vector.shape_cast %get3A_3215 : vector<16xi32> to vector<16xi32>
    %and3A_3217 = arith.constant 262143 : i32
    %and3A_3218 = vector.broadcast %and3A_3217 : i32 to vector<16xi32>
    %and3A_3219 = arith.andi %get3A_3216, %and3A_3218 : vector<16xi32>
    %add3A_3220 = vector.broadcast %mul3A_18 : i32 to vector<16xi32>
    %add3A_3221 = arith.addi %add3A_3220, %and3A_3219 : vector<16xi32>
    %swap3A_3222 = arith.constant 9 : i32
    %swap3A_3223 = arith.index_cast %swap3A_3222 : i32 to index
    %swap3A_3224 = arith.constant 32 : index
    %swap3A_3225 = tpu.vector_load %arg6[%swap3A_3223, %swap3A_3224] {strides = array<i32>} : memref<10x128xi32, #tpu.memory_space<vmem>>, vector<1x16xi32>,
    %swap3A_3226 = vector.shape_cast %swap3A_3225 : vector<1x16xi32> to vector<16xi32>
    %swap3A_3227 = vector.shape_cast %add3A_3221 : vector<16xi32> to vector<1x16xi32>
    tpu.vector_store %arg6[%swap3A_3223, %swap3A_3224], %swap3A_3227 {strides = array<i32>} : memref<10x128xi32, #tpu.memory_space<vmem>>, vector<1x16xi32>,
    %get3A_3228 = arith.constant 2464 : index
    %get3A_3229 = tpu.vector_load %arg5[%get3A_3228] {strides = array<i32>} : memref<2560xi32, #tpu.memory_space<vmem>>, vector<16xi32>,
    %get3A_3230 = vector.shape_cast %get3A_3229 : vector<16xi32> to vector<16xi32>
    %and3A_3231 = arith.constant 262143 : i32
    %and3A_3232 = vector.broadcast %and3A_3231 : i32 to vector<16xi32>
    %and3A_3233 = arith.andi %get3A_3230, %and3A_3232 : vector<16xi32>
    %add3A_3234 = vector.broadcast %mul3A_18 : i32 to vector<16xi32>
    %add3A_3235 = arith.addi %add3A_3234, %and3A_3233 : vector<16xi32>
    %swap3A_3236 = arith.constant 9 : i32
    %swap3A_3237 = arith.index_cast %swap3A_3236 : i32 to index
    %swap3A_3238 = arith.constant 32 : index
    %swap3A_3239 = tpu.vector_load %arg7[%swap3A_3237, %swap3A_3238] {strides = array<i32>} : memref<10x128xi32, #tpu.memory_space<vmem>>, vector<1x16xi32>,
    %swap3A_3240 = vector.shape_cast %swap3A_3239 : vector<1x16xi32> to vector<16xi32>
    %swap3A_3241 = vector.shape_cast %add3A_3235 : vector<16xi32> to vector<1x16xi32>
    tpu.vector_store %arg7[%swap3A_3237, %swap3A_3238], %swap3A_3241 {strides = array<i32>} : memref<10x128xi32, #tpu.memory_space<vmem>>, vector<1x16xi32>,
    %get3A_3242 = arith.constant 2352 : index
    %get3A_3243 = tpu.vector_load %arg5[%get3A_3242] {strides = array<i32>} : memref<2560xi32, #tpu.memory_space<vmem>>, vector<16xi32>,
    %get3A_3244 = vector.shape_cast %get3A_3243 : vector<16xi32> to vector<16xi32>
    %and3A_3245 = arith.constant 262143 : i32
    %and3A_3246 = vector.broadcast %and3A_3245 : i32 to vector<16xi32>
    %and3A_3247 = arith.andi %get3A_3244, %and3A_3246 : vector<16xi32>
    %add3A_3248 = vector.broadcast %mul3A_18 : i32 to vector<16xi32>
    %add3A_3249 = arith.addi %add3A_3248, %and3A_3247 : vector<16xi32>
    %swap3A_3250 = arith.constant 9 : i32
    %swap3A_3251 = arith.index_cast %swap3A_3250 : i32 to index
    %swap3A_3252 = arith.constant 48 : index
    %swap3A_3253 = tpu.vector_load %arg6[%swap3A_3251, %swap3A_3252] {strides = array<i32>} : memref<10x128xi32, #tpu.memory_space<vmem>>, vector<1x16xi32>,
    %swap3A_3254 = vector.shape_cast %swap3A_3253 : vector<1x16xi32> to vector<16xi32>
    %swap3A_3255 = vector.shape_cast %add3A_3249 : vector<16xi32> to vector<1x16xi32>
    tpu.vector_store %arg6[%swap3A_3251, %swap3A_3252], %swap3A_3255 {strides = array<i32>} : memref<10x128xi32, #tpu.memory_space<vmem>>, vector<1x16xi32>,
    %get3A_3256 = arith.constant 2480 : index
    %get3A_3257 = tpu.vector_load %arg5[%get3A_3256] {strides = array<i32>} : memref<2560xi32, #tpu.memory_space<vmem>>, vector<16xi32>,
    %get3A_3258 = vector.shape_cast %get3A_3257 : vector<16xi32> to vector<16xi32>
    %and3A_3259 = arith.constant 262143 : i32
    %and3A_3260 = vector.broadcast %and3A_3259 : i32 to vector<16xi32>
    %and3A_3261 = arith.andi %get3A_3258, %and3A_3260 : vector<16xi32>
    %add3A_3262 = vector.broadcast %mul3A_18 : i32 to vector<16xi32>
    %add3A_3263 = arith.addi %add3A_3262, %and3A_3261 : vector<16xi32>
    %swap3A_3264 = arith.constant 9 : i32
    %swap3A_3265 = arith.index_cast %swap3A_3264 : i32 to index
    %swap3A_3266 = arith.constant 48 : index
    %swap3A_3267 = tpu.vector_load %arg7[%swap3A_3265, %swap3A_3266] {strides = array<i32>} : memref<10x128xi32, #tpu.memory_space<vmem>>, vector<1x16xi32>,
    %swap3A_3268 = vector.shape_cast %swap3A_3267 : vector<1x16xi32> to vector<16xi32>
    %swap3A_3269 = vector.shape_cast %add3A_3263 : vector<16xi32> to vector<1x16xi32>
    tpu.vector_store %arg7[%swap3A_3265, %swap3A_3266], %swap3A_3269 {strides = array<i32>} : memref<10x128xi32, #tpu.memory_space<vmem>>, vector<1x16xi32>,
    %get3A_3270 = arith.constant 2368 : index
    %get3A_3271 = tpu.vector_load %arg5[%get3A_3270] {strides = array<i32>} : memref<2560xi32, #tpu.memory_space<vmem>>, vector<16xi32>,
    %get3A_3272 = vector.shape_cast %get3A_3271 : vector<16xi32> to vector<16xi32>
    %and3A_3273 = arith.constant 262143 : i32
    %and3A_3274 = vector.broadcast %and3A_3273 : i32 to vector<16xi32>
    %and3A_3275 = arith.andi %get3A_3272, %and3A_3274 : vector<16xi32>
    %add3A_3276 = vector.broadcast %mul3A_18 : i32 to vector<16xi32>
    %add3A_3277 = arith.addi %add3A_3276, %and3A_3275 : vector<16xi32>
    %swap3A_3278 = arith.constant 9 : i32
    %swap3A_3279 = arith.index_cast %swap3A_3278 : i32 to index
    %swap3A_3280 = arith.constant 64 : index
    %swap3A_3281 = tpu.vector_load %arg6[%swap3A_3279, %swap3A_3280] {strides = array<i32>} : memref<10x128xi32, #tpu.memory_space<vmem>>, vector<1x16xi32>,
    %swap3A_3282 = vector.shape_cast %swap3A_3281 : vector<1x16xi32> to vector<16xi32>
    %swap3A_3283 = vector.shape_cast %add3A_3277 : vector<16xi32> to vector<1x16xi32>
    tpu.vector_store %arg6[%swap3A_3279, %swap3A_3280], %swap3A_3283 {strides = array<i32>} : memref<10x128xi32, #tpu.memory_space<vmem>>, vector<1x16xi32>,
    %get3A_3284 = arith.constant 2496 : index
    %get3A_3285 = tpu.vector_load %arg5[%get3A_3284] {strides = array<i32>} : memref<2560xi32, #tpu.memory_space<vmem>>, vector<16xi32>,
    %get3A_3286 = vector.shape_cast %get3A_3285 : vector<16xi32> to vector<16xi32>
    %and3A_3287 = arith.constant 262143 : i32
    %and3A_3288 = vector.broadcast %and3A_3287 : i32 to vector<16xi32>
    %and3A_3289 = arith.andi %get3A_3286, %and3A_3288 : vector<16xi32>
    %add3A_3290 = vector.broadcast %mul3A_18 : i32 to vector<16xi32>
    %add3A_3291 = arith.addi %add3A_3290, %and3A_3289 : vector<16xi32>
    %swap3A_3292 = arith.constant 9 : i32
    %swap3A_3293 = arith.index_cast %swap3A_3292 : i32 to index
    %swap3A_3294 = arith.constant 64 : index
    %swap3A_3295 = tpu.vector_load %arg7[%swap3A_3293, %swap3A_3294] {strides = array<i32>} : memref<10x128xi32, #tpu.memory_space<vmem>>, vector<1x16xi32>,
    %swap3A_3296 = vector.shape_cast %swap3A_3295 : vector<1x16xi32> to vector<16xi32>
    %swap3A_3297 = vector.shape_cast %add3A_3291 : vector<16xi32> to vector<1x16xi32>
    tpu.vector_store %arg7[%swap3A_3293, %swap3A_3294], %swap3A_3297 {strides = array<i32>} : memref<10x128xi32, #tpu.memory_space<vmem>>, vector<1x16xi32>,
    %get3A_3298 = arith.constant 2384 : index
    %get3A_3299 = tpu.vector_load %arg5[%get3A_3298] {strides = array<i32>} : memref<2560xi32, #tpu.memory_space<vmem>>, vector<16xi32>,
    %get3A_3300 = vector.shape_cast %get3A_3299 : vector<16xi32> to vector<16xi32>
    %and3A_3301 = arith.constant 262143 : i32
    %and3A_3302 = vector.broadcast %and3A_3301 : i32 to vector<16xi32>
    %and3A_3303 = arith.andi %get3A_3300, %and3A_3302 : vector<16xi32>
    %add3A_3304 = vector.broadcast %mul3A_18 : i32 to vector<16xi32>
    %add3A_3305 = arith.addi %add3A_3304, %and3A_3303 : vector<16xi32>
    %swap3A_3306 = arith.constant 9 : i32
    %swap3A_3307 = arith.index_cast %swap3A_3306 : i32 to index
    %swap3A_3308 = arith.constant 80 : index
    %swap3A_3309 = tpu.vector_load %arg6[%swap3A_3307, %swap3A_3308] {strides = array<i32>} : memref<10x128xi32, #tpu.memory_space<vmem>>, vector<1x16xi32>,
    %swap3A_3310 = vector.shape_cast %swap3A_3309 : vector<1x16xi32> to vector<16xi32>
    %swap3A_3311 = vector.shape_cast %add3A_3305 : vector<16xi32> to vector<1x16xi32>
    tpu.vector_store %arg6[%swap3A_3307, %swap3A_3308], %swap3A_3311 {strides = array<i32>} : memref<10x128xi32, #tpu.memory_space<vmem>>, vector<1x16xi32>,
    %get3A_3312 = arith.constant 2512 : index
    %get3A_3313 = tpu.vector_load %arg5[%get3A_3312] {strides = array<i32>} : memref<2560xi32, #tpu.memory_space<vmem>>, vector<16xi32>,
    %get3A_3314 = vector.shape_cast %get3A_3313 : vector<16xi32> to vector<16xi32>
    %and3A_3315 = arith.constant 262143 : i32
    %and3A_3316 = vector.broadcast %and3A_3315 : i32 to vector<16xi32>
    %and3A_3317 = arith.andi %get3A_3314, %and3A_3316 : vector<16xi32>
    %add3A_3318 = vector.broadcast %mul3A_18 : i32 to vector<16xi32>
    %add3A_3319 = arith.addi %add3A_3318, %and3A_3317 : vector<16xi32>
    %swap3A_3320 = arith.constant 9 : i32
    %swap3A_3321 = arith.index_cast %swap3A_3320 : i32 to index
    %swap3A_3322 = arith.constant 80 : index
    %swap3A_3323 = tpu.vector_load %arg7[%swap3A_3321, %swap3A_3322] {strides = array<i32>} : memref<10x128xi32, #tpu.memory_space<vmem>>, vector<1x16xi32>,
    %swap3A_3324 = vector.shape_cast %swap3A_3323 : vector<1x16xi32> to vector<16xi32>
    %swap3A_3325 = vector.shape_cast %add3A_3319 : vector<16xi32> to vector<1x16xi32>
    tpu.vector_store %arg7[%swap3A_3321, %swap3A_3322], %swap3A_3325 {strides = array<i32>} : memref<10x128xi32, #tpu.memory_space<vmem>>, vector<1x16xi32>,
    %get3A_3326 = arith.constant 2400 : index
    %get3A_3327 = tpu.vector_load %arg5[%get3A_3326] {strides = array<i32>} : memref<2560xi32, #tpu.memory_space<vmem>>, vector<16xi32>,
    %get3A_3328 = vector.shape_cast %get3A_3327 : vector<16xi32> to vector<16xi32>
    %and3A_3329 = arith.constant 262143 : i32
    %and3A_3330 = vector.broadcast %and3A_3329 : i32 to vector<16xi32>
    %and3A_3331 = arith.andi %get3A_3328, %and3A_3330 : vector<16xi32>
    %add3A_3332 = vector.broadcast %mul3A_18 : i32 to vector<16xi32>
    %add3A_3333 = arith.addi %add3A_3332, %and3A_3331 : vector<16xi32>
    %swap3A_3334 = arith.constant 9 : i32
    %swap3A_3335 = arith.index_cast %swap3A_3334 : i32 to index
    %swap3A_3336 = arith.constant 96 : index
    %swap3A_3337 = tpu.vector_load %arg6[%swap3A_3335, %swap3A_3336] {strides = array<i32>} : memref<10x128xi32, #tpu.memory_space<vmem>>, vector<1x16xi32>,
    %swap3A_3338 = vector.shape_cast %swap3A_3337 : vector<1x16xi32> to vector<16xi32>
    %swap3A_3339 = vector.shape_cast %add3A_3333 : vector<16xi32> to vector<1x16xi32>
    tpu.vector_store %arg6[%swap3A_3335, %swap3A_3336], %swap3A_3339 {strides = array<i32>} : memref<10x128xi32, #tpu.memory_space<vmem>>, vector<1x16xi32>,
    %get3A_3340 = arith.constant 2528 : index
    %get3A_3341 = tpu.vector_load %arg5[%get3A_3340] {strides = array<i32>} : memref<2560xi32, #tpu.memory_space<vmem>>, vector<16xi32>,
    %get3A_3342 = vector.shape_cast %get3A_3341 : vector<16xi32> to vector<16xi32>
    %and3A_3343 = arith.constant 262143 : i32
    %and3A_3344 = vector.broadcast %and3A_3343 : i32 to vector<16xi32>
    %and3A_3345 = arith.andi %get3A_3342, %and3A_3344 : vector<16xi32>
    %add3A_3346 = vector.broadcast %mul3A_18 : i32 to vector<16xi32>
    %add3A_3347 = arith.addi %add3A_3346, %and3A_3345 : vector<16xi32>
    %swap3A_3348 = arith.constant 9 : i32
    %swap3A_3349 = arith.index_cast %swap3A_3348 : i32 to index
    %swap3A_3350 = arith.constant 96 : index
    %swap3A_3351 = tpu.vector_load %arg7[%swap3A_3349, %swap3A_3350] {strides = array<i32>} : memref<10x128xi32, #tpu.memory_space<vmem>>, vector<1x16xi32>,
    %swap3A_3352 = vector.shape_cast %swap3A_3351 : vector<1x16xi32> to vector<16xi32>
    %swap3A_3353 = vector.shape_cast %add3A_3347 : vector<16xi32> to vector<1x16xi32>
    tpu.vector_store %arg7[%swap3A_3349, %swap3A_3350], %swap3A_3353 {strides = array<i32>} : memref<10x128xi32, #tpu.memory_space<vmem>>, vector<1x16xi32>,
    %get3A_3354 = arith.constant 2416 : index
    %get3A_3355 = tpu.vector_load %arg5[%get3A_3354] {strides = array<i32>} : memref<2560xi32, #tpu.memory_space<vmem>>, vector<16xi32>,
    %get3A_3356 = vector.shape_cast %get3A_3355 : vector<16xi32> to vector<16xi32>
    %and3A_3357 = arith.constant 262143 : i32
    %and3A_3358 = vector.broadcast %and3A_3357 : i32 to vector<16xi32>
    %and3A_3359 = arith.andi %get3A_3356, %and3A_3358 : vector<16xi32>
    %add3A_3360 = vector.broadcast %mul3A_18 : i32 to vector<16xi32>
    %add3A_3361 = arith.addi %add3A_3360, %and3A_3359 : vector<16xi32>
    %swap3A_3362 = arith.constant 9 : i32
    %swap3A_3363 = arith.index_cast %swap3A_3362 : i32 to index
    %swap3A_3364 = arith.constant 112 : index
    %swap3A_3365 = tpu.vector_load %arg6[%swap3A_3363, %swap3A_3364] {strides = array<i32>} : memref<10x128xi32, #tpu.memory_space<vmem>>, vector<1x16xi32>,
    %swap3A_3366 = vector.shape_cast %swap3A_3365 : vector<1x16xi32> to vector<16xi32>
    %swap3A_3367 = vector.shape_cast %add3A_3361 : vector<16xi32> to vector<1x16xi32>
    tpu.vector_store %arg6[%swap3A_3363, %swap3A_3364], %swap3A_3367 {strides = array<i32>} : memref<10x128xi32, #tpu.memory_space<vmem>>, vector<1x16xi32>,
    %get3A_3368 = arith.constant 2544 : index
    %get3A_3369 = tpu.vector_load %arg5[%get3A_3368] {strides = array<i32>} : memref<2560xi32, #tpu.memory_space<vmem>>, vector<16xi32>,
    %get3A_3370 = vector.shape_cast %get3A_3369 : vector<16xi32> to vector<16xi32>
    %and3A_3371 = arith.constant 262143 : i32
    %and3A_3372 = vector.broadcast %and3A_3371 : i32 to vector<16xi32>
    %and3A_3373 = arith.andi %get3A_3370, %and3A_3372 : vector<16xi32>
    %add3A_3374 = vector.broadcast %mul3A_18 : i32 to vector<16xi32>
    %add3A_3375 = arith.addi %add3A_3374, %and3A_3373 : vector<16xi32>
    %swap3A_3376 = arith.constant 9 : i32
    %swap3A_3377 = arith.index_cast %swap3A_3376 : i32 to index
    %swap3A_3378 = arith.constant 112 : index
    %swap3A_3379 = tpu.vector_load %arg7[%swap3A_3377, %swap3A_3378] {strides = array<i32>} : memref<10x128xi32, #tpu.memory_space<vmem>>, vector<1x16xi32>,
    %swap3A_3380 = vector.shape_cast %swap3A_3379 : vector<1x16xi32> to vector<16xi32>
    %swap3A_3381 = vector.shape_cast %add3A_3375 : vector<16xi32> to vector<1x16xi32>
    tpu.vector_store %arg7[%swap3A_3377, %swap3A_3378], %swap3A_3381 {strides = array<i32>} : memref<10x128xi32, #tpu.memory_space<vmem>>, vector<1x16xi32>,
    %dma_start3A_3382 = arith.constant 9 : i32
    %dma_start3A_3383 = arith.constant 9 : i32
    %dma_start3A_3384 = arith.constant 9 : i32
    %dma_start3A_3385 = arith.constant 0 : i32
    %dma_start3A_3386 = tpu.memref_slice %arg8[%dma_start3A_3383, %dma_start3A_3385] : memref<10x128xf32, #tpu.memory_space<vmem>> -> memref<1x128xf32, #tpu.memory_space<vmem>>
    %dma_start3A_3387 = tpu.memref_squeeze %dma_start3A_3386 : memref<1x128xf32, #tpu.memory_space<vmem>> -> memref<128xf32, #tpu.memory_space<vmem>>
    %dma_start3A_3388 = arith.constant 0 : i32
    %dma_start3A_3389 = tpu.memref_slice %arg6[%dma_start3A_3382, %dma_start3A_3388] : memref<10x128xi32, #tpu.memory_space<vmem>> -> memref<1x128xi32, #tpu.memory_space<vmem>>
    %dma_start3A_3390 = tpu.memref_squeeze %dma_start3A_3389 : memref<1x128xi32, #tpu.memory_space<vmem>> -> memref<128xi32, #tpu.memory_space<vmem>>
    %dma_start3A_3391 = arith.constant 0 : i32
    %dma_start3A_3392 = tpu.memref_slice %arg2[%dma_start3A_3391] : memref<1179648xf32, #tpu.memory_space<hbm>> -> memref<1179648xf32, #tpu.memory_space<hbm>>
    %dma_start3A_3393 = tpu.memref_slice %arg11[%dma_start3A_3384] : memref<10x!tpu.dma_semaphore, #tpu.memory_space<semaphore_mem>> -> memref<1x!tpu.dma_semaphore, #tpu.memory_space<semaphore_mem>>
    %dma_start3A_3394 = tpu.memref_squeeze %dma_start3A_3393 : memref<1x!tpu.dma_semaphore, #tpu.memory_space<semaphore_mem>> -> memref<!tpu.dma_semaphore, #tpu.memory_space<semaphore_mem>>
    tpu.enqueue_indirect_dma source(%dma_start3A_3392 : memref<1179648xf32, #tpu.memory_space<hbm>>) target(%dma_start3A_3387 : memref<128xf32, #tpu.memory_space<vmem>>) offsets(%dma_start3A_3390 : memref<128xi32, #tpu.memory_space<vmem>>) semaphore(%dma_start3A_3394 : memref<!tpu.dma_semaphore, #tpu.memory_space<semaphore_mem>>)
    %dma_start3A_3395 = arith.constant 9 : i32
    %dma_start3A_3396 = arith.constant 9 : i32
    %dma_start3A_3397 = arith.constant 9 : i32
    %dma_start3A_3398 = arith.constant 0 : i32
    %dma_start3A_3399 = tpu.memref_slice %arg9[%dma_start3A_3396, %dma_start3A_3398] : memref<10x128xf32, #tpu.memory_space<vmem>> -> memref<1x128xf32, #tpu.memory_space<vmem>>
    %dma_start3A_3400 = tpu.memref_squeeze %dma_start3A_3399 : memref<1x128xf32, #tpu.memory_space<vmem>> -> memref<128xf32, #tpu.memory_space<vmem>>
    %dma_start3A_3401 = arith.constant 0 : i32
    %dma_start3A_3402 = tpu.memref_slice %arg7[%dma_start3A_3395, %dma_start3A_3401] : memref<10x128xi32, #tpu.memory_space<vmem>> -> memref<1x128xi32, #tpu.memory_space<vmem>>
    %dma_start3A_3403 = tpu.memref_squeeze %dma_start3A_3402 : memref<1x128xi32, #tpu.memory_space<vmem>> -> memref<128xi32, #tpu.memory_space<vmem>>
    %dma_start3A_3404 = arith.constant 0 : i32
    %dma_start3A_3405 = tpu.memref_slice %arg2[%dma_start3A_3404] : memref<1179648xf32, #tpu.memory_space<hbm>> -> memref<1179648xf32, #tpu.memory_space<hbm>>
    %dma_start3A_3406 = tpu.memref_slice %arg11[%dma_start3A_3397] : memref<10x!tpu.dma_semaphore, #tpu.memory_space<semaphore_mem>> -> memref<1x!tpu.dma_semaphore, #tpu.memory_space<semaphore_mem>>
    %dma_start3A_3407 = tpu.memref_squeeze %dma_start3A_3406 : memref<1x!tpu.dma_semaphore, #tpu.memory_space<semaphore_mem>> -> memref<!tpu.dma_semaphore, #tpu.memory_space<semaphore_mem>>
    tpu.enqueue_indirect_dma source(%dma_start3A_3405 : memref<1179648xf32, #tpu.memory_space<hbm>>) target(%dma_start3A_3400 : memref<128xf32, #tpu.memory_space<vmem>>) offsets(%dma_start3A_3403 : memref<128xi32, #tpu.memory_space<vmem>>) semaphore(%dma_start3A_3407 : memref<!tpu.dma_semaphore, #tpu.memory_space<semaphore_mem>>)
    %iota3A = tpu.iota {dimensions = array<i32: 0>} : vector<16xi32>
    %broadcast_in_dim3A = arith.constant 0.000000e+00 : f32
    %broadcast_in_dim3A_3408 = vector.broadcast %broadcast_in_dim3A : f32 to vector<16xf32>
    %scan3A = arith.constant 0 : i32
    %scan3A_3409 = arith.constant 10 : i32
    %scan3A_3410 = arith.addi %scan3A, %scan3A_3409 : i32
    %scan3A_3411 = arith.constant 1 : i32
    %scan3A_3412 = scf.for %scan3A_3421 = %scan3A to %scan3A_3410 step %scan3A_3411 iter_args(%scan3A_3422 = %broadcast_in_dim3A_3408) -> (vector<16xf32>)  : i32 {
      %dma_wait3A_3423 = arith.constant 0 : i32
      %dma_wait3A_3424 = tpu.memref_slice %arg8[%scan3A_3421, %dma_wait3A_3423] : memref<10x128xf32, #tpu.memory_space<vmem>> -> memref<1x128xf32, #tpu.memory_space<vmem>>
      %dma_wait3A_3425 = tpu.memref_squeeze %dma_wait3A_3424 : memref<1x128xf32, #tpu.memory_space<vmem>> -> memref<128xf32, #tpu.memory_space<vmem>>
      %dma_wait3A_3426 = arith.constant 0 : i32
      %dma_wait3A_3427 = tpu.memref_slice %arg6[%scan3A_3421, %dma_wait3A_3426] : memref<10x128xi32, #tpu.memory_space<vmem>> -> memref<1x128xi32, #tpu.memory_space<vmem>>
      %dma_wait3A_3428 = tpu.memref_squeeze %dma_wait3A_3427 : memref<1x128xi32, #tpu.memory_space<vmem>> -> memref<128xi32, #tpu.memory_space<vmem>>
      %dma_wait3A_3429 = arith.constant 0 : i32
      %dma_wait3A_3430 = tpu.memref_slice %arg2[%dma_wait3A_3429] : memref<1179648xf32, #tpu.memory_space<hbm>> -> memref<1179648xf32, #tpu.memory_space<hbm>>
      %dma_wait3A_3431 = tpu.memref_slice %arg11[%scan3A_3421] : memref<10x!tpu.dma_semaphore, #tpu.memory_space<semaphore_mem>> -> memref<1x!tpu.dma_semaphore, #tpu.memory_space<semaphore_mem>>
      %dma_wait3A_3432 = tpu.memref_squeeze %dma_wait3A_3431 : memref<1x!tpu.dma_semaphore, #tpu.memory_space<semaphore_mem>> -> memref<!tpu.dma_semaphore, #tpu.memory_space<semaphore_mem>>
      tpu.wait_indirect_dma semaphore(%dma_wait3A_3432 : memref<!tpu.dma_semaphore, #tpu.memory_space<semaphore_mem>>) src(%dma_wait3A_3430 : memref<1179648xf32, #tpu.memory_space<hbm>>) dst(%dma_wait3A_3425 : memref<128xf32, #tpu.memory_space<vmem>>)
      %dma_wait3A_3433 = arith.constant 0 : i32
      %dma_wait3A_3434 = tpu.memref_slice %arg9[%scan3A_3421, %dma_wait3A_3433] : memref<10x128xf32, #tpu.memory_space<vmem>> -> memref<1x128xf32, #tpu.memory_space<vmem>>
      %dma_wait3A_3435 = tpu.memref_squeeze %dma_wait3A_3434 : memref<1x128xf32, #tpu.memory_space<vmem>> -> memref<128xf32, #tpu.memory_space<vmem>>
      %dma_wait3A_3436 = arith.constant 0 : i32
      %dma_wait3A_3437 = tpu.memref_slice %arg7[%scan3A_3421, %dma_wait3A_3436] : memref<10x128xi32, #tpu.memory_space<vmem>> -> memref<1x128xi32, #tpu.memory_space<vmem>>
      %dma_wait3A_3438 = tpu.memref_squeeze %dma_wait3A_3437 : memref<1x128xi32, #tpu.memory_space<vmem>> -> memref<128xi32, #tpu.memory_space<vmem>>
      %dma_wait3A_3439 = arith.constant 0 : i32
      %dma_wait3A_3440 = tpu.memref_slice %arg2[%dma_wait3A_3439] : memref<1179648xf32, #tpu.memory_space<hbm>> -> memref<1179648xf32, #tpu.memory_space<hbm>>
      %dma_wait3A_3441 = tpu.memref_slice %arg11[%scan3A_3421] : memref<10x!tpu.dma_semaphore, #tpu.memory_space<semaphore_mem>> -> memref<1x!tpu.dma_semaphore, #tpu.memory_space<semaphore_mem>>
      %dma_wait3A_3442 = tpu.memref_squeeze %dma_wait3A_3441 : memref<1x!tpu.dma_semaphore, #tpu.memory_space<semaphore_mem>> -> memref<!tpu.dma_semaphore, #tpu.memory_space<semaphore_mem>>
      tpu.wait_indirect_dma semaphore(%dma_wait3A_3442 : memref<!tpu.dma_semaphore, #tpu.memory_space<semaphore_mem>>) src(%dma_wait3A_3440 : memref<1179648xf32, #tpu.memory_space<hbm>>) dst(%dma_wait3A_3435 : memref<128xf32, #tpu.memory_space<vmem>>)
      %get3A_3443 = arith.index_cast %scan3A_3421 : i32 to index
      %get3A_3444 = arith.constant 0 : index
      %get3A_3445 = tpu.vector_load %arg8[%get3A_3443, %get3A_3444] {strides = array<i32>} : memref<10x128xf32, #tpu.memory_space<vmem>>, vector<1x16xf32>,
      %get3A_3446 = vector.shape_cast %get3A_3445 : vector<1x16xf32> to vector<16xf32>
      %get3A_3447 = arith.index_cast %scan3A_3421 : i32 to index
      %get3A_3448 = arith.constant 0 : index
      %get3A_3449 = tpu.vector_load %arg9[%get3A_3447, %get3A_3448] {strides = array<i32>} : memref<10x128xf32, #tpu.memory_space<vmem>>, vector<1x16xf32>,
      %get3A_3450 = vector.shape_cast %get3A_3449 : vector<1x16xf32> to vector<16xf32>
      %mul3A_3451 = arith.constant 256 : i32
      %mul3A_3452 = arith.muli %scan3A_3421, %mul3A_3451 : i32
      %add3A_3453 = arith.constant 0 : i32
      %add3A_3454 = arith.addi %mul3A_3452, %add3A_3453 : i32
      %get3A_3455 = arith.index_cast %add3A_3454 : i32 to index
      %get3A_3456 = tpu.vector_load %arg5[%get3A_3455] {strides = array<i32>} : memref<2560xi32, #tpu.memory_space<vmem>>, vector<16xi32>,
      %get3A_3457 = vector.shape_cast %get3A_3456 : vector<16xi32> to vector<16xi32>
      %shift_right_logical3A = arith.constant 18 : i32
      %shift_right_logical3A_3458 = vector.broadcast %shift_right_logical3A : i32 to vector<16xi32>
      %shift_right_logical3A_3459 = arith.shrui %get3A_3457, %shift_right_logical3A_3458 : vector<16xi32>
      %div3A_3460 = arith.divf %get3A_3446, %get3A_3450 : vector<16xf32>
      %bitcast_convert_type3A = tpu.bitcast %div3A_3460 : vector<16xf32> -> vector<16xi32>
      %shift_right_arithmetic3A = arith.constant 23 : i32
      %shift_right_arithmetic3A_3461 = vector.broadcast %shift_right_arithmetic3A : i32 to vector<16xi32>
      %shift_right_arithmetic3A_3462 = arith.shrsi %bitcast_convert_type3A, %shift_right_arithmetic3A_3461 : vector<16xi32>
      %sub3A_3463 = arith.constant 127 : i32
      %sub3A_3464 = vector.broadcast %sub3A_3463 : i32 to vector<16xi32>
      %sub3A_3465 = arith.subi %shift_right_arithmetic3A_3462, %sub3A_3464 : vector<16xi32>
      %and3A_3466 = arith.constant 8388607 : i32
      %and3A_3467 = vector.broadcast %and3A_3466 : i32 to vector<16xi32>
      %and3A_3468 = arith.andi %bitcast_convert_type3A, %and3A_3467 : vector<16xi32>
      %or3A = arith.constant 1065353216 : i32
      %or3A_3469 = vector.broadcast %or3A : i32 to vector<16xi32>
      %or3A_3470 = arith.ori %and3A_3468, %or3A_3469 : vector<16xi32>
      %bitcast_convert_type3A_3471 = tpu.bitcast %or3A_3470 : vector<16xi32> -> vector<16xf32>
      %ge3A = arith.constant 1.41421354 : f32
      %ge3A_3472 = vector.broadcast %ge3A : f32 to vector<16xf32>
      %ge3A_3473 = arith.cmpf oge, %bitcast_convert_type3A_3471, %ge3A_3472 : vector<16xf32>
      %mul3A_3474 = arith.constant 5.000000e-01 : f32
      %mul3A_3475 = vector.broadcast %mul3A_3474 : f32 to vector<16xf32>
      %mul3A_3476 = arith.mulf %bitcast_convert_type3A_3471, %mul3A_3475 : vector<16xf32>
      %select_n3A_3477 = arith.select %ge3A_3473, %mul3A_3476, %bitcast_convert_type3A_3471 : vector<16xi1>, vector<16xf32>
      %jit3A_3478 = arith.constant 1 : i32
      %jit3A_3479 = arith.constant 0 : i32
      %broadcast_in_dim3A_3480 = vector.broadcast %jit3A_3478 : i32 to vector<16xi32>
      %broadcast_in_dim3A_3481 = vector.broadcast %jit3A_3479 : i32 to vector<16xi32>
      %select_n3A_3482 = arith.select %ge3A_3473, %broadcast_in_dim3A_3480, %broadcast_in_dim3A_3481 : vector<16xi1>, vector<16xi32>
      %add3A_3483 = arith.addi %sub3A_3465, %select_n3A_3482 : vector<16xi32>
      %convert_element_type3A = arith.sitofp %add3A_3483 : vector<16xi32> to vector<16xf32>
      %sub3A_3484 = arith.constant 1.000000e+00 : f32
      %sub3A_3485 = vector.broadcast %sub3A_3484 : f32 to vector<16xf32>
      %sub3A_3486 = arith.subf %select_n3A_3477, %sub3A_3485 : vector<16xf32>
      %add3A_3487 = arith.constant 1.000000e+00 : f32
      %add3A_3488 = vector.broadcast %add3A_3487 : f32 to vector<16xf32>
      %add3A_3489 = arith.addf %select_n3A_3477, %add3A_3488 : vector<16xf32>
      %div3A_3490 = arith.divf %sub3A_3486, %add3A_3489 : vector<16xf32>
      %mul3A_3491 = arith.mulf %div3A_3490, %div3A_3490 : vector<16xf32>
      %mul3A_3492 = arith.constant 0.111111112 : f32
      %mul3A_3493 = vector.broadcast %mul3A_3492 : f32 to vector<16xf32>
      %mul3A_3494 = arith.mulf %mul3A_3493, %mul3A_3491 : vector<16xf32>
      %add3A_3495 = arith.constant 0.142857149 : f32
      %add3A_3496 = vector.broadcast %add3A_3495 : f32 to vector<16xf32>
      %add3A_3497 = arith.addf %mul3A_3494, %add3A_3496 : vector<16xf32>
      %mul3A_3498 = arith.mulf %add3A_3497, %mul3A_3491 : vector<16xf32>
      %add3A_3499 = arith.constant 2.000000e-01 : f32
      %add3A_3500 = vector.broadcast %add3A_3499 : f32 to vector<16xf32>
      %add3A_3501 = arith.addf %mul3A_3498, %add3A_3500 : vector<16xf32>
      %mul3A_3502 = arith.mulf %add3A_3501, %mul3A_3491 : vector<16xf32>
      %add3A_3503 = arith.constant 0.333333343 : f32
      %add3A_3504 = vector.broadcast %add3A_3503 : f32 to vector<16xf32>
      %add3A_3505 = arith.addf %mul3A_3502, %add3A_3504 : vector<16xf32>
      %mul3A_3506 = arith.mulf %add3A_3505, %mul3A_3491 : vector<16xf32>
      %add3A_3507 = arith.constant 1.000000e+00 : f32
      %add3A_3508 = vector.broadcast %add3A_3507 : f32 to vector<16xf32>
      %add3A_3509 = arith.addf %mul3A_3506, %add3A_3508 : vector<16xf32>
      %mul3A_3510 = arith.constant 0.693147182 : f32
      %mul3A_3511 = vector.broadcast %mul3A_3510 : f32 to vector<16xf32>
      %mul3A_3512 = arith.mulf %convert_element_type3A, %mul3A_3511 : vector<16xf32>
      %add3A_3513 = arith.addf %div3A_3490, %div3A_3490 : vector<16xf32>
      %mul3A_3514 = arith.mulf %add3A_3513, %add3A_3509 : vector<16xf32>
      %add3A_3515 = arith.addf %mul3A_3512, %mul3A_3514 : vector<16xf32>
      %sub3A_3516 = arith.constant 1 : i32
      %sub3A_3517 = vector.broadcast %sub3A_3516 : i32 to vector<16xi32>
      %sub3A_3518 = arith.subi %shift_right_logical3A_3459, %sub3A_3517 : vector<16xi32>
      %convert_element_type3A_3519 = arith.sitofp %sub3A_3518 : vector<16xi32> to vector<16xf32>
      %mul3A_3520 = arith.mulf %convert_element_type3A_3519, %add3A_3515 : vector<16xf32>
      %sub3A_3521 = arith.constant 2.500000e-01 : f32
      %sub3A_3522 = vector.broadcast %sub3A_3521 : f32 to vector<16xf32>
      %sub3A_3523 = arith.subf %sub3A_3522, %mul3A_3520 : vector<16xf32>
      %abs3A = math.absf %sub3A_3523 : vector<16xf32>
      %neg3A = arith.constant 0.000000e+00 : f32
      %neg3A_3524 = vector.broadcast %neg3A : f32 to vector<16xf32>
      %neg3A_3525 = arith.subf %neg3A_3524, %abs3A : vector<16xf32>
      %exp3A = math.exp %neg3A_3525 : vector<16xf32>
      %max3A = arith.constant 0.000000e+00 : f32
      %max3A_3526 = vector.broadcast %max3A : f32 to vector<16xf32>
      %max3A_3527 = arith.maximumf %sub3A_3523, %max3A_3526 : vector<16xf32>
      %add3A_3528 = arith.constant 2.000000e+00 : f32
      %add3A_3529 = vector.broadcast %add3A_3528 : f32 to vector<16xf32>
      %add3A_3530 = arith.addf %exp3A, %add3A_3529 : vector<16xf32>
      %div3A_3531 = arith.divf %exp3A, %add3A_3530 : vector<16xf32>
      %mul3A_3532 = arith.mulf %div3A_3531, %div3A_3531 : vector<16xf32>
      %mul3A_3533 = arith.constant 0.0909090936 : f32
      %mul3A_3534 = vector.broadcast %mul3A_3533 : f32 to vector<16xf32>
      %mul3A_3535 = arith.mulf %mul3A_3534, %mul3A_3532 : vector<16xf32>
      %add3A_3536 = arith.constant 0.111111112 : f32
      %add3A_3537 = vector.broadcast %add3A_3536 : f32 to vector<16xf32>
      %add3A_3538 = arith.addf %mul3A_3535, %add3A_3537 : vector<16xf32>
      %mul3A_3539 = arith.mulf %add3A_3538, %mul3A_3532 : vector<16xf32>
      %add3A_3540 = arith.constant 0.142857149 : f32
      %add3A_3541 = vector.broadcast %add3A_3540 : f32 to vector<16xf32>
      %add3A_3542 = arith.addf %mul3A_3539, %add3A_3541 : vector<16xf32>
      %mul3A_3543 = arith.mulf %add3A_3542, %mul3A_3532 : vector<16xf32>
      %add3A_3544 = arith.constant 2.000000e-01 : f32
      %add3A_3545 = vector.broadcast %add3A_3544 : f32 to vector<16xf32>
      %add3A_3546 = arith.addf %mul3A_3543, %add3A_3545 : vector<16xf32>
      %mul3A_3547 = arith.mulf %add3A_3546, %mul3A_3532 : vector<16xf32>
      %add3A_3548 = arith.constant 0.333333343 : f32
      %add3A_3549 = vector.broadcast %add3A_3548 : f32 to vector<16xf32>
      %add3A_3550 = arith.addf %mul3A_3547, %add3A_3549 : vector<16xf32>
      %mul3A_3551 = arith.mulf %add3A_3550, %mul3A_3532 : vector<16xf32>
      %add3A_3552 = arith.constant 1.000000e+00 : f32
      %add3A_3553 = vector.broadcast %add3A_3552 : f32 to vector<16xf32>
      %add3A_3554 = arith.addf %mul3A_3551, %add3A_3553 : vector<16xf32>
      %add3A_3555 = arith.addf %div3A_3531, %div3A_3531 : vector<16xf32>
      %mul3A_3556 = arith.mulf %add3A_3555, %add3A_3554 : vector<16xf32>
      %add3A_3557 = arith.addf %max3A_3527, %mul3A_3556 : vector<16xf32>
      %mul3A_3558 = arith.mulf %add3A_3515, %add3A_3515 : vector<16xf32>
      %sub3A_3559 = arith.constant 2.500000e-01 : f32
      %sub3A_3560 = vector.broadcast %sub3A_3559 : f32 to vector<16xf32>
      %sub3A_3561 = arith.subf %mul3A_3558, %sub3A_3560 : vector<16xf32>
      %max3A_3562 = arith.constant 0.000000e+00 : f32
      %max3A_3563 = vector.broadcast %max3A_3562 : f32 to vector<16xf32>
      %max3A_3564 = arith.maximumf %sub3A_3561, %max3A_3563 : vector<16xf32>
      %eq3A_3565 = arith.constant 1 : i32
      %eq3A_3566 = vector.broadcast %eq3A_3565 : i32 to vector<16xi32>
      %eq3A_3567 = arith.cmpi eq, %shift_right_logical3A_3459, %eq3A_3566 : vector<16xi32>
      %select_n3A_3568 = arith.select %eq3A_3567, %max3A_3564, %add3A_3557 : vector<16xi1>, vector<16xf32>
      %mul3A_3569 = arith.constant 128 : i32
      %mul3A_3570 = arith.muli %scan3A_3421, %mul3A_3569 : i32
      %add3A_3571 = arith.constant 0 : i32
      %add3A_3572 = arith.addi %mul3A_3570, %add3A_3571 : i32
      %add3A_3573 = vector.broadcast %add3A_3572 : i32 to vector<16xi32>
      %add3A_3574 = arith.addi %add3A_3573, %iota3A : vector<16xi32>
      %lt3A_3575 = vector.broadcast %select_n3A_37 : i32 to vector<16xi32>
      %lt3A_3576 = arith.cmpi slt, %add3A_3574, %lt3A_3575 : vector<16xi32>
      %jit3A_3577 = arith.constant 0.000000e+00 : f32
      %broadcast_in_dim3A_3578 = vector.broadcast %jit3A_3577 : f32 to vector<16xf32>
      %select_n3A_3579 = arith.select %lt3A_3576, %select_n3A_3568, %broadcast_in_dim3A_3578 : vector<16xi1>, vector<16xf32>
      %add3A_3580 = arith.addf %scan3A_3422, %select_n3A_3579 : vector<16xf32>
      %get3A_3581 = arith.index_cast %scan3A_3421 : i32 to index
      %get3A_3582 = arith.constant 16 : index
      %get3A_3583 = tpu.vector_load %arg8[%get3A_3581, %get3A_3582] {strides = array<i32>} : memref<10x128xf32, #tpu.memory_space<vmem>>, vector<1x16xf32>,
      %get3A_3584 = vector.shape_cast %get3A_3583 : vector<1x16xf32> to vector<16xf32>
      %get3A_3585 = arith.index_cast %scan3A_3421 : i32 to index
      %get3A_3586 = arith.constant 16 : index
      %get3A_3587 = tpu.vector_load %arg9[%get3A_3585, %get3A_3586] {strides = array<i32>} : memref<10x128xf32, #tpu.memory_space<vmem>>, vector<1x16xf32>,
      %get3A_3588 = vector.shape_cast %get3A_3587 : vector<1x16xf32> to vector<16xf32>
      %mul3A_3589 = arith.constant 256 : i32
      %mul3A_3590 = arith.muli %scan3A_3421, %mul3A_3589 : i32
      %add3A_3591 = arith.constant 16 : i32
      %add3A_3592 = arith.addi %mul3A_3590, %add3A_3591 : i32
      %get3A_3593 = arith.index_cast %add3A_3592 : i32 to index
      %get3A_3594 = tpu.vector_load %arg5[%get3A_3593] {strides = array<i32>} : memref<2560xi32, #tpu.memory_space<vmem>>, vector<16xi32>,
      %get3A_3595 = vector.shape_cast %get3A_3594 : vector<16xi32> to vector<16xi32>
      %shift_right_logical3A_3596 = arith.constant 18 : i32
      %shift_right_logical3A_3597 = vector.broadcast %shift_right_logical3A_3596 : i32 to vector<16xi32>
      %shift_right_logical3A_3598 = arith.shrui %get3A_3595, %shift_right_logical3A_3597 : vector<16xi32>
      %div3A_3599 = arith.divf %get3A_3584, %get3A_3588 : vector<16xf32>
      %bitcast_convert_type3A_3600 = tpu.bitcast %div3A_3599 : vector<16xf32> -> vector<16xi32>
      %shift_right_arithmetic3A_3601 = arith.constant 23 : i32
      %shift_right_arithmetic3A_3602 = vector.broadcast %shift_right_arithmetic3A_3601 : i32 to vector<16xi32>
      %shift_right_arithmetic3A_3603 = arith.shrsi %bitcast_convert_type3A_3600, %shift_right_arithmetic3A_3602 : vector<16xi32>
      %sub3A_3604 = arith.constant 127 : i32
      %sub3A_3605 = vector.broadcast %sub3A_3604 : i32 to vector<16xi32>
      %sub3A_3606 = arith.subi %shift_right_arithmetic3A_3603, %sub3A_3605 : vector<16xi32>
      %and3A_3607 = arith.constant 8388607 : i32
      %and3A_3608 = vector.broadcast %and3A_3607 : i32 to vector<16xi32>
      %and3A_3609 = arith.andi %bitcast_convert_type3A_3600, %and3A_3608 : vector<16xi32>
      %or3A_3610 = arith.constant 1065353216 : i32
      %or3A_3611 = vector.broadcast %or3A_3610 : i32 to vector<16xi32>
      %or3A_3612 = arith.ori %and3A_3609, %or3A_3611 : vector<16xi32>
      %bitcast_convert_type3A_3613 = tpu.bitcast %or3A_3612 : vector<16xi32> -> vector<16xf32>
      %ge3A_3614 = arith.constant 1.41421354 : f32
      %ge3A_3615 = vector.broadcast %ge3A_3614 : f32 to vector<16xf32>
      %ge3A_3616 = arith.cmpf oge, %bitcast_convert_type3A_3613, %ge3A_3615 : vector<16xf32>
      %mul3A_3617 = arith.constant 5.000000e-01 : f32
      %mul3A_3618 = vector.broadcast %mul3A_3617 : f32 to vector<16xf32>
      %mul3A_3619 = arith.mulf %bitcast_convert_type3A_3613, %mul3A_3618 : vector<16xf32>
      %select_n3A_3620 = arith.select %ge3A_3616, %mul3A_3619, %bitcast_convert_type3A_3613 : vector<16xi1>, vector<16xf32>
      %jit3A_3621 = arith.constant 1 : i32
      %jit3A_3622 = arith.constant 0 : i32
      %broadcast_in_dim3A_3623 = vector.broadcast %jit3A_3621 : i32 to vector<16xi32>
      %broadcast_in_dim3A_3624 = vector.broadcast %jit3A_3622 : i32 to vector<16xi32>
      %select_n3A_3625 = arith.select %ge3A_3616, %broadcast_in_dim3A_3623, %broadcast_in_dim3A_3624 : vector<16xi1>, vector<16xi32>
      %add3A_3626 = arith.addi %sub3A_3606, %select_n3A_3625 : vector<16xi32>
      %convert_element_type3A_3627 = arith.sitofp %add3A_3626 : vector<16xi32> to vector<16xf32>
      %sub3A_3628 = arith.constant 1.000000e+00 : f32
      %sub3A_3629 = vector.broadcast %sub3A_3628 : f32 to vector<16xf32>
      %sub3A_3630 = arith.subf %select_n3A_3620, %sub3A_3629 : vector<16xf32>
      %add3A_3631 = arith.constant 1.000000e+00 : f32
      %add3A_3632 = vector.broadcast %add3A_3631 : f32 to vector<16xf32>
      %add3A_3633 = arith.addf %select_n3A_3620, %add3A_3632 : vector<16xf32>
      %div3A_3634 = arith.divf %sub3A_3630, %add3A_3633 : vector<16xf32>
      %mul3A_3635 = arith.mulf %div3A_3634, %div3A_3634 : vector<16xf32>
      %mul3A_3636 = arith.constant 0.111111112 : f32
      %mul3A_3637 = vector.broadcast %mul3A_3636 : f32 to vector<16xf32>
      %mul3A_3638 = arith.mulf %mul3A_3637, %mul3A_3635 : vector<16xf32>
      %add3A_3639 = arith.constant 0.142857149 : f32
      %add3A_3640 = vector.broadcast %add3A_3639 : f32 to vector<16xf32>
      %add3A_3641 = arith.addf %mul3A_3638, %add3A_3640 : vector<16xf32>
      %mul3A_3642 = arith.mulf %add3A_3641, %mul3A_3635 : vector<16xf32>
      %add3A_3643 = arith.constant 2.000000e-01 : f32
      %add3A_3644 = vector.broadcast %add3A_3643 : f32 to vector<16xf32>
      %add3A_3645 = arith.addf %mul3A_3642, %add3A_3644 : vector<16xf32>
      %mul3A_3646 = arith.mulf %add3A_3645, %mul3A_3635 : vector<16xf32>
      %add3A_3647 = arith.constant 0.333333343 : f32
      %add3A_3648 = vector.broadcast %add3A_3647 : f32 to vector<16xf32>
      %add3A_3649 = arith.addf %mul3A_3646, %add3A_3648 : vector<16xf32>
      %mul3A_3650 = arith.mulf %add3A_3649, %mul3A_3635 : vector<16xf32>
      %add3A_3651 = arith.constant 1.000000e+00 : f32
      %add3A_3652 = vector.broadcast %add3A_3651 : f32 to vector<16xf32>
      %add3A_3653 = arith.addf %mul3A_3650, %add3A_3652 : vector<16xf32>
      %mul3A_3654 = arith.constant 0.693147182 : f32
      %mul3A_3655 = vector.broadcast %mul3A_3654 : f32 to vector<16xf32>
      %mul3A_3656 = arith.mulf %convert_element_type3A_3627, %mul3A_3655 : vector<16xf32>
      %add3A_3657 = arith.addf %div3A_3634, %div3A_3634 : vector<16xf32>
      %mul3A_3658 = arith.mulf %add3A_3657, %add3A_3653 : vector<16xf32>
      %add3A_3659 = arith.addf %mul3A_3656, %mul3A_3658 : vector<16xf32>
      %sub3A_3660 = arith.constant 1 : i32
      %sub3A_3661 = vector.broadcast %sub3A_3660 : i32 to vector<16xi32>
      %sub3A_3662 = arith.subi %shift_right_logical3A_3598, %sub3A_3661 : vector<16xi32>
      %convert_element_type3A_3663 = arith.sitofp %sub3A_3662 : vector<16xi32> to vector<16xf32>
      %mul3A_3664 = arith.mulf %convert_element_type3A_3663, %add3A_3659 : vector<16xf32>
      %sub3A_3665 = arith.constant 2.500000e-01 : f32
      %sub3A_3666 = vector.broadcast %sub3A_3665 : f32 to vector<16xf32>
      %sub3A_3667 = arith.subf %sub3A_3666, %mul3A_3664 : vector<16xf32>
      %abs3A_3668 = math.absf %sub3A_3667 : vector<16xf32>
      %neg3A_3669 = arith.constant 0.000000e+00 : f32
      %neg3A_3670 = vector.broadcast %neg3A_3669 : f32 to vector<16xf32>
      %neg3A_3671 = arith.subf %neg3A_3670, %abs3A_3668 : vector<16xf32>
      %exp3A_3672 = math.exp %neg3A_3671 : vector<16xf32>
      %max3A_3673 = arith.constant 0.000000e+00 : f32
      %max3A_3674 = vector.broadcast %max3A_3673 : f32 to vector<16xf32>
      %max3A_3675 = arith.maximumf %sub3A_3667, %max3A_3674 : vector<16xf32>
      %add3A_3676 = arith.constant 2.000000e+00 : f32
      %add3A_3677 = vector.broadcast %add3A_3676 : f32 to vector<16xf32>
      %add3A_3678 = arith.addf %exp3A_3672, %add3A_3677 : vector<16xf32>
      %div3A_3679 = arith.divf %exp3A_3672, %add3A_3678 : vector<16xf32>
      %mul3A_3680 = arith.mulf %div3A_3679, %div3A_3679 : vector<16xf32>
      %mul3A_3681 = arith.constant 0.0909090936 : f32
      %mul3A_3682 = vector.broadcast %mul3A_3681 : f32 to vector<16xf32>
      %mul3A_3683 = arith.mulf %mul3A_3682, %mul3A_3680 : vector<16xf32>
      %add3A_3684 = arith.constant 0.111111112 : f32
      %add3A_3685 = vector.broadcast %add3A_3684 : f32 to vector<16xf32>
      %add3A_3686 = arith.addf %mul3A_3683, %add3A_3685 : vector<16xf32>
      %mul3A_3687 = arith.mulf %add3A_3686, %mul3A_3680 : vector<16xf32>
      %add3A_3688 = arith.constant 0.142857149 : f32
      %add3A_3689 = vector.broadcast %add3A_3688 : f32 to vector<16xf32>
      %add3A_3690 = arith.addf %mul3A_3687, %add3A_3689 : vector<16xf32>
      %mul3A_3691 = arith.mulf %add3A_3690, %mul3A_3680 : vector<16xf32>
      %add3A_3692 = arith.constant 2.000000e-01 : f32
      %add3A_3693 = vector.broadcast %add3A_3692 : f32 to vector<16xf32>
      %add3A_3694 = arith.addf %mul3A_3691, %add3A_3693 : vector<16xf32>
      %mul3A_3695 = arith.mulf %add3A_3694, %mul3A_3680 : vector<16xf32>
      %add3A_3696 = arith.constant 0.333333343 : f32
      %add3A_3697 = vector.broadcast %add3A_3696 : f32 to vector<16xf32>
      %add3A_3698 = arith.addf %mul3A_3695, %add3A_3697 : vector<16xf32>
      %mul3A_3699 = arith.mulf %add3A_3698, %mul3A_3680 : vector<16xf32>
      %add3A_3700 = arith.constant 1.000000e+00 : f32
      %add3A_3701 = vector.broadcast %add3A_3700 : f32 to vector<16xf32>
      %add3A_3702 = arith.addf %mul3A_3699, %add3A_3701 : vector<16xf32>
      %add3A_3703 = arith.addf %div3A_3679, %div3A_3679 : vector<16xf32>
      %mul3A_3704 = arith.mulf %add3A_3703, %add3A_3702 : vector<16xf32>
      %add3A_3705 = arith.addf %max3A_3675, %mul3A_3704 : vector<16xf32>
      %mul3A_3706 = arith.mulf %add3A_3659, %add3A_3659 : vector<16xf32>
      %sub3A_3707 = arith.constant 2.500000e-01 : f32
      %sub3A_3708 = vector.broadcast %sub3A_3707 : f32 to vector<16xf32>
      %sub3A_3709 = arith.subf %mul3A_3706, %sub3A_3708 : vector<16xf32>
      %max3A_3710 = arith.constant 0.000000e+00 : f32
      %max3A_3711 = vector.broadcast %max3A_3710 : f32 to vector<16xf32>
      %max3A_3712 = arith.maximumf %sub3A_3709, %max3A_3711 : vector<16xf32>
      %eq3A_3713 = arith.constant 1 : i32
      %eq3A_3714 = vector.broadcast %eq3A_3713 : i32 to vector<16xi32>
      %eq3A_3715 = arith.cmpi eq, %shift_right_logical3A_3598, %eq3A_3714 : vector<16xi32>
      %select_n3A_3716 = arith.select %eq3A_3715, %max3A_3712, %add3A_3705 : vector<16xi1>, vector<16xf32>
      %mul3A_3717 = arith.constant 128 : i32
      %mul3A_3718 = arith.muli %scan3A_3421, %mul3A_3717 : i32
      %add3A_3719 = arith.constant 16 : i32
      %add3A_3720 = arith.addi %mul3A_3718, %add3A_3719 : i32
      %add3A_3721 = vector.broadcast %add3A_3720 : i32 to vector<16xi32>
      %add3A_3722 = arith.addi %add3A_3721, %iota3A : vector<16xi32>
      %lt3A_3723 = vector.broadcast %select_n3A_37 : i32 to vector<16xi32>
      %lt3A_3724 = arith.cmpi slt, %add3A_3722, %lt3A_3723 : vector<16xi32>
      %jit3A_3725 = arith.constant 0.000000e+00 : f32
      %broadcast_in_dim3A_3726 = vector.broadcast %jit3A_3725 : f32 to vector<16xf32>
      %select_n3A_3727 = arith.select %lt3A_3724, %select_n3A_3716, %broadcast_in_dim3A_3726 : vector<16xi1>, vector<16xf32>
      %add3A_3728 = arith.addf %add3A_3580, %select_n3A_3727 : vector<16xf32>
      %get3A_3729 = arith.index_cast %scan3A_3421 : i32 to index
      %get3A_3730 = arith.constant 32 : index
      %get3A_3731 = tpu.vector_load %arg8[%get3A_3729, %get3A_3730] {strides = array<i32>} : memref<10x128xf32, #tpu.memory_space<vmem>>, vector<1x16xf32>,
      %get3A_3732 = vector.shape_cast %get3A_3731 : vector<1x16xf32> to vector<16xf32>
      %get3A_3733 = arith.index_cast %scan3A_3421 : i32 to index
      %get3A_3734 = arith.constant 32 : index
      %get3A_3735 = tpu.vector_load %arg9[%get3A_3733, %get3A_3734] {strides = array<i32>} : memref<10x128xf32, #tpu.memory_space<vmem>>, vector<1x16xf32>,
      %get3A_3736 = vector.shape_cast %get3A_3735 : vector<1x16xf32> to vector<16xf32>
      %mul3A_3737 = arith.constant 256 : i32
      %mul3A_3738 = arith.muli %scan3A_3421, %mul3A_3737 : i32
      %add3A_3739 = arith.constant 32 : i32
      %add3A_3740 = arith.addi %mul3A_3738, %add3A_3739 : i32
      %get3A_3741 = arith.index_cast %add3A_3740 : i32 to index
      %get3A_3742 = tpu.vector_load %arg5[%get3A_3741] {strides = array<i32>} : memref<2560xi32, #tpu.memory_space<vmem>>, vector<16xi32>,
      %get3A_3743 = vector.shape_cast %get3A_3742 : vector<16xi32> to vector<16xi32>
      %shift_right_logical3A_3744 = arith.constant 18 : i32
      %shift_right_logical3A_3745 = vector.broadcast %shift_right_logical3A_3744 : i32 to vector<16xi32>
      %shift_right_logical3A_3746 = arith.shrui %get3A_3743, %shift_right_logical3A_3745 : vector<16xi32>
      %div3A_3747 = arith.divf %get3A_3732, %get3A_3736 : vector<16xf32>
      %bitcast_convert_type3A_3748 = tpu.bitcast %div3A_3747 : vector<16xf32> -> vector<16xi32>
      %shift_right_arithmetic3A_3749 = arith.constant 23 : i32
      %shift_right_arithmetic3A_3750 = vector.broadcast %shift_right_arithmetic3A_3749 : i32 to vector<16xi32>
      %shift_right_arithmetic3A_3751 = arith.shrsi %bitcast_convert_type3A_3748, %shift_right_arithmetic3A_3750 : vector<16xi32>
      %sub3A_3752 = arith.constant 127 : i32
      %sub3A_3753 = vector.broadcast %sub3A_3752 : i32 to vector<16xi32>
      %sub3A_3754 = arith.subi %shift_right_arithmetic3A_3751, %sub3A_3753 : vector<16xi32>
      %and3A_3755 = arith.constant 8388607 : i32
      %and3A_3756 = vector.broadcast %and3A_3755 : i32 to vector<16xi32>
      %and3A_3757 = arith.andi %bitcast_convert_type3A_3748, %and3A_3756 : vector<16xi32>
      %or3A_3758 = arith.constant 1065353216 : i32
      %or3A_3759 = vector.broadcast %or3A_3758 : i32 to vector<16xi32>
      %or3A_3760 = arith.ori %and3A_3757, %or3A_3759 : vector<16xi32>
      %bitcast_convert_type3A_3761 = tpu.bitcast %or3A_3760 : vector<16xi32> -> vector<16xf32>
      %ge3A_3762 = arith.constant 1.41421354 : f32
      %ge3A_3763 = vector.broadcast %ge3A_3762 : f32 to vector<16xf32>
      %ge3A_3764 = arith.cmpf oge, %bitcast_convert_type3A_3761, %ge3A_3763 : vector<16xf32>
      %mul3A_3765 = arith.constant 5.000000e-01 : f32
      %mul3A_3766 = vector.broadcast %mul3A_3765 : f32 to vector<16xf32>
      %mul3A_3767 = arith.mulf %bitcast_convert_type3A_3761, %mul3A_3766 : vector<16xf32>
      %select_n3A_3768 = arith.select %ge3A_3764, %mul3A_3767, %bitcast_convert_type3A_3761 : vector<16xi1>, vector<16xf32>
      %jit3A_3769 = arith.constant 1 : i32
      %jit3A_3770 = arith.constant 0 : i32
      %broadcast_in_dim3A_3771 = vector.broadcast %jit3A_3769 : i32 to vector<16xi32>
      %broadcast_in_dim3A_3772 = vector.broadcast %jit3A_3770 : i32 to vector<16xi32>
      %select_n3A_3773 = arith.select %ge3A_3764, %broadcast_in_dim3A_3771, %broadcast_in_dim3A_3772 : vector<16xi1>, vector<16xi32>
      %add3A_3774 = arith.addi %sub3A_3754, %select_n3A_3773 : vector<16xi32>
      %convert_element_type3A_3775 = arith.sitofp %add3A_3774 : vector<16xi32> to vector<16xf32>
      %sub3A_3776 = arith.constant 1.000000e+00 : f32
      %sub3A_3777 = vector.broadcast %sub3A_3776 : f32 to vector<16xf32>
      %sub3A_3778 = arith.subf %select_n3A_3768, %sub3A_3777 : vector<16xf32>
      %add3A_3779 = arith.constant 1.000000e+00 : f32
      %add3A_3780 = vector.broadcast %add3A_3779 : f32 to vector<16xf32>
      %add3A_3781 = arith.addf %select_n3A_3768, %add3A_3780 : vector<16xf32>
      %div3A_3782 = arith.divf %sub3A_3778, %add3A_3781 : vector<16xf32>
      %mul3A_3783 = arith.mulf %div3A_3782, %div3A_3782 : vector<16xf32>
      %mul3A_3784 = arith.constant 0.111111112 : f32
      %mul3A_3785 = vector.broadcast %mul3A_3784 : f32 to vector<16xf32>
      %mul3A_3786 = arith.mulf %mul3A_3785, %mul3A_3783 : vector<16xf32>
      %add3A_3787 = arith.constant 0.142857149 : f32
      %add3A_3788 = vector.broadcast %add3A_3787 : f32 to vector<16xf32>
      %add3A_3789 = arith.addf %mul3A_3786, %add3A_3788 : vector<16xf32>
      %mul3A_3790 = arith.mulf %add3A_3789, %mul3A_3783 : vector<16xf32>
      %add3A_3791 = arith.constant 2.000000e-01 : f32
      %add3A_3792 = vector.broadcast %add3A_3791 : f32 to vector<16xf32>
      %add3A_3793 = arith.addf %mul3A_3790, %add3A_3792 : vector<16xf32>
      %mul3A_3794 = arith.mulf %add3A_3793, %mul3A_3783 : vector<16xf32>
      %add3A_3795 = arith.constant 0.333333343 : f32
      %add3A_3796 = vector.broadcast %add3A_3795 : f32 to vector<16xf32>
      %add3A_3797 = arith.addf %mul3A_3794, %add3A_3796 : vector<16xf32>
      %mul3A_3798 = arith.mulf %add3A_3797, %mul3A_3783 : vector<16xf32>
      %add3A_3799 = arith.constant 1.000000e+00 : f32
      %add3A_3800 = vector.broadcast %add3A_3799 : f32 to vector<16xf32>
      %add3A_3801 = arith.addf %mul3A_3798, %add3A_3800 : vector<16xf32>
      %mul3A_3802 = arith.constant 0.693147182 : f32
      %mul3A_3803 = vector.broadcast %mul3A_3802 : f32 to vector<16xf32>
      %mul3A_3804 = arith.mulf %convert_element_type3A_3775, %mul3A_3803 : vector<16xf32>
      %add3A_3805 = arith.addf %div3A_3782, %div3A_3782 : vector<16xf32>
      %mul3A_3806 = arith.mulf %add3A_3805, %add3A_3801 : vector<16xf32>
      %add3A_3807 = arith.addf %mul3A_3804, %mul3A_3806 : vector<16xf32>
      %sub3A_3808 = arith.constant 1 : i32
      %sub3A_3809 = vector.broadcast %sub3A_3808 : i32 to vector<16xi32>
      %sub3A_3810 = arith.subi %shift_right_logical3A_3746, %sub3A_3809 : vector<16xi32>
      %convert_element_type3A_3811 = arith.sitofp %sub3A_3810 : vector<16xi32> to vector<16xf32>
      %mul3A_3812 = arith.mulf %convert_element_type3A_3811, %add3A_3807 : vector<16xf32>
      %sub3A_3813 = arith.constant 2.500000e-01 : f32
      %sub3A_3814 = vector.broadcast %sub3A_3813 : f32 to vector<16xf32>
      %sub3A_3815 = arith.subf %sub3A_3814, %mul3A_3812 : vector<16xf32>
      %abs3A_3816 = math.absf %sub3A_3815 : vector<16xf32>
      %neg3A_3817 = arith.constant 0.000000e+00 : f32
      %neg3A_3818 = vector.broadcast %neg3A_3817 : f32 to vector<16xf32>
      %neg3A_3819 = arith.subf %neg3A_3818, %abs3A_3816 : vector<16xf32>
      %exp3A_3820 = math.exp %neg3A_3819 : vector<16xf32>
      %max3A_3821 = arith.constant 0.000000e+00 : f32
      %max3A_3822 = vector.broadcast %max3A_3821 : f32 to vector<16xf32>
      %max3A_3823 = arith.maximumf %sub3A_3815, %max3A_3822 : vector<16xf32>
      %add3A_3824 = arith.constant 2.000000e+00 : f32
      %add3A_3825 = vector.broadcast %add3A_3824 : f32 to vector<16xf32>
      %add3A_3826 = arith.addf %exp3A_3820, %add3A_3825 : vector<16xf32>
      %div3A_3827 = arith.divf %exp3A_3820, %add3A_3826 : vector<16xf32>
      %mul3A_3828 = arith.mulf %div3A_3827, %div3A_3827 : vector<16xf32>
      %mul3A_3829 = arith.constant 0.0909090936 : f32
      %mul3A_3830 = vector.broadcast %mul3A_3829 : f32 to vector<16xf32>
      %mul3A_3831 = arith.mulf %mul3A_3830, %mul3A_3828 : vector<16xf32>
      %add3A_3832 = arith.constant 0.111111112 : f32
      %add3A_3833 = vector.broadcast %add3A_3832 : f32 to vector<16xf32>
      %add3A_3834 = arith.addf %mul3A_3831, %add3A_3833 : vector<16xf32>
      %mul3A_3835 = arith.mulf %add3A_3834, %mul3A_3828 : vector<16xf32>
      %add3A_3836 = arith.constant 0.142857149 : f32
      %add3A_3837 = vector.broadcast %add3A_3836 : f32 to vector<16xf32>
      %add3A_3838 = arith.addf %mul3A_3835, %add3A_3837 : vector<16xf32>
      %mul3A_3839 = arith.mulf %add3A_3838, %mul3A_3828 : vector<16xf32>
      %add3A_3840 = arith.constant 2.000000e-01 : f32
      %add3A_3841 = vector.broadcast %add3A_3840 : f32 to vector<16xf32>
      %add3A_3842 = arith.addf %mul3A_3839, %add3A_3841 : vector<16xf32>
      %mul3A_3843 = arith.mulf %add3A_3842, %mul3A_3828 : vector<16xf32>
      %add3A_3844 = arith.constant 0.333333343 : f32
      %add3A_3845 = vector.broadcast %add3A_3844 : f32 to vector<16xf32>
      %add3A_3846 = arith.addf %mul3A_3843, %add3A_3845 : vector<16xf32>
      %mul3A_3847 = arith.mulf %add3A_3846, %mul3A_3828 : vector<16xf32>
      %add3A_3848 = arith.constant 1.000000e+00 : f32
      %add3A_3849 = vector.broadcast %add3A_3848 : f32 to vector<16xf32>
      %add3A_3850 = arith.addf %mul3A_3847, %add3A_3849 : vector<16xf32>
      %add3A_3851 = arith.addf %div3A_3827, %div3A_3827 : vector<16xf32>
      %mul3A_3852 = arith.mulf %add3A_3851, %add3A_3850 : vector<16xf32>
      %add3A_3853 = arith.addf %max3A_3823, %mul3A_3852 : vector<16xf32>
      %mul3A_3854 = arith.mulf %add3A_3807, %add3A_3807 : vector<16xf32>
      %sub3A_3855 = arith.constant 2.500000e-01 : f32
      %sub3A_3856 = vector.broadcast %sub3A_3855 : f32 to vector<16xf32>
      %sub3A_3857 = arith.subf %mul3A_3854, %sub3A_3856 : vector<16xf32>
      %max3A_3858 = arith.constant 0.000000e+00 : f32
      %max3A_3859 = vector.broadcast %max3A_3858 : f32 to vector<16xf32>
      %max3A_3860 = arith.maximumf %sub3A_3857, %max3A_3859 : vector<16xf32>
      %eq3A_3861 = arith.constant 1 : i32
      %eq3A_3862 = vector.broadcast %eq3A_3861 : i32 to vector<16xi32>
      %eq3A_3863 = arith.cmpi eq, %shift_right_logical3A_3746, %eq3A_3862 : vector<16xi32>
      %select_n3A_3864 = arith.select %eq3A_3863, %max3A_3860, %add3A_3853 : vector<16xi1>, vector<16xf32>
      %mul3A_3865 = arith.constant 128 : i32
      %mul3A_3866 = arith.muli %scan3A_3421, %mul3A_3865 : i32
      %add3A_3867 = arith.constant 32 : i32
      %add3A_3868 = arith.addi %mul3A_3866, %add3A_3867 : i32
      %add3A_3869 = vector.broadcast %add3A_3868 : i32 to vector<16xi32>
      %add3A_3870 = arith.addi %add3A_3869, %iota3A : vector<16xi32>
      %lt3A_3871 = vector.broadcast %select_n3A_37 : i32 to vector<16xi32>
      %lt3A_3872 = arith.cmpi slt, %add3A_3870, %lt3A_3871 : vector<16xi32>
      %jit3A_3873 = arith.constant 0.000000e+00 : f32
      %broadcast_in_dim3A_3874 = vector.broadcast %jit3A_3873 : f32 to vector<16xf32>
      %select_n3A_3875 = arith.select %lt3A_3872, %select_n3A_3864, %broadcast_in_dim3A_3874 : vector<16xi1>, vector<16xf32>
      %add3A_3876 = arith.addf %add3A_3728, %select_n3A_3875 : vector<16xf32>
      %get3A_3877 = arith.index_cast %scan3A_3421 : i32 to index
      %get3A_3878 = arith.constant 48 : index
      %get3A_3879 = tpu.vector_load %arg8[%get3A_3877, %get3A_3878] {strides = array<i32>} : memref<10x128xf32, #tpu.memory_space<vmem>>, vector<1x16xf32>,
      %get3A_3880 = vector.shape_cast %get3A_3879 : vector<1x16xf32> to vector<16xf32>
      %get3A_3881 = arith.index_cast %scan3A_3421 : i32 to index
      %get3A_3882 = arith.constant 48 : index
      %get3A_3883 = tpu.vector_load %arg9[%get3A_3881, %get3A_3882] {strides = array<i32>} : memref<10x128xf32, #tpu.memory_space<vmem>>, vector<1x16xf32>,
      %get3A_3884 = vector.shape_cast %get3A_3883 : vector<1x16xf32> to vector<16xf32>
      %mul3A_3885 = arith.constant 256 : i32
      %mul3A_3886 = arith.muli %scan3A_3421, %mul3A_3885 : i32
      %add3A_3887 = arith.constant 48 : i32
      %add3A_3888 = arith.addi %mul3A_3886, %add3A_3887 : i32
      %get3A_3889 = arith.index_cast %add3A_3888 : i32 to index
      %get3A_3890 = tpu.vector_load %arg5[%get3A_3889] {strides = array<i32>} : memref<2560xi32, #tpu.memory_space<vmem>>, vector<16xi32>,
      %get3A_3891 = vector.shape_cast %get3A_3890 : vector<16xi32> to vector<16xi32>
      %shift_right_logical3A_3892 = arith.constant 18 : i32
      %shift_right_logical3A_3893 = vector.broadcast %shift_right_logical3A_3892 : i32 to vector<16xi32>
      %shift_right_logical3A_3894 = arith.shrui %get3A_3891, %shift_right_logical3A_3893 : vector<16xi32>
      %div3A_3895 = arith.divf %get3A_3880, %get3A_3884 : vector<16xf32>
      %bitcast_convert_type3A_3896 = tpu.bitcast %div3A_3895 : vector<16xf32> -> vector<16xi32>
      %shift_right_arithmetic3A_3897 = arith.constant 23 : i32
      %shift_right_arithmetic3A_3898 = vector.broadcast %shift_right_arithmetic3A_3897 : i32 to vector<16xi32>
      %shift_right_arithmetic3A_3899 = arith.shrsi %bitcast_convert_type3A_3896, %shift_right_arithmetic3A_3898 : vector<16xi32>
      %sub3A_3900 = arith.constant 127 : i32
      %sub3A_3901 = vector.broadcast %sub3A_3900 : i32 to vector<16xi32>
      %sub3A_3902 = arith.subi %shift_right_arithmetic3A_3899, %sub3A_3901 : vector<16xi32>
      %and3A_3903 = arith.constant 8388607 : i32
      %and3A_3904 = vector.broadcast %and3A_3903 : i32 to vector<16xi32>
      %and3A_3905 = arith.andi %bitcast_convert_type3A_3896, %and3A_3904 : vector<16xi32>
      %or3A_3906 = arith.constant 1065353216 : i32
      %or3A_3907 = vector.broadcast %or3A_3906 : i32 to vector<16xi32>
      %or3A_3908 = arith.ori %and3A_3905, %or3A_3907 : vector<16xi32>
      %bitcast_convert_type3A_3909 = tpu.bitcast %or3A_3908 : vector<16xi32> -> vector<16xf32>
      %ge3A_3910 = arith.constant 1.41421354 : f32
      %ge3A_3911 = vector.broadcast %ge3A_3910 : f32 to vector<16xf32>
      %ge3A_3912 = arith.cmpf oge, %bitcast_convert_type3A_3909, %ge3A_3911 : vector<16xf32>
      %mul3A_3913 = arith.constant 5.000000e-01 : f32
      %mul3A_3914 = vector.broadcast %mul3A_3913 : f32 to vector<16xf32>
      %mul3A_3915 = arith.mulf %bitcast_convert_type3A_3909, %mul3A_3914 : vector<16xf32>
      %select_n3A_3916 = arith.select %ge3A_3912, %mul3A_3915, %bitcast_convert_type3A_3909 : vector<16xi1>, vector<16xf32>
      %jit3A_3917 = arith.constant 1 : i32
      %jit3A_3918 = arith.constant 0 : i32
      %broadcast_in_dim3A_3919 = vector.broadcast %jit3A_3917 : i32 to vector<16xi32>
      %broadcast_in_dim3A_3920 = vector.broadcast %jit3A_3918 : i32 to vector<16xi32>
      %select_n3A_3921 = arith.select %ge3A_3912, %broadcast_in_dim3A_3919, %broadcast_in_dim3A_3920 : vector<16xi1>, vector<16xi32>
      %add3A_3922 = arith.addi %sub3A_3902, %select_n3A_3921 : vector<16xi32>
      %convert_element_type3A_3923 = arith.sitofp %add3A_3922 : vector<16xi32> to vector<16xf32>
      %sub3A_3924 = arith.constant 1.000000e+00 : f32
      %sub3A_3925 = vector.broadcast %sub3A_3924 : f32 to vector<16xf32>
      %sub3A_3926 = arith.subf %select_n3A_3916, %sub3A_3925 : vector<16xf32>
      %add3A_3927 = arith.constant 1.000000e+00 : f32
      %add3A_3928 = vector.broadcast %add3A_3927 : f32 to vector<16xf32>
      %add3A_3929 = arith.addf %select_n3A_3916, %add3A_3928 : vector<16xf32>
      %div3A_3930 = arith.divf %sub3A_3926, %add3A_3929 : vector<16xf32>
      %mul3A_3931 = arith.mulf %div3A_3930, %div3A_3930 : vector<16xf32>
      %mul3A_3932 = arith.constant 0.111111112 : f32
      %mul3A_3933 = vector.broadcast %mul3A_3932 : f32 to vector<16xf32>
      %mul3A_3934 = arith.mulf %mul3A_3933, %mul3A_3931 : vector<16xf32>
      %add3A_3935 = arith.constant 0.142857149 : f32
      %add3A_3936 = vector.broadcast %add3A_3935 : f32 to vector<16xf32>
      %add3A_3937 = arith.addf %mul3A_3934, %add3A_3936 : vector<16xf32>
      %mul3A_3938 = arith.mulf %add3A_3937, %mul3A_3931 : vector<16xf32>
      %add3A_3939 = arith.constant 2.000000e-01 : f32
      %add3A_3940 = vector.broadcast %add3A_3939 : f32 to vector<16xf32>
      %add3A_3941 = arith.addf %mul3A_3938, %add3A_3940 : vector<16xf32>
      %mul3A_3942 = arith.mulf %add3A_3941, %mul3A_3931 : vector<16xf32>
      %add3A_3943 = arith.constant 0.333333343 : f32
      %add3A_3944 = vector.broadcast %add3A_3943 : f32 to vector<16xf32>
      %add3A_3945 = arith.addf %mul3A_3942, %add3A_3944 : vector<16xf32>
      %mul3A_3946 = arith.mulf %add3A_3945, %mul3A_3931 : vector<16xf32>
      %add3A_3947 = arith.constant 1.000000e+00 : f32
      %add3A_3948 = vector.broadcast %add3A_3947 : f32 to vector<16xf32>
      %add3A_3949 = arith.addf %mul3A_3946, %add3A_3948 : vector<16xf32>
      %mul3A_3950 = arith.constant 0.693147182 : f32
      %mul3A_3951 = vector.broadcast %mul3A_3950 : f32 to vector<16xf32>
      %mul3A_3952 = arith.mulf %convert_element_type3A_3923, %mul3A_3951 : vector<16xf32>
      %add3A_3953 = arith.addf %div3A_3930, %div3A_3930 : vector<16xf32>
      %mul3A_3954 = arith.mulf %add3A_3953, %add3A_3949 : vector<16xf32>
      %add3A_3955 = arith.addf %mul3A_3952, %mul3A_3954 : vector<16xf32>
      %sub3A_3956 = arith.constant 1 : i32
      %sub3A_3957 = vector.broadcast %sub3A_3956 : i32 to vector<16xi32>
      %sub3A_3958 = arith.subi %shift_right_logical3A_3894, %sub3A_3957 : vector<16xi32>
      %convert_element_type3A_3959 = arith.sitofp %sub3A_3958 : vector<16xi32> to vector<16xf32>
      %mul3A_3960 = arith.mulf %convert_element_type3A_3959, %add3A_3955 : vector<16xf32>
      %sub3A_3961 = arith.constant 2.500000e-01 : f32
      %sub3A_3962 = vector.broadcast %sub3A_3961 : f32 to vector<16xf32>
      %sub3A_3963 = arith.subf %sub3A_3962, %mul3A_3960 : vector<16xf32>
      %abs3A_3964 = math.absf %sub3A_3963 : vector<16xf32>
      %neg3A_3965 = arith.constant 0.000000e+00 : f32
      %neg3A_3966 = vector.broadcast %neg3A_3965 : f32 to vector<16xf32>
      %neg3A_3967 = arith.subf %neg3A_3966, %abs3A_3964 : vector<16xf32>
      %exp3A_3968 = math.exp %neg3A_3967 : vector<16xf32>
      %max3A_3969 = arith.constant 0.000000e+00 : f32
      %max3A_3970 = vector.broadcast %max3A_3969 : f32 to vector<16xf32>
      %max3A_3971 = arith.maximumf %sub3A_3963, %max3A_3970 : vector<16xf32>
      %add3A_3972 = arith.constant 2.000000e+00 : f32
      %add3A_3973 = vector.broadcast %add3A_3972 : f32 to vector<16xf32>
      %add3A_3974 = arith.addf %exp3A_3968, %add3A_3973 : vector<16xf32>
      %div3A_3975 = arith.divf %exp3A_3968, %add3A_3974 : vector<16xf32>
      %mul3A_3976 = arith.mulf %div3A_3975, %div3A_3975 : vector<16xf32>
      %mul3A_3977 = arith.constant 0.0909090936 : f32
      %mul3A_3978 = vector.broadcast %mul3A_3977 : f32 to vector<16xf32>
      %mul3A_3979 = arith.mulf %mul3A_3978, %mul3A_3976 : vector<16xf32>
      %add3A_3980 = arith.constant 0.111111112 : f32
      %add3A_3981 = vector.broadcast %add3A_3980 : f32 to vector<16xf32>
      %add3A_3982 = arith.addf %mul3A_3979, %add3A_3981 : vector<16xf32>
      %mul3A_3983 = arith.mulf %add3A_3982, %mul3A_3976 : vector<16xf32>
      %add3A_3984 = arith.constant 0.142857149 : f32
      %add3A_3985 = vector.broadcast %add3A_3984 : f32 to vector<16xf32>
      %add3A_3986 = arith.addf %mul3A_3983, %add3A_3985 : vector<16xf32>
      %mul3A_3987 = arith.mulf %add3A_3986, %mul3A_3976 : vector<16xf32>
      %add3A_3988 = arith.constant 2.000000e-01 : f32
      %add3A_3989 = vector.broadcast %add3A_3988 : f32 to vector<16xf32>
      %add3A_3990 = arith.addf %mul3A_3987, %add3A_3989 : vector<16xf32>
      %mul3A_3991 = arith.mulf %add3A_3990, %mul3A_3976 : vector<16xf32>
      %add3A_3992 = arith.constant 0.333333343 : f32
      %add3A_3993 = vector.broadcast %add3A_3992 : f32 to vector<16xf32>
      %add3A_3994 = arith.addf %mul3A_3991, %add3A_3993 : vector<16xf32>
      %mul3A_3995 = arith.mulf %add3A_3994, %mul3A_3976 : vector<16xf32>
      %add3A_3996 = arith.constant 1.000000e+00 : f32
      %add3A_3997 = vector.broadcast %add3A_3996 : f32 to vector<16xf32>
      %add3A_3998 = arith.addf %mul3A_3995, %add3A_3997 : vector<16xf32>
      %add3A_3999 = arith.addf %div3A_3975, %div3A_3975 : vector<16xf32>
      %mul3A_4000 = arith.mulf %add3A_3999, %add3A_3998 : vector<16xf32>
      %add3A_4001 = arith.addf %max3A_3971, %mul3A_4000 : vector<16xf32>
      %mul3A_4002 = arith.mulf %add3A_3955, %add3A_3955 : vector<16xf32>
      %sub3A_4003 = arith.constant 2.500000e-01 : f32
      %sub3A_4004 = vector.broadcast %sub3A_4003 : f32 to vector<16xf32>
      %sub3A_4005 = arith.subf %mul3A_4002, %sub3A_4004 : vector<16xf32>
      %max3A_4006 = arith.constant 0.000000e+00 : f32
      %max3A_4007 = vector.broadcast %max3A_4006 : f32 to vector<16xf32>
      %max3A_4008 = arith.maximumf %sub3A_4005, %max3A_4007 : vector<16xf32>
      %eq3A_4009 = arith.constant 1 : i32
      %eq3A_4010 = vector.broadcast %eq3A_4009 : i32 to vector<16xi32>
      %eq3A_4011 = arith.cmpi eq, %shift_right_logical3A_3894, %eq3A_4010 : vector<16xi32>
      %select_n3A_4012 = arith.select %eq3A_4011, %max3A_4008, %add3A_4001 : vector<16xi1>, vector<16xf32>
      %mul3A_4013 = arith.constant 128 : i32
      %mul3A_4014 = arith.muli %scan3A_3421, %mul3A_4013 : i32
      %add3A_4015 = arith.constant 48 : i32
      %add3A_4016 = arith.addi %mul3A_4014, %add3A_4015 : i32
      %add3A_4017 = vector.broadcast %add3A_4016 : i32 to vector<16xi32>
      %add3A_4018 = arith.addi %add3A_4017, %iota3A : vector<16xi32>
      %lt3A_4019 = vector.broadcast %select_n3A_37 : i32 to vector<16xi32>
      %lt3A_4020 = arith.cmpi slt, %add3A_4018, %lt3A_4019 : vector<16xi32>
      %jit3A_4021 = arith.constant 0.000000e+00 : f32
      %broadcast_in_dim3A_4022 = vector.broadcast %jit3A_4021 : f32 to vector<16xf32>
      %select_n3A_4023 = arith.select %lt3A_4020, %select_n3A_4012, %broadcast_in_dim3A_4022 : vector<16xi1>, vector<16xf32>
      %add3A_4024 = arith.addf %add3A_3876, %select_n3A_4023 : vector<16xf32>
      %get3A_4025 = arith.index_cast %scan3A_3421 : i32 to index
      %get3A_4026 = arith.constant 64 : index
      %get3A_4027 = tpu.vector_load %arg8[%get3A_4025, %get3A_4026] {strides = array<i32>} : memref<10x128xf32, #tpu.memory_space<vmem>>, vector<1x16xf32>,
      %get3A_4028 = vector.shape_cast %get3A_4027 : vector<1x16xf32> to vector<16xf32>
      %get3A_4029 = arith.index_cast %scan3A_3421 : i32 to index
      %get3A_4030 = arith.constant 64 : index
      %get3A_4031 = tpu.vector_load %arg9[%get3A_4029, %get3A_4030] {strides = array<i32>} : memref<10x128xf32, #tpu.memory_space<vmem>>, vector<1x16xf32>,
      %get3A_4032 = vector.shape_cast %get3A_4031 : vector<1x16xf32> to vector<16xf32>
      %mul3A_4033 = arith.constant 256 : i32
      %mul3A_4034 = arith.muli %scan3A_3421, %mul3A_4033 : i32
      %add3A_4035 = arith.constant 64 : i32
      %add3A_4036 = arith.addi %mul3A_4034, %add3A_4035 : i32
      %get3A_4037 = arith.index_cast %add3A_4036 : i32 to index
      %get3A_4038 = tpu.vector_load %arg5[%get3A_4037] {strides = array<i32>} : memref<2560xi32, #tpu.memory_space<vmem>>, vector<16xi32>,
      %get3A_4039 = vector.shape_cast %get3A_4038 : vector<16xi32> to vector<16xi32>
      %shift_right_logical3A_4040 = arith.constant 18 : i32
      %shift_right_logical3A_4041 = vector.broadcast %shift_right_logical3A_4040 : i32 to vector<16xi32>
      %shift_right_logical3A_4042 = arith.shrui %get3A_4039, %shift_right_logical3A_4041 : vector<16xi32>
      %div3A_4043 = arith.divf %get3A_4028, %get3A_4032 : vector<16xf32>
      %bitcast_convert_type3A_4044 = tpu.bitcast %div3A_4043 : vector<16xf32> -> vector<16xi32>
      %shift_right_arithmetic3A_4045 = arith.constant 23 : i32
      %shift_right_arithmetic3A_4046 = vector.broadcast %shift_right_arithmetic3A_4045 : i32 to vector<16xi32>
      %shift_right_arithmetic3A_4047 = arith.shrsi %bitcast_convert_type3A_4044, %shift_right_arithmetic3A_4046 : vector<16xi32>
      %sub3A_4048 = arith.constant 127 : i32
      %sub3A_4049 = vector.broadcast %sub3A_4048 : i32 to vector<16xi32>
      %sub3A_4050 = arith.subi %shift_right_arithmetic3A_4047, %sub3A_4049 : vector<16xi32>
      %and3A_4051 = arith.constant 8388607 : i32
      %and3A_4052 = vector.broadcast %and3A_4051 : i32 to vector<16xi32>
      %and3A_4053 = arith.andi %bitcast_convert_type3A_4044, %and3A_4052 : vector<16xi32>
      %or3A_4054 = arith.constant 1065353216 : i32
      %or3A_4055 = vector.broadcast %or3A_4054 : i32 to vector<16xi32>
      %or3A_4056 = arith.ori %and3A_4053, %or3A_4055 : vector<16xi32>
      %bitcast_convert_type3A_4057 = tpu.bitcast %or3A_4056 : vector<16xi32> -> vector<16xf32>
      %ge3A_4058 = arith.constant 1.41421354 : f32
      %ge3A_4059 = vector.broadcast %ge3A_4058 : f32 to vector<16xf32>
      %ge3A_4060 = arith.cmpf oge, %bitcast_convert_type3A_4057, %ge3A_4059 : vector<16xf32>
      %mul3A_4061 = arith.constant 5.000000e-01 : f32
      %mul3A_4062 = vector.broadcast %mul3A_4061 : f32 to vector<16xf32>
      %mul3A_4063 = arith.mulf %bitcast_convert_type3A_4057, %mul3A_4062 : vector<16xf32>
      %select_n3A_4064 = arith.select %ge3A_4060, %mul3A_4063, %bitcast_convert_type3A_4057 : vector<16xi1>, vector<16xf32>
      %jit3A_4065 = arith.constant 1 : i32
      %jit3A_4066 = arith.constant 0 : i32
      %broadcast_in_dim3A_4067 = vector.broadcast %jit3A_4065 : i32 to vector<16xi32>
      %broadcast_in_dim3A_4068 = vector.broadcast %jit3A_4066 : i32 to vector<16xi32>
      %select_n3A_4069 = arith.select %ge3A_4060, %broadcast_in_dim3A_4067, %broadcast_in_dim3A_4068 : vector<16xi1>, vector<16xi32>
      %add3A_4070 = arith.addi %sub3A_4050, %select_n3A_4069 : vector<16xi32>
      %convert_element_type3A_4071 = arith.sitofp %add3A_4070 : vector<16xi32> to vector<16xf32>
      %sub3A_4072 = arith.constant 1.000000e+00 : f32
      %sub3A_4073 = vector.broadcast %sub3A_4072 : f32 to vector<16xf32>
      %sub3A_4074 = arith.subf %select_n3A_4064, %sub3A_4073 : vector<16xf32>
      %add3A_4075 = arith.constant 1.000000e+00 : f32
      %add3A_4076 = vector.broadcast %add3A_4075 : f32 to vector<16xf32>
      %add3A_4077 = arith.addf %select_n3A_4064, %add3A_4076 : vector<16xf32>
      %div3A_4078 = arith.divf %sub3A_4074, %add3A_4077 : vector<16xf32>
      %mul3A_4079 = arith.mulf %div3A_4078, %div3A_4078 : vector<16xf32>
      %mul3A_4080 = arith.constant 0.111111112 : f32
      %mul3A_4081 = vector.broadcast %mul3A_4080 : f32 to vector<16xf32>
      %mul3A_4082 = arith.mulf %mul3A_4081, %mul3A_4079 : vector<16xf32>
      %add3A_4083 = arith.constant 0.142857149 : f32
      %add3A_4084 = vector.broadcast %add3A_4083 : f32 to vector<16xf32>
      %add3A_4085 = arith.addf %mul3A_4082, %add3A_4084 : vector<16xf32>
      %mul3A_4086 = arith.mulf %add3A_4085, %mul3A_4079 : vector<16xf32>
      %add3A_4087 = arith.constant 2.000000e-01 : f32
      %add3A_4088 = vector.broadcast %add3A_4087 : f32 to vector<16xf32>
      %add3A_4089 = arith.addf %mul3A_4086, %add3A_4088 : vector<16xf32>
      %mul3A_4090 = arith.mulf %add3A_4089, %mul3A_4079 : vector<16xf32>
      %add3A_4091 = arith.constant 0.333333343 : f32
      %add3A_4092 = vector.broadcast %add3A_4091 : f32 to vector<16xf32>
      %add3A_4093 = arith.addf %mul3A_4090, %add3A_4092 : vector<16xf32>
      %mul3A_4094 = arith.mulf %add3A_4093, %mul3A_4079 : vector<16xf32>
      %add3A_4095 = arith.constant 1.000000e+00 : f32
      %add3A_4096 = vector.broadcast %add3A_4095 : f32 to vector<16xf32>
      %add3A_4097 = arith.addf %mul3A_4094, %add3A_4096 : vector<16xf32>
      %mul3A_4098 = arith.constant 0.693147182 : f32
      %mul3A_4099 = vector.broadcast %mul3A_4098 : f32 to vector<16xf32>
      %mul3A_4100 = arith.mulf %convert_element_type3A_4071, %mul3A_4099 : vector<16xf32>
      %add3A_4101 = arith.addf %div3A_4078, %div3A_4078 : vector<16xf32>
      %mul3A_4102 = arith.mulf %add3A_4101, %add3A_4097 : vector<16xf32>
      %add3A_4103 = arith.addf %mul3A_4100, %mul3A_4102 : vector<16xf32>
      %sub3A_4104 = arith.constant 1 : i32
      %sub3A_4105 = vector.broadcast %sub3A_4104 : i32 to vector<16xi32>
      %sub3A_4106 = arith.subi %shift_right_logical3A_4042, %sub3A_4105 : vector<16xi32>
      %convert_element_type3A_4107 = arith.sitofp %sub3A_4106 : vector<16xi32> to vector<16xf32>
      %mul3A_4108 = arith.mulf %convert_element_type3A_4107, %add3A_4103 : vector<16xf32>
      %sub3A_4109 = arith.constant 2.500000e-01 : f32
      %sub3A_4110 = vector.broadcast %sub3A_4109 : f32 to vector<16xf32>
      %sub3A_4111 = arith.subf %sub3A_4110, %mul3A_4108 : vector<16xf32>
      %abs3A_4112 = math.absf %sub3A_4111 : vector<16xf32>
      %neg3A_4113 = arith.constant 0.000000e+00 : f32
      %neg3A_4114 = vector.broadcast %neg3A_4113 : f32 to vector<16xf32>
      %neg3A_4115 = arith.subf %neg3A_4114, %abs3A_4112 : vector<16xf32>
      %exp3A_4116 = math.exp %neg3A_4115 : vector<16xf32>
      %max3A_4117 = arith.constant 0.000000e+00 : f32
      %max3A_4118 = vector.broadcast %max3A_4117 : f32 to vector<16xf32>
      %max3A_4119 = arith.maximumf %sub3A_4111, %max3A_4118 : vector<16xf32>
      %add3A_4120 = arith.constant 2.000000e+00 : f32
      %add3A_4121 = vector.broadcast %add3A_4120 : f32 to vector<16xf32>
      %add3A_4122 = arith.addf %exp3A_4116, %add3A_4121 : vector<16xf32>
      %div3A_4123 = arith.divf %exp3A_4116, %add3A_4122 : vector<16xf32>
      %mul3A_4124 = arith.mulf %div3A_4123, %div3A_4123 : vector<16xf32>
      %mul3A_4125 = arith.constant 0.0909090936 : f32
      %mul3A_4126 = vector.broadcast %mul3A_4125 : f32 to vector<16xf32>
      %mul3A_4127 = arith.mulf %mul3A_4126, %mul3A_4124 : vector<16xf32>
      %add3A_4128 = arith.constant 0.111111112 : f32
      %add3A_4129 = vector.broadcast %add3A_4128 : f32 to vector<16xf32>
      %add3A_4130 = arith.addf %mul3A_4127, %add3A_4129 : vector<16xf32>
      %mul3A_4131 = arith.mulf %add3A_4130, %mul3A_4124 : vector<16xf32>
      %add3A_4132 = arith.constant 0.142857149 : f32
      %add3A_4133 = vector.broadcast %add3A_4132 : f32 to vector<16xf32>
      %add3A_4134 = arith.addf %mul3A_4131, %add3A_4133 : vector<16xf32>
      %mul3A_4135 = arith.mulf %add3A_4134, %mul3A_4124 : vector<16xf32>
      %add3A_4136 = arith.constant 2.000000e-01 : f32
      %add3A_4137 = vector.broadcast %add3A_4136 : f32 to vector<16xf32>
      %add3A_4138 = arith.addf %mul3A_4135, %add3A_4137 : vector<16xf32>
      %mul3A_4139 = arith.mulf %add3A_4138, %mul3A_4124 : vector<16xf32>
      %add3A_4140 = arith.constant 0.333333343 : f32
      %add3A_4141 = vector.broadcast %add3A_4140 : f32 to vector<16xf32>
      %add3A_4142 = arith.addf %mul3A_4139, %add3A_4141 : vector<16xf32>
      %mul3A_4143 = arith.mulf %add3A_4142, %mul3A_4124 : vector<16xf32>
      %add3A_4144 = arith.constant 1.000000e+00 : f32
      %add3A_4145 = vector.broadcast %add3A_4144 : f32 to vector<16xf32>
      %add3A_4146 = arith.addf %mul3A_4143, %add3A_4145 : vector<16xf32>
      %add3A_4147 = arith.addf %div3A_4123, %div3A_4123 : vector<16xf32>
      %mul3A_4148 = arith.mulf %add3A_4147, %add3A_4146 : vector<16xf32>
      %add3A_4149 = arith.addf %max3A_4119, %mul3A_4148 : vector<16xf32>
      %mul3A_4150 = arith.mulf %add3A_4103, %add3A_4103 : vector<16xf32>
      %sub3A_4151 = arith.constant 2.500000e-01 : f32
      %sub3A_4152 = vector.broadcast %sub3A_4151 : f32 to vector<16xf32>
      %sub3A_4153 = arith.subf %mul3A_4150, %sub3A_4152 : vector<16xf32>
      %max3A_4154 = arith.constant 0.000000e+00 : f32
      %max3A_4155 = vector.broadcast %max3A_4154 : f32 to vector<16xf32>
      %max3A_4156 = arith.maximumf %sub3A_4153, %max3A_4155 : vector<16xf32>
      %eq3A_4157 = arith.constant 1 : i32
      %eq3A_4158 = vector.broadcast %eq3A_4157 : i32 to vector<16xi32>
      %eq3A_4159 = arith.cmpi eq, %shift_right_logical3A_4042, %eq3A_4158 : vector<16xi32>
      %select_n3A_4160 = arith.select %eq3A_4159, %max3A_4156, %add3A_4149 : vector<16xi1>, vector<16xf32>
      %mul3A_4161 = arith.constant 128 : i32
      %mul3A_4162 = arith.muli %scan3A_3421, %mul3A_4161 : i32
      %add3A_4163 = arith.constant 64 : i32
      %add3A_4164 = arith.addi %mul3A_4162, %add3A_4163 : i32
      %add3A_4165 = vector.broadcast %add3A_4164 : i32 to vector<16xi32>
      %add3A_4166 = arith.addi %add3A_4165, %iota3A : vector<16xi32>
      %lt3A_4167 = vector.broadcast %select_n3A_37 : i32 to vector<16xi32>
      %lt3A_4168 = arith.cmpi slt, %add3A_4166, %lt3A_4167 : vector<16xi32>
      %jit3A_4169 = arith.constant 0.000000e+00 : f32
      %broadcast_in_dim3A_4170 = vector.broadcast %jit3A_4169 : f32 to vector<16xf32>
      %select_n3A_4171 = arith.select %lt3A_4168, %select_n3A_4160, %broadcast_in_dim3A_4170 : vector<16xi1>, vector<16xf32>
      %add3A_4172 = arith.addf %add3A_4024, %select_n3A_4171 : vector<16xf32>
      %get3A_4173 = arith.index_cast %scan3A_3421 : i32 to index
      %get3A_4174 = arith.constant 80 : index
      %get3A_4175 = tpu.vector_load %arg8[%get3A_4173, %get3A_4174] {strides = array<i32>} : memref<10x128xf32, #tpu.memory_space<vmem>>, vector<1x16xf32>,
      %get3A_4176 = vector.shape_cast %get3A_4175 : vector<1x16xf32> to vector<16xf32>
      %get3A_4177 = arith.index_cast %scan3A_3421 : i32 to index
      %get3A_4178 = arith.constant 80 : index
      %get3A_4179 = tpu.vector_load %arg9[%get3A_4177, %get3A_4178] {strides = array<i32>} : memref<10x128xf32, #tpu.memory_space<vmem>>, vector<1x16xf32>,
      %get3A_4180 = vector.shape_cast %get3A_4179 : vector<1x16xf32> to vector<16xf32>
      %mul3A_4181 = arith.constant 256 : i32
      %mul3A_4182 = arith.muli %scan3A_3421, %mul3A_4181 : i32
      %add3A_4183 = arith.constant 80 : i32
      %add3A_4184 = arith.addi %mul3A_4182, %add3A_4183 : i32
      %get3A_4185 = arith.index_cast %add3A_4184 : i32 to index
      %get3A_4186 = tpu.vector_load %arg5[%get3A_4185] {strides = array<i32>} : memref<2560xi32, #tpu.memory_space<vmem>>, vector<16xi32>,
      %get3A_4187 = vector.shape_cast %get3A_4186 : vector<16xi32> to vector<16xi32>
      %shift_right_logical3A_4188 = arith.constant 18 : i32
      %shift_right_logical3A_4189 = vector.broadcast %shift_right_logical3A_4188 : i32 to vector<16xi32>
      %shift_right_logical3A_4190 = arith.shrui %get3A_4187, %shift_right_logical3A_4189 : vector<16xi32>
      %div3A_4191 = arith.divf %get3A_4176, %get3A_4180 : vector<16xf32>
      %bitcast_convert_type3A_4192 = tpu.bitcast %div3A_4191 : vector<16xf32> -> vector<16xi32>
      %shift_right_arithmetic3A_4193 = arith.constant 23 : i32
      %shift_right_arithmetic3A_4194 = vector.broadcast %shift_right_arithmetic3A_4193 : i32 to vector<16xi32>
      %shift_right_arithmetic3A_4195 = arith.shrsi %bitcast_convert_type3A_4192, %shift_right_arithmetic3A_4194 : vector<16xi32>
      %sub3A_4196 = arith.constant 127 : i32
      %sub3A_4197 = vector.broadcast %sub3A_4196 : i32 to vector<16xi32>
      %sub3A_4198 = arith.subi %shift_right_arithmetic3A_4195, %sub3A_4197 : vector<16xi32>
      %and3A_4199 = arith.constant 8388607 : i32
      %and3A_4200 = vector.broadcast %and3A_4199 : i32 to vector<16xi32>
      %and3A_4201 = arith.andi %bitcast_convert_type3A_4192, %and3A_4200 : vector<16xi32>
      %or3A_4202 = arith.constant 1065353216 : i32
      %or3A_4203 = vector.broadcast %or3A_4202 : i32 to vector<16xi32>
      %or3A_4204 = arith.ori %and3A_4201, %or3A_4203 : vector<16xi32>
      %bitcast_convert_type3A_4205 = tpu.bitcast %or3A_4204 : vector<16xi32> -> vector<16xf32>
      %ge3A_4206 = arith.constant 1.41421354 : f32
      %ge3A_4207 = vector.broadcast %ge3A_4206 : f32 to vector<16xf32>
      %ge3A_4208 = arith.cmpf oge, %bitcast_convert_type3A_4205, %ge3A_4207 : vector<16xf32>
      %mul3A_4209 = arith.constant 5.000000e-01 : f32
      %mul3A_4210 = vector.broadcast %mul3A_4209 : f32 to vector<16xf32>
      %mul3A_4211 = arith.mulf %bitcast_convert_type3A_4205, %mul3A_4210 : vector<16xf32>
      %select_n3A_4212 = arith.select %ge3A_4208, %mul3A_4211, %bitcast_convert_type3A_4205 : vector<16xi1>, vector<16xf32>
      %jit3A_4213 = arith.constant 1 : i32
      %jit3A_4214 = arith.constant 0 : i32
      %broadcast_in_dim3A_4215 = vector.broadcast %jit3A_4213 : i32 to vector<16xi32>
      %broadcast_in_dim3A_4216 = vector.broadcast %jit3A_4214 : i32 to vector<16xi32>
      %select_n3A_4217 = arith.select %ge3A_4208, %broadcast_in_dim3A_4215, %broadcast_in_dim3A_4216 : vector<16xi1>, vector<16xi32>
      %add3A_4218 = arith.addi %sub3A_4198, %select_n3A_4217 : vector<16xi32>
      %convert_element_type3A_4219 = arith.sitofp %add3A_4218 : vector<16xi32> to vector<16xf32>
      %sub3A_4220 = arith.constant 1.000000e+00 : f32
      %sub3A_4221 = vector.broadcast %sub3A_4220 : f32 to vector<16xf32>
      %sub3A_4222 = arith.subf %select_n3A_4212, %sub3A_4221 : vector<16xf32>
      %add3A_4223 = arith.constant 1.000000e+00 : f32
      %add3A_4224 = vector.broadcast %add3A_4223 : f32 to vector<16xf32>
      %add3A_4225 = arith.addf %select_n3A_4212, %add3A_4224 : vector<16xf32>
      %div3A_4226 = arith.divf %sub3A_4222, %add3A_4225 : vector<16xf32>
      %mul3A_4227 = arith.mulf %div3A_4226, %div3A_4226 : vector<16xf32>
      %mul3A_4228 = arith.constant 0.111111112 : f32
      %mul3A_4229 = vector.broadcast %mul3A_4228 : f32 to vector<16xf32>
      %mul3A_4230 = arith.mulf %mul3A_4229, %mul3A_4227 : vector<16xf32>
      %add3A_4231 = arith.constant 0.142857149 : f32
      %add3A_4232 = vector.broadcast %add3A_4231 : f32 to vector<16xf32>
      %add3A_4233 = arith.addf %mul3A_4230, %add3A_4232 : vector<16xf32>
      %mul3A_4234 = arith.mulf %add3A_4233, %mul3A_4227 : vector<16xf32>
      %add3A_4235 = arith.constant 2.000000e-01 : f32
      %add3A_4236 = vector.broadcast %add3A_4235 : f32 to vector<16xf32>
      %add3A_4237 = arith.addf %mul3A_4234, %add3A_4236 : vector<16xf32>
      %mul3A_4238 = arith.mulf %add3A_4237, %mul3A_4227 : vector<16xf32>
      %add3A_4239 = arith.constant 0.333333343 : f32
      %add3A_4240 = vector.broadcast %add3A_4239 : f32 to vector<16xf32>
      %add3A_4241 = arith.addf %mul3A_4238, %add3A_4240 : vector<16xf32>
      %mul3A_4242 = arith.mulf %add3A_4241, %mul3A_4227 : vector<16xf32>
      %add3A_4243 = arith.constant 1.000000e+00 : f32
      %add3A_4244 = vector.broadcast %add3A_4243 : f32 to vector<16xf32>
      %add3A_4245 = arith.addf %mul3A_4242, %add3A_4244 : vector<16xf32>
      %mul3A_4246 = arith.constant 0.693147182 : f32
      %mul3A_4247 = vector.broadcast %mul3A_4246 : f32 to vector<16xf32>
      %mul3A_4248 = arith.mulf %convert_element_type3A_4219, %mul3A_4247 : vector<16xf32>
      %add3A_4249 = arith.addf %div3A_4226, %div3A_4226 : vector<16xf32>
      %mul3A_4250 = arith.mulf %add3A_4249, %add3A_4245 : vector<16xf32>
      %add3A_4251 = arith.addf %mul3A_4248, %mul3A_4250 : vector<16xf32>
      %sub3A_4252 = arith.constant 1 : i32
      %sub3A_4253 = vector.broadcast %sub3A_4252 : i32 to vector<16xi32>
      %sub3A_4254 = arith.subi %shift_right_logical3A_4190, %sub3A_4253 : vector<16xi32>
      %convert_element_type3A_4255 = arith.sitofp %sub3A_4254 : vector<16xi32> to vector<16xf32>
      %mul3A_4256 = arith.mulf %convert_element_type3A_4255, %add3A_4251 : vector<16xf32>
      %sub3A_4257 = arith.constant 2.500000e-01 : f32
      %sub3A_4258 = vector.broadcast %sub3A_4257 : f32 to vector<16xf32>
      %sub3A_4259 = arith.subf %sub3A_4258, %mul3A_4256 : vector<16xf32>
      %abs3A_4260 = math.absf %sub3A_4259 : vector<16xf32>
      %neg3A_4261 = arith.constant 0.000000e+00 : f32
      %neg3A_4262 = vector.broadcast %neg3A_4261 : f32 to vector<16xf32>
      %neg3A_4263 = arith.subf %neg3A_4262, %abs3A_4260 : vector<16xf32>
      %exp3A_4264 = math.exp %neg3A_4263 : vector<16xf32>
      %max3A_4265 = arith.constant 0.000000e+00 : f32
      %max3A_4266 = vector.broadcast %max3A_4265 : f32 to vector<16xf32>
      %max3A_4267 = arith.maximumf %sub3A_4259, %max3A_4266 : vector<16xf32>
      %add3A_4268 = arith.constant 2.000000e+00 : f32
      %add3A_4269 = vector.broadcast %add3A_4268 : f32 to vector<16xf32>
      %add3A_4270 = arith.addf %exp3A_4264, %add3A_4269 : vector<16xf32>
      %div3A_4271 = arith.divf %exp3A_4264, %add3A_4270 : vector<16xf32>
      %mul3A_4272 = arith.mulf %div3A_4271, %div3A_4271 : vector<16xf32>
      %mul3A_4273 = arith.constant 0.0909090936 : f32
      %mul3A_4274 = vector.broadcast %mul3A_4273 : f32 to vector<16xf32>
      %mul3A_4275 = arith.mulf %mul3A_4274, %mul3A_4272 : vector<16xf32>
      %add3A_4276 = arith.constant 0.111111112 : f32
      %add3A_4277 = vector.broadcast %add3A_4276 : f32 to vector<16xf32>
      %add3A_4278 = arith.addf %mul3A_4275, %add3A_4277 : vector<16xf32>
      %mul3A_4279 = arith.mulf %add3A_4278, %mul3A_4272 : vector<16xf32>
      %add3A_4280 = arith.constant 0.142857149 : f32
      %add3A_4281 = vector.broadcast %add3A_4280 : f32 to vector<16xf32>
      %add3A_4282 = arith.addf %mul3A_4279, %add3A_4281 : vector<16xf32>
      %mul3A_4283 = arith.mulf %add3A_4282, %mul3A_4272 : vector<16xf32>
      %add3A_4284 = arith.constant 2.000000e-01 : f32
      %add3A_4285 = vector.broadcast %add3A_4284 : f32 to vector<16xf32>
      %add3A_4286 = arith.addf %mul3A_4283, %add3A_4285 : vector<16xf32>
      %mul3A_4287 = arith.mulf %add3A_4286, %mul3A_4272 : vector<16xf32>
      %add3A_4288 = arith.constant 0.333333343 : f32
      %add3A_4289 = vector.broadcast %add3A_4288 : f32 to vector<16xf32>
      %add3A_4290 = arith.addf %mul3A_4287, %add3A_4289 : vector<16xf32>
      %mul3A_4291 = arith.mulf %add3A_4290, %mul3A_4272 : vector<16xf32>
      %add3A_4292 = arith.constant 1.000000e+00 : f32
      %add3A_4293 = vector.broadcast %add3A_4292 : f32 to vector<16xf32>
      %add3A_4294 = arith.addf %mul3A_4291, %add3A_4293 : vector<16xf32>
      %add3A_4295 = arith.addf %div3A_4271, %div3A_4271 : vector<16xf32>
      %mul3A_4296 = arith.mulf %add3A_4295, %add3A_4294 : vector<16xf32>
      %add3A_4297 = arith.addf %max3A_4267, %mul3A_4296 : vector<16xf32>
      %mul3A_4298 = arith.mulf %add3A_4251, %add3A_4251 : vector<16xf32>
      %sub3A_4299 = arith.constant 2.500000e-01 : f32
      %sub3A_4300 = vector.broadcast %sub3A_4299 : f32 to vector<16xf32>
      %sub3A_4301 = arith.subf %mul3A_4298, %sub3A_4300 : vector<16xf32>
      %max3A_4302 = arith.constant 0.000000e+00 : f32
      %max3A_4303 = vector.broadcast %max3A_4302 : f32 to vector<16xf32>
      %max3A_4304 = arith.maximumf %sub3A_4301, %max3A_4303 : vector<16xf32>
      %eq3A_4305 = arith.constant 1 : i32
      %eq3A_4306 = vector.broadcast %eq3A_4305 : i32 to vector<16xi32>
      %eq3A_4307 = arith.cmpi eq, %shift_right_logical3A_4190, %eq3A_4306 : vector<16xi32>
      %select_n3A_4308 = arith.select %eq3A_4307, %max3A_4304, %add3A_4297 : vector<16xi1>, vector<16xf32>
      %mul3A_4309 = arith.constant 128 : i32
      %mul3A_4310 = arith.muli %scan3A_3421, %mul3A_4309 : i32
      %add3A_4311 = arith.constant 80 : i32
      %add3A_4312 = arith.addi %mul3A_4310, %add3A_4311 : i32
      %add3A_4313 = vector.broadcast %add3A_4312 : i32 to vector<16xi32>
      %add3A_4314 = arith.addi %add3A_4313, %iota3A : vector<16xi32>
      %lt3A_4315 = vector.broadcast %select_n3A_37 : i32 to vector<16xi32>
      %lt3A_4316 = arith.cmpi slt, %add3A_4314, %lt3A_4315 : vector<16xi32>
      %jit3A_4317 = arith.constant 0.000000e+00 : f32
      %broadcast_in_dim3A_4318 = vector.broadcast %jit3A_4317 : f32 to vector<16xf32>
      %select_n3A_4319 = arith.select %lt3A_4316, %select_n3A_4308, %broadcast_in_dim3A_4318 : vector<16xi1>, vector<16xf32>
      %add3A_4320 = arith.addf %add3A_4172, %select_n3A_4319 : vector<16xf32>
      %get3A_4321 = arith.index_cast %scan3A_3421 : i32 to index
      %get3A_4322 = arith.constant 96 : index
      %get3A_4323 = tpu.vector_load %arg8[%get3A_4321, %get3A_4322] {strides = array<i32>} : memref<10x128xf32, #tpu.memory_space<vmem>>, vector<1x16xf32>,
      %get3A_4324 = vector.shape_cast %get3A_4323 : vector<1x16xf32> to vector<16xf32>
      %get3A_4325 = arith.index_cast %scan3A_3421 : i32 to index
      %get3A_4326 = arith.constant 96 : index
      %get3A_4327 = tpu.vector_load %arg9[%get3A_4325, %get3A_4326] {strides = array<i32>} : memref<10x128xf32, #tpu.memory_space<vmem>>, vector<1x16xf32>,
      %get3A_4328 = vector.shape_cast %get3A_4327 : vector<1x16xf32> to vector<16xf32>
      %mul3A_4329 = arith.constant 256 : i32
      %mul3A_4330 = arith.muli %scan3A_3421, %mul3A_4329 : i32
      %add3A_4331 = arith.constant 96 : i32
      %add3A_4332 = arith.addi %mul3A_4330, %add3A_4331 : i32
      %get3A_4333 = arith.index_cast %add3A_4332 : i32 to index
      %get3A_4334 = tpu.vector_load %arg5[%get3A_4333] {strides = array<i32>} : memref<2560xi32, #tpu.memory_space<vmem>>, vector<16xi32>,
      %get3A_4335 = vector.shape_cast %get3A_4334 : vector<16xi32> to vector<16xi32>
      %shift_right_logical3A_4336 = arith.constant 18 : i32
      %shift_right_logical3A_4337 = vector.broadcast %shift_right_logical3A_4336 : i32 to vector<16xi32>
      %shift_right_logical3A_4338 = arith.shrui %get3A_4335, %shift_right_logical3A_4337 : vector<16xi32>
      %div3A_4339 = arith.divf %get3A_4324, %get3A_4328 : vector<16xf32>
      %bitcast_convert_type3A_4340 = tpu.bitcast %div3A_4339 : vector<16xf32> -> vector<16xi32>
      %shift_right_arithmetic3A_4341 = arith.constant 23 : i32
      %shift_right_arithmetic3A_4342 = vector.broadcast %shift_right_arithmetic3A_4341 : i32 to vector<16xi32>
      %shift_right_arithmetic3A_4343 = arith.shrsi %bitcast_convert_type3A_4340, %shift_right_arithmetic3A_4342 : vector<16xi32>
      %sub3A_4344 = arith.constant 127 : i32
      %sub3A_4345 = vector.broadcast %sub3A_4344 : i32 to vector<16xi32>
      %sub3A_4346 = arith.subi %shift_right_arithmetic3A_4343, %sub3A_4345 : vector<16xi32>
      %and3A_4347 = arith.constant 8388607 : i32
      %and3A_4348 = vector.broadcast %and3A_4347 : i32 to vector<16xi32>
      %and3A_4349 = arith.andi %bitcast_convert_type3A_4340, %and3A_4348 : vector<16xi32>
      %or3A_4350 = arith.constant 1065353216 : i32
      %or3A_4351 = vector.broadcast %or3A_4350 : i32 to vector<16xi32>
      %or3A_4352 = arith.ori %and3A_4349, %or3A_4351 : vector<16xi32>
      %bitcast_convert_type3A_4353 = tpu.bitcast %or3A_4352 : vector<16xi32> -> vector<16xf32>
      %ge3A_4354 = arith.constant 1.41421354 : f32
      %ge3A_4355 = vector.broadcast %ge3A_4354 : f32 to vector<16xf32>
      %ge3A_4356 = arith.cmpf oge, %bitcast_convert_type3A_4353, %ge3A_4355 : vector<16xf32>
      %mul3A_4357 = arith.constant 5.000000e-01 : f32
      %mul3A_4358 = vector.broadcast %mul3A_4357 : f32 to vector<16xf32>
      %mul3A_4359 = arith.mulf %bitcast_convert_type3A_4353, %mul3A_4358 : vector<16xf32>
      %select_n3A_4360 = arith.select %ge3A_4356, %mul3A_4359, %bitcast_convert_type3A_4353 : vector<16xi1>, vector<16xf32>
      %jit3A_4361 = arith.constant 1 : i32
      %jit3A_4362 = arith.constant 0 : i32
      %broadcast_in_dim3A_4363 = vector.broadcast %jit3A_4361 : i32 to vector<16xi32>
      %broadcast_in_dim3A_4364 = vector.broadcast %jit3A_4362 : i32 to vector<16xi32>
      %select_n3A_4365 = arith.select %ge3A_4356, %broadcast_in_dim3A_4363, %broadcast_in_dim3A_4364 : vector<16xi1>, vector<16xi32>
      %add3A_4366 = arith.addi %sub3A_4346, %select_n3A_4365 : vector<16xi32>
      %convert_element_type3A_4367 = arith.sitofp %add3A_4366 : vector<16xi32> to vector<16xf32>
      %sub3A_4368 = arith.constant 1.000000e+00 : f32
      %sub3A_4369 = vector.broadcast %sub3A_4368 : f32 to vector<16xf32>
      %sub3A_4370 = arith.subf %select_n3A_4360, %sub3A_4369 : vector<16xf32>
      %add3A_4371 = arith.constant 1.000000e+00 : f32
      %add3A_4372 = vector.broadcast %add3A_4371 : f32 to vector<16xf32>
      %add3A_4373 = arith.addf %select_n3A_4360, %add3A_4372 : vector<16xf32>
      %div3A_4374 = arith.divf %sub3A_4370, %add3A_4373 : vector<16xf32>
      %mul3A_4375 = arith.mulf %div3A_4374, %div3A_4374 : vector<16xf32>
      %mul3A_4376 = arith.constant 0.111111112 : f32
      %mul3A_4377 = vector.broadcast %mul3A_4376 : f32 to vector<16xf32>
      %mul3A_4378 = arith.mulf %mul3A_4377, %mul3A_4375 : vector<16xf32>
      %add3A_4379 = arith.constant 0.142857149 : f32
      %add3A_4380 = vector.broadcast %add3A_4379 : f32 to vector<16xf32>
      %add3A_4381 = arith.addf %mul3A_4378, %add3A_4380 : vector<16xf32>
      %mul3A_4382 = arith.mulf %add3A_4381, %mul3A_4375 : vector<16xf32>
      %add3A_4383 = arith.constant 2.000000e-01 : f32
      %add3A_4384 = vector.broadcast %add3A_4383 : f32 to vector<16xf32>
      %add3A_4385 = arith.addf %mul3A_4382, %add3A_4384 : vector<16xf32>
      %mul3A_4386 = arith.mulf %add3A_4385, %mul3A_4375 : vector<16xf32>
      %add3A_4387 = arith.constant 0.333333343 : f32
      %add3A_4388 = vector.broadcast %add3A_4387 : f32 to vector<16xf32>
      %add3A_4389 = arith.addf %mul3A_4386, %add3A_4388 : vector<16xf32>
      %mul3A_4390 = arith.mulf %add3A_4389, %mul3A_4375 : vector<16xf32>
      %add3A_4391 = arith.constant 1.000000e+00 : f32
      %add3A_4392 = vector.broadcast %add3A_4391 : f32 to vector<16xf32>
      %add3A_4393 = arith.addf %mul3A_4390, %add3A_4392 : vector<16xf32>
      %mul3A_4394 = arith.constant 0.693147182 : f32
      %mul3A_4395 = vector.broadcast %mul3A_4394 : f32 to vector<16xf32>
      %mul3A_4396 = arith.mulf %convert_element_type3A_4367, %mul3A_4395 : vector<16xf32>
      %add3A_4397 = arith.addf %div3A_4374, %div3A_4374 : vector<16xf32>
      %mul3A_4398 = arith.mulf %add3A_4397, %add3A_4393 : vector<16xf32>
      %add3A_4399 = arith.addf %mul3A_4396, %mul3A_4398 : vector<16xf32>
      %sub3A_4400 = arith.constant 1 : i32
      %sub3A_4401 = vector.broadcast %sub3A_4400 : i32 to vector<16xi32>
      %sub3A_4402 = arith.subi %shift_right_logical3A_4338, %sub3A_4401 : vector<16xi32>
      %convert_element_type3A_4403 = arith.sitofp %sub3A_4402 : vector<16xi32> to vector<16xf32>
      %mul3A_4404 = arith.mulf %convert_element_type3A_4403, %add3A_4399 : vector<16xf32>
      %sub3A_4405 = arith.constant 2.500000e-01 : f32
      %sub3A_4406 = vector.broadcast %sub3A_4405 : f32 to vector<16xf32>
      %sub3A_4407 = arith.subf %sub3A_4406, %mul3A_4404 : vector<16xf32>
      %abs3A_4408 = math.absf %sub3A_4407 : vector<16xf32>
      %neg3A_4409 = arith.constant 0.000000e+00 : f32
      %neg3A_4410 = vector.broadcast %neg3A_4409 : f32 to vector<16xf32>
      %neg3A_4411 = arith.subf %neg3A_4410, %abs3A_4408 : vector<16xf32>
      %exp3A_4412 = math.exp %neg3A_4411 : vector<16xf32>
      %max3A_4413 = arith.constant 0.000000e+00 : f32
      %max3A_4414 = vector.broadcast %max3A_4413 : f32 to vector<16xf32>
      %max3A_4415 = arith.maximumf %sub3A_4407, %max3A_4414 : vector<16xf32>
      %add3A_4416 = arith.constant 2.000000e+00 : f32
      %add3A_4417 = vector.broadcast %add3A_4416 : f32 to vector<16xf32>
      %add3A_4418 = arith.addf %exp3A_4412, %add3A_4417 : vector<16xf32>
      %div3A_4419 = arith.divf %exp3A_4412, %add3A_4418 : vector<16xf32>
      %mul3A_4420 = arith.mulf %div3A_4419, %div3A_4419 : vector<16xf32>
      %mul3A_4421 = arith.constant 0.0909090936 : f32
      %mul3A_4422 = vector.broadcast %mul3A_4421 : f32 to vector<16xf32>
      %mul3A_4423 = arith.mulf %mul3A_4422, %mul3A_4420 : vector<16xf32>
      %add3A_4424 = arith.constant 0.111111112 : f32
      %add3A_4425 = vector.broadcast %add3A_4424 : f32 to vector<16xf32>
      %add3A_4426 = arith.addf %mul3A_4423, %add3A_4425 : vector<16xf32>
      %mul3A_4427 = arith.mulf %add3A_4426, %mul3A_4420 : vector<16xf32>
      %add3A_4428 = arith.constant 0.142857149 : f32
      %add3A_4429 = vector.broadcast %add3A_4428 : f32 to vector<16xf32>
      %add3A_4430 = arith.addf %mul3A_4427, %add3A_4429 : vector<16xf32>
      %mul3A_4431 = arith.mulf %add3A_4430, %mul3A_4420 : vector<16xf32>
      %add3A_4432 = arith.constant 2.000000e-01 : f32
      %add3A_4433 = vector.broadcast %add3A_4432 : f32 to vector<16xf32>
      %add3A_4434 = arith.addf %mul3A_4431, %add3A_4433 : vector<16xf32>
      %mul3A_4435 = arith.mulf %add3A_4434, %mul3A_4420 : vector<16xf32>
      %add3A_4436 = arith.constant 0.333333343 : f32
      %add3A_4437 = vector.broadcast %add3A_4436 : f32 to vector<16xf32>
      %add3A_4438 = arith.addf %mul3A_4435, %add3A_4437 : vector<16xf32>
      %mul3A_4439 = arith.mulf %add3A_4438, %mul3A_4420 : vector<16xf32>
      %add3A_4440 = arith.constant 1.000000e+00 : f32
      %add3A_4441 = vector.broadcast %add3A_4440 : f32 to vector<16xf32>
      %add3A_4442 = arith.addf %mul3A_4439, %add3A_4441 : vector<16xf32>
      %add3A_4443 = arith.addf %div3A_4419, %div3A_4419 : vector<16xf32>
      %mul3A_4444 = arith.mulf %add3A_4443, %add3A_4442 : vector<16xf32>
      %add3A_4445 = arith.addf %max3A_4415, %mul3A_4444 : vector<16xf32>
      %mul3A_4446 = arith.mulf %add3A_4399, %add3A_4399 : vector<16xf32>
      %sub3A_4447 = arith.constant 2.500000e-01 : f32
      %sub3A_4448 = vector.broadcast %sub3A_4447 : f32 to vector<16xf32>
      %sub3A_4449 = arith.subf %mul3A_4446, %sub3A_4448 : vector<16xf32>
      %max3A_4450 = arith.constant 0.000000e+00 : f32
      %max3A_4451 = vector.broadcast %max3A_4450 : f32 to vector<16xf32>
      %max3A_4452 = arith.maximumf %sub3A_4449, %max3A_4451 : vector<16xf32>
      %eq3A_4453 = arith.constant 1 : i32
      %eq3A_4454 = vector.broadcast %eq3A_4453 : i32 to vector<16xi32>
      %eq3A_4455 = arith.cmpi eq, %shift_right_logical3A_4338, %eq3A_4454 : vector<16xi32>
      %select_n3A_4456 = arith.select %eq3A_4455, %max3A_4452, %add3A_4445 : vector<16xi1>, vector<16xf32>
      %mul3A_4457 = arith.constant 128 : i32
      %mul3A_4458 = arith.muli %scan3A_3421, %mul3A_4457 : i32
      %add3A_4459 = arith.constant 96 : i32
      %add3A_4460 = arith.addi %mul3A_4458, %add3A_4459 : i32
      %add3A_4461 = vector.broadcast %add3A_4460 : i32 to vector<16xi32>
      %add3A_4462 = arith.addi %add3A_4461, %iota3A : vector<16xi32>
      %lt3A_4463 = vector.broadcast %select_n3A_37 : i32 to vector<16xi32>
      %lt3A_4464 = arith.cmpi slt, %add3A_4462, %lt3A_4463 : vector<16xi32>
      %jit3A_4465 = arith.constant 0.000000e+00 : f32
      %broadcast_in_dim3A_4466 = vector.broadcast %jit3A_4465 : f32 to vector<16xf32>
      %select_n3A_4467 = arith.select %lt3A_4464, %select_n3A_4456, %broadcast_in_dim3A_4466 : vector<16xi1>, vector<16xf32>
      %add3A_4468 = arith.addf %add3A_4320, %select_n3A_4467 : vector<16xf32>
      %get3A_4469 = arith.index_cast %scan3A_3421 : i32 to index
      %get3A_4470 = arith.constant 112 : index
      %get3A_4471 = tpu.vector_load %arg8[%get3A_4469, %get3A_4470] {strides = array<i32>} : memref<10x128xf32, #tpu.memory_space<vmem>>, vector<1x16xf32>,
      %get3A_4472 = vector.shape_cast %get3A_4471 : vector<1x16xf32> to vector<16xf32>
      %get3A_4473 = arith.index_cast %scan3A_3421 : i32 to index
      %get3A_4474 = arith.constant 112 : index
      %get3A_4475 = tpu.vector_load %arg9[%get3A_4473, %get3A_4474] {strides = array<i32>} : memref<10x128xf32, #tpu.memory_space<vmem>>, vector<1x16xf32>,
      %get3A_4476 = vector.shape_cast %get3A_4475 : vector<1x16xf32> to vector<16xf32>
      %mul3A_4477 = arith.constant 256 : i32
      %mul3A_4478 = arith.muli %scan3A_3421, %mul3A_4477 : i32
      %add3A_4479 = arith.constant 112 : i32
      %add3A_4480 = arith.addi %mul3A_4478, %add3A_4479 : i32
      %get3A_4481 = arith.index_cast %add3A_4480 : i32 to index
      %get3A_4482 = tpu.vector_load %arg5[%get3A_4481] {strides = array<i32>} : memref<2560xi32, #tpu.memory_space<vmem>>, vector<16xi32>,
      %get3A_4483 = vector.shape_cast %get3A_4482 : vector<16xi32> to vector<16xi32>
      %shift_right_logical3A_4484 = arith.constant 18 : i32
      %shift_right_logical3A_4485 = vector.broadcast %shift_right_logical3A_4484 : i32 to vector<16xi32>
      %shift_right_logical3A_4486 = arith.shrui %get3A_4483, %shift_right_logical3A_4485 : vector<16xi32>
      %div3A_4487 = arith.divf %get3A_4472, %get3A_4476 : vector<16xf32>
      %bitcast_convert_type3A_4488 = tpu.bitcast %div3A_4487 : vector<16xf32> -> vector<16xi32>
      %shift_right_arithmetic3A_4489 = arith.constant 23 : i32
      %shift_right_arithmetic3A_4490 = vector.broadcast %shift_right_arithmetic3A_4489 : i32 to vector<16xi32>
      %shift_right_arithmetic3A_4491 = arith.shrsi %bitcast_convert_type3A_4488, %shift_right_arithmetic3A_4490 : vector<16xi32>
      %sub3A_4492 = arith.constant 127 : i32
      %sub3A_4493 = vector.broadcast %sub3A_4492 : i32 to vector<16xi32>
      %sub3A_4494 = arith.subi %shift_right_arithmetic3A_4491, %sub3A_4493 : vector<16xi32>
      %and3A_4495 = arith.constant 8388607 : i32
      %and3A_4496 = vector.broadcast %and3A_4495 : i32 to vector<16xi32>
      %and3A_4497 = arith.andi %bitcast_convert_type3A_4488, %and3A_4496 : vector<16xi32>
      %or3A_4498 = arith.constant 1065353216 : i32
      %or3A_4499 = vector.broadcast %or3A_4498 : i32 to vector<16xi32>
      %or3A_4500 = arith.ori %and3A_4497, %or3A_4499 : vector<16xi32>
      %bitcast_convert_type3A_4501 = tpu.bitcast %or3A_4500 : vector<16xi32> -> vector<16xf32>
      %ge3A_4502 = arith.constant 1.41421354 : f32
      %ge3A_4503 = vector.broadcast %ge3A_4502 : f32 to vector<16xf32>
      %ge3A_4504 = arith.cmpf oge, %bitcast_convert_type3A_4501, %ge3A_4503 : vector<16xf32>
      %mul3A_4505 = arith.constant 5.000000e-01 : f32
      %mul3A_4506 = vector.broadcast %mul3A_4505 : f32 to vector<16xf32>
      %mul3A_4507 = arith.mulf %bitcast_convert_type3A_4501, %mul3A_4506 : vector<16xf32>
      %select_n3A_4508 = arith.select %ge3A_4504, %mul3A_4507, %bitcast_convert_type3A_4501 : vector<16xi1>, vector<16xf32>
      %jit3A_4509 = arith.constant 1 : i32
      %jit3A_4510 = arith.constant 0 : i32
      %broadcast_in_dim3A_4511 = vector.broadcast %jit3A_4509 : i32 to vector<16xi32>
      %broadcast_in_dim3A_4512 = vector.broadcast %jit3A_4510 : i32 to vector<16xi32>
      %select_n3A_4513 = arith.select %ge3A_4504, %broadcast_in_dim3A_4511, %broadcast_in_dim3A_4512 : vector<16xi1>, vector<16xi32>
      %add3A_4514 = arith.addi %sub3A_4494, %select_n3A_4513 : vector<16xi32>
      %convert_element_type3A_4515 = arith.sitofp %add3A_4514 : vector<16xi32> to vector<16xf32>
      %sub3A_4516 = arith.constant 1.000000e+00 : f32
      %sub3A_4517 = vector.broadcast %sub3A_4516 : f32 to vector<16xf32>
      %sub3A_4518 = arith.subf %select_n3A_4508, %sub3A_4517 : vector<16xf32>
      %add3A_4519 = arith.constant 1.000000e+00 : f32
      %add3A_4520 = vector.broadcast %add3A_4519 : f32 to vector<16xf32>
      %add3A_4521 = arith.addf %select_n3A_4508, %add3A_4520 : vector<16xf32>
      %div3A_4522 = arith.divf %sub3A_4518, %add3A_4521 : vector<16xf32>
      %mul3A_4523 = arith.mulf %div3A_4522, %div3A_4522 : vector<16xf32>
      %mul3A_4524 = arith.constant 0.111111112 : f32
      %mul3A_4525 = vector.broadcast %mul3A_4524 : f32 to vector<16xf32>
      %mul3A_4526 = arith.mulf %mul3A_4525, %mul3A_4523 : vector<16xf32>
      %add3A_4527 = arith.constant 0.142857149 : f32
      %add3A_4528 = vector.broadcast %add3A_4527 : f32 to vector<16xf32>
      %add3A_4529 = arith.addf %mul3A_4526, %add3A_4528 : vector<16xf32>
      %mul3A_4530 = arith.mulf %add3A_4529, %mul3A_4523 : vector<16xf32>
      %add3A_4531 = arith.constant 2.000000e-01 : f32
      %add3A_4532 = vector.broadcast %add3A_4531 : f32 to vector<16xf32>
      %add3A_4533 = arith.addf %mul3A_4530, %add3A_4532 : vector<16xf32>
      %mul3A_4534 = arith.mulf %add3A_4533, %mul3A_4523 : vector<16xf32>
      %add3A_4535 = arith.constant 0.333333343 : f32
      %add3A_4536 = vector.broadcast %add3A_4535 : f32 to vector<16xf32>
      %add3A_4537 = arith.addf %mul3A_4534, %add3A_4536 : vector<16xf32>
      %mul3A_4538 = arith.mulf %add3A_4537, %mul3A_4523 : vector<16xf32>
      %add3A_4539 = arith.constant 1.000000e+00 : f32
      %add3A_4540 = vector.broadcast %add3A_4539 : f32 to vector<16xf32>
      %add3A_4541 = arith.addf %mul3A_4538, %add3A_4540 : vector<16xf32>
      %mul3A_4542 = arith.constant 0.693147182 : f32
      %mul3A_4543 = vector.broadcast %mul3A_4542 : f32 to vector<16xf32>
      %mul3A_4544 = arith.mulf %convert_element_type3A_4515, %mul3A_4543 : vector<16xf32>
      %add3A_4545 = arith.addf %div3A_4522, %div3A_4522 : vector<16xf32>
      %mul3A_4546 = arith.mulf %add3A_4545, %add3A_4541 : vector<16xf32>
      %add3A_4547 = arith.addf %mul3A_4544, %mul3A_4546 : vector<16xf32>
      %sub3A_4548 = arith.constant 1 : i32
      %sub3A_4549 = vector.broadcast %sub3A_4548 : i32 to vector<16xi32>
      %sub3A_4550 = arith.subi %shift_right_logical3A_4486, %sub3A_4549 : vector<16xi32>
      %convert_element_type3A_4551 = arith.sitofp %sub3A_4550 : vector<16xi32> to vector<16xf32>
      %mul3A_4552 = arith.mulf %convert_element_type3A_4551, %add3A_4547 : vector<16xf32>
      %sub3A_4553 = arith.constant 2.500000e-01 : f32
      %sub3A_4554 = vector.broadcast %sub3A_4553 : f32 to vector<16xf32>
      %sub3A_4555 = arith.subf %sub3A_4554, %mul3A_4552 : vector<16xf32>
      %abs3A_4556 = math.absf %sub3A_4555 : vector<16xf32>
      %neg3A_4557 = arith.constant 0.000000e+00 : f32
      %neg3A_4558 = vector.broadcast %neg3A_4557 : f32 to vector<16xf32>
      %neg3A_4559 = arith.subf %neg3A_4558, %abs3A_4556 : vector<16xf32>
      %exp3A_4560 = math.exp %neg3A_4559 : vector<16xf32>
      %max3A_4561 = arith.constant 0.000000e+00 : f32
      %max3A_4562 = vector.broadcast %max3A_4561 : f32 to vector<16xf32>
      %max3A_4563 = arith.maximumf %sub3A_4555, %max3A_4562 : vector<16xf32>
      %add3A_4564 = arith.constant 2.000000e+00 : f32
      %add3A_4565 = vector.broadcast %add3A_4564 : f32 to vector<16xf32>
      %add3A_4566 = arith.addf %exp3A_4560, %add3A_4565 : vector<16xf32>
      %div3A_4567 = arith.divf %exp3A_4560, %add3A_4566 : vector<16xf32>
      %mul3A_4568 = arith.mulf %div3A_4567, %div3A_4567 : vector<16xf32>
      %mul3A_4569 = arith.constant 0.0909090936 : f32
      %mul3A_4570 = vector.broadcast %mul3A_4569 : f32 to vector<16xf32>
      %mul3A_4571 = arith.mulf %mul3A_4570, %mul3A_4568 : vector<16xf32>
      %add3A_4572 = arith.constant 0.111111112 : f32
      %add3A_4573 = vector.broadcast %add3A_4572 : f32 to vector<16xf32>
      %add3A_4574 = arith.addf %mul3A_4571, %add3A_4573 : vector<16xf32>
      %mul3A_4575 = arith.mulf %add3A_4574, %mul3A_4568 : vector<16xf32>
      %add3A_4576 = arith.constant 0.142857149 : f32
      %add3A_4577 = vector.broadcast %add3A_4576 : f32 to vector<16xf32>
      %add3A_4578 = arith.addf %mul3A_4575, %add3A_4577 : vector<16xf32>
      %mul3A_4579 = arith.mulf %add3A_4578, %mul3A_4568 : vector<16xf32>
      %add3A_4580 = arith.constant 2.000000e-01 : f32
      %add3A_4581 = vector.broadcast %add3A_4580 : f32 to vector<16xf32>
      %add3A_4582 = arith.addf %mul3A_4579, %add3A_4581 : vector<16xf32>
      %mul3A_4583 = arith.mulf %add3A_4582, %mul3A_4568 : vector<16xf32>
      %add3A_4584 = arith.constant 0.333333343 : f32
      %add3A_4585 = vector.broadcast %add3A_4584 : f32 to vector<16xf32>
      %add3A_4586 = arith.addf %mul3A_4583, %add3A_4585 : vector<16xf32>
      %mul3A_4587 = arith.mulf %add3A_4586, %mul3A_4568 : vector<16xf32>
      %add3A_4588 = arith.constant 1.000000e+00 : f32
      %add3A_4589 = vector.broadcast %add3A_4588 : f32 to vector<16xf32>
      %add3A_4590 = arith.addf %mul3A_4587, %add3A_4589 : vector<16xf32>
      %add3A_4591 = arith.addf %div3A_4567, %div3A_4567 : vector<16xf32>
      %mul3A_4592 = arith.mulf %add3A_4591, %add3A_4590 : vector<16xf32>
      %add3A_4593 = arith.addf %max3A_4563, %mul3A_4592 : vector<16xf32>
      %mul3A_4594 = arith.mulf %add3A_4547, %add3A_4547 : vector<16xf32>
      %sub3A_4595 = arith.constant 2.500000e-01 : f32
      %sub3A_4596 = vector.broadcast %sub3A_4595 : f32 to vector<16xf32>
      %sub3A_4597 = arith.subf %mul3A_4594, %sub3A_4596 : vector<16xf32>
      %max3A_4598 = arith.constant 0.000000e+00 : f32
      %max3A_4599 = vector.broadcast %max3A_4598 : f32 to vector<16xf32>
      %max3A_4600 = arith.maximumf %sub3A_4597, %max3A_4599 : vector<16xf32>
      %eq3A_4601 = arith.constant 1 : i32
      %eq3A_4602 = vector.broadcast %eq3A_4601 : i32 to vector<16xi32>
      %eq3A_4603 = arith.cmpi eq, %shift_right_logical3A_4486, %eq3A_4602 : vector<16xi32>
      %select_n3A_4604 = arith.select %eq3A_4603, %max3A_4600, %add3A_4593 : vector<16xi1>, vector<16xf32>
      %mul3A_4605 = arith.constant 128 : i32
      %mul3A_4606 = arith.muli %scan3A_3421, %mul3A_4605 : i32
      %add3A_4607 = arith.constant 112 : i32
      %add3A_4608 = arith.addi %mul3A_4606, %add3A_4607 : i32
      %add3A_4609 = vector.broadcast %add3A_4608 : i32 to vector<16xi32>
      %add3A_4610 = arith.addi %add3A_4609, %iota3A : vector<16xi32>
      %lt3A_4611 = vector.broadcast %select_n3A_37 : i32 to vector<16xi32>
      %lt3A_4612 = arith.cmpi slt, %add3A_4610, %lt3A_4611 : vector<16xi32>
      %jit3A_4613 = arith.constant 0.000000e+00 : f32
      %broadcast_in_dim3A_4614 = vector.broadcast %jit3A_4613 : f32 to vector<16xf32>
      %select_n3A_4615 = arith.select %lt3A_4612, %select_n3A_4604, %broadcast_in_dim3A_4614 : vector<16xi1>, vector<16xf32>
      %add3A_4616 = arith.addf %add3A_4468, %select_n3A_4615 : vector<16xf32>
      scf.yield %add3A_4616 : vector<16xf32>
    }
    %scan3A_3413 = arith.constant 10 : i32
    %mul3A_3414 = arith.constant 2.000000e-04 : f32
    %mul3A_3415 = vector.broadcast %mul3A_3414 : f32 to vector<16xf32>
    %mul3A_3416 = arith.mulf %scan3A_3412, %mul3A_3415 : vector<16xf32>
    %swap3A_3417 = arith.constant 0 : index
    %swap3A_3418 = tpu.vector_load %arg10[%swap3A_3417] {strides = array<i32>} : memref<16xf32, #tpu.memory_space<vmem>>, vector<16xf32>,
    %swap3A_3419 = vector.shape_cast %swap3A_3418 : vector<16xf32> to vector<16xf32>
    %swap3A_3420 = vector.shape_cast %mul3A_3416 : vector<16xf32> to vector<16xf32>
    tpu.vector_store %arg10[%swap3A_3417], %swap3A_3420 {strides = array<i32>} : memref<16xf32, #tpu.memory_space<vmem>>, vector<16xf32>,
    "tpu.region"() ({
      %run_scoped3A = tpu.sem_alloc : memref<!tpu.dma_semaphore, #tpu.memory_space<semaphore_mem>>
      %dma_start3A_3421 = arith.constant 0 : i32
      %dma_start3A_3422 = tpu.memref_slice %arg4[%add3A, %dma_start3A_3421] : memref<32x16xf32, #tpu.memory_space<hbm>> -> memref<1x16xf32, #tpu.memory_space<hbm>>
      %dma_start3A_3423 = tpu.memref_squeeze %dma_start3A_3422 : memref<1x16xf32, #tpu.memory_space<hbm>> -> memref<16xf32, #tpu.memory_space<hbm>>
      %dma_start3A_3424 = arith.constant 0 : i32
      %dma_start3A_3425 = tpu.memref_slice %arg4[%add3A, %dma_start3A_3424] : memref<32x16xf32, #tpu.memory_space<hbm>> -> memref<1x16xf32, #tpu.memory_space<hbm>>
      %dma_start3A_3426 = tpu.memref_squeeze %dma_start3A_3425 : memref<1x16xf32, #tpu.memory_space<hbm>> -> memref<16xf32, #tpu.memory_space<hbm>>
      tpu.enqueue_dma source(%arg10 : memref<16xf32, #tpu.memory_space<vmem>>) target(%dma_start3A_3426 : memref<16xf32, #tpu.memory_space<hbm>>) target_semaphore(%run_scoped3A : memref<!tpu.dma_semaphore, #tpu.memory_space<semaphore_mem>>)
      %dma_wait3A_3427 = arith.constant 0 : i32
      %dma_wait3A_3428 = tpu.memref_slice %arg4[%add3A, %dma_wait3A_3427] : memref<32x16xf32, #tpu.memory_space<hbm>> -> memref<1x16xf32, #tpu.memory_space<hbm>>
      %dma_wait3A_3429 = tpu.memref_squeeze %dma_wait3A_3428 : memref<1x16xf32, #tpu.memory_space<hbm>> -> memref<16xf32, #tpu.memory_space<hbm>>
      %dma_wait3A_3430 = arith.constant 0 : i32
      %dma_wait3A_3431 = tpu.memref_slice %arg4[%add3A, %dma_wait3A_3430] : memref<32x16xf32, #tpu.memory_space<hbm>> -> memref<1x16xf32, #tpu.memory_space<hbm>>
      %dma_wait3A_3432 = tpu.memref_squeeze %dma_wait3A_3431 : memref<1x16xf32, #tpu.memory_space<hbm>> -> memref<16xf32, #tpu.memory_space<hbm>>
      tpu.wait_dma2 semaphore(%run_scoped3A : memref<!tpu.dma_semaphore, #tpu.memory_space<semaphore_mem>>) src(%arg10 : memref<16xf32, #tpu.memory_space<vmem>>) dst(%dma_wait3A_3432 : memref<16xf32, #tpu.memory_space<hbm>>)
      tpu.yield
    }) : () -> ()
    return
  }
}

</mosaic_0001>

<sc_bundles>
// kernel: kernel.3.cloned.1.call-start
scs
__scs_entry_jumppad:
0x0: {  	(pc) =	sbr.rel $0x88, $3  }
0x1: {  	(tag) =	ssettag $0x0;
	lr =	simm.s32 $0x1  }
0x2: {  	[smem:$0x3F9B] =	sst lr;
	_ =	strace $0xD0000000  }
0x3: {  	_ = 	snop  }
0x4: {  	_ = 	snop  }
0x5: {  	_ = 	snop  }
0x6: {  	_ = 	snop  }
0x7: {  	_ = 	snop  }
__scs_overlays_trampoline_lowered:
0x8: {  	[smem:$0x3FAA] =	sst s0  }
0x9: {  	[smem:$0x3FAB] =	sst s1  }
0xa: {  	[smem:$0x3FAC] =	sst s2  }
0xb: {  	[smem:$0x3FAD] =	sst s3  }
0xc: {  	[smem:$0x3FAE] =	sst s4  }
0xd: {  	[smem:$0x3FAF] =	sst s5  }
0xe: {  	[smem:$0x3FB0] =	sst s6  }
0xf: {  	[smem:$0x3FB1] =	sst s7  }
0x10: {  	[smem:$0x3FB2] =	sst s8  }
0x11: {  	[smem:$0x3FB3] =	sst s9;
	s0 =	simm.s32 @!p0 $0x0  }
0x12: {  	s1 =	sld [smem:$0x3F99];
	s0 =	simm.s32 @p0 $0x1  }
0x13: {  	[smem:$0x3FB4] =	sst s0;
	s0 =	simm.s32 @!p1 $0x0  }
0x14: {  	s2 =	sld [smem:$0x3F98];
	s0 =	simm.s32 @p1 $0x1  }
0x15: {  	[smem:$0x3FB5] =	sst s0;
	s0 =	simm.s32 @!p2 $0x0  }
0x16: {  	s3 =	sld [smem:$0x3FDB];
	s0 =	simm.s32 @p2 $0x1  }
0x17: {  	s4 =	simm.s32 $0x1BF5;
	[smem:$0x3FB7] =	sst s0  }
0x18: {  	s0 =	sld [smem:$0x3F9A];
	_ =	swait.ge [sflag:s4], $0x0  }
0x19: {  	s7 =	sld [smem:$0x3F9B]  }
0x1a: {  	s8 =	sadd.s32 $0xFFFFE003, lr  }
0x1b: {  	s9 =	sadd.s32 $0xFFFFFEF7, lr;
	s5 =	simm.s32 $0xFFFFFFFF;
	p2 =	slt.u32 s8, $0xFFFFF086  }
0x1c: {  	p1 =	slt.u32 s9, $0xF7A;
	s5 =	simm.s32 @!p2 $0x0  }
0x1d: {  	s5 =	simm.s32 @p1 $0x1;
	p0 =	seq.s32 s7, s2  }
0x1e: {  	s7 =	smul.u32 @!p0 $0xF7A, s2;
	p2 =	seq.s32 @!p0 s5, $0x0  }
0x1f: {  	s9 =	smul.u32 $0xF7A, s1;
	s8 =	simm.s32 @!p0 $0x1BF5;
	p2 =	por !p2, p0  }
0x20: {  	[sflag:s8] =	ssyncset.s32 @!p0 $0xFFFFF086;
	s6 =	sadd.s32 @!p0 s3, s7;
	s7 =	simm.s32 @!p0 $0x108  }
0x21: {  	s3 =	sadd.s32 s3, s9;
	s6 =	sadd.s32 @!p0 $0x88, s6;
	s7 =	simm.s32 @p2 $0x1082  }
0x22: {  	[simem:s7], [sflag:s8] =	dma.local @!p0 [hbm:s6], $0xF7A  }
0x23: {  	s9 =	sor.u32 $0xD0000000, s2;
	s6 =	simm.s32 $0x108;
	_ =	swait.ge @!p0 [sflag:s8], $0x0  }
0x24: {  	s3 =	sadd.s32 $0x88, s3;
	s6 =	simm.s32 @!p1 $0x1082;
	[sflag:s4] =	ssyncset.s32 $0xFFFFF086  }
0x25: {  	[simem:s6], [sflag:s4] =	dma.local [hbm:s3], $0xF7A  }
0x26: {  	[smem:$0x3F9B] =	sst s1;
	(tag) =	ssettag s2;
	_ =	strace s9  }
0x27: {  	s1 =	sld [smem:$0x3FAB]  }
0x28: {  	s2 =	sld [smem:$0x3FAC]  }
0x29: {  	s4 =	sld [smem:$0x3FAE]  }
0x2a: {  	p0 =	seq.s32 s5, $0x0;
	s5 =	sld [smem:$0x3FAF]  }
0x2b: {  	s6 =	sld [smem:$0x3FB0]  }
0x2c: {  	s7 =	sld [smem:$0x3FB1]  }
0x2d: {  	s3 =	simm.s32 $0x108;
	s8 =	sld [smem:$0x3FB2]  }
0x2e: {  	s3 =	simm.s32 @!p0 $0x1082;
	s9 =	sld [smem:$0x3FB3]  }
0x2f: {  	lr =	sadd.s32 s0, s3;
	s0 =	sld [smem:$0x3FAA]  }
0x30: {  	s3 =	sld [smem:$0x3FAD]  }
0x31: {  	[smem:$0x3FB6] =	sst s10  }
0x32: {  	s10 =	sld [smem:$0x3FB4];
	_ =	sdelay $0x3  }
0x33: {  	p0 =	seq.s32 s10, $0x1;
	s10 =	sld [smem:$0x3FB6];
	_ =	sdelay $0x3  }
0x34: {  	[smem:$0x3FB6] =	sst s10  }
0x35: {  	s10 =	sld [smem:$0x3FB5];
	_ =	sdelay $0x3  }
0x36: {  	p1 =	seq.s32 s10, $0x1;
	s10 =	sld [smem:$0x3FB6];
	_ =	sdelay $0x3  }
0x37: {  	[smem:$0x3FB6] =	sst s10  }
0x38: {  	s10 =	sld [smem:$0x3FB7]  }
0x39: {  	_ = 	snop;
	(pc) =	sbr.ind lr, $3  }
0x3a: {  	_ = 	snop  }
0x3b: {  	_ = 	snop  }
0x3c: {  	p2 =	seq.s32 s10, $0x1;
	s10 =	sld [smem:$0x3FB6]  }
0x3d: {  	_ =	shalt  }
0x3e: {  	_ =	shalt  }
0x3f: {  	_ =	shalt  }
0x40: {  	_ =	shalt  }
0x41: {  	_ =	shalt  }
0x42: {  	_ =	shalt  }
0x43: {  	_ =	shalt  }
0x44: {  	_ =	shalt  }
0x45: {  	_ =	shalt  }
0x46: {  	_ =	shalt  }
0x47: {  	_ =	shalt  }
0x48: {  	_ =	shalt  }
0x49: {  	_ =	shalt  }
0x4a: {  	_ =	shalt  }
0x4b: {  	_ =	shalt  }
0x4c: {  	_ =	shalt  }
0x4d: {  	_ =	shalt  }
0x4e: {  	_ =	shalt  }
0x4f: {  	_ =	shalt  }
0x50: {  	_ =	shalt  }
0x51: {  	_ =	shalt  }
0x52: {  	_ =	shalt  }
0x53: {  	_ =	shalt  }
0x54: {  	_ =	shalt  }
0x55: {  	_ =	shalt  }
0x56: {  	_ =	shalt  }
0x57: {  	_ =	shalt  }
0x58: {  	_ =	shalt  }
0x59: {  	_ =	shalt  }
0x5a: {  	_ =	shalt  }
0x5b: {  	_ =	shalt  }
0x5c: {  	_ =	shalt  }
0x5d: {  	_ =	shalt  }
0x5e: {  	_ =	shalt  }
0x5f: {  	_ =	shalt  }
0x60: {  	_ =	shalt  }
0x61: {  	_ =	shalt  }
0x62: {  	_ =	shalt  }
0x63: {  	_ =	shalt  }
0x64: {  	_ =	shalt  }
0x65: {  	_ =	shalt  }
0x66: {  	_ =	shalt  }
0x67: {  	_ =	shalt  }
0x68: {  	_ =	shalt  }
0x69: {  	_ =	shalt  }
0x6a: {  	_ =	shalt  }
0x6b: {  	_ =	shalt  }
0x6c: {  	_ =	shalt  }
0x6d: {  	_ =	shalt  }
0x6e: {  	_ =	shalt  }
0x6f: {  	_ =	shalt  }
0x70: {  	_ =	shalt  }
0x71: {  	_ =	shalt  }
0x72: {  	_ =	shalt  }
0x73: {  	_ =	shalt  }
0x74: {  	_ =	shalt  }
0x75: {  	_ =	shalt  }
0x76: {  	_ =	shalt  }
0x77: {  	_ =	shalt  }
0x78: {  	_ =	shalt  }
0x79: {  	_ =	shalt  }
0x7a: {  	_ =	shalt  }
0x7b: {  	_ =	shalt  }
0x7c: {  	_ =	shalt  }
0x7d: {  	_ =	shalt  }
0x7e: {  	_ =	shalt  }
0x7f: {  	_ =	shalt  }
0x80: {  	_ =	shalt  }
0x81: {  	_ =	shalt  }
0x82: {  	_ =	shalt  }
0x83: {  	_ =	shalt  }
0x84: {  	_ =	shalt  }
0x85: {  	_ =	shalt  }
0x86: {  	_ =	shalt  }
0x87: {  	_ =	shalt  }
.Lfunc_end0:
.L_simem_size_0:
called_computation_lowered:
.L_overlay_start_0:
0x88: {  	s2 =	sld [smem:$0x3FD9]  }
0x89: {  	s3 =	sld [smem:$0x3FFE];
	_ =	sdelay $0x1  }
0x8a: {  	s1 =	srdreg.scid  }
0x8b: {  	s0 =	sand.u32 $0x1, s1  }
0x8c: {  	s17 =	sshll.u32 s0, $0xA;
	s2 =	sadd.s32 s3, s2  }
0x8d: {  	s2 =	sadd.s32 s2, s17  }
0x8e: {  	[smem:$0x3FC2] =	sst s2  }
0x8f: {  	_ = 	snop  }
0x90: {  	s2 =	sld [smem:$0x3FC9];
	(tm) =	ssettm $0x1  }
0x91: {  	s18 =	sld [smem:$0x3FFB];
	_ =	sdelay $0x3  }
0x92: {  	_ =	strace s18  }
0x93: {  	s3 =	sld [smem:$0x3FFC];
	_ =	sdelay $0x3  }
0x94: {  	_ =	strace s3  }
0x95: {  	s3 =	sld [smem:$0x3FFD];
	_ =	sdelay $0x3  }
0x96: {  	_ =	strace s3  }
0x97: {  	_ =	strace $0x8FFFFFFF  }
0x98: {  	s19 =	sld [smem:$0x3FDB];
	_ =	sdelay $0x1  }
0x99: {  	s4 =	simm.s32 $_scs_section_size  }
0x9a: {  	s5 =	simm.s32 $_size__tile_overlayer_lowered;
	s6 =	simm.s32 $_tile_overlayer_lowered  }
0x9b: {  	s22 =	simm.s32 $0x1BFF;
	s21 =	sshll.u32 s6, $0x1;
	s3 =	sadd.s32 s4, s19  }
0x9c: {  	s7 =	simm.s32 $0x0;
	s20 =	sshll.u32 s5, $0x1;
	s5 =	sadd.s32 s21, s3  }
0x9d: {  	[timem:s7], [sflag:s22] =	dma.local [hbm:s5], s20  }
0x9e: {  	_ =	swait.ge [sflag:s22], s20  }
0x9f: {  	s4 =	ssub.s32 $0x0, s20;
	[sflag:s22] =	ssyncset.done $0x0  }
0xa0: {  	[sflag:s22] =	ssyncadd.s32 s4;
	_ =	sdelay $0x1  }
0xa1: {  	s23 =	simm.s32 $0x1B8B  }
0xa2: {  	_ =	swait.ge [sflag:s23], $0x1  }
0xa3: {  	[sflag:s23] =	ssyncset.done $0x0  }
0xa4: {  	s25 =	simm.s32 $0x1B8E;
	s24 =	sld [smem:$0x3FFE];
	[sflag:s23] =	ssyncadd.s32 $0xFFFFFFFF  }
0xa5: {  	s26 =	simm.s32 $execute0_lowered;
	[smem:$0x3FD2] =	sst s25  }
0xa6: {  	s5 =	sshll.u32 s26, $0x1;
	_ =	strace $0x80000046;
	[dreg:$0x1] =	wrdreg $0xFFFFFFFF  }
0xa7: {  	s28 =	simm.s32 $_size_execute0_lowered;
	s3 =	sadd.s32 s3, s5;
	[dreg:$0x0] =	wrdreg $0x0  }
0xa8: {  	s5 =	sshll.u32 s28, $0x1;
	[dreg:$0x2] =	wrdreg s3  }
0xa9: {  	[dreg:$0x3] =	wrdreg s5  }
0xaa: {  	[dreg:$0x4] =	wrdreg $0xC0  }
0xab: {  	_ =	task [dreg:s7], $0x5FFFF  }
0xac: {  	[dreg:$0x1] =	wrdreg $0xFFFFFFFF  }
0xad: {  	[dreg:$0x0] =	wrdreg $0x60  }
0xae: {  	[dreg:$0x2] =	wrdreg s2  }
0xaf: {  	[dreg:$0x3] =	wrdreg s24  }
0xb0: {  	[dreg:$0x4] =	wrdreg $0x9  }
0xb1: {  	_ =	task.clear_ibuf [dreg:s7], $0x5FFFF;
	_ =	strace $0x90000046  }
0xb2: {  	s29 =	simm.s32 $0x9;
	_ =	strace $0x80000048  }
0xb3: {  	_ =	swait.ge [sflag:s29], $0x1  }
0xb4: {  	[sflag:s29] =	ssyncadd.s32 $0xFFFFFFFF  }
0xb5: {  	_ =	strace $0x90000048  }
0xb6: {  	_ =	sfence  }
0xb7: {  	s30 =	sld [smem:$0x0];
	_ =	sdelay $0x2  }
0xb8: {  	s31 =	sshll.u32 s1, $0xD;
	s1 =	sshrl.u32 s1, $0x2  }
0xb9: {  	s3 =	sand.u32 $0x4000, s31;
	s1 =	sadd.s32 s1, s30  }
0xba: {  	s0 =	sor.u32 s3, s0;
	s1 =	sshll.u32 s1, $0x11  }
0xbb: {  	s0 =	sor.u32 s1, s0  }
0xbc: {  	s0 =	sadd.s32 $0x8F2B, s0  }
0xbd: {  	[sflag:s0] =	ssyncadd.remote.s32 $0x1  }
0xbe: {  	_ =	sfence.sel $0xFFFF  }
0xbf: {  	[dreg:$0x0] =	wrdreg $0xFFFFFFFF;
	(pc) =	sbr.abs _section_cstart, $3  }
0xc0: {  	[dreg:$0x1] =	wrdreg $0xFFFFFFFF  }
0xc1: {  	_ =	task.clear_ibuf [dreg:s7], $0x2FFFF;
	_ =	strace $0x9FFFFFFF  }
0xc2: {  	(tm) =	ssettm $0x7FFFFFFF  }
0xc3: {  	_ =	shalt  }
tec
execute0_lowered:
.L_overlay_start_1:
0x0: {  	(tag) =	ssettag $0x1  }
0x1: {  	s0 =	srdreg.scid;
	s2 =	rddreg [dreg:$0x0]  }
0x2: {  	s7 =	stileid.u32;
	s5 =	rddreg [dreg:$0x1]  }
0x3: {  	s3 =	simm.s32 $0x0;
	s19 =	simm.s32 $0xD;
	s24 =	simm.s32 $0xE  }
0x4: {  	s21 =	simm.s32 $0x10;
	s30 =	simm.s32 $0x11;
	s20 =	simm.s32 $0x12  }
0x5: {  	s31 =	simm.s32 $0x13;
	s23 =	simm.s32 $0x14;
	s22 =	simm.s32 $0x15  }
0x6: {  	s28 =	simm.s32 $0x0;
	s0 =	sand.u32 $0x1, s0;
	s1 =	sshll.u32 s7, $0x1  }
0x7: {  	s7 =	sshrl.u32 s7, $0x1;
	[smem:$0x7FF] =	sst s3;
	s1 =	sor.u32 s0, s1  }
0x8: {  	_ =	strace $0x80000047;
	s16 =	smul.u32 $0x24000, s7;
	s4 =	sand.u32 $0x3, s1  }
0x9: {  	s0 =	ssub.s32 $0x2, s0;
	s1 =	sshll.u32 s1, $0x4;
	s6 =	smul.u32 $0x50, s4  }
0xa: {  	s25 =	sshrl.u32 s0, $0x1;
	s1 =	sadd.s32 s1, s5;
	p0 =	seq.s32 s4, $0x3  }
0xb: {  	s4 =	simm.s32 $0x488;
	s0 =	ssub.s32 s0, s25;
	s6 =	sor.u32 s7, s6  }
0xc: {  	s25 =	simm.s32 $0xB;
	s4 =	simm.s32 @!p0 $0x500;
	s6 =	sshll.u32 s6, $0x5  }
0xd: {  	s14 =	sadd.s32 $0x2A00, s1;
	s15 =	smax.u32 s0, $0x1;
	s13 =	sadd.s32 s6, s5  }
0xe: {  	s1 =	simm.s32 $0xC;
	s0 =	simm.s32 $0xF;
	s26 =	sadd.s32 $0x200, s13  }
0xf: {  	v0 =	vlaneseq.u32;
	s29 =	sadd.s32 $0x300, s13;
	s6 =	sadd.s32 $0x400, s13;
	s7 =	sadd.s32 $0x500, s13  }
0x10: {  	v1 =	vmul.u32 $0xFFFFFFFF, v0;
	s8 =	sadd.s32 $0x600, s13;
	s9 =	sadd.s32 $0x700, s13;
	s10 =	sadd.s32 $0x800, s13  }
0x11: {  	s11 =	sadd.s32 $0x900, s13;
	s12 =	sadd.s32 $0xA00, s13;
	[dreg:$0x3] =	wrdreg s26  }
0x12: {  	v2 =	vimm.s32 $0x0;
	v0 =	vmov s16;
	v1 =	vadd.s32 s4, v1;
	s13 =	sadd.s32 $0xB00, s13;
	[dreg:$0x4] =	wrdreg s29;
	s26 =	simm.s32 $0x80  }
.LBB2_1:
0x13: {  	s4 =	rddreg [dreg:$0x3]  }
0x14: {  	[tilespmem:s3], [sflag:$0xB] =	stream.linear.gather [hbm4b:s4+s3], $0x100, $0x38;
	[tilespmem:$0x2A80] =	vst v63  }
0x15: {  	s18 =	rddreg [dreg:$0x4];
	s5 =	simm.s32 $0x100  }
0x16: {  	[tilespmem:s5], [sflag:$0xC] =	stream.linear.gather [hbm4b:s18+s3], $0x100, $0x38;
	[tilespmem:$0x2A80] =	vst v63  }
0x17: {  	s5 =	simm.s32 $0x200  }
0x18: {  	[tilespmem:s5], [sflag:$0xD] =	stream.linear.gather [hbm4b:s6+s3], $0x100, $0x38;
	[tilespmem:$0x2A80] =	vst v63  }
0x19: {  	s16 =	simm.s32 $0x300  }
0x1a: {  	[tilespmem:s16], [sflag:$0xE] =	stream.linear.gather [hbm4b:s7+s3], $0x100, $0x38;
	[tilespmem:$0x2A80] =	vst v63  }
0x1b: {  	s17 =	simm.s32 $0x400  }
0x1c: {  	[tilespmem:s17], [sflag:$0xF] =	stream.linear.gather [hbm4b:s8+s3], $0x100, $0x38;
	[tilespmem:$0x2A80] =	vst v63  }
0x1d: {  	s18 =	simm.s32 $0x500  }
0x1e: {  	[tilespmem:s18], [sflag:$0x10] =	stream.linear.gather [hbm4b:s9+s3], $0x100, $0x38;
	[tilespmem:$0x2A80] =	vst v63  }
0x1f: {  	s5 =	simm.s32 $0x600  }
0x20: {  	[tilespmem:s5], [sflag:$0x11] =	stream.linear.gather [hbm4b:s10+s3], $0x100, $0x38;
	[tilespmem:$0x2A80] =	vst v63  }
0x21: {  	s16 =	simm.s32 $0x700  }
0x22: {  	[tilespmem:s16], [sflag:$0x12] =	stream.linear.gather [hbm4b:s11+s3], $0x100, $0x38;
	[tilespmem:$0x2A80] =	vst v63  }
0x23: {  	s17 =	simm.s32 $0x800  }
0x24: {  	[tilespmem:s17], [sflag:$0x13] =	stream.linear.gather [hbm4b:s12+s3], $0x100, $0x38;
	[tilespmem:$0x2A80] =	vst v63  }
0x25: {  	s18 =	simm.s32 $0x900  }
0x26: {  	[tilespmem:s18], [sflag:$0x14] =	stream.linear.gather [hbm4b:s13+s3], $0x100, $0x38;
	[tilespmem:$0x2A80] =	vst v63  }
0x27: {  	_ =	swait.ge [sflag:s25], $0x100  }
0x28: {  	[sflag:s25] =	ssyncset.done $0x0  }
0x29: {  	[sflag:s25] =	ssyncadd.s32 $0xFFFFFF00  }
0x2a: {  	v3 =	vld [tilespmem:$0x0]  }
0x2b: {  	v4 =	vld [tilespmem:$0x80]  }
0x2c: {  	v5 =	vld [tilespmem:$0x10]  }
0x2d: {  	v6 =	vld [tilespmem:$0x90]  }
0x2e: {  	v7 =	vld [tilespmem:$0x20]  }
0x2f: {  	v8 =	vld [tilespmem:$0xA0];
	v3 =	vand.u32 $0x3FFFF, v3  }
0x30: {  	v9 =	vld [tilespmem:$0x30];
	v4 =	vand.u32 $0x3FFFF, v4;
	v3 =	vadd.s32 v0, v3  }
0x31: {  	[tilespmem:$0xA00] =	vst v3;
	v3 =	vadd.s32 v0, v4;
	v4 =	vand.u32 $0x3FFFF, v5;
	v5 =	vld [tilespmem:$0xB0]  }
0x32: {  	v62 =	vld [tilespmem:$0x40];
	[tilespmem:$0x1200] =	vst v3;
	v3 =	vadd.s32 v0, v4;
	v4 =	vand.u32 $0x3FFFF, v6  }
0x33: {  	v63 =	vld [tilespmem:$0xC0];
	[tilespmem:$0xA10] =	vst v3;
	v3 =	vadd.s32 v0, v4;
	v4 =	vand.u32 $0x3FFFF, v7  }
0x34: {  	v12 =	vld [tilespmem:$0x50];
	[tilespmem:$0x1210] =	vst v3;
	v3 =	vadd.s32 v0, v4;
	v4 =	vand.u32 $0x3FFFF, v8  }
0x35: {  	v13 =	vld [tilespmem:$0xD0];
	[tilespmem:$0xA20] =	vst v3;
	v3 =	vadd.s32 v0, v4;
	v4 =	vand.u32 $0x3FFFF, v9  }
0x36: {  	[tilespmem:$0x1220] =	vst v3;
	v3 =	vadd.s32 v0, v4;
	v4 =	vand.u32 $0x3FFFF, v5;
	v5 =	vld [tilespmem:$0x60]  }
0x37: {  	v14 =	vld [tilespmem:$0xE0];
	[tilespmem:$0xA30] =	vst v3;
	v3 =	vadd.s32 v0, v4;
	v4 =	vand.u32 $0x3FFFF, v62  }
0x38: {  	v15 =	vld [tilespmem:$0x70];
	[tilespmem:$0x1230] =	vst v3;
	v3 =	vadd.s32 v0, v4;
	v4 =	vand.u32 $0x3FFFF, v63  }
0x39: {  	v16 =	vld [tilespmem:$0xF0];
	[tilespmem:$0xA40] =	vst v3;
	v3 =	vadd.s32 v0, v4;
	v4 =	vand.u32 $0x3FFFF, v12  }
0x3a: {  	[tilespmem:$0x1240] =	vst v3;
	v3 =	vadd.s32 v0, v4;
	v4 =	vand.u32 $0x3FFFF, v13  }
0x3b: {  	[tilespmem:$0xA50] =	vst v3;
	v3 =	vadd.s32 v0, v4;
	v4 =	vand.u32 $0x3FFFF, v5  }
0x3c: {  	[tilespmem:$0x1250] =	vst v3;
	v3 =	vadd.s32 v0, v4;
	v4 =	vand.u32 $0x3FFFF, v14  }
0x3d: {  	[tilespmem:$0xA60] =	vst v3;
	v3 =	vadd.s32 v0, v4;
	v4 =	vand.u32 $0x3FFFF, v15  }
0x3e: {  	[tilespmem:$0x1260] =	vst v3;
	v3 =	vadd.s32 v0, v4;
	v4 =	vand.u32 $0x3FFFF, v16  }
0x3f: {  	[tilespmem:$0xA70] =	vst v3;
	v3 =	vadd.s32 v0, v4  }
0x40: {  	s5 =	simm.s32 $0xA00;
	s16 =	simm.s32 $0x1A00;
	[tilespmem:$0x1270] =	vst v3  }
0x41: {  	[tilespmem:s16], [sflag:$0x1] =	stream.indirect.gather [hbm4b:s2+s26], $0x1, s5, s26, $0xb8;
	[tilespmem:$0x2A80] =	vst v63  }
0x42: {  	s17 =	simm.s32 $0x1200;
	s18 =	simm.s32 $0x2200  }
0x43: {  	[tilespmem:s18], [sflag:$0x1] =	stream.indirect.gather [hbm4b:s2+s26], $0x1, s17, s26, $0xb8;
	[tilespmem:$0x2A80] =	vst v63  }
0x44: {  	_ =	swait.ge [sflag:s1], $0x100  }
0x45: {  	[sflag:s1] =	ssyncset.done $0x0  }
0x46: {  	[sflag:s1] =	ssyncadd.s32 $0xFFFFFF00  }
0x47: {  	v3 =	vld [tilespmem:$0x100]  }
0x48: {  	v4 =	vld [tilespmem:$0x180]  }
0x49: {  	v5 =	vld [tilespmem:$0x110]  }
0x4a: {  	v17 =	vld [tilespmem:$0x190]  }
0x4b: {  	v18 =	vld [tilespmem:$0x120]  }
0x4c: {  	v19 =	vld [tilespmem:$0x1A0];
	v3 =	vand.u32 $0x3FFFF, v3  }
0x4d: {  	v20 =	vld [tilespmem:$0x130];
	v4 =	vand.u32 $0x3FFFF, v4;
	v3 =	vadd.s32 v0, v3  }
0x4e: {  	[tilespmem:$0xA80] =	vst v3;
	v3 =	vadd.s32 v0, v4;
	v4 =	vand.u32 $0x3FFFF, v5;
	v5 =	vld [tilespmem:$0x1B0]  }
0x4f: {  	v21 =	vld [tilespmem:$0x140];
	[tilespmem:$0x1280] =	vst v3;
	v3 =	vadd.s32 v0, v4;
	v4 =	vand.u32 $0x3FFFF, v17  }
0x50: {  	v22 =	vld [tilespmem:$0x1C0];
	[tilespmem:$0xA90] =	vst v3;
	v3 =	vadd.s32 v0, v4;
	v4 =	vand.u32 $0x3FFFF, v18  }
0x51: {  	v23 =	vld [tilespmem:$0x150];
	[tilespmem:$0x1290] =	vst v3;
	v3 =	vadd.s32 v0, v4;
	v4 =	vand.u32 $0x3FFFF, v19  }
0x52: {  	v24 =	vld [tilespmem:$0x1D0];
	[tilespmem:$0xAA0] =	vst v3;
	v3 =	vadd.s32 v0, v4;
	v4 =	vand.u32 $0x3FFFF, v20  }
0x53: {  	[tilespmem:$0x12A0] =	vst v3;
	v3 =	vadd.s32 v0, v4;
	v4 =	vand.u32 $0x3FFFF, v5;
	v5 =	vld [tilespmem:$0x160]  }
0x54: {  	v25 =	vld [tilespmem:$0x1E0];
	[tilespmem:$0xAB0] =	vst v3;
	v3 =	vadd.s32 v0, v4;
	v4 =	vand.u32 $0x3FFFF, v21  }
0x55: {  	v26 =	vld [tilespmem:$0x170];
	[tilespmem:$0x12B0] =	vst v3;
	v3 =	vadd.s32 v0, v4;
	v4 =	vand.u32 $0x3FFFF, v22  }
0x56: {  	v27 =	vld [tilespmem:$0x1F0];
	[tilespmem:$0xAC0] =	vst v3;
	v3 =	vadd.s32 v0, v4;
	v4 =	vand.u32 $0x3FFFF, v23  }
0x57: {  	[tilespmem:$0x12C0] =	vst v3;
	v3 =	vadd.s32 v0, v4;
	v4 =	vand.u32 $0x3FFFF, v24  }
0x58: {  	[tilespmem:$0xAD0] =	vst v3;
	v3 =	vadd.s32 v0, v4;
	v4 =	vand.u32 $0x3FFFF, v5  }
0x59: {  	[tilespmem:$0x12D0] =	vst v3;
	v3 =	vadd.s32 v0, v4;
	v4 =	vand.u32 $0x3FFFF, v25  }
0x5a: {  	[tilespmem:$0xAE0] =	vst v3;
	v3 =	vadd.s32 v0, v4;
	v4 =	vand.u32 $0x3FFFF, v26  }
0x5b: {  	[tilespmem:$0x12E0] =	vst v3;
	v3 =	vadd.s32 v0, v4;
	v4 =	vand.u32 $0x3FFFF, v27  }
0x5c: {  	[tilespmem:$0xAF0] =	vst v3;
	v3 =	vadd.s32 v0, v4  }
0x5d: {  	s5 =	simm.s32 $0xA80;
	s16 =	simm.s32 $0x1A80;
	[tilespmem:$0x12F0] =	vst v3  }
0x5e: {  	[tilespmem:s16], [sflag:$0x2] =	stream.indirect.gather [hbm4b:s2+s26], $0x1, s5, s26, $0xb8;
	[tilespmem:$0x2A80] =	vst v63  }
0x5f: {  	s17 =	simm.s32 $0x1280;
	s18 =	simm.s32 $0x2280  }
0x60: {  	[tilespmem:s18], [sflag:$0x2] =	stream.indirect.gather [hbm4b:s2+s26], $0x1, s17, s26, $0xb8;
	[tilespmem:$0x2A80] =	vst v63  }
0x61: {  	_ =	swait.ge [sflag:s19], $0x100  }
0x62: {  	[sflag:s19] =	ssyncset.done $0x0  }
0x63: {  	[sflag:s19] =	ssyncadd.s32 $0xFFFFFF00  }
0x64: {  	v3 =	vld [tilespmem:$0x200]  }
0x65: {  	v4 =	vld [tilespmem:$0x280]  }
0x66: {  	v5 =	vld [tilespmem:$0x210]  }
0x67: {  	v28 =	vld [tilespmem:$0x290]  }
0x68: {  	v29 =	vld [tilespmem:$0x220]  }
0x69: {  	v30 =	vld [tilespmem:$0x2A0];
	v3 =	vand.u32 $0x3FFFF, v3  }
0x6a: {  	v31 =	vld [tilespmem:$0x230];
	v4 =	vand.u32 $0x3FFFF, v4;
	v3 =	vadd.s32 v0, v3  }
0x6b: {  	[tilespmem:$0xB00] =	vst v3;
	v3 =	vadd.s32 v0, v4;
	v4 =	vand.u32 $0x3FFFF, v5;
	v5 =	vld [tilespmem:$0x2B0]  }
0x6c: {  	v32 =	vld [tilespmem:$0x240];
	[tilespmem:$0x1300] =	vst v3;
	v3 =	vadd.s32 v0, v4;
	v4 =	vand.u32 $0x3FFFF, v28  }
0x6d: {  	v33 =	vld [tilespmem:$0x2C0];
	[tilespmem:$0xB10] =	vst v3;
	v3 =	vadd.s32 v0, v4;
	v4 =	vand.u32 $0x3FFFF, v29  }
0x6e: {  	v34 =	vld [tilespmem:$0x250];
	[tilespmem:$0x1310] =	vst v3;
	v3 =	vadd.s32 v0, v4;
	v4 =	vand.u32 $0x3FFFF, v30  }
0x6f: {  	v35 =	vld [tilespmem:$0x2D0];
	[tilespmem:$0xB20] =	vst v3;
	v3 =	vadd.s32 v0, v4;
	v4 =	vand.u32 $0x3FFFF, v31  }
0x70: {  	[tilespmem:$0x1320] =	vst v3;
	v3 =	vadd.s32 v0, v4;
	v4 =	vand.u32 $0x3FFFF, v5;
	v5 =	vld [tilespmem:$0x260]  }
0x71: {  	v36 =	vld [tilespmem:$0x2E0];
	[tilespmem:$0xB30] =	vst v3;
	v3 =	vadd.s32 v0, v4;
	v4 =	vand.u32 $0x3FFFF, v32  }
0x72: {  	v37 =	vld [tilespmem:$0x270];
	[tilespmem:$0x1330] =	vst v3;
	v3 =	vadd.s32 v0, v4;
	v4 =	vand.u32 $0x3FFFF, v33  }
0x73: {  	v38 =	vld [tilespmem:$0x2F0];
	[tilespmem:$0xB40] =	vst v3;
	v3 =	vadd.s32 v0, v4;
	v4 =	vand.u32 $0x3FFFF, v34  }
0x74: {  	[tilespmem:$0x1340] =	vst v3;
	v3 =	vadd.s32 v0, v4;
	v4 =	vand.u32 $0x3FFFF, v35  }
0x75: {  	[tilespmem:$0xB50] =	vst v3;
	v3 =	vadd.s32 v0, v4;
	v4 =	vand.u32 $0x3FFFF, v5  }
0x76: {  	[tilespmem:$0x1350] =	vst v3;
	v3 =	vadd.s32 v0, v4;
	v4 =	vand.u32 $0x3FFFF, v36  }
0x77: {  	[tilespmem:$0xB60] =	vst v3;
	v3 =	vadd.s32 v0, v4;
	v4 =	vand.u32 $0x3FFFF, v37  }
0x78: {  	[tilespmem:$0x1360] =	vst v3;
	v3 =	vadd.s32 v0, v4;
	v4 =	vand.u32 $0x3FFFF, v38  }
0x79: {  	[tilespmem:$0xB70] =	vst v3;
	v3 =	vadd.s32 v0, v4  }
0x7a: {  	s5 =	simm.s32 $0xB00;
	s16 =	simm.s32 $0x1B00;
	[tilespmem:$0x1370] =	vst v3  }
0x7b: {  	[tilespmem:s16], [sflag:$0x3] =	stream.indirect.gather [hbm4b:s2+s26], $0x1, s5, s26, $0xb8;
	[tilespmem:$0x2A80] =	vst v63  }
0x7c: {  	s17 =	simm.s32 $0x1300;
	s18 =	simm.s32 $0x2300  }
0x7d: {  	[tilespmem:s18], [sflag:$0x3] =	stream.indirect.gather [hbm4b:s2+s26], $0x1, s17, s26, $0xb8;
	[tilespmem:$0x2A80] =	vst v63  }
0x7e: {  	_ =	swait.ge [sflag:s24], $0x100  }
0x7f: {  	[sflag:s24] =	ssyncset.done $0x0  }
0x80: {  	[sflag:s24] =	ssyncadd.s32 $0xFFFFFF00  }
0x81: {  	v3 =	vld [tilespmem:$0x300]  }
0x82: {  	v4 =	vld [tilespmem:$0x380]  }
0x83: {  	v5 =	vld [tilespmem:$0x310]  }
0x84: {  	v39 =	vld [tilespmem:$0x390]  }
0x85: {  	v40 =	vld [tilespmem:$0x320]  }
0x86: {  	v41 =	vld [tilespmem:$0x3A0];
	v3 =	vand.u32 $0x3FFFF, v3  }
0x87: {  	v42 =	vld [tilespmem:$0x330];
	v4 =	vand.u32 $0x3FFFF, v4;
	v3 =	vadd.s32 v0, v3  }
0x88: {  	[tilespmem:$0xB80] =	vst v3;
	v3 =	vadd.s32 v0, v4;
	v4 =	vand.u32 $0x3FFFF, v5;
	v5 =	vld [tilespmem:$0x3B0]  }
0x89: {  	v43 =	vld [tilespmem:$0x340];
	[tilespmem:$0x1380] =	vst v3;
	v3 =	vadd.s32 v0, v4;
	v4 =	vand.u32 $0x3FFFF, v39  }
0x8a: {  	v44 =	vld [tilespmem:$0x3C0];
	[tilespmem:$0xB90] =	vst v3;
	v3 =	vadd.s32 v0, v4;
	v4 =	vand.u32 $0x3FFFF, v40  }
0x8b: {  	v45 =	vld [tilespmem:$0x350];
	[tilespmem:$0x1390] =	vst v3;
	v3 =	vadd.s32 v0, v4;
	v4 =	vand.u32 $0x3FFFF, v41  }
0x8c: {  	v46 =	vld [tilespmem:$0x3D0];
	[tilespmem:$0xBA0] =	vst v3;
	v3 =	vadd.s32 v0, v4;
	v4 =	vand.u32 $0x3FFFF, v42  }
0x8d: {  	[tilespmem:$0x13A0] =	vst v3;
	v3 =	vadd.s32 v0, v4;
	v4 =	vand.u32 $0x3FFFF, v5;
	v5 =	vld [tilespmem:$0x360]  }
0x8e: {  	v47 =	vld [tilespmem:$0x3E0];
	[tilespmem:$0xBB0] =	vst v3;
	v3 =	vadd.s32 v0, v4;
	v4 =	vand.u32 $0x3FFFF, v43  }
0x8f: {  	v48 =	vld [tilespmem:$0x370];
	[tilespmem:$0x13B0] =	vst v3;
	v3 =	vadd.s32 v0, v4;
	v4 =	vand.u32 $0x3FFFF, v44  }
0x90: {  	v49 =	vld [tilespmem:$0x3F0];
	[tilespmem:$0xBC0] =	vst v3;
	v3 =	vadd.s32 v0, v4;
	v4 =	vand.u32 $0x3FFFF, v45  }
0x91: {  	[tilespmem:$0x13C0] =	vst v3;
	v3 =	vadd.s32 v0, v4;
	v4 =	vand.u32 $0x3FFFF, v46  }
0x92: {  	[tilespmem:$0xBD0] =	vst v3;
	v3 =	vadd.s32 v0, v4;
	v4 =	vand.u32 $0x3FFFF, v5  }
0x93: {  	[tilespmem:$0x13D0] =	vst v3;
	v3 =	vadd.s32 v0, v4;
	v4 =	vand.u32 $0x3FFFF, v47  }
0x94: {  	[tilespmem:$0xBE0] =	vst v3;
	v3 =	vadd.s32 v0, v4;
	v4 =	vand.u32 $0x3FFFF, v48  }
0x95: {  	[tilespmem:$0x13E0] =	vst v3;
	v3 =	vadd.s32 v0, v4;
	v4 =	vand.u32 $0x3FFFF, v49  }
0x96: {  	[tilespmem:$0xBF0] =	vst v3;
	v3 =	vadd.s32 v0, v4  }
0x97: {  	s5 =	simm.s32 $0xB80;
	s16 =	simm.s32 $0x1B80;
	[tilespmem:$0x13F0] =	vst v3  }
0x98: {  	[tilespmem:s16], [sflag:$0x4] =	stream.indirect.gather [hbm4b:s2+s26], $0x1, s5, s26, $0xb8;
	[tilespmem:$0x2A80] =	vst v63  }
0x99: {  	s17 =	simm.s32 $0x1380;
	s18 =	simm.s32 $0x2380  }
0x9a: {  	[tilespmem:s18], [sflag:$0x4] =	stream.indirect.gather [hbm4b:s2+s26], $0x1, s17, s26, $0xb8;
	[tilespmem:$0x2A80] =	vst v63  }
0x9b: {  	_ =	swait.ge [sflag:s0], $0x100  }
0x9c: {  	[sflag:s0] =	ssyncset.done $0x0  }
0x9d: {  	[sflag:s0] =	ssyncadd.s32 $0xFFFFFF00  }
0x9e: {  	v3 =	vld [tilespmem:$0x400]  }
0x9f: {  	v4 =	vld [tilespmem:$0x480]  }
0xa0: {  	v5 =	vld [tilespmem:$0x410]  }
0xa1: {  	v50 =	vld [tilespmem:$0x490]  }
0xa2: {  	v51 =	vld [tilespmem:$0x420]  }
0xa3: {  	v52 =	vld [tilespmem:$0x4A0];
	v3 =	vand.u32 $0x3FFFF, v3  }
0xa4: {  	v53 =	vld [tilespmem:$0x430];
	v4 =	vand.u32 $0x3FFFF, v4;
	v3 =	vadd.s32 v0, v3  }
0xa5: {  	[tilespmem:$0xC00] =	vst v3;
	v3 =	vadd.s32 v0, v4;
	v4 =	vand.u32 $0x3FFFF, v5;
	v5 =	vld [tilespmem:$0x4B0]  }
0xa6: {  	v54 =	vld [tilespmem:$0x440];
	[tilespmem:$0x1400] =	vst v3;
	v3 =	vadd.s32 v0, v4;
	v4 =	vand.u32 $0x3FFFF, v50  }
0xa7: {  	v55 =	vld [tilespmem:$0x4C0];
	[tilespmem:$0xC10] =	vst v3;
	v3 =	vadd.s32 v0, v4;
	v4 =	vand.u32 $0x3FFFF, v51  }
0xa8: {  	v56 =	vld [tilespmem:$0x450];
	[tilespmem:$0x1410] =	vst v3;
	v3 =	vadd.s32 v0, v4;
	v4 =	vand.u32 $0x3FFFF, v52  }
0xa9: {  	v57 =	vld [tilespmem:$0x4D0];
	[tilespmem:$0xC20] =	vst v3;
	v3 =	vadd.s32 v0, v4;
	v4 =	vand.u32 $0x3FFFF, v53  }
0xaa: {  	[tilespmem:$0x1420] =	vst v3;
	v3 =	vadd.s32 v0, v4;
	v4 =	vand.u32 $0x3FFFF, v5;
	v5 =	vld [tilespmem:$0x460]  }
0xab: {  	v58 =	vld [tilespmem:$0x4E0];
	[tilespmem:$0xC30] =	vst v3;
	v3 =	vadd.s32 v0, v4;
	v4 =	vand.u32 $0x3FFFF, v54  }
0xac: {  	v59 =	vld [tilespmem:$0x470];
	[tilespmem:$0x1430] =	vst v3;
	v3 =	vadd.s32 v0, v4;
	v4 =	vand.u32 $0x3FFFF, v55  }
0xad: {  	v60 =	vld [tilespmem:$0x4F0];
	[tilespmem:$0xC40] =	vst v3;
	v3 =	vadd.s32 v0, v4;
	v4 =	vand.u32 $0x3FFFF, v56  }
0xae: {  	[tilespmem:$0x1440] =	vst v3;
	v3 =	vadd.s32 v0, v4;
	v4 =	vand.u32 $0x3FFFF, v57  }
0xaf: {  	[tilespmem:$0xC50] =	vst v3;
	v3 =	vadd.s32 v0, v4;
	v4 =	vand.u32 $0x3FFFF, v5  }
0xb0: {  	[tilespmem:$0x1450] =	vst v3;
	v3 =	vadd.s32 v0, v4;
	v4 =	vand.u32 $0x3FFFF, v58  }
0xb1: {  	[tilespmem:$0xC60] =	vst v3;
	v3 =	vadd.s32 v0, v4;
	v4 =	vand.u32 $0x3FFFF, v59  }
0xb2: {  	[tilespmem:$0x1460] =	vst v3;
	v3 =	vadd.s32 v0, v4;
	v4 =	vand.u32 $0x3FFFF, v60  }
0xb3: {  	[tilespmem:$0xC70] =	vst v3;
	v3 =	vadd.s32 v0, v4  }
0xb4: {  	s5 =	simm.s32 $0xC00;
	s16 =	simm.s32 $0x1C00;
	[tilespmem:$0x1470] =	vst v3  }
0xb5: {  	[tilespmem:s16], [sflag:$0x5] =	stream.indirect.gather [hbm4b:s2+s26], $0x1, s5, s26, $0xb8;
	[tilespmem:$0x2A80] =	vst v63  }
0xb6: {  	s17 =	simm.s32 $0x1400;
	s18 =	simm.s32 $0x2400  }
0xb7: {  	[tilespmem:s18], [sflag:$0x5] =	stream.indirect.gather [hbm4b:s2+s26], $0x1, s17, s26, $0xb8;
	[tilespmem:$0x2A80] =	vst v63  }
0xb8: {  	_ =	swait.ge [sflag:s21], $0x100  }
0xb9: {  	[sflag:s21] =	ssyncset.done $0x0  }
0xba: {  	[sflag:s21] =	ssyncadd.s32 $0xFFFFFF00  }
0xbb: {  	v3 =	vld [tilespmem:$0x500]  }
0xbc: {  	v4 =	vld [tilespmem:$0x580]  }
0xbd: {  	v5 =	vld [tilespmem:$0x510]  }
0xbe: {  	v61 =	vld [tilespmem:$0x590]  }
0xbf: {  	v62 =	vld [tilespmem:$0x520]  }
0xc0: {  	v63 =	vld [tilespmem:$0x5A0];
	v3 =	vand.u32 $0x3FFFF, v3  }
0xc1: {  	v12 =	vld [tilespmem:$0x530];
	v4 =	vand.u32 $0x3FFFF, v4;
	v3 =	vadd.s32 v0, v3  }
0xc2: {  	[tilespmem:$0xC80] =	vst v3;
	v3 =	vadd.s32 v0, v4;
	v4 =	vand.u32 $0x3FFFF, v5;
	v5 =	vld [tilespmem:$0x5B0]  }
0xc3: {  	v13 =	vld [tilespmem:$0x540];
	[tilespmem:$0x1480] =	vst v3;
	v3 =	vadd.s32 v0, v4;
	v4 =	vand.u32 $0x3FFFF, v61  }
0xc4: {  	v14 =	vld [tilespmem:$0x5C0];
	[tilespmem:$0xC90] =	vst v3;
	v3 =	vadd.s32 v0, v4;
	v4 =	vand.u32 $0x3FFFF, v62  }
0xc5: {  	v15 =	vld [tilespmem:$0x550];
	[tilespmem:$0x1490] =	vst v3;
	v3 =	vadd.s32 v0, v4;
	v4 =	vand.u32 $0x3FFFF, v63  }
0xc6: {  	v16 =	vld [tilespmem:$0x5D0];
	[tilespmem:$0xCA0] =	vst v3;
	v3 =	vadd.s32 v0, v4;
	v4 =	vand.u32 $0x3FFFF, v12  }
0xc7: {  	[tilespmem:$0x14A0] =	vst v3;
	v3 =	vadd.s32 v0, v4;
	v4 =	vand.u32 $0x3FFFF, v5;
	v5 =	vld [tilespmem:$0x560]  }
0xc8: {  	v17 =	vld [tilespmem:$0x5E0];
	[tilespmem:$0xCB0] =	vst v3;
	v3 =	vadd.s32 v0, v4;
	v4 =	vand.u32 $0x3FFFF, v13  }
0xc9: {  	v18 =	vld [tilespmem:$0x570];
	[tilespmem:$0x14B0] =	vst v3;
	v3 =	vadd.s32 v0, v4;
	v4 =	vand.u32 $0x3FFFF, v14  }
0xca: {  	v19 =	vld [tilespmem:$0x5F0];
	[tilespmem:$0xCC0] =	vst v3;
	v3 =	vadd.s32 v0, v4;
	v4 =	vand.u32 $0x3FFFF, v15  }
0xcb: {  	[tilespmem:$0x14C0] =	vst v3;
	v3 =	vadd.s32 v0, v4;
	v4 =	vand.u32 $0x3FFFF, v16  }
0xcc: {  	[tilespmem:$0xCD0] =	vst v3;
	v3 =	vadd.s32 v0, v4;
	v4 =	vand.u32 $0x3FFFF, v5  }
0xcd: {  	[tilespmem:$0x14D0] =	vst v3;
	v3 =	vadd.s32 v0, v4;
	v4 =	vand.u32 $0x3FFFF, v17  }
0xce: {  	[tilespmem:$0xCE0] =	vst v3;
	v3 =	vadd.s32 v0, v4;
	v4 =	vand.u32 $0x3FFFF, v18  }
0xcf: {  	[tilespmem:$0x14E0] =	vst v3;
	v3 =	vadd.s32 v0, v4;
	v4 =	vand.u32 $0x3FFFF, v19  }
0xd0: {  	[tilespmem:$0xCF0] =	vst v3;
	v3 =	vadd.s32 v0, v4  }
0xd1: {  	s5 =	simm.s32 $0xC80;
	s16 =	simm.s32 $0x1C80;
	[tilespmem:$0x14F0] =	vst v3  }
0xd2: {  	[tilespmem:s16], [sflag:$0x6] =	stream.indirect.gather [hbm4b:s2+s26], $0x1, s5, s26, $0xb8;
	[tilespmem:$0x2A80] =	vst v63  }
0xd3: {  	s17 =	simm.s32 $0x1480;
	s18 =	simm.s32 $0x2480  }
0xd4: {  	[tilespmem:s18], [sflag:$0x6] =	stream.indirect.gather [hbm4b:s2+s26], $0x1, s17, s26, $0xb8;
	[tilespmem:$0x2A80] =	vst v63  }
0xd5: {  	_ =	swait.ge [sflag:s30], $0x100  }
0xd6: {  	[sflag:s30] =	ssyncset.done $0x0  }
0xd7: {  	[sflag:s30] =	ssyncadd.s32 $0xFFFFFF00  }
0xd8: {  	v3 =	vld [tilespmem:$0x600]  }
0xd9: {  	v4 =	vld [tilespmem:$0x680]  }
0xda: {  	v5 =	vld [tilespmem:$0x610]  }
0xdb: {  	v20 =	vld [tilespmem:$0x690]  }
0xdc: {  	v21 =	vld [tilespmem:$0x620]  }
0xdd: {  	v22 =	vld [tilespmem:$0x6A0];
	v3 =	vand.u32 $0x3FFFF, v3  }
0xde: {  	v23 =	vld [tilespmem:$0x630];
	v4 =	vand.u32 $0x3FFFF, v4;
	v3 =	vadd.s32 v0, v3  }
0xdf: {  	[tilespmem:$0xD00] =	vst v3;
	v3 =	vadd.s32 v0, v4;
	v4 =	vand.u32 $0x3FFFF, v5;
	v5 =	vld [tilespmem:$0x6B0]  }
0xe0: {  	v24 =	vld [tilespmem:$0x640];
	[tilespmem:$0x1500] =	vst v3;
	v3 =	vadd.s32 v0, v4;
	v4 =	vand.u32 $0x3FFFF, v20  }
0xe1: {  	v25 =	vld [tilespmem:$0x6C0];
	[tilespmem:$0xD10] =	vst v3;
	v3 =	vadd.s32 v0, v4;
	v4 =	vand.u32 $0x3FFFF, v21  }
0xe2: {  	v26 =	vld [tilespmem:$0x650];
	[tilespmem:$0x1510] =	vst v3;
	v3 =	vadd.s32 v0, v4;
	v4 =	vand.u32 $0x3FFFF, v22  }
0xe3: {  	v27 =	vld [tilespmem:$0x6D0];
	[tilespmem:$0xD20] =	vst v3;
	v3 =	vadd.s32 v0, v4;
	v4 =	vand.u32 $0x3FFFF, v23  }
0xe4: {  	[tilespmem:$0x1520] =	vst v3;
	v3 =	vadd.s32 v0, v4;
	v4 =	vand.u32 $0x3FFFF, v5;
	v5 =	vld [tilespmem:$0x660]  }
0xe5: {  	v28 =	vld [tilespmem:$0x6E0];
	[tilespmem:$0xD30] =	vst v3;
	v3 =	vadd.s32 v0, v4;
	v4 =	vand.u32 $0x3FFFF, v24  }
0xe6: {  	v29 =	vld [tilespmem:$0x670];
	[tilespmem:$0x1530] =	vst v3;
	v3 =	vadd.s32 v0, v4;
	v4 =	vand.u32 $0x3FFFF, v25  }
0xe7: {  	v30 =	vld [tilespmem:$0x6F0];
	[tilespmem:$0xD40] =	vst v3;
	v3 =	vadd.s32 v0, v4;
	v4 =	vand.u32 $0x3FFFF, v26  }
0xe8: {  	[tilespmem:$0x1540] =	vst v3;
	v3 =	vadd.s32 v0, v4;
	v4 =	vand.u32 $0x3FFFF, v27  }
0xe9: {  	[tilespmem:$0xD50] =	vst v3;
	v3 =	vadd.s32 v0, v4;
	v4 =	vand.u32 $0x3FFFF, v5  }
0xea: {  	[tilespmem:$0x1550] =	vst v3;
	v3 =	vadd.s32 v0, v4;
	v4 =	vand.u32 $0x3FFFF, v28  }
0xeb: {  	[tilespmem:$0xD60] =	vst v3;
	v3 =	vadd.s32 v0, v4;
	v4 =	vand.u32 $0x3FFFF, v29  }
0xec: {  	[tilespmem:$0x1560] =	vst v3;
	v3 =	vadd.s32 v0, v4;
	v4 =	vand.u32 $0x3FFFF, v30  }
0xed: {  	[tilespmem:$0xD70] =	vst v3;
	v3 =	vadd.s32 v0, v4  }
0xee: {  	s5 =	simm.s32 $0xD00;
	s16 =	simm.s32 $0x1D00;
	[tilespmem:$0x1570] =	vst v3  }
0xef: {  	[tilespmem:s16], [sflag:$0x7] =	stream.indirect.gather [hbm4b:s2+s26], $0x1, s5, s26, $0xb8;
	[tilespmem:$0x2A80] =	vst v63  }
0xf0: {  	s17 =	simm.s32 $0x1500;
	s18 =	simm.s32 $0x2500  }
0xf1: {  	[tilespmem:s18], [sflag:$0x7] =	stream.indirect.gather [hbm4b:s2+s26], $0x1, s17, s26, $0xb8;
	[tilespmem:$0x2A80] =	vst v63  }
0xf2: {  	_ =	swait.ge [sflag:s20], $0x100  }
0xf3: {  	[sflag:s20] =	ssyncset.done $0x0  }
0xf4: {  	[sflag:s20] =	ssyncadd.s32 $0xFFFFFF00  }
0xf5: {  	v3 =	vld [tilespmem:$0x700]  }
0xf6: {  	v4 =	vld [tilespmem:$0x780]  }
0xf7: {  	v5 =	vld [tilespmem:$0x710]  }
0xf8: {  	v31 =	vld [tilespmem:$0x790]  }
0xf9: {  	v32 =	vld [tilespmem:$0x720]  }
0xfa: {  	v33 =	vld [tilespmem:$0x7A0];
	v3 =	vand.u32 $0x3FFFF, v3  }
0xfb: {  	v34 =	vld [tilespmem:$0x730];
	v4 =	vand.u32 $0x3FFFF, v4;
	v3 =	vadd.s32 v0, v3  }
0xfc: {  	[tilespmem:$0xD80] =	vst v3;
	v3 =	vadd.s32 v0, v4;
	v4 =	vand.u32 $0x3FFFF, v5;
	v5 =	vld [tilespmem:$0x7B0]  }
0xfd: {  	v35 =	vld [tilespmem:$0x740];
	[tilespmem:$0x1580] =	vst v3;
	v3 =	vadd.s32 v0, v4;
	v4 =	vand.u32 $0x3FFFF, v31  }
0xfe: {  	v36 =	vld [tilespmem:$0x7C0];
	[tilespmem:$0xD90] =	vst v3;
	v3 =	vadd.s32 v0, v4;
	v4 =	vand.u32 $0x3FFFF, v32  }
0xff: {  	v37 =	vld [tilespmem:$0x750];
	[tilespmem:$0x1590] =	vst v3;
	v3 =	vadd.s32 v0, v4;
	v4 =	vand.u32 $0x3FFFF, v33  }
0x100: {  	v38 =	vld [tilespmem:$0x7D0];
	[tilespmem:$0xDA0] =	vst v3;
	v3 =	vadd.s32 v0, v4;
	v4 =	vand.u32 $0x3FFFF, v34  }
0x101: {  	[tilespmem:$0x15A0] =	vst v3;
	v3 =	vadd.s32 v0, v4;
	v4 =	vand.u32 $0x3FFFF, v5;
	v5 =	vld [tilespmem:$0x760]  }
0x102: {  	v39 =	vld [tilespmem:$0x7E0];
	[tilespmem:$0xDB0] =	vst v3;
	v3 =	vadd.s32 v0, v4;
	v4 =	vand.u32 $0x3FFFF, v35  }
0x103: {  	v40 =	vld [tilespmem:$0x770];
	[tilespmem:$0x15B0] =	vst v3;
	v3 =	vadd.s32 v0, v4;
	v4 =	vand.u32 $0x3FFFF, v36  }
0x104: {  	v41 =	vld [tilespmem:$0x7F0];
	[tilespmem:$0xDC0] =	vst v3;
	v3 =	vadd.s32 v0, v4;
	v4 =	vand.u32 $0x3FFFF, v37  }
0x105: {  	[tilespmem:$0x15C0] =	vst v3;
	v3 =	vadd.s32 v0, v4;
	v4 =	vand.u32 $0x3FFFF, v38  }
0x106: {  	[tilespmem:$0xDD0] =	vst v3;
	v3 =	vadd.s32 v0, v4;
	v4 =	vand.u32 $0x3FFFF, v5  }
0x107: {  	[tilespmem:$0x15D0] =	vst v3;
	v3 =	vadd.s32 v0, v4;
	v4 =	vand.u32 $0x3FFFF, v39  }
0x108: {  	[tilespmem:$0xDE0] =	vst v3;
	v3 =	vadd.s32 v0, v4;
	v4 =	vand.u32 $0x3FFFF, v40  }
0x109: {  	[tilespmem:$0x15E0] =	vst v3;
	v3 =	vadd.s32 v0, v4;
	v4 =	vand.u32 $0x3FFFF, v41  }
0x10a: {  	[tilespmem:$0xDF0] =	vst v3;
	v3 =	vadd.s32 v0, v4  }
0x10b: {  	s5 =	simm.s32 $0xD80;
	s16 =	simm.s32 $0x1D80;
	[tilespmem:$0x15F0] =	vst v3  }
0x10c: {  	[tilespmem:s16], [sflag:$0x8] =	stream.indirect.gather [hbm4b:s2+s26], $0x1, s5, s26, $0xb8;
	[tilespmem:$0x2A80] =	vst v63  }
0x10d: {  	s17 =	simm.s32 $0x1580;
	s18 =	simm.s32 $0x2580  }
0x10e: {  	[tilespmem:s18], [sflag:$0x8] =	stream.indirect.gather [hbm4b:s2+s26], $0x1, s17, s26, $0xb8;
	[tilespmem:$0x2A80] =	vst v63  }
0x10f: {  	_ =	swait.ge [sflag:s31], $0x100  }
0x110: {  	[sflag:s31] =	ssyncset.done $0x0  }
0x111: {  	[sflag:s31] =	ssyncadd.s32 $0xFFFFFF00  }
0x112: {  	v3 =	vld [tilespmem:$0x800]  }
0x113: {  	v4 =	vld [tilespmem:$0x880]  }
0x114: {  	v5 =	vld [tilespmem:$0x810]  }
0x115: {  	v42 =	vld [tilespmem:$0x890]  }
0x116: {  	v43 =	vld [tilespmem:$0x820]  }
0x117: {  	v44 =	vld [tilespmem:$0x8A0];
	v3 =	vand.u32 $0x3FFFF, v3  }
0x118: {  	v45 =	vld [tilespmem:$0x830];
	v4 =	vand.u32 $0x3FFFF, v4;
	v3 =	vadd.s32 v0, v3  }
0x119: {  	[tilespmem:$0xE00] =	vst v3;
	v3 =	vadd.s32 v0, v4;
	v4 =	vand.u32 $0x3FFFF, v5;
	v5 =	vld [tilespmem:$0x8B0]  }
0x11a: {  	v46 =	vld [tilespmem:$0x840];
	[tilespmem:$0x1600] =	vst v3;
	v3 =	vadd.s32 v0, v4;
	v4 =	vand.u32 $0x3FFFF, v42  }
0x11b: {  	v47 =	vld [tilespmem:$0x8C0];
	[tilespmem:$0xE10] =	vst v3;
	v3 =	vadd.s32 v0, v4;
	v4 =	vand.u32 $0x3FFFF, v43  }
0x11c: {  	v48 =	vld [tilespmem:$0x850];
	[tilespmem:$0x1610] =	vst v3;
	v3 =	vadd.s32 v0, v4;
	v4 =	vand.u32 $0x3FFFF, v44  }
0x11d: {  	v49 =	vld [tilespmem:$0x8D0];
	[tilespmem:$0xE20] =	vst v3;
	v3 =	vadd.s32 v0, v4;
	v4 =	vand.u32 $0x3FFFF, v45  }
0x11e: {  	[tilespmem:$0x1620] =	vst v3;
	v3 =	vadd.s32 v0, v4;
	v4 =	vand.u32 $0x3FFFF, v5;
	v5 =	vld [tilespmem:$0x860]  }
0x11f: {  	v50 =	vld [tilespmem:$0x8E0];
	[tilespmem:$0xE30] =	vst v3;
	v3 =	vadd.s32 v0, v4;
	v4 =	vand.u32 $0x3FFFF, v46  }
0x120: {  	v51 =	vld [tilespmem:$0x870];
	[tilespmem:$0x1630] =	vst v3;
	v3 =	vadd.s32 v0, v4;
	v4 =	vand.u32 $0x3FFFF, v47  }
0x121: {  	v52 =	vld [tilespmem:$0x8F0];
	[tilespmem:$0xE40] =	vst v3;
	v3 =	vadd.s32 v0, v4;
	v4 =	vand.u32 $0x3FFFF, v48  }
0x122: {  	[tilespmem:$0x1640] =	vst v3;
	v3 =	vadd.s32 v0, v4;
	v4 =	vand.u32 $0x3FFFF, v49  }
0x123: {  	[tilespmem:$0xE50] =	vst v3;
	v3 =	vadd.s32 v0, v4;
	v4 =	vand.u32 $0x3FFFF, v5  }
0x124: {  	[tilespmem:$0x1650] =	vst v3;
	v3 =	vadd.s32 v0, v4;
	v4 =	vand.u32 $0x3FFFF, v50  }
0x125: {  	[tilespmem:$0xE60] =	vst v3;
	v3 =	vadd.s32 v0, v4;
	v4 =	vand.u32 $0x3FFFF, v51  }
0x126: {  	[tilespmem:$0x1660] =	vst v3;
	v3 =	vadd.s32 v0, v4;
	v4 =	vand.u32 $0x3FFFF, v52  }
0x127: {  	[tilespmem:$0xE70] =	vst v3;
	v3 =	vadd.s32 v0, v4  }
0x128: {  	s5 =	simm.s32 $0xE00;
	s16 =	simm.s32 $0x1E00;
	[tilespmem:$0x1670] =	vst v3  }
0x129: {  	[tilespmem:s16], [sflag:$0x9] =	stream.indirect.gather [hbm4b:s2+s26], $0x1, s5, s26, $0xb8;
	[tilespmem:$0x2A80] =	vst v63  }
0x12a: {  	s17 =	simm.s32 $0x1600;
	s18 =	simm.s32 $0x2600  }
0x12b: {  	[tilespmem:s18], [sflag:$0x9] =	stream.indirect.gather [hbm4b:s2+s26], $0x1, s17, s26, $0xb8;
	[tilespmem:$0x2A80] =	vst v63  }
0x12c: {  	_ =	swait.ge [sflag:s23], $0x100  }
0x12d: {  	[sflag:s23] =	ssyncset.done $0x0  }
0x12e: {  	[sflag:s23] =	ssyncadd.s32 $0xFFFFFF00  }
0x12f: {  	v3 =	vld [tilespmem:$0x900]  }
0x130: {  	v4 =	vld [tilespmem:$0x980]  }
0x131: {  	v5 =	vld [tilespmem:$0x910]  }
0x132: {  	v53 =	vld [tilespmem:$0x990]  }
0x133: {  	v54 =	vld [tilespmem:$0x920]  }
0x134: {  	v55 =	vld [tilespmem:$0x9A0];
	v3 =	vand.u32 $0x3FFFF, v3  }
0x135: {  	v56 =	vld [tilespmem:$0x930];
	v4 =	vand.u32 $0x3FFFF, v4;
	v3 =	vadd.s32 v0, v3  }
0x136: {  	[tilespmem:$0xE80] =	vst v3;
	v3 =	vadd.s32 v0, v4;
	v4 =	vand.u32 $0x3FFFF, v5;
	v5 =	vld [tilespmem:$0x9B0]  }
0x137: {  	v57 =	vld [tilespmem:$0x940];
	[tilespmem:$0x1680] =	vst v3;
	v3 =	vadd.s32 v0, v4;
	v4 =	vand.u32 $0x3FFFF, v53  }
0x138: {  	v58 =	vld [tilespmem:$0x9C0];
	[tilespmem:$0xE90] =	vst v3;
	v3 =	vadd.s32 v0, v4;
	v4 =	vand.u32 $0x3FFFF, v54  }
0x139: {  	v59 =	vld [tilespmem:$0x950];
	[tilespmem:$0x1690] =	vst v3;
	v3 =	vadd.s32 v0, v4;
	v4 =	vand.u32 $0x3FFFF, v55  }
0x13a: {  	v60 =	vld [tilespmem:$0x9D0];
	[tilespmem:$0xEA0] =	vst v3;
	v3 =	vadd.s32 v0, v4;
	v4 =	vand.u32 $0x3FFFF, v56  }
0x13b: {  	[tilespmem:$0x16A0] =	vst v3;
	v3 =	vadd.s32 v0, v4;
	v4 =	vand.u32 $0x3FFFF, v5;
	v5 =	vld [tilespmem:$0x960]  }
0x13c: {  	v61 =	vld [tilespmem:$0x9E0];
	[tilespmem:$0xEB0] =	vst v3;
	v3 =	vadd.s32 v0, v4;
	v4 =	vand.u32 $0x3FFFF, v57  }
0x13d: {  	v62 =	vld [tilespmem:$0x970];
	[tilespmem:$0x16B0] =	vst v3;
	v3 =	vadd.s32 v0, v4;
	v4 =	vand.u32 $0x3FFFF, v58  }
0x13e: {  	v63 =	vld [tilespmem:$0x9F0];
	[tilespmem:$0xEC0] =	vst v3;
	v3 =	vadd.s32 v0, v4;
	v4 =	vand.u32 $0x3FFFF, v59  }
0x13f: {  	[tilespmem:$0x16C0] =	vst v3;
	v3 =	vadd.s32 v0, v4;
	v4 =	vand.u32 $0x3FFFF, v60  }
0x140: {  	[tilespmem:$0xED0] =	vst v3;
	v3 =	vadd.s32 v0, v4;
	v4 =	vand.u32 $0x3FFFF, v5  }
0x141: {  	[tilespmem:$0x16D0] =	vst v3;
	v3 =	vadd.s32 v0, v4;
	v4 =	vand.u32 $0x3FFFF, v61  }
0x142: {  	[tilespmem:$0xEE0] =	vst v3;
	v3 =	vadd.s32 v0, v4;
	v4 =	vand.u32 $0x3FFFF, v62  }
0x143: {  	[tilespmem:$0x16E0] =	vst v3;
	v3 =	vadd.s32 v0, v4;
	v4 =	vand.u32 $0x3FFFF, v63  }
0x144: {  	[tilespmem:$0xEF0] =	vst v3;
	v3 =	vadd.s32 v0, v4  }
0x145: {  	s29 =	simm.s32 $0x70;
	s5 =	simm.s32 $0xE80;
	s16 =	simm.s32 $0x1E80;
	[tilespmem:$0x16F0] =	vst v3  }
0x146: {  	[tilespmem:s16], [sflag:$0xA] =	stream.indirect.gather [hbm4b:s2+s26], $0x1, s5, s26, $0xb8;
	[tilespmem:$0x2A80] =	vst v63  }
0x147: {  	s4 =	simm.s32 $0x2240;
	s17 =	simm.s32 $0x1680;
	s18 =	simm.s32 $0x2680  }
0x148: {  	[tilespmem:s18], [sflag:$0xA] =	stream.indirect.gather [hbm4b:s2+s26], $0x1, s17, s26, $0xb8;
	[tilespmem:$0x2A80] =	vst v63  }
0x149: {  	v3 =	vimm.f32 $0.0e+00;
	s16 =	simm.s32 $0x40;
	s17 =	simm.s32 $0x1;
	s18 =	simm.s32 $0x1A40  }
.LBB2_2:
0x14a: {  	_ =	swait.ge [sflag:s17], $0x80  }
0x14b: {  	[sflag:s17] =	ssyncset.done $0x0  }
0x14c: {  	[sflag:s17] =	ssyncadd.s32 $0xFFFFFF80  }
0x14d: {  	_ =	swait.ge [sflag:s17], $0x80  }
0x14e: {  	[sflag:s17] =	ssyncset.done $0x0  }
0x14f: {  	[sflag:s17] =	ssyncadd.s32 $0xFFFFFF80  }
0x150: {  	v4 =	vld [tilespmem:s4+$0xFFFFFFC0];
	_ =	sdelay $0x4  }
0x151: {  	(erf) = vrcp.f32 v4;
	_ =	sdelay $0x4  }
0x152: {  	v4 =	vld [tilespmem:s18+$0xFFFFFFC0];
	_ =	sdelay $0x3  }
0x153: {  	v5 =	vpop (erf)  }
0x154: {  	v4 =	vmul.f32 v5, v4;
	_ =	sdelay $0x1  }
0x155: {  	v5 =	vand.u32 $0x7FFFFF, v4  }
0x156: {  	v5 =	vor.u32 $0x3F800000, v5  }
0x157: {  	v6 =	vmul.f32 $5.000000000e-01, v5  }
0x158: {  	vm0 =	vge.f32 v5, $1.414213540e+00  }
0x159: {  	v5 =	vsel vm0, v6, v5  }
0x15a: {  	v6 =	vadd.f32 $1.000000000e+00, v5;
	_ =	sdelay $0x1  }
0x15b: {  	(erf) = vrcp.f32 v6;
	_ =	sdelay $0x7  }
0x15c: {  	v5 =	vadd.f32 $-1.000000000e+00, v5  }
0x15d: {  	v6 =	vpop (erf)  }
0x15e: {  	v5 =	vmul.f32 v6, v5;
	_ =	sdelay $0x1  }
0x15f: {  	v6 =	vmul.f32 v5, v5;
	_ =	sdelay $0x1  }
0x160: {  	v7 =	vmul.f32 $1.111111120e-01, v6;
	_ =	sdelay $0x1  }
0x161: {  	v7 =	vadd.f32 $1.428571490e-01, v7;
	_ =	sdelay $0x1  }
0x162: {  	v7 =	vmul.f32 v7, v6;
	_ =	sdelay $0x1  }
0x163: {  	v7 =	vadd.f32 $2.000000030e-01, v7;
	_ =	sdelay $0x1  }
0x164: {  	v7 =	vmul.f32 v7, v6;
	_ =	sdelay $0x1  }
0x165: {  	v7 =	vadd.f32 $3.333333430e-01, v7  }
0x166: {  	v8 =	vld [tilespmem:s16+$0xFFFFFFC0];
	v4 =	vshra.s32 v4, $0x17;
	v9 =	vsel vm0, $0x1, v2  }
0x167: {  	v4 =	vadd.s32 v9, v4;
	v6 =	vmul.f32 v7, v6  }
0x168: {  	v4 =	vadd.s32 $0xFFFFFF81, v4  }
0x169: {  	v29 =	vcvt.s32.f32 v4;
	v5 =	vadd.f32 v5, v5;
	v6 =	vadd.f32 $1.000000000e+00, v6;
	_ =	sdelay $0x1  }
0x16a: {  	v4 =	vshrl.u32 v8, $0x12;
	v7 =	vmul.f32 $6.931471820e-01, v29;
	v5 =	vmul.f32 v6, v5  }
0x16b: {  	v30 =	vadd.s32 $0xFFFFFFFF, v4  }
0x16c: {  	v6 =	vcvt.s32.f32 v30;
	v5 =	vadd.f32 v5, v7;
	_ =	sdelay $0x1  }
0x16d: {  	v6 =	vmul.f32 v6, v5;
	_ =	sdelay $0x1  }
0x16e: {  	v6 =	vsub.f32 $2.500000000e-01, v6;
	_ =	sdelay $0x1  }
0x16f: {  	v31 =	vand.u32 $0x7FFFFFFF, v6  }
0x170: {  	v7 =	vsub.f32 $0.0e+00, v31;
	_ =	sdelay $0x1  }
0x171: {  	v7 =	vmul.f32 $1.442695020e+00, v7;
	_ =	sdelay $0x1  }
0x172: {  	(erf) = vpow2.f32 v7;
	_ =	sdelay $0x7  }
0x173: {  	v32 =	vld [tilespmem:s4+$0xFFFFFFD0]  }
0x174: {  	v17 =	vpop (erf)  }
0x175: {  	v33 =	vadd.f32 $2.000000000e+00, v17;
	_ =	sdelay $0x1  }
0x176: {  	(erf) = vrcp.f32 v33  }
0x177: {  	(erf) = vrcp.f32 v32;
	_ =	sdelay $0x4  }
0x178: {  	v34 =	vld [tilespmem:s18+$0xFFFFFFD0];
	_ =	sdelay $0x2  }
0x179: {  	v18 =	vpop (erf)  }
0x17a: {  	v35 =	vpop (erf)  }
0x17b: {  	v7 =	vmul.f32 v35, v34;
	_ =	sdelay $0x1  }
0x17c: {  	v8 =	vand.u32 $0x7FFFFF, v7  }
0x17d: {  	v8 =	vor.u32 $0x3F800000, v8  }
0x17e: {  	v36 =	vmul.f32 $5.000000000e-01, v8  }
0x17f: {  	vm5 =	vge.f32 v8, $1.414213540e+00  }
0x180: {  	v8 =	vsel vm5, v36, v8  }
0x181: {  	v9 =	vadd.f32 $1.000000000e+00, v8;
	_ =	sdelay $0x1  }
0x182: {  	(erf) = vrcp.f32 v9;
	_ =	sdelay $0x7  }
0x183: {  	v8 =	vadd.f32 $-1.000000000e+00, v8  }
0x184: {  	v9 =	vpop (erf)  }
0x185: {  	v8 =	vmul.f32 v9, v8;
	_ =	sdelay $0x1  }
0x186: {  	v9 =	vmul.f32 v8, v8;
	_ =	sdelay $0x1  }
0x187: {  	v10 =	vmul.f32 $1.111111120e-01, v9;
	_ =	sdelay $0x1  }
0x188: {  	v10 =	vadd.f32 $1.428571490e-01, v10;
	_ =	sdelay $0x1  }
0x189: {  	v10 =	vmul.f32 v10, v9;
	_ =	sdelay $0x1  }
0x18a: {  	v10 =	vadd.f32 $2.000000030e-01, v10;
	_ =	sdelay $0x1  }
0x18b: {  	v10 =	vmul.f32 v10, v9;
	_ =	sdelay $0x1  }
0x18c: {  	v10 =	vadd.f32 $3.333333430e-01, v10  }
0x18d: {  	v11 =	vld [tilespmem:s16+$0xFFFFFFD0];
	v7 =	vshra.s32 v7, $0x17;
	v12 =	vsel vm5, $0x1, v2  }
0x18e: {  	v7 =	vadd.s32 v12, v7;
	v9 =	vmul.f32 v10, v9  }
0x18f: {  	v7 =	vadd.s32 $0xFFFFFF81, v7  }
0x190: {  	v37 =	vcvt.s32.f32 v7;
	v8 =	vadd.f32 v8, v8;
	v9 =	vadd.f32 $1.000000000e+00, v9;
	_ =	sdelay $0x1  }
0x191: {  	v7 =	vshrl.u32 v11, $0x12;
	v10 =	vmul.f32 $6.931471820e-01, v37;
	v8 =	vmul.f32 v9, v8  }
0x192: {  	v38 =	vadd.s32 $0xFFFFFFFF, v7  }
0x193: {  	v39 =	vcvt.s32.f32 v38;
	v10 =	vadd.f32 v8, v10;
	_ =	sdelay $0x1  }
0x194: {  	v8 =	vmul.f32 v39, v10;
	_ =	sdelay $0x1  }
0x195: {  	v9 =	vsub.f32 $2.500000000e-01, v8;
	_ =	sdelay $0x1  }
0x196: {  	v8 =	vand.u32 $0x7FFFFFFF, v9  }
0x197: {  	v8 =	vsub.f32 $0.0e+00, v8;
	_ =	sdelay $0x1  }
0x198: {  	v8 =	vmul.f32 $1.442695020e+00, v8;
	_ =	sdelay $0x1  }
0x199: {  	(erf) = vpow2.f32 v8;
	_ =	sdelay $0x7  }
0x19a: {  	v40 =	vld [tilespmem:s4+$0xFFFFFFE0]  }
0x19b: {  	v24 =	vpop (erf)  }
0x19c: {  	v41 =	vadd.f32 $2.000000000e+00, v24;
	_ =	sdelay $0x1  }
0x19d: {  	(erf) = vrcp.f32 v41  }
0x19e: {  	(erf) = vrcp.f32 v40;
	_ =	sdelay $0x4  }
0x19f: {  	v42 =	vld [tilespmem:s18+$0xFFFFFFE0];
	_ =	sdelay $0x2  }
0x1a0: {  	v25 =	vpop (erf)  }
0x1a1: {  	v43 =	vpop (erf)  }
0x1a2: {  	v8 =	vmul.f32 v43, v42;
	_ =	sdelay $0x1  }
0x1a3: {  	v11 =	vand.u32 $0x7FFFFF, v8  }
0x1a4: {  	v11 =	vor.u32 $0x3F800000, v11  }
0x1a5: {  	v44 =	vmul.f32 $5.000000000e-01, v11  }
0x1a6: {  	vm6 =	vge.f32 v11, $1.414213540e+00  }
0x1a7: {  	v11 =	vsel vm6, v44, v11  }
0x1a8: {  	v12 =	vadd.f32 $1.000000000e+00, v11;
	_ =	sdelay $0x1  }
0x1a9: {  	(erf) = vrcp.f32 v12;
	_ =	sdelay $0x7  }
0x1aa: {  	v11 =	vadd.f32 $-1.000000000e+00, v11  }
0x1ab: {  	v12 =	vpop (erf)  }
0x1ac: {  	v11 =	vmul.f32 v12, v11;
	_ =	sdelay $0x1  }
0x1ad: {  	v12 =	vmul.f32 v11, v11;
	_ =	sdelay $0x1  }
0x1ae: {  	v13 =	vmul.f32 $1.111111120e-01, v12;
	_ =	sdelay $0x1  }
0x1af: {  	v13 =	vadd.f32 $1.428571490e-01, v13;
	_ =	sdelay $0x1  }
0x1b0: {  	v13 =	vmul.f32 v13, v12;
	_ =	sdelay $0x1  }
0x1b1: {  	v13 =	vadd.f32 $2.000000030e-01, v13;
	_ =	sdelay $0x1  }
0x1b2: {  	v13 =	vmul.f32 v13, v12;
	_ =	sdelay $0x1  }
0x1b3: {  	v13 =	vadd.f32 $3.333333430e-01, v13  }
0x1b4: {  	v14 =	vld [tilespmem:s16+$0xFFFFFFE0];
	v8 =	vshra.s32 v8, $0x17;
	v15 =	vsel vm6, $0x1, v2  }
0x1b5: {  	v8 =	vadd.s32 v15, v8;
	v12 =	vmul.f32 v13, v12  }
0x1b6: {  	v8 =	vadd.s32 $0xFFFFFF81, v8  }
0x1b7: {  	v45 =	vcvt.s32.f32 v8;
	v11 =	vadd.f32 v11, v11;
	v12 =	vadd.f32 $1.000000000e+00, v12;
	_ =	sdelay $0x1  }
0x1b8: {  	v8 =	vshrl.u32 v14, $0x12;
	v13 =	vmul.f32 $6.931471820e-01, v45;
	v11 =	vmul.f32 v12, v11  }
0x1b9: {  	v46 =	vadd.s32 $0xFFFFFFFF, v8  }
0x1ba: {  	v12 =	vcvt.s32.f32 v46;
	v11 =	vadd.f32 v11, v13;
	_ =	sdelay $0x1  }
0x1bb: {  	v12 =	vmul.f32 v12, v11;
	_ =	sdelay $0x1  }
0x1bc: {  	v13 =	vsub.f32 $2.500000000e-01, v12;
	_ =	sdelay $0x1  }
0x1bd: {  	v12 =	vand.u32 $0x7FFFFFFF, v13  }
0x1be: {  	v12 =	vsub.f32 $0.0e+00, v12;
	_ =	sdelay $0x1  }
0x1bf: {  	v12 =	vmul.f32 $1.442695020e+00, v12;
	_ =	sdelay $0x1  }
0x1c0: {  	(erf) = vpow2.f32 v12;
	_ =	sdelay $0x7  }
0x1c1: {  	v47 =	vld [tilespmem:s4+$0xFFFFFFF0]  }
0x1c2: {  	v27 =	vpop (erf)  }
0x1c3: {  	v48 =	vadd.f32 $2.000000000e+00, v27;
	_ =	sdelay $0x1  }
0x1c4: {  	(erf) = vrcp.f32 v48  }
0x1c5: {  	(erf) = vrcp.f32 v47;
	_ =	sdelay $0x4  }
0x1c6: {  	v49 =	vld [tilespmem:s18+$0xFFFFFFF0];
	_ =	sdelay $0x2  }
0x1c7: {  	v29 =	vpop (erf)  }
0x1c8: {  	v50 =	vpop (erf)  }
0x1c9: {  	v12 =	vmul.f32 v50, v49;
	_ =	sdelay $0x1  }
0x1ca: {  	v14 =	vand.u32 $0x7FFFFF, v12  }
0x1cb: {  	v14 =	vor.u32 $0x3F800000, v14  }
0x1cc: {  	v51 =	vmul.f32 $5.000000000e-01, v14  }
0x1cd: {  	vm7 =	vge.f32 v14, $1.414213540e+00  }
0x1ce: {  	v14 =	vsel vm7, v51, v14  }
0x1cf: {  	v15 =	vadd.f32 $1.000000000e+00, v14;
	_ =	sdelay $0x1  }
0x1d0: {  	(erf) = vrcp.f32 v15;
	_ =	sdelay $0x7  }
0x1d1: {  	v14 =	vadd.f32 $-1.000000000e+00, v14  }
0x1d2: {  	v15 =	vpop (erf)  }
0x1d3: {  	v14 =	vmul.f32 v15, v14;
	_ =	sdelay $0x1  }
0x1d4: {  	v15 =	vmul.f32 v14, v14;
	_ =	sdelay $0x1  }
0x1d5: {  	v16 =	vmul.f32 $1.111111120e-01, v15;
	_ =	sdelay $0x1  }
0x1d6: {  	v16 =	vadd.f32 $1.428571490e-01, v16;
	_ =	sdelay $0x1  }
0x1d7: {  	v16 =	vmul.f32 v16, v15;
	_ =	sdelay $0x1  }
0x1d8: {  	v16 =	vadd.f32 $2.000000030e-01, v16;
	_ =	sdelay $0x1  }
0x1d9: {  	v16 =	vmul.f32 v16, v15;
	_ =	sdelay $0x1  }
0x1da: {  	v16 =	vadd.f32 $3.333333430e-01, v16  }
0x1db: {  	v19 =	vld [tilespmem:s16+$0xFFFFFFF0];
	v12 =	vshra.s32 v12, $0x17;
	v20 =	vsel vm7, $0x1, v2  }
0x1dc: {  	v12 =	vadd.s32 v20, v12;
	v15 =	vmul.f32 v16, v15  }
0x1dd: {  	v12 =	vadd.s32 $0xFFFFFF81, v12  }
0x1de: {  	v52 =	vcvt.s32.f32 v12;
	v14 =	vadd.f32 v14, v14;
	v15 =	vadd.f32 $1.000000000e+00, v15;
	_ =	sdelay $0x1  }
0x1df: {  	v12 =	vshrl.u32 v19, $0x12;
	v16 =	vmul.f32 $6.931471820e-01, v52;
	v14 =	vmul.f32 v15, v14  }
0x1e0: {  	v19 =	vadd.s32 $0xFFFFFFFF, v12  }
0x1e1: {  	v53 =	vcvt.s32.f32 v19;
	v15 =	vadd.f32 v14, v16;
	_ =	sdelay $0x1  }
0x1e2: {  	v14 =	vmul.f32 v53, v15;
	_ =	sdelay $0x1  }
0x1e3: {  	v14 =	vsub.f32 $2.500000000e-01, v14;
	_ =	sdelay $0x1  }
0x1e4: {  	v54 =	vand.u32 $0x7FFFFFFF, v14  }
0x1e5: {  	v16 =	vsub.f32 $0.0e+00, v54;
	_ =	sdelay $0x1  }
0x1e6: {  	v16 =	vmul.f32 $1.442695020e+00, v16;
	_ =	sdelay $0x1  }
0x1e7: {  	(erf) = vpow2.f32 v16;
	_ =	sdelay $0x7  }
0x1e8: {  	v55 =	vld [tilespmem:s4+$0x0]  }
0x1e9: {  	v31 =	vpop (erf)  }
0x1ea: {  	v56 =	vadd.f32 $2.000000000e+00, v31;
	_ =	sdelay $0x1  }
0x1eb: {  	(erf) = vrcp.f32 v56  }
0x1ec: {  	(erf) = vrcp.f32 v55;
	_ =	sdelay $0x4  }
0x1ed: {  	v57 =	vld [tilespmem:s18+$0x0];
	_ =	sdelay $0x2  }
0x1ee: {  	v32 =	vpop (erf)  }
0x1ef: {  	v58 =	vpop (erf)  }
0x1f0: {  	v16 =	vmul.f32 v58, v57;
	_ =	sdelay $0x1  }
0x1f1: {  	v19 =	vand.u32 $0x7FFFFF, v16  }
0x1f2: {  	v19 =	vor.u32 $0x3F800000, v19  }
0x1f3: {  	v59 =	vmul.f32 $5.000000000e-01, v19  }
0x1f4: {  	vm8 =	vge.f32 v19, $1.414213540e+00  }
0x1f5: {  	v19 =	vsel vm8, v59, v19  }
0x1f6: {  	v20 =	vadd.f32 $1.000000000e+00, v19;
	_ =	sdelay $0x1  }
0x1f7: {  	(erf) = vrcp.f32 v20;
	_ =	sdelay $0x7  }
0x1f8: {  	v19 =	vadd.f32 $-1.000000000e+00, v19  }
0x1f9: {  	v20 =	vpop (erf)  }
0x1fa: {  	v19 =	vmul.f32 v20, v19;
	_ =	sdelay $0x1  }
0x1fb: {  	v20 =	vmul.f32 v19, v19;
	_ =	sdelay $0x1  }
0x1fc: {  	v21 =	vmul.f32 $1.111111120e-01, v20;
	_ =	sdelay $0x1  }
0x1fd: {  	v21 =	vadd.f32 $1.428571490e-01, v21;
	_ =	sdelay $0x1  }
0x1fe: {  	v21 =	vmul.f32 v21, v20;
	_ =	sdelay $0x1  }
0x1ff: {  	v21 =	vadd.f32 $2.000000030e-01, v21;
	_ =	sdelay $0x1  }
0x200: {  	v21 =	vmul.f32 v21, v20;
	_ =	sdelay $0x1  }
0x201: {  	v21 =	vadd.f32 $3.333333430e-01, v21  }
0x202: {  	v22 =	vld [tilespmem:s16+$0x0];
	v16 =	vshra.s32 v16, $0x17;
	v23 =	vsel vm8, $0x1, v2  }
0x203: {  	v16 =	vadd.s32 v23, v16;
	v20 =	vmul.f32 v21, v20  }
0x204: {  	v16 =	vadd.s32 $0xFFFFFF81, v16  }
0x205: {  	v60 =	vcvt.s32.f32 v16;
	v19 =	vadd.f32 v19, v19;
	v20 =	vadd.f32 $1.000000000e+00, v20;
	_ =	sdelay $0x1  }
0x206: {  	v16 =	vshrl.u32 v22, $0x12;
	v21 =	vmul.f32 $6.931471820e-01, v60;
	v19 =	vmul.f32 v20, v19  }
0x207: {  	v61 =	vadd.s32 $0xFFFFFFFF, v16  }
0x208: {  	v20 =	vcvt.s32.f32 v61;
	v19 =	vadd.f32 v19, v21;
	_ =	sdelay $0x1  }
0x209: {  	v20 =	vmul.f32 v20, v19;
	_ =	sdelay $0x1  }
0x20a: {  	v20 =	vsub.f32 $2.500000000e-01, v20;
	_ =	sdelay $0x1  }
0x20b: {  	v62 =	vand.u32 $0x7FFFFFFF, v20  }
0x20c: {  	v21 =	vsub.f32 $0.0e+00, v62;
	_ =	sdelay $0x1  }
0x20d: {  	v21 =	vmul.f32 $1.442695020e+00, v21;
	_ =	sdelay $0x1  }
0x20e: {  	(erf) = vpow2.f32 v21;
	_ =	sdelay $0x7  }
0x20f: {  	v63 =	vld [tilespmem:s4+$0x10]  }
0x210: {  	v33 =	vpop (erf)  }
0x211: {  	v26 =	vadd.f32 $2.000000000e+00, v33;
	_ =	sdelay $0x1  }
0x212: {  	(erf) = vrcp.f32 v26  }
0x213: {  	(erf) = vrcp.f32 v63;
	_ =	sdelay $0x4  }
0x214: {  	v28 =	vld [tilespmem:s18+$0x10];
	_ =	sdelay $0x2  }
0x215: {  	v34 =	vpop (erf)  }
0x216: {  	v30 =	vpop (erf)  }
0x217: {  	v21 =	vmul.f32 v30, v28;
	_ =	sdelay $0x1  }
0x218: {  	v22 =	vand.u32 $0x7FFFFF, v21  }
0x219: {  	v22 =	vor.u32 $0x3F800000, v22  }
0x21a: {  	v35 =	vmul.f32 $5.000000000e-01, v22  }
0x21b: {  	vm9 =	vge.f32 v22, $1.414213540e+00  }
0x21c: {  	v22 =	vsel vm9, v35, v22  }
0x21d: {  	v23 =	vadd.f32 $1.000000000e+00, v22;
	_ =	sdelay $0x1  }
0x21e: {  	(erf) = vrcp.f32 v23;
	_ =	sdelay $0x7  }
0x21f: {  	v22 =	vadd.f32 $-1.000000000e+00, v22  }
0x220: {  	v23 =	vpop (erf)  }
0x221: {  	v22 =	vmul.f32 v23, v22;
	_ =	sdelay $0x1  }
0x222: {  	v23 =	vmul.f32 v22, v22;
	_ =	sdelay $0x1  }
0x223: {  	v26 =	vmul.f32 $1.111111120e-01, v23;
	_ =	sdelay $0x1  }
0x224: {  	v26 =	vadd.f32 $1.428571490e-01, v26;
	_ =	sdelay $0x1  }
0x225: {  	v26 =	vmul.f32 v26, v23;
	_ =	sdelay $0x1  }
0x226: {  	v26 =	vadd.f32 $2.000000030e-01, v26;
	_ =	sdelay $0x1  }
0x227: {  	v26 =	vmul.f32 v26, v23;
	_ =	sdelay $0x1  }
0x228: {  	v26 =	vadd.f32 $3.333333430e-01, v26  }
0x229: {  	v28 =	vld [tilespmem:s16+$0x10];
	v21 =	vshra.s32 v21, $0x17;
	v30 =	vsel vm9, $0x1, v2  }
0x22a: {  	v21 =	vadd.s32 v30, v21;
	v23 =	vmul.f32 v26, v23  }
0x22b: {  	v21 =	vadd.s32 $0xFFFFFF81, v21  }
0x22c: {  	v36 =	vcvt.s32.f32 v21;
	v22 =	vadd.f32 v22, v22;
	v23 =	vadd.f32 $1.000000000e+00, v23;
	_ =	sdelay $0x1  }
0x22d: {  	v21 =	vshrl.u32 v28, $0x12;
	v26 =	vmul.f32 $6.931471820e-01, v36;
	v22 =	vmul.f32 v23, v22  }
0x22e: {  	v37 =	vadd.s32 $0xFFFFFFFF, v21  }
0x22f: {  	v23 =	vcvt.s32.f32 v37;
	v22 =	vadd.f32 v22, v26;
	_ =	sdelay $0x1  }
0x230: {  	v23 =	vmul.f32 v23, v22;
	_ =	sdelay $0x1  }
0x231: {  	v23 =	vsub.f32 $2.500000000e-01, v23;
	_ =	sdelay $0x1  }
0x232: {  	v38 =	vand.u32 $0x7FFFFFFF, v23  }
0x233: {  	v26 =	vsub.f32 $0.0e+00, v38;
	_ =	sdelay $0x1  }
0x234: {  	v26 =	vmul.f32 $1.442695020e+00, v26;
	_ =	sdelay $0x1  }
0x235: {  	(erf) = vpow2.f32 v26;
	_ =	sdelay $0x7  }
0x236: {  	v39 =	vld [tilespmem:s4+$0x20]  }
0x237: {  	v35 =	vpop (erf)  }
0x238: {  	v40 =	vadd.f32 $2.000000000e+00, v35;
	_ =	sdelay $0x1  }
0x239: {  	(erf) = vrcp.f32 v40  }
0x23a: {  	(erf) = vrcp.f32 v39;
	_ =	sdelay $0x4  }
0x23b: {  	v41 =	vld [tilespmem:s18+$0x20];
	_ =	sdelay $0x2  }
0x23c: {  	v36 =	vpop (erf)  }
0x23d: {  	v42 =	vpop (erf)  }
0x23e: {  	v26 =	vmul.f32 v42, v41;
	_ =	sdelay $0x1  }
0x23f: {  	v28 =	vand.u32 $0x7FFFFF, v26  }
0x240: {  	v28 =	vor.u32 $0x3F800000, v28  }
0x241: {  	v43 =	vmul.f32 $5.000000000e-01, v28  }
0x242: {  	vm10 =	vge.f32 v28, $1.414213540e+00  }
0x243: {  	v28 =	vsel vm10, v43, v28  }
0x244: {  	v30 =	vadd.f32 $1.000000000e+00, v28;
	_ =	sdelay $0x1  }
0x245: {  	(erf) = vrcp.f32 v30;
	_ =	sdelay $0x7  }
0x246: {  	v28 =	vadd.f32 $-1.000000000e+00, v28  }
0x247: {  	v30 =	vpop (erf)  }
0x248: {  	v28 =	vmul.f32 v30, v28;
	_ =	sdelay $0x1  }
0x249: {  	v30 =	vmul.f32 v28, v28;
	_ =	sdelay $0x1  }
0x24a: {  	v37 =	vmul.f32 $1.111111120e-01, v30;
	_ =	sdelay $0x1  }
0x24b: {  	v37 =	vadd.f32 $1.428571490e-01, v37;
	_ =	sdelay $0x1  }
0x24c: {  	v37 =	vmul.f32 v37, v30;
	_ =	sdelay $0x1  }
0x24d: {  	v37 =	vadd.f32 $2.000000030e-01, v37;
	_ =	sdelay $0x1  }
0x24e: {  	v37 =	vmul.f32 v37, v30;
	_ =	sdelay $0x1  }
0x24f: {  	v37 =	vadd.f32 $3.333333430e-01, v37  }
0x250: {  	v38 =	vld [tilespmem:s16+$0x20];
	v26 =	vshra.s32 v26, $0x17;
	v39 =	vsel vm10, $0x1, v2  }
0x251: {  	v26 =	vadd.s32 v39, v26;
	v30 =	vmul.f32 v37, v30  }
0x252: {  	v26 =	vadd.s32 $0xFFFFFF81, v26  }
0x253: {  	v44 =	vcvt.s32.f32 v26;
	v28 =	vadd.f32 v28, v28;
	v30 =	vadd.f32 $1.000000000e+00, v30;
	_ =	sdelay $0x1  }
0x254: {  	v26 =	vshrl.u32 v38, $0x12;
	v37 =	vmul.f32 $6.931471820e-01, v44;
	v28 =	vmul.f32 v30, v28  }
0x255: {  	v38 =	vadd.s32 $0xFFFFFFFF, v26  }
0x256: {  	v45 =	vcvt.s32.f32 v38;
	v30 =	vadd.f32 v28, v37;
	_ =	sdelay $0x1  }
0x257: {  	v28 =	vmul.f32 v45, v30;
	_ =	sdelay $0x1  }
0x258: {  	v28 =	vsub.f32 $2.500000000e-01, v28;
	_ =	sdelay $0x1  }
0x259: {  	v46 =	vand.u32 $0x7FFFFFFF, v28  }
0x25a: {  	v37 =	vsub.f32 $0.0e+00, v46;
	_ =	sdelay $0x1  }
0x25b: {  	v37 =	vmul.f32 $1.442695020e+00, v37;
	_ =	sdelay $0x1  }
0x25c: {  	(erf) = vpow2.f32 v37;
	_ =	sdelay $0x7  }
0x25d: {  	v47 =	vld [tilespmem:s4+$0x30]  }
0x25e: {  	v37 =	vpop (erf)  }
0x25f: {  	v48 =	vadd.f32 $2.000000000e+00, v37;
	_ =	sdelay $0x1  }
0x260: {  	(erf) = vrcp.f32 v48  }
0x261: {  	(erf) = vrcp.f32 v47;
	_ =	sdelay $0x4  }
0x262: {  	v49 =	vld [tilespmem:s18+$0x30];
	_ =	sdelay $0x2  }
0x263: {  	v38 =	vpop (erf)  }
0x264: {  	v40 =	vpop (erf)  }
0x265: {  	v39 =	vmul.f32 v40, v49;
	_ =	sdelay $0x1  }
0x266: {  	v40 =	vand.u32 $0x7FFFFF, v39  }
0x267: {  	v40 =	vor.u32 $0x3F800000, v40  }
0x268: {  	v41 =	vmul.f32 $5.000000000e-01, v40  }
0x269: {  	vm11 =	vge.f32 v40, $1.414213540e+00  }
0x26a: {  	v40 =	vsel vm11, v41, v40  }
0x26b: {  	v41 =	vadd.f32 $1.000000000e+00, v40;
	_ =	sdelay $0x1  }
0x26c: {  	(erf) = vrcp.f32 v41;
	_ =	sdelay $0x7  }
0x26d: {  	v40 =	vadd.f32 $-1.000000000e+00, v40  }
0x26e: {  	v41 =	vpop (erf)  }
0x26f: {  	v50 =	vmul.f32 v41, v40;
	_ =	sdelay $0x1  }
0x270: {  	v42 =	vmul.f32 v18, v17;
	v40 =	vmul.f32 v50, v50;
	_ =	sdelay $0x1  }
0x271: {  	v18 =	vmul.f32 v42, v42;
	v43 =	vmul.f32 $1.111111120e-01, v40;
	_ =	sdelay $0x1  }
0x272: {  	v51 =	vmul.f32 $9.090909360e-02, v18;
	v43 =	vadd.f32 $1.428571490e-01, v43  }
0x273: {  	v24 =	vmul.f32 v25, v24  }
0x274: {  	v41 =	vadd.f32 $1.111111120e-01, v51;
	v53 =	vmul.f32 v43, v40  }
0x275: {  	v54 =	vmul.f32 v24, v24  }
0x276: {  	v52 =	vmul.f32 v41, v18;
	v41 =	vadd.f32 $2.000000030e-01, v53  }
0x277: {  	v44 =	vmul.f32 $9.090909360e-02, v54  }
0x278: {  	v25 =	vadd.f32 $1.428571490e-01, v52;
	v41 =	vmul.f32 v41, v40  }
0x279: {  	v44 =	vadd.f32 $1.111111120e-01, v44;
	v39 =	vshra.s32 v39, $0x17  }
0x27a: {  	v45 =	vld [tilespmem:s16+$0x30];
	v46 =	vsel vm11, $0x1, v2;
	v25 =	vmul.f32 v25, v18;
	v41 =	vadd.f32 $3.333333430e-01, v41  }
0x27b: {  	vm12 =	veq.s32 v4, $0x1;
	v44 =	vmul.f32 v44, v54;
	v39 =	vadd.s32 v46, v39  }
0x27c: {  	v39 =	vadd.s32 $0xFFFFFF81, v39;
	v25 =	vadd.f32 $2.000000030e-01, v25;
	v40 =	vmul.f32 v41, v40  }
0x27d: {  	v6 =	vmax.f32 v6, $0.0e+00;
	v55 =	vadd.f32 $1.428571490e-01, v44;
	v39 =	vcvt.s32.f32 v39  }
0x27e: {  	v56 =	vadd.f32 v50, v50;
	v25 =	vmul.f32 v25, v18;
	v40 =	vadd.f32 $1.000000000e+00, v40  }
0x27f: {  	v10 =	vmul.f32 v10, v10;
	v57 =	vmul.f32 v55, v54;
	v17 =	vshrl.u32 v45, $0x12  }
0x280: {  	v39 =	vmul.f32 $6.931471820e-01, v39;
	v25 =	vadd.f32 $3.333333430e-01, v25;
	v40 =	vmul.f32 v40, v56  }
0x281: {  	v27 =	vmul.f32 v29, v27;
	v29 =	vadd.f32 $2.000000030e-01, v57;
	v59 =	vadd.s32 $0xFFFFFFFF, v17  }
0x282: {  	v60 =	vcvt.s32.f32 v59;
	v25 =	vmul.f32 v25, v18;
	v18 =	vadd.f32 v40, v39  }
0x283: {  	vm13 =	veq.s32 v7, $0x1;
	v10 =	vadd.f32 $-2.500000000e-01, v10;
	v11 =	vmul.f32 v11, v11  }
0x284: {  	v9 =	vmax.f32 v9, $0.0e+00;
	v29 =	vmul.f32 v29, v54;
	v39 =	vmul.f32 v60, v18  }
0x285: {  	v10 =	vmax.f32 v10, $0.0e+00;
	v11 =	vadd.f32 $-2.500000000e-01, v11;
	v15 =	vmul.f32 v15, v15  }
0x286: {  	v63 =	vmul.f32 v5, v5;
	v29 =	vadd.f32 $3.333333430e-01, v29;
	v5 =	vsub.f32 $2.500000000e-01, v39  }
0x287: {  	vm4 =	veq.s32 v8, $0x1;
	v13 =	vmax.f32 v13, $0.0e+00;
	v11 =	vmax.f32 v11, $0.0e+00  }
0x288: {  	v15 =	vadd.f32 $-2.500000000e-01, v15;
	v29 =	vmul.f32 v29, v54;
	v46 =	vand.u32 $0x7FFFFFFF, v5  }
0x289: {  	v31 =	vmul.f32 v32, v31;
	v58 =	vmul.f32 v27, v27;
	v32 =	vsub.f32 $0.0e+00, v46  }
0x28a: {  	vm6 =	veq.s32 v12, $0x1;
	v24 =	vadd.f32 v24, v24;
	v4 =	vadd.f32 $1.000000000e+00, v29  }
0x28b: {  	v14 =	vmax.f32 v14, $0.0e+00;
	v62 =	vmul.f32 $9.090909360e-02, v58;
	v32 =	vmul.f32 $1.442695020e+00, v32  }
0x28c: {  	v15 =	vmax.f32 v15, $0.0e+00;
	v61 =	vadd.f32 v42, v42;
	v4 =	vmul.f32 v4, v24  }
0x28d: {  	v42 =	vadd.f32 $1.111111120e-01, v62;
	v62 =	vmul.f32 v36, v35;
	(erf) = vpow2.f32 v32  }
0x28e: {  	vm8 =	veq.s32 v16, $0x1;
	vm10 =	veq.s32 v21, $0x1;
	v4 =	vadd.f32 v4, v9  }
0x28f: {  	v44 =	vadd.f32 $-2.500000000e-01, v63;
	v63 =	vmul.f32 v62, v62;
	v47 =	vmul.f32 v31, v31  }
0x290: {  	s5 =	sadd.s32 $0xFFFFFF90, s29;
	v45 =	vmul.f32 v42, v58;
	v4 =	vsel vm13, v10, v4;
	v25 =	vadd.f32 $1.000000000e+00, v25  }
0x291: {  	v48 =	vmul.f32 $9.090909360e-02, v47;
	vm11 =	veq.s32 v26, $0x1;
	v51 =	vmov s5;
	s5 =	sadd.s32 $0xFFFFFFA0, s29  }
0x292: {  	vm14 =	vlt.u32 v51, v1;
	v55 =	vmov s5;
	v25 =	vmul.f32 v25, v61  }
0x293: {  	s5 =	sadd.s32 $0xFFFFFFB0, s29;
	v51 =	vmul.f32 v22, v22;
	vm15 =	vlt.u32 v55, v1;
	v39 =	vadd.f32 $1.428571490e-01, v45  }
0x294: {  	v29 =	vmov s5;
	v53 =	vmul.f32 v34, v33;
	v6 =	vadd.f32 v25, v6  }
0x295: {  	v4 =	vnsel vm15, $0x0, v4;
	v25 =	vmax.f32 v44, $0.0e+00;
	v39 =	vmul.f32 v39, v58  }
0x296: {  	v57 =	vmul.f32 v53, v53;
	v6 =	vsel vm12, v25, v6;
	v25 =	vadd.f32 $1.111111120e-01, v48;
	v60 =	vpop (erf)  }
0x297: {  	v34 =	vmul.f32 v38, v37;
	v49 =	vadd.f32 $2.000000030e-01, v39;
	v61 =	vadd.f32 $2.000000000e+00, v60  }
0x298: {  	v59 =	vmul.f32 $9.090909360e-02, v57;
	v6 =	vnsel vm14, $0x0, v6;
	v52 =	vmul.f32 v25, v47  }
0x299: {  	v3 =	vadd.f32 v6, v3;
	v50 =	vmul.f32 v49, v58;
	(erf) = vrcp.f32 v61  }
0x29a: {  	vm5 =	vlt.u32 v29, v1;
	v6 =	vadd.f32 $1.111111120e-01, v59;
	v54 =	vadd.f32 $1.428571490e-01, v52  }
0x29b: {  	v33 =	vadd.f32 v31, v31;
	v36 =	vmul.f32 v34, v34;
	v7 =	vadd.f32 $3.333333430e-01, v50  }
0x29c: {  	v9 =	vadd.f32 v53, v53;
	v6 =	vmul.f32 v6, v57;
	v56 =	vmul.f32 v54, v47  }
0x29d: {  	v53 =	vadd.f32 v34, v34;
	v3 =	vadd.f32 v4, v3;
	v7 =	vmul.f32 v7, v58  }
0x29e: {  	v43 =	vmul.f32 v19, v19;
	v6 =	vadd.f32 $1.428571490e-01, v6;
	v4 =	vadd.f32 $2.000000030e-01, v56  }
0x29f: {  	s5 =	sadd.s32 $0xFFFFFFC0, s29;
	v37 =	vmul.f32 $9.090909360e-02, v36;
	v58 =	vadd.f32 v27, v27;
	v7 =	vadd.f32 $1.000000000e+00, v7  }
0x2a0: {  	v41 =	vmov s5;
	v6 =	vmul.f32 v6, v57;
	v4 =	vmul.f32 v4, v47  }
0x2a1: {  	vm7 =	vlt.u32 v41, v1;
	vm14 =	veq.s32 v17, $0x1;
	v7 =	vmul.f32 v7, v58  }
0x2a2: {  	v45 =	vmax.f32 v20, $0.0e+00;
	v6 =	vadd.f32 $2.000000030e-01, v6;
	v4 =	vadd.f32 $3.333333430e-01, v4;
	v38 =	vpop (erf)  }
0x2a3: {  	v32 =	vmul.f32 $9.090909360e-02, v63;
	v7 =	vadd.f32 v7, v13;
	v24 =	vmul.f32 v38, v60  }
0x2a4: {  	v39 =	vadd.f32 $1.111111120e-01, v37;
	v6 =	vmul.f32 v6, v57;
	v4 =	vmul.f32 v4, v47  }
0x2a5: {  	v7 =	vsel vm4, v11, v7;
	v11 =	vadd.f32 $1.111111120e-01, v32;
	v40 =	vmul.f32 v24, v24  }
0x2a6: {  	v12 =	vmul.f32 v39, v36;
	v6 =	vadd.f32 $3.333333430e-01, v6;
	v4 =	vadd.f32 $1.000000000e+00, v4  }
0x2a7: {  	v7 =	vnsel vm5, $0x0, v7;
	v35 =	vmul.f32 v11, v63;
	v42 =	vmul.f32 $9.090909360e-02, v40  }
0x2a8: {  	v12 =	vadd.f32 $1.428571490e-01, v12;
	v6 =	vmul.f32 v6, v57;
	v3 =	vadd.f32 v7, v3  }
0x2a9: {  	v4 =	vmul.f32 v4, v33;
	v7 =	vadd.f32 $1.428571490e-01, v35;
	v44 =	vadd.f32 $1.111111120e-01, v42  }
0x2aa: {  	v52 =	vadd.f32 $-2.500000000e-01, v51;
	v12 =	vmul.f32 v12, v36;
	v6 =	vadd.f32 $1.000000000e+00, v6  }
0x2ab: {  	v4 =	vadd.f32 v4, v14;
	v7 =	vmul.f32 v7, v63;
	v14 =	vmul.f32 v44, v40  }
0x2ac: {  	v54 =	vmul.f32 v30, v30;
	v46 =	vadd.f32 $2.000000030e-01, v12;
	v6 =	vmul.f32 v6, v9  }
0x2ad: {  	v5 =	vmax.f32 v5, $0.0e+00;
	v7 =	vadd.f32 $2.000000030e-01, v7;
	v47 =	vadd.f32 $1.428571490e-01, v14  }
0x2ae: {  	v9 =	vadd.f32 $-2.500000000e-01, v43;
	v4 =	vsel vm6, v15, v4;
	v6 =	vadd.f32 v6, v45  }
0x2af: {  	v4 =	vnsel vm7, $0x0, v4;
	v7 =	vmul.f32 v7, v63;
	v48 =	vmul.f32 v47, v40  }
0x2b0: {  	v8 =	vmul.f32 v46, v36;
	v9 =	vmax.f32 v9, $0.0e+00;
	v3 =	vadd.f32 v4, v3  }
0x2b1: {  	s5 =	sadd.s32 $0xFFFFFFD0, s29;
	v4 =	vsel vm8, v9, v6;
	v7 =	vadd.f32 $3.333333430e-01, v7;
	v6 =	vadd.f32 $2.000000030e-01, v48  }
0x2b2: {  	v56 =	vmax.f32 v28, $0.0e+00;
	v49 =	vmov s5;
	v8 =	vadd.f32 $3.333333430e-01, v8  }
0x2b3: {  	vm9 =	vlt.u32 v49, v1;
	v7 =	vmul.f32 v7, v63;
	v6 =	vmul.f32 v6, v40  }
0x2b4: {  	s5 =	sadd.s32 $0xFFFFFFE0, s29;
	v50 =	vmax.f32 v23, $0.0e+00;
	v13 =	vadd.f32 v62, v62;
	v8 =	vmul.f32 v8, v36  }
0x2b5: {  	v58 =	vmov s5;
	v7 =	vadd.f32 $1.000000000e+00, v7;
	v6 =	vadd.f32 $3.333333430e-01, v6  }
0x2b6: {  	v57 =	vadd.f32 $-2.500000000e-01, v54;
	s5 =	sadd.s32 $0xFFFFFFF0, s29;
	vm12 =	vlt.u32 v58, v1;
	v8 =	vadd.f32 $1.000000000e+00, v8  }
0x2b7: {  	v61 =	vmov s5;
	v7 =	vmul.f32 v7, v13;
	v6 =	vmul.f32 v6, v40  }
0x2b8: {  	vm13 =	vlt.u32 v61, v1;
	v55 =	vmul.f32 v8, v53;
	v59 =	vadd.f32 v24, v24  }
0x2b9: {  	v4 =	vnsel vm9, $0x0, v4;
	v7 =	vadd.f32 v7, v50;
	v6 =	vadd.f32 $1.000000000e+00, v6  }
0x2ba: {  	v9 =	vmax.f32 v52, $0.0e+00;
	v3 =	vadd.f32 v4, v3;
	v60 =	vmul.f32 v18, v18  }
0x2bb: {  	v4 =	vsel vm10, v9, v7;
	v7 =	vadd.f32 v55, v56;
	v6 =	vmul.f32 v6, v59  }
0x2bc: {  	p0 =	sne.s32 s29, $0x4F0;
	v8 =	vadd.f32 $-2.500000000e-01, v60;
	v9 =	vmax.f32 v57, $0.0e+00;
	v4 =	vnsel vm12, $0x0, v4  }
.Ltmp0:
0x2bd: {  	v7 =	vsel vm11, v9, v7;
	v3 =	vadd.f32 v4, v3;
	v5 =	vadd.f32 v6, v5;
	(pc) =	sbr.rel @p0 .LBB2_2-.Ltmp0, $4  }
0x2be: {  	v63 =	vmov s29;
	v62 =	vmax.f32 v8, $0.0e+00;
	v4 =	vnsel vm13, $0x0, v7  }
0x2bf: {  	vm15 =	vlt.u32 v63, v1;
	v3 =	vadd.f32 v4, v3;
	v4 =	vsel vm14, v62, v5  }
0x2c0: {  	s17 =	sadd.s32 $0x1, s17;
	s4 =	sadd.s32 $0x80, s4;
	v4 =	vnsel vm15, $0x0, v4  }
0x2c1: {  	s18 =	sadd.s32 $0x80, s18;
	s16 =	sadd.s32 $0x100, s16;
	s29 =	sadd.s32 $0x80, s29;
	v3 =	vadd.f32 v4, v3  }
0x2c2: {  	_ = 	snop  }
0x2c3: {  	s28 =	sadd.s32 $0x1, s28;
	v3 =	vmul.f32 $1.999999950e-04, v3  }
0x2c4: {  	p0 =	sne.s32 s28, s15  }
.Ltmp1:
0x2c5: {  	s4 =	simm.s32 $0x2A00;
	[tilespmem:$0x2A00] =	vst v3;
	(pc) =	sbr.rel @p0 .LBB2_1-.Ltmp1, $4  }
0x2c6: {  	[hbm4b:s14+s3] =	stream.linear.scatter [tilespmem:s4], [sflag:$0x15], $0x80, $0x38;
	[tilespmem:$0x2A80] =	vst v63  }
0x2c7: {  	_ =	swait.ge [sflag:s22], $0x80  }
0x2c8: {  	[sflag:s22] =	ssyncset.done $0x0  }
0x2c9: {  	[sflag:s22] =	ssyncadd.s32 $0xFFFFFF80  }
0x2ca: {  	_ =	sfence.sel $0x180000  }
0x2cb: {  	[bflag:$0x0] =	sbarrier.arrive $0xFFFF  }
0x2cc: {  	_ =	strace $0x90000047  }
0x2cd: {  	s0 =	stileid.u32;
	[bflag:$0x2] =	sbarrier.arrive $0xFFFF  }
0x2ce: {  	p0 =	sne.s32 s0, $0x0;
	s0 =	rddreg [dreg:$0x2]  }
0x2cf: {  	s0 =	sadd.s32 @!p0 $0x100000, s0  }
0x2d0: {  	[sflag:s0] =	ssyncadd.tile.s32 @!p0 $0x1;
	_ =	shalt  }
.Lfunc_end2:
_tile_overlayer_lowered:
.L_overlay_start_2:
0x2d1: {  	(tag) =	ssettag $0x2  }
0x2d2: {  	s0 =	rddreg [dreg:$0x0];
	s2 =	stileid.u32  }
0x2d3: {  	s1 =	rddreg [dreg:$0x1];
	p0 =	sne.s32 s2, $0x0  }
0x2d4: {  	s3 =	rddreg [dreg:$0x2];
	[bflag:$0x3] =	sbarrier.arrive $0xFFFF;
	s2 =	simm.s32 @!p0 $0x1C15  }
0x2d5: {  	[timem:s3], [sflag:s2] =	dma.local @!p0 [hbm:s0], s1  }
0x2d6: {  	s0 =	simm.s32 @!p0 $0x15  }
0x2d7: {  	_ =	swait.ge @!p0 [sflag:s0], s1  }
0x2d8: {  	s1 =	ssub.s32 @!p0 $0x0, s1;
	[sflag:s0] =	ssyncset.done @!p0 $0x0  }
0x2d9: {  	[sflag:s0] =	ssyncadd.s32 @!p0 s1  }
0x2da: {  	[bflag:$0x3] =	sbarrier.arrive $0xFFFF  }
0x2db: {  	_ =	shalt  }

</sc_bundles>
